<compile_context>
chip_gen: v7x
topology: tpu7x:2x2x1
jax: 0.10.2.dev20260603
libtpu: 0.0.44.dev20260713+nightly
codegen_flags: <defaults>
</compile_context>

<pallas_src>
import functools

import jax
import jax.numpy as jnp
from jax import lax
from jax.experimental import pallas as pl
from jax.experimental.pallas import tpu as pltpu
from jax.experimental.pallas import tpu_sc as plsc

_BT = 256
_M = 128


def _silu(x):
    return x * jax.nn.sigmoid(x)


def _bf16_as_i32(a):
    n = a.shape[0]
    return lax.bitcast_convert_type(a.reshape(n, -1, 2), jnp.int32)


def _i32_as_bf16(a):
    n = a.shape[0]
    return lax.bitcast_convert_type(a, jnp.bfloat16).reshape(n, -1)


def _router_body(x_ref, wr_ref, logits_ref, ti_ref, tw_ref):
    xb = x_ref[...]
    logits = jnp.dot(xb, wr_ref[...], preferred_element_type=jnp.float32)
    logits_ref[...] = logits
    probs = jax.nn.softmax(logits, axis=-1)
    eidx = lax.broadcasted_iota(jnp.int32, probs.shape, 1)
    big = jnp.int32(probs.shape[1])
    m1 = jnp.max(probs, axis=-1, keepdims=True)
    i1 = jnp.min(jnp.where(probs == m1, eidx, big), axis=-1, keepdims=True)
    masked = jnp.where(eidx == i1, -jnp.inf, probs)
    m2 = jnp.max(masked, axis=-1, keepdims=True)
    i2 = jnp.min(jnp.where(masked == m2, eidx, big), axis=-1, keepdims=True)
    ssum = m1 + m2
    ti_ref[...] = jnp.concatenate([i1, i2], axis=1)
    tw_ref[...] = jnp.concatenate([m1 / ssum, m2 / ssum], axis=1)


def _run_router(x, Wr):
    t, h = x.shape
    e_num = Wr.shape[1]
    bt = 512
    return pl.pallas_call(
        _router_body,
        grid=(t // bt,),
        in_specs=[
            pl.BlockSpec((bt, h), lambda i: (i, 0)),
            pl.BlockSpec((h, e_num), lambda i: (0, 0)),
        ],
        out_specs=[
            pl.BlockSpec((bt, e_num), lambda i: (i, 0)),
            pl.BlockSpec((bt, 2), lambda i: (i, 0)),
            pl.BlockSpec((bt, 2), lambda i: (i, 0)),
        ],
        out_shape=[
            jax.ShapeDtypeStruct((t, e_num), jnp.float32),
            jax.ShapeDtypeStruct((t, 2), jnp.int32),
            jax.ShapeDtypeStruct((t, 2), jnp.float32),
        ],
        compiler_params=pltpu.CompilerParams(
            dimension_semantics=("parallel",),
        ),
    )(x, Wr)


def _shared_body(x_ref, sg_ref, su_ref, sd_ref, shared_ref):
    xh = x_ref[...].astype(jnp.bfloat16)
    g = jnp.dot(xh, sg_ref[...], preferred_element_type=jnp.float32)
    u = jnp.dot(xh, su_ref[...], preferred_element_type=jnp.float32)
    shared_ref[...] = jnp.dot((_silu(g) * u).astype(jnp.bfloat16), sd_ref[...],
                              preferred_element_type=jnp.float32)


def _run_shared(x, sgh, suh, sdh):
    t, h = x.shape
    fs = sgh.shape[1]
    return pl.pallas_call(
        _shared_body,
        grid=(t // _BT,),
        in_specs=[
            pl.BlockSpec((_BT, h), lambda i: (i, 0)),
            pl.BlockSpec((h, fs), lambda i: (0, 0)),
            pl.BlockSpec((h, fs), lambda i: (0, 0)),
            pl.BlockSpec((fs, h), lambda i: (0, 0)),
        ],
        out_specs=pl.BlockSpec((_BT, h), lambda i: (i, 0)),
        out_shape=jax.ShapeDtypeStruct((t, h), jnp.float32),
        compiler_params=pltpu.CompilerParams(
            dimension_semantics=("parallel",),
        ),
    )(x, sgh, suh, sdh)


def _dispatch_body(e_num, tk, nt, ti_ref, stok_ref, te_ref, pos_ref,
                   eid_v, stok_v, pos_v, merge_v, macc_v, zero_v, te_v,
                   pos_sh):
    cid = lax.axis_index("c")
    sid = lax.axis_index("s")
    nchunk = tk // 16
    iota16 = lax.iota(jnp.int32, 16)
    zeros16 = jnp.zeros((16,), jnp.int32)

    @pl.when((cid == 0) & (sid < e_num))
    def _expert_work():
        pltpu.sync_copy(ti_ref, eid_v)

        def zero_pos(i, _):
            pos_v[pl.ds(i * 16, 16)] = zeros16
            return 0
        lax.fori_loop(0, nchunk, zero_pos, 0)

        def zero_stok(i, _):
            stok_v[pl.ds(i * 16, 16)] = (i * 16 + iota16) & (tk // 2 - 1)
            return 0
        lax.fori_loop(0, nchunk + 8, zero_stok, 0)
        for zz in range(_M // 16):
            zero_v[pl.ds(zz * 16, 16)] = zz * 16 + iota16

        def cnt_body(i, acc):
            chunk = eid_v[pl.ds(i * 16, 16)]
            return tuple(acc[e] + (chunk == e).astype(jnp.int32)
                         for e in range(e_num))
        acc0 = tuple(zeros16 for _ in range(e_num))
        acc = lax.fori_loop(0, nchunk, cnt_body, acc0)
        cnt = [jnp.sum(a) for a in acc]
        ntile = [(c + (_M - 1)) // _M for c in cnt]
        base = []
        run = jnp.int32(0)
        for e in range(e_num):
            base.append(run)
            run = run + ntile[e] * _M
        used = run // _M
        my_base = jnp.int32(0)
        my_ntile = jnp.int32(0)
        for e in range(e_num):
            my_base = jnp.where(sid == e, base[e], my_base)
            my_ntile = jnp.where(sid == e, ntile[e], my_ntile)

        def scan_body(i, off):
            chunk = eid_v[pl.ds(i * 16, 16)]
            m = chunk == sid
            jvec = i * 16 + iota16
            tok = jvec >> 1
            cum = plsc.cumsum(m.astype(jnp.int32))
            plsc.store_compressed(stok_v.at[pl.ds(off, 16)], tok, mask=m)
            posvals = my_base + off + cum - 1
            plsc.store_scatter(pos_v, [jvec], posvals, mask=m)
            return off + jnp.max(cum)
        lax.fori_loop(0, nchunk, scan_body, jnp.int32(0))

        def dma_body(i, _):
            dst = pl.multiple_of(my_base + i * _M, _M)
            pltpu.sync_copy(stok_v.at[pl.ds(i * _M, _M)],
                            stok_ref.at[pl.ds(dst, _M)])
            return 0
        lax.fori_loop(0, my_ntile, dma_body, 0)

        pltpu.sync_copy(pos_v, pos_sh.at[sid])

        @pl.when(sid == 0)
        def _meta():
            for m_t in range(nt):
                @pl.when(m_t >= used)
                def _zt():
                    pltpu.sync_copy(zero_v, stok_ref.at[pl.ds(m_t * _M, _M)])
            tbs = [b // _M for b in base]
            for ch in range((nt + 15) // 16):
                mvec = ch * 16 + iota16
                te = jnp.zeros((16,), jnp.int32)
                for e in range(e_num):
                    inseg = (mvec >= tbs[e]) & (mvec < tbs[e] + ntile[e])
                    te = te + e * inseg.astype(jnp.int32)
                te = jnp.where(mvec < used, te, -1)
                te_v[pl.ds(ch * 16, 16)] = te
            pltpu.sync_copy(te_v, te_ref)

    plsc.subcore_barrier()

    @pl.when(cid == 0)
    def _merge():
        seg = tk // 16
        for e in range(e_num):
            pltpu.sync_copy(pos_sh.at[e, pl.ds(sid * seg, seg)],
                            merge_v.at[e])

        def add_body(i, _):
            sl = pl.ds(i * 16, 16)
            s = merge_v[0, sl]
            for e in range(1, e_num):
                s = s + merge_v[e, sl]
            macc_v[sl] = s
            return 0
        lax.fori_loop(0, seg // 16, add_body, 0)
        dst = pl.multiple_of(sid * seg, seg)
        pltpu.sync_copy(macc_v, pos_ref.at[pl.ds(dst, seg)])


def _run_dispatch(ti_flat, e_num, tk, nt):
    mesh = plsc.VectorSubcoreMesh(core_axis_name="c", subcore_axis_name="s")
    seg = tk // 16
    body = functools.partial(_dispatch_body, e_num, tk, nt)
    f = pl.kernel(
        body,
        out_type=[
            jax.ShapeDtypeStruct((nt * _M,), jnp.int32),
            jax.ShapeDtypeStruct((((nt + 15) // 16) * 16,), jnp.int32),
            jax.ShapeDtypeStruct((tk,), jnp.int32),
        ],
        mesh=mesh,
        compiler_params=pltpu.CompilerParams(needs_layout_passes=False),
        scratch_types=[
            pltpu.VMEM((tk,), jnp.int32),
            pltpu.VMEM((tk + 128,), jnp.int32),
            pltpu.VMEM((tk,), jnp.int32),
            pltpu.VMEM((e_num, seg), jnp.int32),
            pltpu.VMEM((seg,), jnp.int32),
            pltpu.VMEM((_M,), jnp.int32),
            pltpu.VMEM((((nt + 15) // 16) * 16,), jnp.int32),
            pltpu.VMEM_SHARED((e_num, tk), jnp.int32),
        ],
    )
    return f(ti_flat)


def _gather_body(rows_per_w, h, src_ref, idx_hbm_ref, out_ref,
                 idx_v, buf0, buf1, sem0, sem1):
    wid = lax.axis_index("s") * 2 + lax.axis_index("c")
    s0 = pl.multiple_of(wid * rows_per_w, 8)
    ch = rows_per_w // 4
    pltpu.sync_copy(idx_hbm_ref.at[pl.ds(s0, rows_per_w)], idx_v)
    bufs = [buf0, buf1]
    sems = [sem0, sem1]
    descs = [None] * 4
    descs[0] = pltpu.async_copy(src_ref.at[idx_v.at[pl.ds(0, ch)]],
                                bufs[0], sems[0])
    for c in range(4):
        if c < 3:
            descs[c + 1] = pltpu.async_copy(
                src_ref.at[idx_v.at[pl.ds((c + 1) * ch, ch)]],
                bufs[(c + 1) % 2], sems[(c + 1) % 2])
        descs[c].wait()
        pltpu.sync_copy(bufs[c % 2],
                        out_ref.at[pl.ds(pl.multiple_of(s0 + c * ch, 8), ch)])


def _run_gather(stok, x, npad):
    t, h = x.shape
    rows_per_w = npad // 32
    mesh = plsc.VectorSubcoreMesh(core_axis_name="c", subcore_axis_name="s")
    body = functools.partial(_gather_body, rows_per_w, h)
    f = pl.kernel(
        body,
        out_type=jax.ShapeDtypeStruct((npad, h), jnp.float32),
        mesh=mesh,
        compiler_params=pltpu.CompilerParams(needs_layout_passes=False),
        scratch_types=[
            pltpu.VMEM((rows_per_w,), jnp.int32),
            pltpu.VMEM((rows_per_w // 4, h), jnp.float32),
            pltpu.VMEM((rows_per_w // 4, h), jnp.float32),
            pltpu.SemaphoreType.DMA,
            pltpu.SemaphoreType.DMA,
        ],
    )
    return f(x, stok)


def _group_ffn_body(te_ref, xs_ref, wg_ref, wu_ref, wd_ref, y_ref):
    i = pl.program_id(0)

    @pl.when(te_ref[i] >= 0)
    def _compute():
        xh = xs_ref[...].astype(jnp.bfloat16)
        g = jnp.dot(xh, wg_ref[0], preferred_element_type=jnp.float32)
        u = jnp.dot(xh, wu_ref[0], preferred_element_type=jnp.float32)
        y_ref[...] = jnp.dot((_silu(g) * u).astype(jnp.bfloat16), wd_ref[0],
                             preferred_element_type=jnp.float32)


def _run_group_ffn(te, xs, Wgh, Wuh, Wdh, nt):
    npad, h = xs.shape
    f = Wgh.shape[2]
    grid_spec = pltpu.PrefetchScalarGridSpec(
        num_scalar_prefetch=1,
        grid=(nt,),
        in_specs=[
            pl.BlockSpec((_M, h), lambda i, te_r: (i, 0)),
            pl.BlockSpec((1, h, f),
                         lambda i, te_r: (jnp.maximum(te_r[i], 0), 0, 0)),
            pl.BlockSpec((1, h, f),
                         lambda i, te_r: (jnp.maximum(te_r[i], 0), 0, 0)),
            pl.BlockSpec((1, f, h),
                         lambda i, te_r: (jnp.maximum(te_r[i], 0), 0, 0)),
        ],
        out_specs=pl.BlockSpec((_M, h), lambda i, te_r: (i, 0)),
    )
    return pl.pallas_call(
        _group_ffn_body,
        grid_spec=grid_spec,
        out_shape=jax.ShapeDtypeStruct((npad, h), jnp.float32),
        compiler_params=pltpu.CompilerParams(
            dimension_semantics=("arbitrary",),
        ),
    )(te, xs, Wgh, Wuh, Wdh)


def _run_ygather(pos, y):
    tk = pos.shape[0]
    h = y.shape[1]
    rows_per_w = tk // 32
    mesh = plsc.VectorSubcoreMesh(core_axis_name="c", subcore_axis_name="s")
    body = functools.partial(_gather_body, rows_per_w, h)
    f = pl.kernel(
        body,
        out_type=jax.ShapeDtypeStruct((tk, h), jnp.float32),
        mesh=mesh,
        compiler_params=pltpu.CompilerParams(needs_layout_passes=False),
        scratch_types=[
            pltpu.VMEM((rows_per_w,), jnp.int32),
            pltpu.VMEM((rows_per_w // 4, h), jnp.float32),
            pltpu.VMEM((rows_per_w // 4, h), jnp.float32),
            pltpu.SemaphoreType.DMA,
            pltpu.SemaphoreType.DMA,
        ],
    )
    return f(y, pos)


def _combine_body(sh_ref, w_ref, yg_ref, out_ref):
    h = sh_ref.shape[1]
    w0 = w_ref[:, 0:1]
    w1 = w_ref[:, 1:2]
    y0 = yg_ref[:, :h]
    y1 = yg_ref[:, h:]
    out_ref[...] = sh_ref[...] + w0 * y0 + w1 * y1


def _run_combine(shared, tw, ygr):
    t, h = shared.shape
    return pl.pallas_call(
        _combine_body,
        grid=(t // _BT,),
        in_specs=[
            pl.BlockSpec((_BT, h), lambda i: (i, 0)),
            pl.BlockSpec((_BT, 2), lambda i: (i, 0)),
            pl.BlockSpec((_BT, 2 * h), lambda i: (i, 0)),
        ],
        out_specs=pl.BlockSpec((_BT, h), lambda i: (i, 0)),
        out_shape=jax.ShapeDtypeStruct((t, h), jnp.float32),
        compiler_params=pltpu.CompilerParams(
            dimension_semantics=("parallel",),
        ),
    )(shared, tw, ygr)


def kernel(hidden_states, Wr, sg, su, sd, Wg, Wu, Wd):
    b, s, h = hidden_states.shape
    t = b * s
    x = hidden_states.reshape(t, h)
    e_num = Wr.shape[1]
    k = 2
    tk = t * k
    nt = tk // _M + e_num
    npad = nt * _M

    sgh = sg.astype(jnp.bfloat16)
    suh = su.astype(jnp.bfloat16)
    sdh = sd.astype(jnp.bfloat16)
    Wgh = Wg.astype(jnp.bfloat16)
    Wuh = Wu.astype(jnp.bfloat16)
    Wdh = Wd.astype(jnp.bfloat16)

    logits, ti, tw = _run_router(x, Wr)
    ti_flat = ti.reshape(tk)

    stok, te, pos = _run_dispatch(ti_flat, e_num, tk, nt)
    xs = _run_gather(stok, x, npad)
    shared = _run_shared(x, sgh, suh, sdh)
    y = _run_group_ffn(te, xs, Wgh, Wuh, Wdh, nt)
    yg = _run_ygather(pos, y)
    out = _run_combine(shared, tw, yg.reshape(t, 2 * h))
    return out.reshape(b, s, h), logits

# --- scband reference (transcript-rebuilt; emitter-appended) ---
"""Pipeline reference for scband-deep-seek-mo-e-61890478735805 (READ-ONLY COPY).

The authoritative reference and input builder live on the scoring server;
editing this copy changes nothing except your own understanding.
"""

import jax, jax.numpy as jnp
import numpy as np

B, S, H = 1, 2048, 1024
F = 512            # routed expert intermediate size
E = 8              # num routed experts
K = 2              # top_k
NS = 1             # num shared experts
FS = F * NS        # shared expert intermediate size
SCALE = 1.0        # routed_scaling_factor


def setup_inputs(seed: int = 0) -> dict:
    key = jax.random.key(seed)
    ks = jax.random.split(key, 9)
    std = 0.02
    hidden_states = jax.random.normal(ks[0], (B, S, H), dtype=jnp.float32)
    Wr = jax.random.normal(ks[1], (H, E), dtype=jnp.float32) * std
    # shared expert (SwiGLU: gate, up, down)
    sg = jax.random.normal(ks[2], (H, FS), dtype=jnp.float32) * std
    su = jax.random.normal(ks[3], (H, FS), dtype=jnp.float32) * std
    sd = jax.random.normal(ks[4], (FS, H), dtype=jnp.float32) * std
    # routed experts, stacked
    Wg = jax.random.normal(ks[5], (E, H, F), dtype=jnp.float32) * std
    Wu = jax.random.normal(ks[6], (E, H, F), dtype=jnp.float32) * std
    Wd = jax.random.normal(ks[7], (E, F, H), dtype=jnp.float32) * std
    return {"hidden_states": hidden_states, "Wr": Wr, "sg": sg, "su": su, "sd": sd,
            "Wg": Wg, "Wu": Wu, "Wd": Wd}


def _swiglu(x, wg, wu, wd):
    return (jax.nn.silu(x @ wg) * (x @ wu)) @ wd


def reference(hidden_states, Wr, sg, su, sd, Wg, Wu, Wd):
    b, s, h = hidden_states.shape
    x = hidden_states.reshape(b * s, h)

    # shared experts (always active; dropout disabled in eval)
    shared = _swiglu(x, sg, su, sd)

    # router: linear -> softmax -> top-k -> renormalize (eval: no noise)
    router_logits = x @ Wr                        # [T, E]
    probs = jax.nn.softmax(router_logits, axis=-1)
    top_w, top_i = jax.lax.top_k(probs, K)        # [T, K]
    weights = top_w / jnp.sum(top_w, axis=-1, keepdims=True)

    # routed experts: per-expert FFN, combined with per-token gate weights
    routed = jnp.zeros_like(x)
    for e in range(E):
        w_e = jnp.sum(jnp.where(top_i == e, weights, 0.0), axis=-1)   # [T]
        y_e = _swiglu(x, Wg[e], Wu[e], Wd[e])                         # [T, H]
        routed = routed + w_e[:, None] * y_e

    out = (shared + SCALE * routed).reshape(b, s, h)
    return out, router_logits

if __name__ == "__main__":
    import jax
    _d = setup_inputs()
    print(jax.jit(kernel)(*tuple(_d.values())))

</pallas_src>

<mosaic_0001>
#map = affine_map<(d0, d1) -> (0, 0)>
#map1 = affine_map<(d0, d1) -> (0)>
module attributes {stable_mosaic.version = 14 : i64} {
  func.func @_gather_body(%arg0: i32, %arg1: i32, %arg2: memref<2048x1024xf32, #tpu.memory_space<hbm>>, %arg3: memref<5120xi32, #tpu.memory_space<hbm>>, %arg4: memref<5120x1024xf32, #tpu.memory_space<hbm>>, %arg5: memref<160xi32, #tpu.memory_space<vmem>>, %arg6: memref<40x1024xf32, #tpu.memory_space<vmem>>, %arg7: memref<40x1024xf32, #tpu.memory_space<vmem>>, %arg8: memref<!tpu.dma_semaphore, #tpu.memory_space<semaphore_mem>>, %arg9: memref<!tpu.dma_semaphore, #tpu.memory_space<semaphore_mem>>) attributes {dimension_semantics = [#tpu.dimension_semantics<core_parallel>, #tpu.dimension_semantics<subcore_parallel>], iteration_bounds = array<i64: 2, 16>, scalar_prefetch = 0 : i64, scratch_operands = 5 : i64, tpu.core_type = #tpu.core_type<sc_vector_subcore>, window_params = [{transform_indices = #map}, {transform_indices = #map1}, {transform_indices = #map}]} {
    %mul3A = arith.constant 2 : i32
    %mul3A_0 = arith.muli %arg1, %mul3A : i32
    %add3A = arith.addi %mul3A_0, %arg0 : i32
    %mul3A_1 = arith.constant 160 : i32
    %mul3A_2 = arith.muli %add3A, %mul3A_1 : i32
    %multiple_of3A = tpu.assume_multiple %mul3A_2, 8 : i32
    "tpu.region"() ({
      %run_scoped3A = tpu.sem_alloc : memref<!tpu.dma_semaphore, #tpu.memory_space<semaphore_mem>>
      %dma_start3A_53 = tpu.memref_slice %arg3[%multiple_of3A] : memref<5120xi32, #tpu.memory_space<hbm>> -> memref<160xi32, #tpu.memory_space<hbm>>
      %dma_start3A_54 = tpu.memref_slice %arg3[%multiple_of3A] : memref<5120xi32, #tpu.memory_space<hbm>> -> memref<160xi32, #tpu.memory_space<hbm>>
      tpu.enqueue_dma source(%dma_start3A_54 : memref<160xi32, #tpu.memory_space<hbm>>) target(%arg5 : memref<160xi32, #tpu.memory_space<vmem>>) target_semaphore(%run_scoped3A : memref<!tpu.dma_semaphore, #tpu.memory_space<semaphore_mem>>)
      %dma_wait3A_55 = tpu.memref_slice %arg3[%multiple_of3A] : memref<5120xi32, #tpu.memory_space<hbm>> -> memref<160xi32, #tpu.memory_space<hbm>>
      %dma_wait3A_56 = tpu.memref_slice %arg3[%multiple_of3A] : memref<5120xi32, #tpu.memory_space<hbm>> -> memref<160xi32, #tpu.memory_space<hbm>>
      tpu.wait_dma2 semaphore(%run_scoped3A : memref<!tpu.dma_semaphore, #tpu.memory_space<semaphore_mem>>) src(%dma_wait3A_56 : memref<160xi32, #tpu.memory_space<hbm>>) dst(%arg5 : memref<160xi32, #tpu.memory_space<vmem>>)
      tpu.yield
    }) : () -> ()
    %dma_start3A = arith.constant 0 : i32
    %dma_start3A_3 = tpu.memref_slice %arg5[%dma_start3A] : memref<160xi32, #tpu.memory_space<vmem>> -> memref<40xi32, #tpu.memory_space<vmem>>
    %dma_start3A_4 = arith.constant 0 : i32
    %dma_start3A_5 = arith.constant 0 : i32
    %dma_start3A_6 = tpu.memref_slice %arg2[%dma_start3A_4, %dma_start3A_5] : memref<2048x1024xf32, #tpu.memory_space<hbm>> -> memref<2048x1024xf32, #tpu.memory_space<hbm>>
    tpu.enqueue_indirect_dma source(%dma_start3A_6 : memref<2048x1024xf32, #tpu.memory_space<hbm>>) target(%arg6 : memref<40x1024xf32, #tpu.memory_space<vmem>>) offsets(%dma_start3A_3 : memref<40xi32, #tpu.memory_space<vmem>>) semaphore(%arg8 : memref<!tpu.dma_semaphore, #tpu.memory_space<semaphore_mem>>)
    %dma_start3A_7 = arith.constant 40 : i32
    %dma_start3A_8 = tpu.memref_slice %arg5[%dma_start3A_7] : memref<160xi32, #tpu.memory_space<vmem>> -> memref<40xi32, #tpu.memory_space<vmem>>
    %dma_start3A_9 = arith.constant 0 : i32
    %dma_start3A_10 = arith.constant 0 : i32
    %dma_start3A_11 = tpu.memref_slice %arg2[%dma_start3A_9, %dma_start3A_10] : memref<2048x1024xf32, #tpu.memory_space<hbm>> -> memref<2048x1024xf32, #tpu.memory_space<hbm>>
    tpu.enqueue_indirect_dma source(%dma_start3A_11 : memref<2048x1024xf32, #tpu.memory_space<hbm>>) target(%arg7 : memref<40x1024xf32, #tpu.memory_space<vmem>>) offsets(%dma_start3A_8 : memref<40xi32, #tpu.memory_space<vmem>>) semaphore(%arg9 : memref<!tpu.dma_semaphore, #tpu.memory_space<semaphore_mem>>)
    %dma_wait3A = arith.constant 0 : i32
    %dma_wait3A_12 = tpu.memref_slice %arg5[%dma_wait3A] : memref<160xi32, #tpu.memory_space<vmem>> -> memref<40xi32, #tpu.memory_space<vmem>>
    %dma_wait3A_13 = arith.constant 0 : i32
    %dma_wait3A_14 = arith.constant 0 : i32
    %dma_wait3A_15 = tpu.memref_slice %arg2[%dma_wait3A_13, %dma_wait3A_14] : memref<2048x1024xf32, #tpu.memory_space<hbm>> -> memref<2048x1024xf32, #tpu.memory_space<hbm>>
    tpu.wait_indirect_dma semaphore(%arg8 : memref<!tpu.dma_semaphore, #tpu.memory_space<semaphore_mem>>) src(%dma_wait3A_15 : memref<2048x1024xf32, #tpu.memory_space<hbm>>) dst(%arg6 : memref<40x1024xf32, #tpu.memory_space<vmem>>)
    %add3A_16 = arith.constant 0 : i32
    %add3A_17 = arith.addi %multiple_of3A, %add3A_16 : i32
    %multiple_of3A_18 = tpu.assume_multiple %add3A_17, 8 : i32
    "tpu.region"() ({
      %run_scoped3A = tpu.sem_alloc : memref<!tpu.dma_semaphore, #tpu.memory_space<semaphore_mem>>
      %dma_start3A_53 = arith.constant 0 : i32
      %dma_start3A_54 = tpu.memref_slice %arg4[%multiple_of3A_18, %dma_start3A_53] : memref<5120x1024xf32, #tpu.memory_space<hbm>> -> memref<40x1024xf32, #tpu.memory_space<hbm>>
      %dma_start3A_55 = arith.constant 0 : i32
      %dma_start3A_56 = tpu.memref_slice %arg4[%multiple_of3A_18, %dma_start3A_55] : memref<5120x1024xf32, #tpu.memory_space<hbm>> -> memref<40x1024xf32, #tpu.memory_space<hbm>>
      tpu.enqueue_dma source(%arg6 : memref<40x1024xf32, #tpu.memory_space<vmem>>) target(%dma_start3A_56 : memref<40x1024xf32, #tpu.memory_space<hbm>>) target_semaphore(%run_scoped3A : memref<!tpu.dma_semaphore, #tpu.memory_space<semaphore_mem>>)
      %dma_wait3A_57 = arith.constant 0 : i32
      %dma_wait3A_58 = tpu.memref_slice %arg4[%multiple_of3A_18, %dma_wait3A_57] : memref<5120x1024xf32, #tpu.memory_space<hbm>> -> memref<40x1024xf32, #tpu.memory_space<hbm>>
      %dma_wait3A_59 = arith.constant 0 : i32
      %dma_wait3A_60 = tpu.memref_slice %arg4[%multiple_of3A_18, %dma_wait3A_59] : memref<5120x1024xf32, #tpu.memory_space<hbm>> -> memref<40x1024xf32, #tpu.memory_space<hbm>>
      tpu.wait_dma2 semaphore(%run_scoped3A : memref<!tpu.dma_semaphore, #tpu.memory_space<semaphore_mem>>) src(%arg6 : memref<40x1024xf32, #tpu.memory_space<vmem>>) dst(%dma_wait3A_60 : memref<40x1024xf32, #tpu.memory_space<hbm>>)
      tpu.yield
    }) : () -> ()
    %dma_start3A_19 = arith.constant 80 : i32
    %dma_start3A_20 = tpu.memref_slice %arg5[%dma_start3A_19] : memref<160xi32, #tpu.memory_space<vmem>> -> memref<40xi32, #tpu.memory_space<vmem>>
    %dma_start3A_21 = arith.constant 0 : i32
    %dma_start3A_22 = arith.constant 0 : i32
    %dma_start3A_23 = tpu.memref_slice %arg2[%dma_start3A_21, %dma_start3A_22] : memref<2048x1024xf32, #tpu.memory_space<hbm>> -> memref<2048x1024xf32, #tpu.memory_space<hbm>>
    tpu.enqueue_indirect_dma source(%dma_start3A_23 : memref<2048x1024xf32, #tpu.memory_space<hbm>>) target(%arg6 : memref<40x1024xf32, #tpu.memory_space<vmem>>) offsets(%dma_start3A_20 : memref<40xi32, #tpu.memory_space<vmem>>) semaphore(%arg8 : memref<!tpu.dma_semaphore, #tpu.memory_space<semaphore_mem>>)
    %dma_wait3A_24 = arith.constant 40 : i32
    %dma_wait3A_25 = tpu.memref_slice %arg5[%dma_wait3A_24] : memref<160xi32, #tpu.memory_space<vmem>> -> memref<40xi32, #tpu.memory_space<vmem>>
    %dma_wait3A_26 = arith.constant 0 : i32
    %dma_wait3A_27 = arith.constant 0 : i32
    %dma_wait3A_28 = tpu.memref_slice %arg2[%dma_wait3A_26, %dma_wait3A_27] : memref<2048x1024xf32, #tpu.memory_space<hbm>> -> memref<2048x1024xf32, #tpu.memory_space<hbm>>
    tpu.wait_indirect_dma semaphore(%arg9 : memref<!tpu.dma_semaphore, #tpu.memory_space<semaphore_mem>>) src(%dma_wait3A_28 : memref<2048x1024xf32, #tpu.memory_space<hbm>>) dst(%arg7 : memref<40x1024xf32, #tpu.memory_space<vmem>>)
    %add3A_29 = arith.constant 40 : i32
    %add3A_30 = arith.addi %multiple_of3A, %add3A_29 : i32
    %multiple_of3A_31 = tpu.assume_multiple %add3A_30, 8 : i32
    "tpu.region"() ({
      %run_scoped3A = tpu.sem_alloc : memref<!tpu.dma_semaphore, #tpu.memory_space<semaphore_mem>>
      %dma_start3A_53 = arith.constant 0 : i32
      %dma_start3A_54 = tpu.memref_slice %arg4[%multiple_of3A_31, %dma_start3A_53] : memref<5120x1024xf32, #tpu.memory_space<hbm>> -> memref<40x1024xf32, #tpu.memory_space<hbm>>
      %dma_start3A_55 = arith.constant 0 : i32
      %dma_start3A_56 = tpu.memref_slice %arg4[%multiple_of3A_31, %dma_start3A_55] : memref<5120x1024xf32, #tpu.memory_space<hbm>> -> memref<40x1024xf32, #tpu.memory_space<hbm>>
      tpu.enqueue_dma source(%arg7 : memref<40x1024xf32, #tpu.memory_space<vmem>>) target(%dma_start3A_56 : memref<40x1024xf32, #tpu.memory_space<hbm>>) target_semaphore(%run_scoped3A : memref<!tpu.dma_semaphore, #tpu.memory_space<semaphore_mem>>)
      %dma_wait3A_57 = arith.constant 0 : i32
      %dma_wait3A_58 = tpu.memref_slice %arg4[%multiple_of3A_31, %dma_wait3A_57] : memref<5120x1024xf32, #tpu.memory_space<hbm>> -> memref<40x1024xf32, #tpu.memory_space<hbm>>
      %dma_wait3A_59 = arith.constant 0 : i32
      %dma_wait3A_60 = tpu.memref_slice %arg4[%multiple_of3A_31, %dma_wait3A_59] : memref<5120x1024xf32, #tpu.memory_space<hbm>> -> memref<40x1024xf32, #tpu.memory_space<hbm>>
      tpu.wait_dma2 semaphore(%run_scoped3A : memref<!tpu.dma_semaphore, #tpu.memory_space<semaphore_mem>>) src(%arg7 : memref<40x1024xf32, #tpu.memory_space<vmem>>) dst(%dma_wait3A_60 : memref<40x1024xf32, #tpu.memory_space<hbm>>)
      tpu.yield
    }) : () -> ()
    %dma_start3A_32 = arith.constant 120 : i32
    %dma_start3A_33 = tpu.memref_slice %arg5[%dma_start3A_32] : memref<160xi32, #tpu.memory_space<vmem>> -> memref<40xi32, #tpu.memory_space<vmem>>
    %dma_start3A_34 = arith.constant 0 : i32
    %dma_start3A_35 = arith.constant 0 : i32
    %dma_start3A_36 = tpu.memref_slice %arg2[%dma_start3A_34, %dma_start3A_35] : memref<2048x1024xf32, #tpu.memory_space<hbm>> -> memref<2048x1024xf32, #tpu.memory_space<hbm>>
    tpu.enqueue_indirect_dma source(%dma_start3A_36 : memref<2048x1024xf32, #tpu.memory_space<hbm>>) target(%arg7 : memref<40x1024xf32, #tpu.memory_space<vmem>>) offsets(%dma_start3A_33 : memref<40xi32, #tpu.memory_space<vmem>>) semaphore(%arg9 : memref<!tpu.dma_semaphore, #tpu.memory_space<semaphore_mem>>)
    %dma_wait3A_37 = arith.constant 80 : i32
    %dma_wait3A_38 = tpu.memref_slice %arg5[%dma_wait3A_37] : memref<160xi32, #tpu.memory_space<vmem>> -> memref<40xi32, #tpu.memory_space<vmem>>
    %dma_wait3A_39 = arith.constant 0 : i32
    %dma_wait3A_40 = arith.constant 0 : i32
    %dma_wait3A_41 = tpu.memref_slice %arg2[%dma_wait3A_39, %dma_wait3A_40] : memref<2048x1024xf32, #tpu.memory_space<hbm>> -> memref<2048x1024xf32, #tpu.memory_space<hbm>>
    tpu.wait_indirect_dma semaphore(%arg8 : memref<!tpu.dma_semaphore, #tpu.memory_space<semaphore_mem>>) src(%dma_wait3A_41 : memref<2048x1024xf32, #tpu.memory_space<hbm>>) dst(%arg6 : memref<40x1024xf32, #tpu.memory_space<vmem>>)
    %add3A_42 = arith.constant 80 : i32
    %add3A_43 = arith.addi %multiple_of3A, %add3A_42 : i32
    %multiple_of3A_44 = tpu.assume_multiple %add3A_43, 8 : i32
    "tpu.region"() ({
      %run_scoped3A = tpu.sem_alloc : memref<!tpu.dma_semaphore, #tpu.memory_space<semaphore_mem>>
      %dma_start3A_53 = arith.constant 0 : i32
      %dma_start3A_54 = tpu.memref_slice %arg4[%multiple_of3A_44, %dma_start3A_53] : memref<5120x1024xf32, #tpu.memory_space<hbm>> -> memref<40x1024xf32, #tpu.memory_space<hbm>>
      %dma_start3A_55 = arith.constant 0 : i32
      %dma_start3A_56 = tpu.memref_slice %arg4[%multiple_of3A_44, %dma_start3A_55] : memref<5120x1024xf32, #tpu.memory_space<hbm>> -> memref<40x1024xf32, #tpu.memory_space<hbm>>
      tpu.enqueue_dma source(%arg6 : memref<40x1024xf32, #tpu.memory_space<vmem>>) target(%dma_start3A_56 : memref<40x1024xf32, #tpu.memory_space<hbm>>) target_semaphore(%run_scoped3A : memref<!tpu.dma_semaphore, #tpu.memory_space<semaphore_mem>>)
      %dma_wait3A_57 = arith.constant 0 : i32
      %dma_wait3A_58 = tpu.memref_slice %arg4[%multiple_of3A_44, %dma_wait3A_57] : memref<5120x1024xf32, #tpu.memory_space<hbm>> -> memref<40x1024xf32, #tpu.memory_space<hbm>>
      %dma_wait3A_59 = arith.constant 0 : i32
      %dma_wait3A_60 = tpu.memref_slice %arg4[%multiple_of3A_44, %dma_wait3A_59] : memref<5120x1024xf32, #tpu.memory_space<hbm>> -> memref<40x1024xf32, #tpu.memory_space<hbm>>
      tpu.wait_dma2 semaphore(%run_scoped3A : memref<!tpu.dma_semaphore, #tpu.memory_space<semaphore_mem>>) src(%arg6 : memref<40x1024xf32, #tpu.memory_space<vmem>>) dst(%dma_wait3A_60 : memref<40x1024xf32, #tpu.memory_space<hbm>>)
      tpu.yield
    }) : () -> ()
    %dma_wait3A_45 = arith.constant 120 : i32
    %dma_wait3A_46 = tpu.memref_slice %arg5[%dma_wait3A_45] : memref<160xi32, #tpu.memory_space<vmem>> -> memref<40xi32, #tpu.memory_space<vmem>>
    %dma_wait3A_47 = arith.constant 0 : i32
    %dma_wait3A_48 = arith.constant 0 : i32
    %dma_wait3A_49 = tpu.memref_slice %arg2[%dma_wait3A_47, %dma_wait3A_48] : memref<2048x1024xf32, #tpu.memory_space<hbm>> -> memref<2048x1024xf32, #tpu.memory_space<hbm>>
    tpu.wait_indirect_dma semaphore(%arg9 : memref<!tpu.dma_semaphore, #tpu.memory_space<semaphore_mem>>) src(%dma_wait3A_49 : memref<2048x1024xf32, #tpu.memory_space<hbm>>) dst(%arg7 : memref<40x1024xf32, #tpu.memory_space<vmem>>)
    %add3A_50 = arith.constant 120 : i32
    %add3A_51 = arith.addi %multiple_of3A, %add3A_50 : i32
    %multiple_of3A_52 = tpu.assume_multiple %add3A_51, 8 : i32
    "tpu.region"() ({
      %run_scoped3A = tpu.sem_alloc : memref<!tpu.dma_semaphore, #tpu.memory_space<semaphore_mem>>
      %dma_start3A_53 = arith.constant 0 : i32
      %dma_start3A_54 = tpu.memref_slice %arg4[%multiple_of3A_52, %dma_start3A_53] : memref<5120x1024xf32, #tpu.memory_space<hbm>> -> memref<40x1024xf32, #tpu.memory_space<hbm>>
      %dma_start3A_55 = arith.constant 0 : i32
      %dma_start3A_56 = tpu.memref_slice %arg4[%multiple_of3A_52, %dma_start3A_55] : memref<5120x1024xf32, #tpu.memory_space<hbm>> -> memref<40x1024xf32, #tpu.memory_space<hbm>>
      tpu.enqueue_dma source(%arg7 : memref<40x1024xf32, #tpu.memory_space<vmem>>) target(%dma_start3A_56 : memref<40x1024xf32, #tpu.memory_space<hbm>>) target_semaphore(%run_scoped3A : memref<!tpu.dma_semaphore, #tpu.memory_space<semaphore_mem>>)
      %dma_wait3A_57 = arith.constant 0 : i32
      %dma_wait3A_58 = tpu.memref_slice %arg4[%multiple_of3A_52, %dma_wait3A_57] : memref<5120x1024xf32, #tpu.memory_space<hbm>> -> memref<40x1024xf32, #tpu.memory_space<hbm>>
      %dma_wait3A_59 = arith.constant 0 : i32
      %dma_wait3A_60 = tpu.memref_slice %arg4[%multiple_of3A_52, %dma_wait3A_59] : memref<5120x1024xf32, #tpu.memory_space<hbm>> -> memref<40x1024xf32, #tpu.memory_space<hbm>>
      tpu.wait_dma2 semaphore(%run_scoped3A : memref<!tpu.dma_semaphore, #tpu.memory_space<semaphore_mem>>) src(%arg7 : memref<40x1024xf32, #tpu.memory_space<vmem>>) dst(%dma_wait3A_60 : memref<40x1024xf32, #tpu.memory_space<hbm>>)
      tpu.yield
    }) : () -> ()
    return
  }
}

#map = affine_map<(d0, d1) -> (0, 0)>
#map1 = affine_map<(d0, d1) -> (0)>
module attributes {stable_mosaic.version = 14 : i64} {
  func.func @_gather_body(%arg0: i32, %arg1: i32, %arg2: memref<5120x1024xf32, #tpu.memory_space<hbm>>, %arg3: memref<4096xi32, #tpu.memory_space<hbm>>, %arg4: memref<4096x1024xf32, #tpu.memory_space<hbm>>, %arg5: memref<128xi32, #tpu.memory_space<vmem>>, %arg6: memref<32x1024xf32, #tpu.memory_space<vmem>>, %arg7: memref<32x1024xf32, #tpu.memory_space<vmem>>, %arg8: memref<!tpu.dma_semaphore, #tpu.memory_space<semaphore_mem>>, %arg9: memref<!tpu.dma_semaphore, #tpu.memory_space<semaphore_mem>>) attributes {dimension_semantics = [#tpu.dimension_semantics<core_parallel>, #tpu.dimension_semantics<subcore_parallel>], iteration_bounds = array<i64: 2, 16>, scalar_prefetch = 0 : i64, scratch_operands = 5 : i64, tpu.core_type = #tpu.core_type<sc_vector_subcore>, window_params = [{transform_indices = #map}, {transform_indices = #map1}, {transform_indices = #map}]} {
    %mul3A = arith.constant 2 : i32
    %mul3A_0 = arith.muli %arg1, %mul3A : i32
    %add3A = arith.addi %mul3A_0, %arg0 : i32
    %mul3A_1 = arith.constant 128 : i32
    %mul3A_2 = arith.muli %add3A, %mul3A_1 : i32
    %multiple_of3A = tpu.assume_multiple %mul3A_2, 8 : i32
    "tpu.region"() ({
      %run_scoped3A = tpu.sem_alloc : memref<!tpu.dma_semaphore, #tpu.memory_space<semaphore_mem>>
      %dma_start3A_53 = tpu.memref_slice %arg3[%multiple_of3A] : memref<4096xi32, #tpu.memory_space<hbm>> -> memref<128xi32, #tpu.memory_space<hbm>>
      %dma_start3A_54 = tpu.memref_slice %arg3[%multiple_of3A] : memref<4096xi32, #tpu.memory_space<hbm>> -> memref<128xi32, #tpu.memory_space<hbm>>
      tpu.enqueue_dma source(%dma_start3A_54 : memref<128xi32, #tpu.memory_space<hbm>>) target(%arg5 : memref<128xi32, #tpu.memory_space<vmem>>) target_semaphore(%run_scoped3A : memref<!tpu.dma_semaphore, #tpu.memory_space<semaphore_mem>>)
      %dma_wait3A_55 = tpu.memref_slice %arg3[%multiple_of3A] : memref<4096xi32, #tpu.memory_space<hbm>> -> memref<128xi32, #tpu.memory_space<hbm>>
      %dma_wait3A_56 = tpu.memref_slice %arg3[%multiple_of3A] : memref<4096xi32, #tpu.memory_space<hbm>> -> memref<128xi32, #tpu.memory_space<hbm>>
      tpu.wait_dma2 semaphore(%run_scoped3A : memref<!tpu.dma_semaphore, #tpu.memory_space<semaphore_mem>>) src(%dma_wait3A_56 : memref<128xi32, #tpu.memory_space<hbm>>) dst(%arg5 : memref<128xi32, #tpu.memory_space<vmem>>)
      tpu.yield
    }) : () -> ()
    %dma_start3A = arith.constant 0 : i32
    %dma_start3A_3 = tpu.memref_slice %arg5[%dma_start3A] : memref<128xi32, #tpu.memory_space<vmem>> -> memref<32xi32, #tpu.memory_space<vmem>>
    %dma_start3A_4 = arith.constant 0 : i32
    %dma_start3A_5 = arith.constant 0 : i32
    %dma_start3A_6 = tpu.memref_slice %arg2[%dma_start3A_4, %dma_start3A_5] : memref<5120x1024xf32, #tpu.memory_space<hbm>> -> memref<5120x1024xf32, #tpu.memory_space<hbm>>
    tpu.enqueue_indirect_dma source(%dma_start3A_6 : memref<5120x1024xf32, #tpu.memory_space<hbm>>) target(%arg6 : memref<32x1024xf32, #tpu.memory_space<vmem>>) offsets(%dma_start3A_3 : memref<32xi32, #tpu.memory_space<vmem>>) semaphore(%arg8 : memref<!tpu.dma_semaphore, #tpu.memory_space<semaphore_mem>>)
    %dma_start3A_7 = arith.constant 32 : i32
    %dma_start3A_8 = tpu.memref_slice %arg5[%dma_start3A_7] : memref<128xi32, #tpu.memory_space<vmem>> -> memref<32xi32, #tpu.memory_space<vmem>>
    %dma_start3A_9 = arith.constant 0 : i32
    %dma_start3A_10 = arith.constant 0 : i32
    %dma_start3A_11 = tpu.memref_slice %arg2[%dma_start3A_9, %dma_start3A_10] : memref<5120x1024xf32, #tpu.memory_space<hbm>> -> memref<5120x1024xf32, #tpu.memory_space<hbm>>
    tpu.enqueue_indirect_dma source(%dma_start3A_11 : memref<5120x1024xf32, #tpu.memory_space<hbm>>) target(%arg7 : memref<32x1024xf32, #tpu.memory_space<vmem>>) offsets(%dma_start3A_8 : memref<32xi32, #tpu.memory_space<vmem>>) semaphore(%arg9 : memref<!tpu.dma_semaphore, #tpu.memory_space<semaphore_mem>>)
    %dma_wait3A = arith.constant 0 : i32
    %dma_wait3A_12 = tpu.memref_slice %arg5[%dma_wait3A] : memref<128xi32, #tpu.memory_space<vmem>> -> memref<32xi32, #tpu.memory_space<vmem>>
    %dma_wait3A_13 = arith.constant 0 : i32
    %dma_wait3A_14 = arith.constant 0 : i32
    %dma_wait3A_15 = tpu.memref_slice %arg2[%dma_wait3A_13, %dma_wait3A_14] : memref<5120x1024xf32, #tpu.memory_space<hbm>> -> memref<5120x1024xf32, #tpu.memory_space<hbm>>
    tpu.wait_indirect_dma semaphore(%arg8 : memref<!tpu.dma_semaphore, #tpu.memory_space<semaphore_mem>>) src(%dma_wait3A_15 : memref<5120x1024xf32, #tpu.memory_space<hbm>>) dst(%arg6 : memref<32x1024xf32, #tpu.memory_space<vmem>>)
    %add3A_16 = arith.constant 0 : i32
    %add3A_17 = arith.addi %multiple_of3A, %add3A_16 : i32
    %multiple_of3A_18 = tpu.assume_multiple %add3A_17, 8 : i32
    "tpu.region"() ({
      %run_scoped3A = tpu.sem_alloc : memref<!tpu.dma_semaphore, #tpu.memory_space<semaphore_mem>>
      %dma_start3A_53 = arith.constant 0 : i32
      %dma_start3A_54 = tpu.memref_slice %arg4[%multiple_of3A_18, %dma_start3A_53] : memref<4096x1024xf32, #tpu.memory_space<hbm>> -> memref<32x1024xf32, #tpu.memory_space<hbm>>
      %dma_start3A_55 = arith.constant 0 : i32
      %dma_start3A_56 = tpu.memref_slice %arg4[%multiple_of3A_18, %dma_start3A_55] : memref<4096x1024xf32, #tpu.memory_space<hbm>> -> memref<32x1024xf32, #tpu.memory_space<hbm>>
      tpu.enqueue_dma source(%arg6 : memref<32x1024xf32, #tpu.memory_space<vmem>>) target(%dma_start3A_56 : memref<32x1024xf32, #tpu.memory_space<hbm>>) target_semaphore(%run_scoped3A : memref<!tpu.dma_semaphore, #tpu.memory_space<semaphore_mem>>)
      %dma_wait3A_57 = arith.constant 0 : i32
      %dma_wait3A_58 = tpu.memref_slice %arg4[%multiple_of3A_18, %dma_wait3A_57] : memref<4096x1024xf32, #tpu.memory_space<hbm>> -> memref<32x1024xf32, #tpu.memory_space<hbm>>
      %dma_wait3A_59 = arith.constant 0 : i32
      %dma_wait3A_60 = tpu.memref_slice %arg4[%multiple_of3A_18, %dma_wait3A_59] : memref<4096x1024xf32, #tpu.memory_space<hbm>> -> memref<32x1024xf32, #tpu.memory_space<hbm>>
      tpu.wait_dma2 semaphore(%run_scoped3A : memref<!tpu.dma_semaphore, #tpu.memory_space<semaphore_mem>>) src(%arg6 : memref<32x1024xf32, #tpu.memory_space<vmem>>) dst(%dma_wait3A_60 : memref<32x1024xf32, #tpu.memory_space<hbm>>)
      tpu.yield
    }) : () -> ()
    %dma_start3A_19 = arith.constant 64 : i32
    %dma_start3A_20 = tpu.memref_slice %arg5[%dma_start3A_19] : memref<128xi32, #tpu.memory_space<vmem>> -> memref<32xi32, #tpu.memory_space<vmem>>
    %dma_start3A_21 = arith.constant 0 : i32
    %dma_start3A_22 = arith.constant 0 : i32
    %dma_start3A_23 = tpu.memref_slice %arg2[%dma_start3A_21, %dma_start3A_22] : memref<5120x1024xf32, #tpu.memory_space<hbm>> -> memref<5120x1024xf32, #tpu.memory_space<hbm>>
    tpu.enqueue_indirect_dma source(%dma_start3A_23 : memref<5120x1024xf32, #tpu.memory_space<hbm>>) target(%arg6 : memref<32x1024xf32, #tpu.memory_space<vmem>>) offsets(%dma_start3A_20 : memref<32xi32, #tpu.memory_space<vmem>>) semaphore(%arg8 : memref<!tpu.dma_semaphore, #tpu.memory_space<semaphore_mem>>)
    %dma_wait3A_24 = arith.constant 32 : i32
    %dma_wait3A_25 = tpu.memref_slice %arg5[%dma_wait3A_24] : memref<128xi32, #tpu.memory_space<vmem>> -> memref<32xi32, #tpu.memory_space<vmem>>
    %dma_wait3A_26 = arith.constant 0 : i32
    %dma_wait3A_27 = arith.constant 0 : i32
    %dma_wait3A_28 = tpu.memref_slice %arg2[%dma_wait3A_26, %dma_wait3A_27] : memref<5120x1024xf32, #tpu.memory_space<hbm>> -> memref<5120x1024xf32, #tpu.memory_space<hbm>>
    tpu.wait_indirect_dma semaphore(%arg9 : memref<!tpu.dma_semaphore, #tpu.memory_space<semaphore_mem>>) src(%dma_wait3A_28 : memref<5120x1024xf32, #tpu.memory_space<hbm>>) dst(%arg7 : memref<32x1024xf32, #tpu.memory_space<vmem>>)
    %add3A_29 = arith.constant 32 : i32
    %add3A_30 = arith.addi %multiple_of3A, %add3A_29 : i32
    %multiple_of3A_31 = tpu.assume_multiple %add3A_30, 8 : i32
    "tpu.region"() ({
      %run_scoped3A = tpu.sem_alloc : memref<!tpu.dma_semaphore, #tpu.memory_space<semaphore_mem>>
      %dma_start3A_53 = arith.constant 0 : i32
      %dma_start3A_54 = tpu.memref_slice %arg4[%multiple_of3A_31, %dma_start3A_53] : memref<4096x1024xf32, #tpu.memory_space<hbm>> -> memref<32x1024xf32, #tpu.memory_space<hbm>>
      %dma_start3A_55 = arith.constant 0 : i32
      %dma_start3A_56 = tpu.memref_slice %arg4[%multiple_of3A_31, %dma_start3A_55] : memref<4096x1024xf32, #tpu.memory_space<hbm>> -> memref<32x1024xf32, #tpu.memory_space<hbm>>
      tpu.enqueue_dma source(%arg7 : memref<32x1024xf32, #tpu.memory_space<vmem>>) target(%dma_start3A_56 : memref<32x1024xf32, #tpu.memory_space<hbm>>) target_semaphore(%run_scoped3A : memref<!tpu.dma_semaphore, #tpu.memory_space<semaphore_mem>>)
      %dma_wait3A_57 = arith.constant 0 : i32
      %dma_wait3A_58 = tpu.memref_slice %arg4[%multiple_of3A_31, %dma_wait3A_57] : memref<4096x1024xf32, #tpu.memory_space<hbm>> -> memref<32x1024xf32, #tpu.memory_space<hbm>>
      %dma_wait3A_59 = arith.constant 0 : i32
      %dma_wait3A_60 = tpu.memref_slice %arg4[%multiple_of3A_31, %dma_wait3A_59] : memref<4096x1024xf32, #tpu.memory_space<hbm>> -> memref<32x1024xf32, #tpu.memory_space<hbm>>
      tpu.wait_dma2 semaphore(%run_scoped3A : memref<!tpu.dma_semaphore, #tpu.memory_space<semaphore_mem>>) src(%arg7 : memref<32x1024xf32, #tpu.memory_space<vmem>>) dst(%dma_wait3A_60 : memref<32x1024xf32, #tpu.memory_space<hbm>>)
      tpu.yield
    }) : () -> ()
    %dma_start3A_32 = arith.constant 96 : i32
    %dma_start3A_33 = tpu.memref_slice %arg5[%dma_start3A_32] : memref<128xi32, #tpu.memory_space<vmem>> -> memref<32xi32, #tpu.memory_space<vmem>>
    %dma_start3A_34 = arith.constant 0 : i32
    %dma_start3A_35 = arith.constant 0 : i32
    %dma_start3A_36 = tpu.memref_slice %arg2[%dma_start3A_34, %dma_start3A_35] : memref<5120x1024xf32, #tpu.memory_space<hbm>> -> memref<5120x1024xf32, #tpu.memory_space<hbm>>
    tpu.enqueue_indirect_dma source(%dma_start3A_36 : memref<5120x1024xf32, #tpu.memory_space<hbm>>) target(%arg7 : memref<32x1024xf32, #tpu.memory_space<vmem>>) offsets(%dma_start3A_33 : memref<32xi32, #tpu.memory_space<vmem>>) semaphore(%arg9 : memref<!tpu.dma_semaphore, #tpu.memory_space<semaphore_mem>>)
    %dma_wait3A_37 = arith.constant 64 : i32
    %dma_wait3A_38 = tpu.memref_slice %arg5[%dma_wait3A_37] : memref<128xi32, #tpu.memory_space<vmem>> -> memref<32xi32, #tpu.memory_space<vmem>>
    %dma_wait3A_39 = arith.constant 0 : i32
    %dma_wait3A_40 = arith.constant 0 : i32
    %dma_wait3A_41 = tpu.memref_slice %arg2[%dma_wait3A_39, %dma_wait3A_40] : memref<5120x1024xf32, #tpu.memory_space<hbm>> -> memref<5120x1024xf32, #tpu.memory_space<hbm>>
    tpu.wait_indirect_dma semaphore(%arg8 : memref<!tpu.dma_semaphore, #tpu.memory_space<semaphore_mem>>) src(%dma_wait3A_41 : memref<5120x1024xf32, #tpu.memory_space<hbm>>) dst(%arg6 : memref<32x1024xf32, #tpu.memory_space<vmem>>)
    %add3A_42 = arith.constant 64 : i32
    %add3A_43 = arith.addi %multiple_of3A, %add3A_42 : i32
    %multiple_of3A_44 = tpu.assume_multiple %add3A_43, 8 : i32
    "tpu.region"() ({
      %run_scoped3A = tpu.sem_alloc : memref<!tpu.dma_semaphore, #tpu.memory_space<semaphore_mem>>
      %dma_start3A_53 = arith.constant 0 : i32
      %dma_start3A_54 = tpu.memref_slice %arg4[%multiple_of3A_44, %dma_start3A_53] : memref<4096x1024xf32, #tpu.memory_space<hbm>> -> memref<32x1024xf32, #tpu.memory_space<hbm>>
      %dma_start3A_55 = arith.constant 0 : i32
      %dma_start3A_56 = tpu.memref_slice %arg4[%multiple_of3A_44, %dma_start3A_55] : memref<4096x1024xf32, #tpu.memory_space<hbm>> -> memref<32x1024xf32, #tpu.memory_space<hbm>>
      tpu.enqueue_dma source(%arg6 : memref<32x1024xf32, #tpu.memory_space<vmem>>) target(%dma_start3A_56 : memref<32x1024xf32, #tpu.memory_space<hbm>>) target_semaphore(%run_scoped3A : memref<!tpu.dma_semaphore, #tpu.memory_space<semaphore_mem>>)
      %dma_wait3A_57 = arith.constant 0 : i32
      %dma_wait3A_58 = tpu.memref_slice %arg4[%multiple_of3A_44, %dma_wait3A_57] : memref<4096x1024xf32, #tpu.memory_space<hbm>> -> memref<32x1024xf32, #tpu.memory_space<hbm>>
      %dma_wait3A_59 = arith.constant 0 : i32
      %dma_wait3A_60 = tpu.memref_slice %arg4[%multiple_of3A_44, %dma_wait3A_59] : memref<4096x1024xf32, #tpu.memory_space<hbm>> -> memref<32x1024xf32, #tpu.memory_space<hbm>>
      tpu.wait_dma2 semaphore(%run_scoped3A : memref<!tpu.dma_semaphore, #tpu.memory_space<semaphore_mem>>) src(%arg6 : memref<32x1024xf32, #tpu.memory_space<vmem>>) dst(%dma_wait3A_60 : memref<32x1024xf32, #tpu.memory_space<hbm>>)
      tpu.yield
    }) : () -> ()
    %dma_wait3A_45 = arith.constant 96 : i32
    %dma_wait3A_46 = tpu.memref_slice %arg5[%dma_wait3A_45] : memref<128xi32, #tpu.memory_space<vmem>> -> memref<32xi32, #tpu.memory_space<vmem>>
    %dma_wait3A_47 = arith.constant 0 : i32
    %dma_wait3A_48 = arith.constant 0 : i32
    %dma_wait3A_49 = tpu.memref_slice %arg2[%dma_wait3A_47, %dma_wait3A_48] : memref<5120x1024xf32, #tpu.memory_space<hbm>> -> memref<5120x1024xf32, #tpu.memory_space<hbm>>
    tpu.wait_indirect_dma semaphore(%arg9 : memref<!tpu.dma_semaphore, #tpu.memory_space<semaphore_mem>>) src(%dma_wait3A_49 : memref<5120x1024xf32, #tpu.memory_space<hbm>>) dst(%arg7 : memref<32x1024xf32, #tpu.memory_space<vmem>>)
    %add3A_50 = arith.constant 96 : i32
    %add3A_51 = arith.addi %multiple_of3A, %add3A_50 : i32
    %multiple_of3A_52 = tpu.assume_multiple %add3A_51, 8 : i32
    "tpu.region"() ({
      %run_scoped3A = tpu.sem_alloc : memref<!tpu.dma_semaphore, #tpu.memory_space<semaphore_mem>>
      %dma_start3A_53 = arith.constant 0 : i32
      %dma_start3A_54 = tpu.memref_slice %arg4[%multiple_of3A_52, %dma_start3A_53] : memref<4096x1024xf32, #tpu.memory_space<hbm>> -> memref<32x1024xf32, #tpu.memory_space<hbm>>
      %dma_start3A_55 = arith.constant 0 : i32
      %dma_start3A_56 = tpu.memref_slice %arg4[%multiple_of3A_52, %dma_start3A_55] : memref<4096x1024xf32, #tpu.memory_space<hbm>> -> memref<32x1024xf32, #tpu.memory_space<hbm>>
      tpu.enqueue_dma source(%arg7 : memref<32x1024xf32, #tpu.memory_space<vmem>>) target(%dma_start3A_56 : memref<32x1024xf32, #tpu.memory_space<hbm>>) target_semaphore(%run_scoped3A : memref<!tpu.dma_semaphore, #tpu.memory_space<semaphore_mem>>)
      %dma_wait3A_57 = arith.constant 0 : i32
      %dma_wait3A_58 = tpu.memref_slice %arg4[%multiple_of3A_52, %dma_wait3A_57] : memref<4096x1024xf32, #tpu.memory_space<hbm>> -> memref<32x1024xf32, #tpu.memory_space<hbm>>
      %dma_wait3A_59 = arith.constant 0 : i32
      %dma_wait3A_60 = tpu.memref_slice %arg4[%multiple_of3A_52, %dma_wait3A_59] : memref<4096x1024xf32, #tpu.memory_space<hbm>> -> memref<32x1024xf32, #tpu.memory_space<hbm>>
      tpu.wait_dma2 semaphore(%run_scoped3A : memref<!tpu.dma_semaphore, #tpu.memory_space<semaphore_mem>>) src(%arg7 : memref<32x1024xf32, #tpu.memory_space<vmem>>) dst(%dma_wait3A_60 : memref<32x1024xf32, #tpu.memory_space<hbm>>)
      tpu.yield
    }) : () -> ()
    return
  }
}

#map = affine_map<(d0, d1) -> (0)>
module attributes {stable_mosaic.version = 14 : i64} {
  func.func @_dispatch_body(%arg0: i32, %arg1: i32, %arg2: memref<4096xi32, #tpu.memory_space<hbm>>, %arg3: memref<5120xi32, #tpu.memory_space<hbm>>, %arg4: memref<48xi32, #tpu.memory_space<hbm>>, %arg5: memref<4096xi32, #tpu.memory_space<hbm>>, %arg6: memref<4096xi32, #tpu.memory_space<vmem>>, %arg7: memref<4224xi32, #tpu.memory_space<vmem>>, %arg8: memref<4096xi32, #tpu.memory_space<vmem>>, %arg9: memref<8x256xi32, #tpu.memory_space<vmem>>, %arg10: memref<256xi32, #tpu.memory_space<vmem>>, %arg11: memref<128xi32, #tpu.memory_space<vmem>>, %arg12: memref<48xi32, #tpu.memory_space<vmem>>, %arg13: memref<8x4096xi32, #tpu.memory_space<vmem_shared>>) attributes {dimension_semantics = [#tpu.dimension_semantics<core_parallel>, #tpu.dimension_semantics<subcore_parallel>], iteration_bounds = array<i64: 2, 16>, scalar_prefetch = 0 : i64, scratch_operands = 8 : i64, tpu.core_type = #tpu.core_type<sc_vector_subcore>, window_params = [{transform_indices = #map}, {transform_indices = #map}, {transform_indices = #map}, {transform_indices = #map}]} {
    %iota3A = tpu.iota {dimensions = array<i32: 0>} : vector<16xi32>
    %broadcast_in_dim3A = arith.constant 0 : i32
    %broadcast_in_dim3A_0 = vector.broadcast %broadcast_in_dim3A : i32 to vector<16xi32>
    %eq3A = arith.constant 0 : i32
    %eq3A_1 = arith.cmpi eq, %arg0, %eq3A : i32
    %lt3A = arith.constant 8 : i32
    %lt3A_2 = arith.cmpi slt, %arg1, %lt3A : i32
    %and3A = arith.andi %eq3A_1, %lt3A_2 : i1
    %convert_element_type3A = arith.extui %and3A : i1 to i32
    %cond3A = arith.constant 0 : i32
    %cond3A_3 = arith.cmpi ne, %convert_element_type3A, %cond3A : i32
    scf.if %cond3A_3 {
      "tpu.region"() ({
        %run_scoped3A = tpu.sem_alloc : memref<!tpu.dma_semaphore, #tpu.memory_space<semaphore_mem>>
        tpu.enqueue_dma source(%arg2 : memref<4096xi32, #tpu.memory_space<hbm>>) target(%arg6 : memref<4096xi32, #tpu.memory_space<vmem>>) target_semaphore(%run_scoped3A : memref<!tpu.dma_semaphore, #tpu.memory_space<semaphore_mem>>)
        tpu.wait_dma2 semaphore(%run_scoped3A : memref<!tpu.dma_semaphore, #tpu.memory_space<semaphore_mem>>) src(%arg2 : memref<4096xi32, #tpu.memory_space<hbm>>) dst(%arg6 : memref<4096xi32, #tpu.memory_space<vmem>>)
        tpu.yield
      }) : () -> ()
      %scan3A = arith.constant 0 : i32
      %scan3A_9 = arith.constant 0 : i32
      %scan3A_10 = arith.constant 256 : i32
      %scan3A_11 = arith.addi %scan3A_9, %scan3A_10 : i32
      %scan3A_12 = arith.constant 1 : i32
      %scan3A_13 = scf.for %scan3A_421 = %scan3A_9 to %scan3A_11 step %scan3A_12 iter_args(%scan3A_422 = %scan3A) -> (i32)  : i32 {
        %mul3A_423 = arith.constant 16 : i32
        %mul3A_424 = arith.muli %scan3A_421, %mul3A_423 : i32
        %swap3A_425 = arith.index_cast %mul3A_424 : i32 to index
        %swap3A_426 = tpu.vector_load %arg8[%swap3A_425] {strides = array<i32>} : memref<4096xi32, #tpu.memory_space<vmem>>, vector<16xi32>,
        tpu.vector_store %arg8[%swap3A_425], %broadcast_in_dim3A_0 {strides = array<i32>} : memref<4096xi32, #tpu.memory_space<vmem>>, vector<16xi32>,
        %scan3A_427 = arith.constant 0 : i32
        scf.yield %scan3A_427 : i32
      }
      %scan3A_14 = arith.constant 256 : i32
      %scan3A_15 = arith.constant 0 : i32
      %scan3A_16 = arith.constant 0 : i32
      %scan3A_17 = arith.constant 264 : i32
      %scan3A_18 = arith.addi %scan3A_16, %scan3A_17 : i32
      %scan3A_19 = arith.constant 1 : i32
      %scan3A_20 = scf.for %scan3A_421 = %scan3A_16 to %scan3A_18 step %scan3A_19 iter_args(%scan3A_422 = %scan3A_15) -> (i32)  : i32 {
        %mul3A_423 = arith.constant 16 : i32
        %mul3A_424 = arith.muli %scan3A_421, %mul3A_423 : i32
        %add3A_425 = vector.broadcast %mul3A_424 : i32 to vector<16xi32>
        %add3A_426 = arith.addi %add3A_425, %iota3A : vector<16xi32>
        %and3A_427 = arith.constant 2047 : i32
        %and3A_428 = vector.broadcast %and3A_427 : i32 to vector<16xi32>
        %and3A_429 = arith.andi %add3A_426, %and3A_428 : vector<16xi32>
        %mul3A_430 = arith.constant 16 : i32
        %mul3A_431 = arith.muli %scan3A_421, %mul3A_430 : i32
        %swap3A_432 = arith.index_cast %mul3A_431 : i32 to index
        %swap3A_433 = tpu.vector_load %arg7[%swap3A_432] {strides = array<i32>} : memref<4224xi32, #tpu.memory_space<vmem>>, vector<16xi32>,
        tpu.vector_store %arg7[%swap3A_432], %and3A_429 {strides = array<i32>} : memref<4224xi32, #tpu.memory_space<vmem>>, vector<16xi32>,
        %scan3A_434 = arith.constant 0 : i32
        scf.yield %scan3A_434 : i32
      }
      %scan3A_21 = arith.constant 264 : i32
      %add3A = arith.constant 0 : i32
      %add3A_22 = vector.broadcast %add3A : i32 to vector<16xi32>
      %add3A_23 = arith.addi %add3A_22, %iota3A : vector<16xi32>
      %swap3A = arith.constant 0 : index
      %swap3A_24 = tpu.vector_load %arg11[%swap3A] {strides = array<i32>} : memref<128xi32, #tpu.memory_space<vmem>>, vector<16xi32>,
      tpu.vector_store %arg11[%swap3A], %add3A_23 {strides = array<i32>} : memref<128xi32, #tpu.memory_space<vmem>>, vector<16xi32>,
      %add3A_25 = arith.constant 16 : i32
      %add3A_26 = vector.broadcast %add3A_25 : i32 to vector<16xi32>
      %add3A_27 = arith.addi %add3A_26, %iota3A : vector<16xi32>
      %swap3A_28 = arith.constant 16 : index
      %swap3A_29 = tpu.vector_load %arg11[%swap3A_28] {strides = array<i32>} : memref<128xi32, #tpu.memory_space<vmem>>, vector<16xi32>,
      tpu.vector_store %arg11[%swap3A_28], %add3A_27 {strides = array<i32>} : memref<128xi32, #tpu.memory_space<vmem>>, vector<16xi32>,
      %add3A_30 = arith.constant 32 : i32
      %add3A_31 = vector.broadcast %add3A_30 : i32 to vector<16xi32>
      %add3A_32 = arith.addi %add3A_31, %iota3A : vector<16xi32>
      %swap3A_33 = arith.constant 32 : index
      %swap3A_34 = tpu.vector_load %arg11[%swap3A_33] {strides = array<i32>} : memref<128xi32, #tpu.memory_space<vmem>>, vector<16xi32>,
      tpu.vector_store %arg11[%swap3A_33], %add3A_32 {strides = array<i32>} : memref<128xi32, #tpu.memory_space<vmem>>, vector<16xi32>,
      %add3A_35 = arith.constant 48 : i32
      %add3A_36 = vector.broadcast %add3A_35 : i32 to vector<16xi32>
      %add3A_37 = arith.addi %add3A_36, %iota3A : vector<16xi32>
      %swap3A_38 = arith.constant 48 : index
      %swap3A_39 = tpu.vector_load %arg11[%swap3A_38] {strides = array<i32>} : memref<128xi32, #tpu.memory_space<vmem>>, vector<16xi32>,
      tpu.vector_store %arg11[%swap3A_38], %add3A_37 {strides = array<i32>} : memref<128xi32, #tpu.memory_space<vmem>>, vector<16xi32>,
      %add3A_40 = arith.constant 64 : i32
      %add3A_41 = vector.broadcast %add3A_40 : i32 to vector<16xi32>
      %add3A_42 = arith.addi %add3A_41, %iota3A : vector<16xi32>
      %swap3A_43 = arith.constant 64 : index
      %swap3A_44 = tpu.vector_load %arg11[%swap3A_43] {strides = array<i32>} : memref<128xi32, #tpu.memory_space<vmem>>, vector<16xi32>,
      tpu.vector_store %arg11[%swap3A_43], %add3A_42 {strides = array<i32>} : memref<128xi32, #tpu.memory_space<vmem>>, vector<16xi32>,
      %add3A_45 = arith.constant 80 : i32
      %add3A_46 = vector.broadcast %add3A_45 : i32 to vector<16xi32>
      %add3A_47 = arith.addi %add3A_46, %iota3A : vector<16xi32>
      %swap3A_48 = arith.constant 80 : index
      %swap3A_49 = tpu.vector_load %arg11[%swap3A_48] {strides = array<i32>} : memref<128xi32, #tpu.memory_space<vmem>>, vector<16xi32>,
      tpu.vector_store %arg11[%swap3A_48], %add3A_47 {strides = array<i32>} : memref<128xi32, #tpu.memory_space<vmem>>, vector<16xi32>,
      %add3A_50 = arith.constant 96 : i32
      %add3A_51 = vector.broadcast %add3A_50 : i32 to vector<16xi32>
      %add3A_52 = arith.addi %add3A_51, %iota3A : vector<16xi32>
      %swap3A_53 = arith.constant 96 : index
      %swap3A_54 = tpu.vector_load %arg11[%swap3A_53] {strides = array<i32>} : memref<128xi32, #tpu.memory_space<vmem>>, vector<16xi32>,
      tpu.vector_store %arg11[%swap3A_53], %add3A_52 {strides = array<i32>} : memref<128xi32, #tpu.memory_space<vmem>>, vector<16xi32>,
      %add3A_55 = arith.constant 112 : i32
      %add3A_56 = vector.broadcast %add3A_55 : i32 to vector<16xi32>
      %add3A_57 = arith.addi %add3A_56, %iota3A : vector<16xi32>
      %swap3A_58 = arith.constant 112 : index
      %swap3A_59 = tpu.vector_load %arg11[%swap3A_58] {strides = array<i32>} : memref<128xi32, #tpu.memory_space<vmem>>, vector<16xi32>,
      tpu.vector_store %arg11[%swap3A_58], %add3A_57 {strides = array<i32>} : memref<128xi32, #tpu.memory_space<vmem>>, vector<16xi32>,
      %scan3A_60 = arith.constant 0 : i32
      %scan3A_61 = arith.constant 256 : i32
      %scan3A_62 = arith.addi %scan3A_60, %scan3A_61 : i32
      %scan3A_63 = arith.constant 1 : i32
      %scan3A_64:8 = scf.for %scan3A_421 = %scan3A_60 to %scan3A_62 step %scan3A_63 iter_args(%scan3A_422 = %broadcast_in_dim3A_0, %scan3A_423 = %broadcast_in_dim3A_0, %scan3A_424 = %broadcast_in_dim3A_0, %scan3A_425 = %broadcast_in_dim3A_0, %scan3A_426 = %broadcast_in_dim3A_0, %scan3A_427 = %broadcast_in_dim3A_0, %scan3A_428 = %broadcast_in_dim3A_0, %scan3A_429 = %broadcast_in_dim3A_0) -> (vector<16xi32>, vector<16xi32>, vector<16xi32>, vector<16xi32>, vector<16xi32>, vector<16xi32>, vector<16xi32>, vector<16xi32>)  : i32 {
        %mul3A_430 = arith.constant 16 : i32
        %mul3A_431 = arith.muli %scan3A_421, %mul3A_430 : i32
        %get3A = arith.index_cast %mul3A_431 : i32 to index
        %get3A_432 = tpu.vector_load %arg6[%get3A] {strides = array<i32>} : memref<4096xi32, #tpu.memory_space<vmem>>, vector<16xi32>,
        %eq3A_433 = arith.constant 0 : i32
        %eq3A_434 = vector.broadcast %eq3A_433 : i32 to vector<16xi32>
        %eq3A_435 = arith.cmpi eq, %get3A_432, %eq3A_434 : vector<16xi32>
        %convert_element_type3A_436 = arith.extui %eq3A_435 : vector<16xi1> to vector<16xi32>
        %add3A_437 = arith.addi %scan3A_422, %convert_element_type3A_436 : vector<16xi32>
        %eq3A_438 = arith.constant 1 : i32
        %eq3A_439 = vector.broadcast %eq3A_438 : i32 to vector<16xi32>
        %eq3A_440 = arith.cmpi eq, %get3A_432, %eq3A_439 : vector<16xi32>
        %convert_element_type3A_441 = arith.extui %eq3A_440 : vector<16xi1> to vector<16xi32>
        %add3A_442 = arith.addi %scan3A_423, %convert_element_type3A_441 : vector<16xi32>
        %eq3A_443 = arith.constant 2 : i32
        %eq3A_444 = vector.broadcast %eq3A_443 : i32 to vector<16xi32>
        %eq3A_445 = arith.cmpi eq, %get3A_432, %eq3A_444 : vector<16xi32>
        %convert_element_type3A_446 = arith.extui %eq3A_445 : vector<16xi1> to vector<16xi32>
        %add3A_447 = arith.addi %scan3A_424, %convert_element_type3A_446 : vector<16xi32>
        %eq3A_448 = arith.constant 3 : i32
        %eq3A_449 = vector.broadcast %eq3A_448 : i32 to vector<16xi32>
        %eq3A_450 = arith.cmpi eq, %get3A_432, %eq3A_449 : vector<16xi32>
        %convert_element_type3A_451 = arith.extui %eq3A_450 : vector<16xi1> to vector<16xi32>
        %add3A_452 = arith.addi %scan3A_425, %convert_element_type3A_451 : vector<16xi32>
        %eq3A_453 = arith.constant 4 : i32
        %eq3A_454 = vector.broadcast %eq3A_453 : i32 to vector<16xi32>
        %eq3A_455 = arith.cmpi eq, %get3A_432, %eq3A_454 : vector<16xi32>
        %convert_element_type3A_456 = arith.extui %eq3A_455 : vector<16xi1> to vector<16xi32>
        %add3A_457 = arith.addi %scan3A_426, %convert_element_type3A_456 : vector<16xi32>
        %eq3A_458 = arith.constant 5 : i32
        %eq3A_459 = vector.broadcast %eq3A_458 : i32 to vector<16xi32>
        %eq3A_460 = arith.cmpi eq, %get3A_432, %eq3A_459 : vector<16xi32>
        %convert_element_type3A_461 = arith.extui %eq3A_460 : vector<16xi1> to vector<16xi32>
        %add3A_462 = arith.addi %scan3A_427, %convert_element_type3A_461 : vector<16xi32>
        %eq3A_463 = arith.constant 6 : i32
        %eq3A_464 = vector.broadcast %eq3A_463 : i32 to vector<16xi32>
        %eq3A_465 = arith.cmpi eq, %get3A_432, %eq3A_464 : vector<16xi32>
        %convert_element_type3A_466 = arith.extui %eq3A_465 : vector<16xi1> to vector<16xi32>
        %add3A_467 = arith.addi %scan3A_428, %convert_element_type3A_466 : vector<16xi32>
        %eq3A_468 = arith.constant 7 : i32
        %eq3A_469 = vector.broadcast %eq3A_468 : i32 to vector<16xi32>
        %eq3A_470 = arith.cmpi eq, %get3A_432, %eq3A_469 : vector<16xi32>
        %convert_element_type3A_471 = arith.extui %eq3A_470 : vector<16xi1> to vector<16xi32>
        %add3A_472 = arith.addi %scan3A_429, %convert_element_type3A_471 : vector<16xi32>
        scf.yield %add3A_437, %add3A_442, %add3A_447, %add3A_452, %add3A_457, %add3A_462, %add3A_467, %add3A_472 : vector<16xi32>, vector<16xi32>, vector<16xi32>, vector<16xi32>, vector<16xi32>, vector<16xi32>, vector<16xi32>, vector<16xi32>
      }
      %scan3A_65 = arith.constant 256 : i32
      %reduce_sum3A = arith.constant true
      %reduce_sum3A_66 = vector.broadcast %reduce_sum3A : i1 to vector<16xi1>
      %reduce_sum3A_67 = tpu.scan <sum>, %scan3A_64#0 masked %reduce_sum3A_66 : vector<16xi32>, vector<16xi1> -> vector<16xi32>
      %reduce_sum3A_68 = vector.extract %reduce_sum3A_67[15] : i32 from vector<16xi32>
      %reduce_sum3A_69 = arith.constant true
      %reduce_sum3A_70 = vector.broadcast %reduce_sum3A_69 : i1 to vector<16xi1>
      %reduce_sum3A_71 = tpu.scan <sum>, %scan3A_64#1 masked %reduce_sum3A_70 : vector<16xi32>, vector<16xi1> -> vector<16xi32>
      %reduce_sum3A_72 = vector.extract %reduce_sum3A_71[15] : i32 from vector<16xi32>
      %reduce_sum3A_73 = arith.constant true
      %reduce_sum3A_74 = vector.broadcast %reduce_sum3A_73 : i1 to vector<16xi1>
      %reduce_sum3A_75 = tpu.scan <sum>, %scan3A_64#2 masked %reduce_sum3A_74 : vector<16xi32>, vector<16xi1> -> vector<16xi32>
      %reduce_sum3A_76 = vector.extract %reduce_sum3A_75[15] : i32 from vector<16xi32>
      %reduce_sum3A_77 = arith.constant true
      %reduce_sum3A_78 = vector.broadcast %reduce_sum3A_77 : i1 to vector<16xi1>
      %reduce_sum3A_79 = tpu.scan <sum>, %scan3A_64#3 masked %reduce_sum3A_78 : vector<16xi32>, vector<16xi1> -> vector<16xi32>
      %reduce_sum3A_80 = vector.extract %reduce_sum3A_79[15] : i32 from vector<16xi32>
      %reduce_sum3A_81 = arith.constant true
      %reduce_sum3A_82 = vector.broadcast %reduce_sum3A_81 : i1 to vector<16xi1>
      %reduce_sum3A_83 = tpu.scan <sum>, %scan3A_64#4 masked %reduce_sum3A_82 : vector<16xi32>, vector<16xi1> -> vector<16xi32>
      %reduce_sum3A_84 = vector.extract %reduce_sum3A_83[15] : i32 from vector<16xi32>
      %reduce_sum3A_85 = arith.constant true
      %reduce_sum3A_86 = vector.broadcast %reduce_sum3A_85 : i1 to vector<16xi1>
      %reduce_sum3A_87 = tpu.scan <sum>, %scan3A_64#5 masked %reduce_sum3A_86 : vector<16xi32>, vector<16xi1> -> vector<16xi32>
      %reduce_sum3A_88 = vector.extract %reduce_sum3A_87[15] : i32 from vector<16xi32>
      %reduce_sum3A_89 = arith.constant true
      %reduce_sum3A_90 = vector.broadcast %reduce_sum3A_89 : i1 to vector<16xi1>
      %reduce_sum3A_91 = tpu.scan <sum>, %scan3A_64#6 masked %reduce_sum3A_90 : vector<16xi32>, vector<16xi1> -> vector<16xi32>
      %reduce_sum3A_92 = vector.extract %reduce_sum3A_91[15] : i32 from vector<16xi32>
      %reduce_sum3A_93 = arith.constant true
      %reduce_sum3A_94 = vector.broadcast %reduce_sum3A_93 : i1 to vector<16xi1>
      %reduce_sum3A_95 = tpu.scan <sum>, %scan3A_64#7 masked %reduce_sum3A_94 : vector<16xi32>, vector<16xi1> -> vector<16xi32>
      %reduce_sum3A_96 = vector.extract %reduce_sum3A_95[15] : i32 from vector<16xi32>
      %add3A_97 = arith.constant 127 : i32
      %add3A_98 = arith.addi %reduce_sum3A_68, %add3A_97 : i32
      %jit3A = arith.constant 128 : i32
      %div3A = arith.divsi %add3A_98, %jit3A : i32
      %sign3A = arith.constant 0 : i32
      %sign3A_99 = arith.cmpi sgt, %add3A_98, %sign3A : i32
      %sign3A_100 = arith.extui %sign3A_99 : i1 to i32
      %sign3A_101 = arith.constant 0 : i32
      %sign3A_102 = arith.cmpi slt, %add3A_98, %sign3A_101 : i32
      %sign3A_103 = arith.extui %sign3A_102 : i1 to i32
      %sign3A_104 = arith.subi %sign3A_100, %sign3A_103 : i32
      %sign3A_105 = arith.constant 0 : i32
      %sign3A_106 = arith.cmpi sgt, %jit3A, %sign3A_105 : i32
      %sign3A_107 = arith.extui %sign3A_106 : i1 to i32
      %sign3A_108 = arith.constant 0 : i32
      %sign3A_109 = arith.cmpi slt, %jit3A, %sign3A_108 : i32
      %sign3A_110 = arith.extui %sign3A_109 : i1 to i32
      %sign3A_111 = arith.subi %sign3A_107, %sign3A_110 : i32
      %ne3A = arith.cmpi ne, %sign3A_104, %sign3A_111 : i32
      %rem3A = arith.remsi %add3A_98, %jit3A : i32
      %ne3A_112 = arith.constant 0 : i32
      %ne3A_113 = arith.cmpi ne, %rem3A, %ne3A_112 : i32
      %and3A_114 = arith.andi %ne3A, %ne3A_113 : i1
      %sub3A = arith.constant 1 : i32
      %sub3A_115 = arith.subi %div3A, %sub3A : i32
      %select_n3A = arith.select %and3A_114, %sub3A_115, %div3A : i32
      %add3A_116 = arith.constant 127 : i32
      %add3A_117 = arith.addi %reduce_sum3A_72, %add3A_116 : i32
      %jit3A_118 = arith.constant 128 : i32
      %div3A_119 = arith.divsi %add3A_117, %jit3A_118 : i32
      %sign3A_120 = arith.constant 0 : i32
      %sign3A_121 = arith.cmpi sgt, %add3A_117, %sign3A_120 : i32
      %sign3A_122 = arith.extui %sign3A_121 : i1 to i32
      %sign3A_123 = arith.constant 0 : i32
      %sign3A_124 = arith.cmpi slt, %add3A_117, %sign3A_123 : i32
      %sign3A_125 = arith.extui %sign3A_124 : i1 to i32
      %sign3A_126 = arith.subi %sign3A_122, %sign3A_125 : i32
      %sign3A_127 = arith.constant 0 : i32
      %sign3A_128 = arith.cmpi sgt, %jit3A_118, %sign3A_127 : i32
      %sign3A_129 = arith.extui %sign3A_128 : i1 to i32
      %sign3A_130 = arith.constant 0 : i32
      %sign3A_131 = arith.cmpi slt, %jit3A_118, %sign3A_130 : i32
      %sign3A_132 = arith.extui %sign3A_131 : i1 to i32
      %sign3A_133 = arith.subi %sign3A_129, %sign3A_132 : i32
      %ne3A_134 = arith.cmpi ne, %sign3A_126, %sign3A_133 : i32
      %rem3A_135 = arith.remsi %add3A_117, %jit3A_118 : i32
      %ne3A_136 = arith.constant 0 : i32
      %ne3A_137 = arith.cmpi ne, %rem3A_135, %ne3A_136 : i32
      %and3A_138 = arith.andi %ne3A_134, %ne3A_137 : i1
      %sub3A_139 = arith.constant 1 : i32
      %sub3A_140 = arith.subi %div3A_119, %sub3A_139 : i32
      %select_n3A_141 = arith.select %and3A_138, %sub3A_140, %div3A_119 : i32
      %add3A_142 = arith.constant 127 : i32
      %add3A_143 = arith.addi %reduce_sum3A_76, %add3A_142 : i32
      %jit3A_144 = arith.constant 128 : i32
      %div3A_145 = arith.divsi %add3A_143, %jit3A_144 : i32
      %sign3A_146 = arith.constant 0 : i32
      %sign3A_147 = arith.cmpi sgt, %add3A_143, %sign3A_146 : i32
      %sign3A_148 = arith.extui %sign3A_147 : i1 to i32
      %sign3A_149 = arith.constant 0 : i32
      %sign3A_150 = arith.cmpi slt, %add3A_143, %sign3A_149 : i32
      %sign3A_151 = arith.extui %sign3A_150 : i1 to i32
      %sign3A_152 = arith.subi %sign3A_148, %sign3A_151 : i32
      %sign3A_153 = arith.constant 0 : i32
      %sign3A_154 = arith.cmpi sgt, %jit3A_144, %sign3A_153 : i32
      %sign3A_155 = arith.extui %sign3A_154 : i1 to i32
      %sign3A_156 = arith.constant 0 : i32
      %sign3A_157 = arith.cmpi slt, %jit3A_144, %sign3A_156 : i32
      %sign3A_158 = arith.extui %sign3A_157 : i1 to i32
      %sign3A_159 = arith.subi %sign3A_155, %sign3A_158 : i32
      %ne3A_160 = arith.cmpi ne, %sign3A_152, %sign3A_159 : i32
      %rem3A_161 = arith.remsi %add3A_143, %jit3A_144 : i32
      %ne3A_162 = arith.constant 0 : i32
      %ne3A_163 = arith.cmpi ne, %rem3A_161, %ne3A_162 : i32
      %and3A_164 = arith.andi %ne3A_160, %ne3A_163 : i1
      %sub3A_165 = arith.constant 1 : i32
      %sub3A_166 = arith.subi %div3A_145, %sub3A_165 : i32
      %select_n3A_167 = arith.select %and3A_164, %sub3A_166, %div3A_145 : i32
      %add3A_168 = arith.constant 127 : i32
      %add3A_169 = arith.addi %reduce_sum3A_80, %add3A_168 : i32
      %jit3A_170 = arith.constant 128 : i32
      %div3A_171 = arith.divsi %add3A_169, %jit3A_170 : i32
      %sign3A_172 = arith.constant 0 : i32
      %sign3A_173 = arith.cmpi sgt, %add3A_169, %sign3A_172 : i32
      %sign3A_174 = arith.extui %sign3A_173 : i1 to i32
      %sign3A_175 = arith.constant 0 : i32
      %sign3A_176 = arith.cmpi slt, %add3A_169, %sign3A_175 : i32
      %sign3A_177 = arith.extui %sign3A_176 : i1 to i32
      %sign3A_178 = arith.subi %sign3A_174, %sign3A_177 : i32
      %sign3A_179 = arith.constant 0 : i32
      %sign3A_180 = arith.cmpi sgt, %jit3A_170, %sign3A_179 : i32
      %sign3A_181 = arith.extui %sign3A_180 : i1 to i32
      %sign3A_182 = arith.constant 0 : i32
      %sign3A_183 = arith.cmpi slt, %jit3A_170, %sign3A_182 : i32
      %sign3A_184 = arith.extui %sign3A_183 : i1 to i32
      %sign3A_185 = arith.subi %sign3A_181, %sign3A_184 : i32
      %ne3A_186 = arith.cmpi ne, %sign3A_178, %sign3A_185 : i32
      %rem3A_187 = arith.remsi %add3A_169, %jit3A_170 : i32
      %ne3A_188 = arith.constant 0 : i32
      %ne3A_189 = arith.cmpi ne, %rem3A_187, %ne3A_188 : i32
      %and3A_190 = arith.andi %ne3A_186, %ne3A_189 : i1
      %sub3A_191 = arith.constant 1 : i32
      %sub3A_192 = arith.subi %div3A_171, %sub3A_191 : i32
      %select_n3A_193 = arith.select %and3A_190, %sub3A_192, %div3A_171 : i32
      %add3A_194 = arith.constant 127 : i32
      %add3A_195 = arith.addi %reduce_sum3A_84, %add3A_194 : i32
      %jit3A_196 = arith.constant 128 : i32
      %div3A_197 = arith.divsi %add3A_195, %jit3A_196 : i32
      %sign3A_198 = arith.constant 0 : i32
      %sign3A_199 = arith.cmpi sgt, %add3A_195, %sign3A_198 : i32
      %sign3A_200 = arith.extui %sign3A_199 : i1 to i32
      %sign3A_201 = arith.constant 0 : i32
      %sign3A_202 = arith.cmpi slt, %add3A_195, %sign3A_201 : i32
      %sign3A_203 = arith.extui %sign3A_202 : i1 to i32
      %sign3A_204 = arith.subi %sign3A_200, %sign3A_203 : i32
      %sign3A_205 = arith.constant 0 : i32
      %sign3A_206 = arith.cmpi sgt, %jit3A_196, %sign3A_205 : i32
      %sign3A_207 = arith.extui %sign3A_206 : i1 to i32
      %sign3A_208 = arith.constant 0 : i32
      %sign3A_209 = arith.cmpi slt, %jit3A_196, %sign3A_208 : i32
      %sign3A_210 = arith.extui %sign3A_209 : i1 to i32
      %sign3A_211 = arith.subi %sign3A_207, %sign3A_210 : i32
      %ne3A_212 = arith.cmpi ne, %sign3A_204, %sign3A_211 : i32
      %rem3A_213 = arith.remsi %add3A_195, %jit3A_196 : i32
      %ne3A_214 = arith.constant 0 : i32
      %ne3A_215 = arith.cmpi ne, %rem3A_213, %ne3A_214 : i32
      %and3A_216 = arith.andi %ne3A_212, %ne3A_215 : i1
      %sub3A_217 = arith.constant 1 : i32
      %sub3A_218 = arith.subi %div3A_197, %sub3A_217 : i32
      %select_n3A_219 = arith.select %and3A_216, %sub3A_218, %div3A_197 : i32
      %add3A_220 = arith.constant 127 : i32
      %add3A_221 = arith.addi %reduce_sum3A_88, %add3A_220 : i32
      %jit3A_222 = arith.constant 128 : i32
      %div3A_223 = arith.divsi %add3A_221, %jit3A_222 : i32
      %sign3A_224 = arith.constant 0 : i32
      %sign3A_225 = arith.cmpi sgt, %add3A_221, %sign3A_224 : i32
      %sign3A_226 = arith.extui %sign3A_225 : i1 to i32
      %sign3A_227 = arith.constant 0 : i32
      %sign3A_228 = arith.cmpi slt, %add3A_221, %sign3A_227 : i32
      %sign3A_229 = arith.extui %sign3A_228 : i1 to i32
      %sign3A_230 = arith.subi %sign3A_226, %sign3A_229 : i32
      %sign3A_231 = arith.constant 0 : i32
      %sign3A_232 = arith.cmpi sgt, %jit3A_222, %sign3A_231 : i32
      %sign3A_233 = arith.extui %sign3A_232 : i1 to i32
      %sign3A_234 = arith.constant 0 : i32
      %sign3A_235 = arith.cmpi slt, %jit3A_222, %sign3A_234 : i32
      %sign3A_236 = arith.extui %sign3A_235 : i1 to i32
      %sign3A_237 = arith.subi %sign3A_233, %sign3A_236 : i32
      %ne3A_238 = arith.cmpi ne, %sign3A_230, %sign3A_237 : i32
      %rem3A_239 = arith.remsi %add3A_221, %jit3A_222 : i32
      %ne3A_240 = arith.constant 0 : i32
      %ne3A_241 = arith.cmpi ne, %rem3A_239, %ne3A_240 : i32
      %and3A_242 = arith.andi %ne3A_238, %ne3A_241 : i1
      %sub3A_243 = arith.constant 1 : i32
      %sub3A_244 = arith.subi %div3A_223, %sub3A_243 : i32
      %select_n3A_245 = arith.select %and3A_242, %sub3A_244, %div3A_223 : i32
      %add3A_246 = arith.constant 127 : i32
      %add3A_247 = arith.addi %reduce_sum3A_92, %add3A_246 : i32
      %jit3A_248 = arith.constant 128 : i32
      %div3A_249 = arith.divsi %add3A_247, %jit3A_248 : i32
      %sign3A_250 = arith.constant 0 : i32
      %sign3A_251 = arith.cmpi sgt, %add3A_247, %sign3A_250 : i32
      %sign3A_252 = arith.extui %sign3A_251 : i1 to i32
      %sign3A_253 = arith.constant 0 : i32
      %sign3A_254 = arith.cmpi slt, %add3A_247, %sign3A_253 : i32
      %sign3A_255 = arith.extui %sign3A_254 : i1 to i32
      %sign3A_256 = arith.subi %sign3A_252, %sign3A_255 : i32
      %sign3A_257 = arith.constant 0 : i32
      %sign3A_258 = arith.cmpi sgt, %jit3A_248, %sign3A_257 : i32
      %sign3A_259 = arith.extui %sign3A_258 : i1 to i32
      %sign3A_260 = arith.constant 0 : i32
      %sign3A_261 = arith.cmpi slt, %jit3A_248, %sign3A_260 : i32
      %sign3A_262 = arith.extui %sign3A_261 : i1 to i32
      %sign3A_263 = arith.subi %sign3A_259, %sign3A_262 : i32
      %ne3A_264 = arith.cmpi ne, %sign3A_256, %sign3A_263 : i32
      %rem3A_265 = arith.remsi %add3A_247, %jit3A_248 : i32
      %ne3A_266 = arith.constant 0 : i32
      %ne3A_267 = arith.cmpi ne, %rem3A_265, %ne3A_266 : i32
      %and3A_268 = arith.andi %ne3A_264, %ne3A_267 : i1
      %sub3A_269 = arith.constant 1 : i32
      %sub3A_270 = arith.subi %div3A_249, %sub3A_269 : i32
      %select_n3A_271 = arith.select %and3A_268, %sub3A_270, %div3A_249 : i32
      %add3A_272 = arith.constant 127 : i32
      %add3A_273 = arith.addi %reduce_sum3A_96, %add3A_272 : i32
      %jit3A_274 = arith.constant 128 : i32
      %div3A_275 = arith.divsi %add3A_273, %jit3A_274 : i32
      %sign3A_276 = arith.constant 0 : i32
      %sign3A_277 = arith.cmpi sgt, %add3A_273, %sign3A_276 : i32
      %sign3A_278 = arith.extui %sign3A_277 : i1 to i32
      %sign3A_279 = arith.constant 0 : i32
      %sign3A_280 = arith.cmpi slt, %add3A_273, %sign3A_279 : i32
      %sign3A_281 = arith.extui %sign3A_280 : i1 to i32
      %sign3A_282 = arith.subi %sign3A_278, %sign3A_281 : i32
      %sign3A_283 = arith.constant 0 : i32
      %sign3A_284 = arith.cmpi sgt, %jit3A_274, %sign3A_283 : i32
      %sign3A_285 = arith.extui %sign3A_284 : i1 to i32
      %sign3A_286 = arith.constant 0 : i32
      %sign3A_287 = arith.cmpi slt, %jit3A_274, %sign3A_286 : i32
      %sign3A_288 = arith.extui %sign3A_287 : i1 to i32
      %sign3A_289 = arith.subi %sign3A_285, %sign3A_288 : i32
      %ne3A_290 = arith.cmpi ne, %sign3A_282, %sign3A_289 : i32
      %rem3A_291 = arith.remsi %add3A_273, %jit3A_274 : i32
      %ne3A_292 = arith.constant 0 : i32
      %ne3A_293 = arith.cmpi ne, %rem3A_291, %ne3A_292 : i32
      %and3A_294 = arith.andi %ne3A_290, %ne3A_293 : i1
      %sub3A_295 = arith.constant 1 : i32
      %sub3A_296 = arith.subi %div3A_275, %sub3A_295 : i32
      %select_n3A_297 = arith.select %and3A_294, %sub3A_296, %div3A_275 : i32
      %mul3A = arith.constant 128 : i32
      %mul3A_298 = arith.muli %select_n3A, %mul3A : i32
      %add3A_299 = arith.constant 0 : i32
      %add3A_300 = arith.addi %add3A_299, %mul3A_298 : i32
      %mul3A_301 = arith.constant 128 : i32
      %mul3A_302 = arith.muli %select_n3A_141, %mul3A_301 : i32
      %add3A_303 = arith.addi %add3A_300, %mul3A_302 : i32
      %mul3A_304 = arith.constant 128 : i32
      %mul3A_305 = arith.muli %select_n3A_167, %mul3A_304 : i32
      %add3A_306 = arith.addi %add3A_303, %mul3A_305 : i32
      %mul3A_307 = arith.constant 128 : i32
      %mul3A_308 = arith.muli %select_n3A_193, %mul3A_307 : i32
      %add3A_309 = arith.addi %add3A_306, %mul3A_308 : i32
      %mul3A_310 = arith.constant 128 : i32
      %mul3A_311 = arith.muli %select_n3A_219, %mul3A_310 : i32
      %add3A_312 = arith.addi %add3A_309, %mul3A_311 : i32
      %mul3A_313 = arith.constant 128 : i32
      %mul3A_314 = arith.muli %select_n3A_245, %mul3A_313 : i32
      %add3A_315 = arith.addi %add3A_312, %mul3A_314 : i32
      %mul3A_316 = arith.constant 128 : i32
      %mul3A_317 = arith.muli %select_n3A_271, %mul3A_316 : i32
      %add3A_318 = arith.addi %add3A_315, %mul3A_317 : i32
      %mul3A_319 = arith.constant 128 : i32
      %mul3A_320 = arith.muli %select_n3A_297, %mul3A_319 : i32
      %add3A_321 = arith.addi %add3A_318, %mul3A_320 : i32
      %jit3A_322 = arith.constant 128 : i32
      %div3A_323 = arith.divsi %add3A_321, %jit3A_322 : i32
      %sign3A_324 = arith.constant 0 : i32
      %sign3A_325 = arith.cmpi sgt, %add3A_321, %sign3A_324 : i32
      %sign3A_326 = arith.extui %sign3A_325 : i1 to i32
      %sign3A_327 = arith.constant 0 : i32
      %sign3A_328 = arith.cmpi slt, %add3A_321, %sign3A_327 : i32
      %sign3A_329 = arith.extui %sign3A_328 : i1 to i32
      %sign3A_330 = arith.subi %sign3A_326, %sign3A_329 : i32
      %sign3A_331 = arith.constant 0 : i32
      %sign3A_332 = arith.cmpi sgt, %jit3A_322, %sign3A_331 : i32
      %sign3A_333 = arith.extui %sign3A_332 : i1 to i32
      %sign3A_334 = arith.constant 0 : i32
      %sign3A_335 = arith.cmpi slt, %jit3A_322, %sign3A_334 : i32
      %sign3A_336 = arith.extui %sign3A_335 : i1 to i32
      %sign3A_337 = arith.subi %sign3A_333, %sign3A_336 : i32
      %ne3A_338 = arith.cmpi ne, %sign3A_330, %sign3A_337 : i32
      %rem3A_339 = arith.remsi %add3A_321, %jit3A_322 : i32
      %ne3A_340 = arith.constant 0 : i32
      %ne3A_341 = arith.cmpi ne, %rem3A_339, %ne3A_340 : i32
      %and3A_342 = arith.andi %ne3A_338, %ne3A_341 : i1
      %sub3A_343 = arith.constant 1 : i32
      %sub3A_344 = arith.subi %div3A_323, %sub3A_343 : i32
      %select_n3A_345 = arith.select %and3A_342, %sub3A_344, %div3A_323 : i32
      %eq3A_346 = arith.constant 0 : i32
      %eq3A_347 = arith.cmpi eq, %arg1, %eq3A_346 : i32
      %jit3A_348 = arith.constant 0 : i32
      %jit3A_349 = arith.constant 0 : i32
      %select_n3A_350 = arith.select %eq3A_347, %jit3A_348, %jit3A_349 : i32
      %eq3A_351 = arith.constant 0 : i32
      %eq3A_352 = arith.cmpi eq, %arg1, %eq3A_351 : i32
      %jit3A_353 = arith.constant 0 : i32
      %select_n3A_354 = arith.select %eq3A_352, %select_n3A, %jit3A_353 : i32
      %eq3A_355 = arith.constant 1 : i32
      %eq3A_356 = arith.cmpi eq, %arg1, %eq3A_355 : i32
      %select_n3A_357 = arith.select %eq3A_356, %add3A_300, %select_n3A_350 : i32
      %eq3A_358 = arith.constant 1 : i32
      %eq3A_359 = arith.cmpi eq, %arg1, %eq3A_358 : i32
      %select_n3A_360 = arith.select %eq3A_359, %select_n3A_141, %select_n3A_354 : i32
      %eq3A_361 = arith.constant 2 : i32
      %eq3A_362 = arith.cmpi eq, %arg1, %eq3A_361 : i32
      %select_n3A_363 = arith.select %eq3A_362, %add3A_303, %select_n3A_357 : i32
      %eq3A_364 = arith.constant 2 : i32
      %eq3A_365 = arith.cmpi eq, %arg1, %eq3A_364 : i32
      %select_n3A_366 = arith.select %eq3A_365, %select_n3A_167, %select_n3A_360 : i32
      %eq3A_367 = arith.constant 3 : i32
      %eq3A_368 = arith.cmpi eq, %arg1, %eq3A_367 : i32
      %select_n3A_369 = arith.select %eq3A_368, %add3A_306, %select_n3A_363 : i32
      %eq3A_370 = arith.constant 3 : i32
      %eq3A_371 = arith.cmpi eq, %arg1, %eq3A_370 : i32
      %select_n3A_372 = arith.select %eq3A_371, %select_n3A_193, %select_n3A_366 : i32
      %eq3A_373 = arith.constant 4 : i32
      %eq3A_374 = arith.cmpi eq, %arg1, %eq3A_373 : i32
      %select_n3A_375 = arith.select %eq3A_374, %add3A_309, %select_n3A_369 : i32
      %eq3A_376 = arith.constant 4 : i32
      %eq3A_377 = arith.cmpi eq, %arg1, %eq3A_376 : i32
      %select_n3A_378 = arith.select %eq3A_377, %select_n3A_219, %select_n3A_372 : i32
      %eq3A_379 = arith.constant 5 : i32
      %eq3A_380 = arith.cmpi eq, %arg1, %eq3A_379 : i32
      %select_n3A_381 = arith.select %eq3A_380, %add3A_312, %select_n3A_375 : i32
      %eq3A_382 = arith.constant 5 : i32
      %eq3A_383 = arith.cmpi eq, %arg1, %eq3A_382 : i32
      %select_n3A_384 = arith.select %eq3A_383, %select_n3A_245, %select_n3A_378 : i32
      %eq3A_385 = arith.constant 6 : i32
      %eq3A_386 = arith.cmpi eq, %arg1, %eq3A_385 : i32
      %select_n3A_387 = arith.select %eq3A_386, %add3A_315, %select_n3A_381 : i32
      %eq3A_388 = arith.constant 6 : i32
      %eq3A_389 = arith.cmpi eq, %arg1, %eq3A_388 : i32
      %select_n3A_390 = arith.select %eq3A_389, %select_n3A_271, %select_n3A_384 : i32
      %eq3A_391 = arith.constant 7 : i32
      %eq3A_392 = arith.cmpi eq, %arg1, %eq3A_391 : i32
      %select_n3A_393 = arith.select %eq3A_392, %add3A_318, %select_n3A_387 : i32
      %eq3A_394 = arith.constant 7 : i32
      %eq3A_395 = arith.cmpi eq, %arg1, %eq3A_394 : i32
      %select_n3A_396 = arith.select %eq3A_395, %select_n3A_297, %select_n3A_390 : i32
      %scan3A_397 = arith.constant 0 : i32
      %scan3A_398 = arith.constant 0 : i32
      %scan3A_399 = arith.constant 256 : i32
      %scan3A_400 = arith.addi %scan3A_398, %scan3A_399 : i32
      %scan3A_401 = arith.constant 1 : i32
      %scan3A_402 = scf.for %scan3A_421 = %scan3A_398 to %scan3A_400 step %scan3A_401 iter_args(%scan3A_422 = %scan3A_397) -> (i32)  : i32 {
        %mul3A_423 = arith.constant 16 : i32
        %mul3A_424 = arith.muli %scan3A_421, %mul3A_423 : i32
        %get3A = arith.index_cast %mul3A_424 : i32 to index
        %get3A_425 = tpu.vector_load %arg6[%get3A] {strides = array<i32>} : memref<4096xi32, #tpu.memory_space<vmem>>, vector<16xi32>,
        %eq3A_426 = vector.broadcast %arg1 : i32 to vector<16xi32>
        %eq3A_427 = arith.cmpi eq, %get3A_425, %eq3A_426 : vector<16xi32>
        %mul3A_428 = arith.constant 16 : i32
        %mul3A_429 = arith.muli %scan3A_421, %mul3A_428 : i32
        %add3A_430 = vector.broadcast %mul3A_429 : i32 to vector<16xi32>
        %add3A_431 = arith.addi %add3A_430, %iota3A : vector<16xi32>
        %shift_right_arithmetic3A = arith.constant 1 : i32
        %shift_right_arithmetic3A_432 = vector.broadcast %shift_right_arithmetic3A : i32 to vector<16xi32>
        %shift_right_arithmetic3A_433 = arith.shrsi %add3A_431, %shift_right_arithmetic3A_432 : vector<16xi32>
        %convert_element_type3A_434 = arith.extui %eq3A_427 : vector<16xi1> to vector<16xi32>
        %broadcast_in_dim3A_435 = arith.constant true
        %broadcast_in_dim3A_436 = vector.broadcast %broadcast_in_dim3A_435 : i1 to vector<16xi1>
        %masked_cumsum3A = tpu.scan <sum>, %convert_element_type3A_434 masked %broadcast_in_dim3A_436 : vector<16xi32>, vector<16xi1> -> vector<16xi32>
        %swap3A_437 = arith.index_cast %scan3A_422 : i32 to index
        %swap3A_438 = tpu.vector_load %arg7[%swap3A_437] masked %eq3A_427 {strides = array<i32>} : memref<4224xi32, #tpu.memory_space<vmem>>, vector<16xi32>, vector<16xi1>
        tpu.vector_store %arg7[%swap3A_437], %shift_right_arithmetic3A_433 masked %eq3A_427 {strides = array<i32>} : memref<4224xi32, #tpu.memory_space<vmem>>, vector<16xi32>, vector<16xi1>
        %add3A_439 = arith.addi %select_n3A_393, %scan3A_422 : i32
        %add3A_440 = vector.broadcast %add3A_439 : i32 to vector<16xi32>
        %add3A_441 = arith.addi %add3A_440, %masked_cumsum3A : vector<16xi32>
        %sub3A_442 = arith.constant 1 : i32
        %sub3A_443 = vector.broadcast %sub3A_442 : i32 to vector<16xi32>
        %sub3A_444 = arith.subi %add3A_441, %sub3A_443 : vector<16xi32>
        tpu.vector_store_idx %arg8[%add3A_431], %sub3A_444 masked %eq3A_427 : memref<4096xi32, #tpu.memory_space<vmem>>[vector<16xi32>], vector<16xi32>, vector<16xi1>
        %reduce_max3A = arith.constant true
        %reduce_max3A_445 = vector.broadcast %reduce_max3A : i1 to vector<16xi1>
        %reduce_max3A_446 = arith.constant -2147483648 : i32
        %reduce_max3A_447 = vector.broadcast %reduce_max3A_446 : i32 to vector<16xi32>
        %reduce_max3A_448 = arith.xori %masked_cumsum3A, %reduce_max3A_447 : vector<16xi32>
        %reduce_max3A_449 = tpu.scan <max>, %reduce_max3A_448 masked %reduce_max3A_445 : vector<16xi32>, vector<16xi1> -> vector<16xi32>
        %reduce_max3A_450 = arith.xori %reduce_max3A_449, %reduce_max3A_447 : vector<16xi32>
        %reduce_max3A_451 = vector.extract %reduce_max3A_450[15] : i32 from vector<16xi32>
        %add3A_452 = arith.addi %scan3A_422, %reduce_max3A_451 : i32
        scf.yield %add3A_452 : i32
      }
      %scan3A_403 = arith.constant 256 : i32
      %while3A = arith.constant 0 : i32
      %while3A_404 = arith.constant 0 : i32
      %while3A_405 = arith.subi %select_n3A_396, %while3A : i32
      %while3A_406 = arith.addi %while3A, %while3A_405 : i32
      %while3A_407 = arith.constant 1 : i32
      %while3A_408 = arith.divsi %while3A_405, %while3A_407 : i32
      %while3A_409 = arith.muli %while3A_408, %while3A_407 : i32
      %while3A_410 = arith.addi %while3A, %while3A_409 : i32
      %while3A_411 = arith.constant 1 : i32
      %while3A_412 = scf.for %while3A_421 = %while3A to %while3A_410 step %while3A_411 iter_args(%while3A_422 = %while3A_404) -> (i32)  : i32 {
        %mul3A_423 = arith.constant 128 : i32
        %mul3A_424 = arith.muli %while3A_421, %mul3A_423 : i32
        %add3A_425 = arith.addi %select_n3A_393, %mul3A_424 : i32
        %multiple_of3A = tpu.assume_multiple %add3A_425, 128 : i32
        %mul3A_426 = arith.constant 128 : i32
        %mul3A_427 = arith.muli %while3A_421, %mul3A_426 : i32
        "tpu.region"() ({
          %run_scoped3A = tpu.sem_alloc : memref<!tpu.dma_semaphore, #tpu.memory_space<semaphore_mem>>
          %dma_start3A = tpu.memref_slice %arg7[%mul3A_427] : memref<4224xi32, #tpu.memory_space<vmem>> -> memref<128xi32, #tpu.memory_space<vmem>>
          %dma_start3A_429 = tpu.memref_slice %arg3[%multiple_of3A] : memref<5120xi32, #tpu.memory_space<hbm>> -> memref<128xi32, #tpu.memory_space<hbm>>
          %dma_start3A_430 = tpu.memref_slice %arg3[%multiple_of3A] : memref<5120xi32, #tpu.memory_space<hbm>> -> memref<128xi32, #tpu.memory_space<hbm>>
          %dma_start3A_431 = tpu.memref_slice %arg7[%mul3A_427] : memref<4224xi32, #tpu.memory_space<vmem>> -> memref<128xi32, #tpu.memory_space<vmem>>
          tpu.enqueue_dma source(%dma_start3A_431 : memref<128xi32, #tpu.memory_space<vmem>>) target(%dma_start3A_430 : memref<128xi32, #tpu.memory_space<hbm>>) target_semaphore(%run_scoped3A : memref<!tpu.dma_semaphore, #tpu.memory_space<semaphore_mem>>)
          %dma_wait3A = tpu.memref_slice %arg7[%mul3A_427] : memref<4224xi32, #tpu.memory_space<vmem>> -> memref<128xi32, #tpu.memory_space<vmem>>
          %dma_wait3A_432 = tpu.memref_slice %arg3[%multiple_of3A] : memref<5120xi32, #tpu.memory_space<hbm>> -> memref<128xi32, #tpu.memory_space<hbm>>
          %dma_wait3A_433 = tpu.memref_slice %arg3[%multiple_of3A] : memref<5120xi32, #tpu.memory_space<hbm>> -> memref<128xi32, #tpu.memory_space<hbm>>
          %dma_wait3A_434 = tpu.memref_slice %arg7[%mul3A_427] : memref<4224xi32, #tpu.memory_space<vmem>> -> memref<128xi32, #tpu.memory_space<vmem>>
          tpu.wait_dma2 semaphore(%run_scoped3A : memref<!tpu.dma_semaphore, #tpu.memory_space<semaphore_mem>>) src(%dma_wait3A_434 : memref<128xi32, #tpu.memory_space<vmem>>) dst(%dma_wait3A_433 : memref<128xi32, #tpu.memory_space<hbm>>)
          tpu.yield
        }) : () -> ()
        %while3A_428 = arith.constant 0 : i32
        scf.yield %while3A_428 : i32
      }
      %while3A_413 = arith.constant 1 : i32
      %while3A_414 = scf.for %while3A_421 = %while3A_410 to %while3A_406 step %while3A_413 iter_args(%while3A_422 = %while3A_412) -> (i32)  : i32 {
        %mul3A_423 = arith.constant 128 : i32
        %mul3A_424 = arith.muli %while3A_421, %mul3A_423 : i32
        %add3A_425 = arith.addi %select_n3A_393, %mul3A_424 : i32
        %multiple_of3A = tpu.assume_multiple %add3A_425, 128 : i32
        %mul3A_426 = arith.constant 128 : i32
        %mul3A_427 = arith.muli %while3A_421, %mul3A_426 : i32
        "tpu.region"() ({
          %run_scoped3A = tpu.sem_alloc : memref<!tpu.dma_semaphore, #tpu.memory_space<semaphore_mem>>
          %dma_start3A = tpu.memref_slice %arg7[%mul3A_427] : memref<4224xi32, #tpu.memory_space<vmem>> -> memref<128xi32, #tpu.memory_space<vmem>>
          %dma_start3A_429 = tpu.memref_slice %arg3[%multiple_of3A] : memref<5120xi32, #tpu.memory_space<hbm>> -> memref<128xi32, #tpu.memory_space<hbm>>
          %dma_start3A_430 = tpu.memref_slice %arg3[%multiple_of3A] : memref<5120xi32, #tpu.memory_space<hbm>> -> memref<128xi32, #tpu.memory_space<hbm>>
          %dma_start3A_431 = tpu.memref_slice %arg7[%mul3A_427] : memref<4224xi32, #tpu.memory_space<vmem>> -> memref<128xi32, #tpu.memory_space<vmem>>
          tpu.enqueue_dma source(%dma_start3A_431 : memref<128xi32, #tpu.memory_space<vmem>>) target(%dma_start3A_430 : memref<128xi32, #tpu.memory_space<hbm>>) target_semaphore(%run_scoped3A : memref<!tpu.dma_semaphore, #tpu.memory_space<semaphore_mem>>)
          %dma_wait3A = tpu.memref_slice %arg7[%mul3A_427] : memref<4224xi32, #tpu.memory_space<vmem>> -> memref<128xi32, #tpu.memory_space<vmem>>
          %dma_wait3A_432 = tpu.memref_slice %arg3[%multiple_of3A] : memref<5120xi32, #tpu.memory_space<hbm>> -> memref<128xi32, #tpu.memory_space<hbm>>
          %dma_wait3A_433 = tpu.memref_slice %arg3[%multiple_of3A] : memref<5120xi32, #tpu.memory_space<hbm>> -> memref<128xi32, #tpu.memory_space<hbm>>
          %dma_wait3A_434 = tpu.memref_slice %arg7[%mul3A_427] : memref<4224xi32, #tpu.memory_space<vmem>> -> memref<128xi32, #tpu.memory_space<vmem>>
          tpu.wait_dma2 semaphore(%run_scoped3A : memref<!tpu.dma_semaphore, #tpu.memory_space<semaphore_mem>>) src(%dma_wait3A_434 : memref<128xi32, #tpu.memory_space<vmem>>) dst(%dma_wait3A_433 : memref<128xi32, #tpu.memory_space<hbm>>)
          tpu.yield
        }) : () -> ()
        %while3A_428 = arith.constant 0 : i32
        scf.yield %while3A_428 : i32
      }
      "tpu.region"() ({
        %run_scoped3A = tpu.sem_alloc : memref<!tpu.dma_semaphore, #tpu.memory_space<semaphore_mem>>
        %dma_start3A = arith.constant 0 : i32
        %dma_start3A_421 = tpu.memref_slice %arg13[%arg1, %dma_start3A] : memref<8x4096xi32, #tpu.memory_space<vmem_shared>> -> memref<1x4096xi32, #tpu.memory_space<vmem_shared>>
        %dma_start3A_422 = tpu.memref_squeeze %dma_start3A_421 : memref<1x4096xi32, #tpu.memory_space<vmem_shared>> -> memref<4096xi32, #tpu.memory_space<vmem_shared>>
        %dma_start3A_423 = arith.constant 0 : i32
        %dma_start3A_424 = tpu.memref_slice %arg13[%arg1, %dma_start3A_423] : memref<8x4096xi32, #tpu.memory_space<vmem_shared>> -> memref<1x4096xi32, #tpu.memory_space<vmem_shared>>
        %dma_start3A_425 = tpu.memref_squeeze %dma_start3A_424 : memref<1x4096xi32, #tpu.memory_space<vmem_shared>> -> memref<4096xi32, #tpu.memory_space<vmem_shared>>
        tpu.enqueue_dma source(%arg8 : memref<4096xi32, #tpu.memory_space<vmem>>) target(%dma_start3A_425 : memref<4096xi32, #tpu.memory_space<vmem_shared>>) target_semaphore(%run_scoped3A : memref<!tpu.dma_semaphore, #tpu.memory_space<semaphore_mem>>)
        %dma_wait3A = arith.constant 0 : i32
        %dma_wait3A_426 = tpu.memref_slice %arg13[%arg1, %dma_wait3A] : memref<8x4096xi32, #tpu.memory_space<vmem_shared>> -> memref<1x4096xi32, #tpu.memory_space<vmem_shared>>
        %dma_wait3A_427 = tpu.memref_squeeze %dma_wait3A_426 : memref<1x4096xi32, #tpu.memory_space<vmem_shared>> -> memref<4096xi32, #tpu.memory_space<vmem_shared>>
        %dma_wait3A_428 = arith.constant 0 : i32
        %dma_wait3A_429 = tpu.memref_slice %arg13[%arg1, %dma_wait3A_428] : memref<8x4096xi32, #tpu.memory_space<vmem_shared>> -> memref<1x4096xi32, #tpu.memory_space<vmem_shared>>
        %dma_wait3A_430 = tpu.memref_squeeze %dma_wait3A_429 : memref<1x4096xi32, #tpu.memory_space<vmem_shared>> -> memref<4096xi32, #tpu.memory_space<vmem_shared>>
        tpu.wait_dma2 semaphore(%run_scoped3A : memref<!tpu.dma_semaphore, #tpu.memory_space<semaphore_mem>>) src(%arg8 : memref<4096xi32, #tpu.memory_space<vmem>>) dst(%dma_wait3A_430 : memref<4096xi32, #tpu.memory_space<vmem_shared>>)
        tpu.yield
      }) : () -> ()
      %eq3A_415 = arith.constant 0 : i32
      %eq3A_416 = arith.cmpi eq, %arg1, %eq3A_415 : i32
      %convert_element_type3A_417 = arith.extui %eq3A_416 : i1 to i32
      %cond3A_418 = arith.constant 0 : i32
      %cond3A_419 = arith.constant 0 : i32
      %cond3A_420 = arith.cmpi ne, %convert_element_type3A_417, %cond3A_419 : i32
      scf.if %cond3A_420 {
        %le3A = arith.constant 0 : i32
        %le3A_421 = arith.cmpi sle, %select_n3A_345, %le3A : i32
        %convert_element_type3A_422 = arith.extui %le3A_421 : i1 to i32
        %cond3A_423 = arith.constant 0 : i32
        %cond3A_424 = arith.cmpi ne, %convert_element_type3A_422, %cond3A_423 : i32
        scf.if %cond3A_424 {
          "tpu.region"() ({
            %run_scoped3A = tpu.sem_alloc : memref<!tpu.dma_semaphore, #tpu.memory_space<semaphore_mem>>
            %dma_start3A = arith.constant 0 : i32
            %dma_start3A_1111 = tpu.memref_slice %arg3[%dma_start3A] : memref<5120xi32, #tpu.memory_space<hbm>> -> memref<128xi32, #tpu.memory_space<hbm>>
            %dma_start3A_1112 = arith.constant 0 : i32
            %dma_start3A_1113 = tpu.memref_slice %arg3[%dma_start3A_1112] : memref<5120xi32, #tpu.memory_space<hbm>> -> memref<128xi32, #tpu.memory_space<hbm>>
            tpu.enqueue_dma source(%arg11 : memref<128xi32, #tpu.memory_space<vmem>>) target(%dma_start3A_1113 : memref<128xi32, #tpu.memory_space<hbm>>) target_semaphore(%run_scoped3A : memref<!tpu.dma_semaphore, #tpu.memory_space<semaphore_mem>>)
            %dma_wait3A = arith.constant 0 : i32
            %dma_wait3A_1114 = tpu.memref_slice %arg3[%dma_wait3A] : memref<5120xi32, #tpu.memory_space<hbm>> -> memref<128xi32, #tpu.memory_space<hbm>>
            %dma_wait3A_1115 = arith.constant 0 : i32
            %dma_wait3A_1116 = tpu.memref_slice %arg3[%dma_wait3A_1115] : memref<5120xi32, #tpu.memory_space<hbm>> -> memref<128xi32, #tpu.memory_space<hbm>>
            tpu.wait_dma2 semaphore(%run_scoped3A : memref<!tpu.dma_semaphore, #tpu.memory_space<semaphore_mem>>) src(%arg11 : memref<128xi32, #tpu.memory_space<vmem>>) dst(%dma_wait3A_1116 : memref<128xi32, #tpu.memory_space<hbm>>)
            tpu.yield
          }) : () -> ()
        } else {
        }
        %le3A_425 = arith.constant 1 : i32
        %le3A_426 = arith.cmpi sle, %select_n3A_345, %le3A_425 : i32
        %convert_element_type3A_427 = arith.extui %le3A_426 : i1 to i32
        %cond3A_428 = arith.constant 0 : i32
        %cond3A_429 = arith.cmpi ne, %convert_element_type3A_427, %cond3A_428 : i32
        scf.if %cond3A_429 {
          "tpu.region"() ({
            %run_scoped3A = tpu.sem_alloc : memref<!tpu.dma_semaphore, #tpu.memory_space<semaphore_mem>>
            %dma_start3A = arith.constant 128 : i32
            %dma_start3A_1111 = tpu.memref_slice %arg3[%dma_start3A] : memref<5120xi32, #tpu.memory_space<hbm>> -> memref<128xi32, #tpu.memory_space<hbm>>
            %dma_start3A_1112 = arith.constant 128 : i32
            %dma_start3A_1113 = tpu.memref_slice %arg3[%dma_start3A_1112] : memref<5120xi32, #tpu.memory_space<hbm>> -> memref<128xi32, #tpu.memory_space<hbm>>
            tpu.enqueue_dma source(%arg11 : memref<128xi32, #tpu.memory_space<vmem>>) target(%dma_start3A_1113 : memref<128xi32, #tpu.memory_space<hbm>>) target_semaphore(%run_scoped3A : memref<!tpu.dma_semaphore, #tpu.memory_space<semaphore_mem>>)
            %dma_wait3A = arith.constant 128 : i32
            %dma_wait3A_1114 = tpu.memref_slice %arg3[%dma_wait3A] : memref<5120xi32, #tpu.memory_space<hbm>> -> memref<128xi32, #tpu.memory_space<hbm>>
            %dma_wait3A_1115 = arith.constant 128 : i32
            %dma_wait3A_1116 = tpu.memref_slice %arg3[%dma_wait3A_1115] : memref<5120xi32, #tpu.memory_space<hbm>> -> memref<128xi32, #tpu.memory_space<hbm>>
            tpu.wait_dma2 semaphore(%run_scoped3A : memref<!tpu.dma_semaphore, #tpu.memory_space<semaphore_mem>>) src(%arg11 : memref<128xi32, #tpu.memory_space<vmem>>) dst(%dma_wait3A_1116 : memref<128xi32, #tpu.memory_space<hbm>>)
            tpu.yield
          }) : () -> ()
        } else {
        }
        %le3A_430 = arith.constant 2 : i32
        %le3A_431 = arith.cmpi sle, %select_n3A_345, %le3A_430 : i32
        %convert_element_type3A_432 = arith.extui %le3A_431 : i1 to i32
        %cond3A_433 = arith.constant 0 : i32
        %cond3A_434 = arith.cmpi ne, %convert_element_type3A_432, %cond3A_433 : i32
        scf.if %cond3A_434 {
          "tpu.region"() ({
            %run_scoped3A = tpu.sem_alloc : memref<!tpu.dma_semaphore, #tpu.memory_space<semaphore_mem>>
            %dma_start3A = arith.constant 256 : i32
            %dma_start3A_1111 = tpu.memref_slice %arg3[%dma_start3A] : memref<5120xi32, #tpu.memory_space<hbm>> -> memref<128xi32, #tpu.memory_space<hbm>>
            %dma_start3A_1112 = arith.constant 256 : i32
            %dma_start3A_1113 = tpu.memref_slice %arg3[%dma_start3A_1112] : memref<5120xi32, #tpu.memory_space<hbm>> -> memref<128xi32, #tpu.memory_space<hbm>>
            tpu.enqueue_dma source(%arg11 : memref<128xi32, #tpu.memory_space<vmem>>) target(%dma_start3A_1113 : memref<128xi32, #tpu.memory_space<hbm>>) target_semaphore(%run_scoped3A : memref<!tpu.dma_semaphore, #tpu.memory_space<semaphore_mem>>)
            %dma_wait3A = arith.constant 256 : i32
            %dma_wait3A_1114 = tpu.memref_slice %arg3[%dma_wait3A] : memref<5120xi32, #tpu.memory_space<hbm>> -> memref<128xi32, #tpu.memory_space<hbm>>
            %dma_wait3A_1115 = arith.constant 256 : i32
            %dma_wait3A_1116 = tpu.memref_slice %arg3[%dma_wait3A_1115] : memref<5120xi32, #tpu.memory_space<hbm>> -> memref<128xi32, #tpu.memory_space<hbm>>
            tpu.wait_dma2 semaphore(%run_scoped3A : memref<!tpu.dma_semaphore, #tpu.memory_space<semaphore_mem>>) src(%arg11 : memref<128xi32, #tpu.memory_space<vmem>>) dst(%dma_wait3A_1116 : memref<128xi32, #tpu.memory_space<hbm>>)
            tpu.yield
          }) : () -> ()
        } else {
        }
        %le3A_435 = arith.constant 3 : i32
        %le3A_436 = arith.cmpi sle, %select_n3A_345, %le3A_435 : i32
        %convert_element_type3A_437 = arith.extui %le3A_436 : i1 to i32
        %cond3A_438 = arith.constant 0 : i32
        %cond3A_439 = arith.cmpi ne, %convert_element_type3A_437, %cond3A_438 : i32
        scf.if %cond3A_439 {
          "tpu.region"() ({
            %run_scoped3A = tpu.sem_alloc : memref<!tpu.dma_semaphore, #tpu.memory_space<semaphore_mem>>
            %dma_start3A = arith.constant 384 : i32
            %dma_start3A_1111 = tpu.memref_slice %arg3[%dma_start3A] : memref<5120xi32, #tpu.memory_space<hbm>> -> memref<128xi32, #tpu.memory_space<hbm>>
            %dma_start3A_1112 = arith.constant 384 : i32
            %dma_start3A_1113 = tpu.memref_slice %arg3[%dma_start3A_1112] : memref<5120xi32, #tpu.memory_space<hbm>> -> memref<128xi32, #tpu.memory_space<hbm>>
            tpu.enqueue_dma source(%arg11 : memref<128xi32, #tpu.memory_space<vmem>>) target(%dma_start3A_1113 : memref<128xi32, #tpu.memory_space<hbm>>) target_semaphore(%run_scoped3A : memref<!tpu.dma_semaphore, #tpu.memory_space<semaphore_mem>>)
            %dma_wait3A = arith.constant 384 : i32
            %dma_wait3A_1114 = tpu.memref_slice %arg3[%dma_wait3A] : memref<5120xi32, #tpu.memory_space<hbm>> -> memref<128xi32, #tpu.memory_space<hbm>>
            %dma_wait3A_1115 = arith.constant 384 : i32
            %dma_wait3A_1116 = tpu.memref_slice %arg3[%dma_wait3A_1115] : memref<5120xi32, #tpu.memory_space<hbm>> -> memref<128xi32, #tpu.memory_space<hbm>>
            tpu.wait_dma2 semaphore(%run_scoped3A : memref<!tpu.dma_semaphore, #tpu.memory_space<semaphore_mem>>) src(%arg11 : memref<128xi32, #tpu.memory_space<vmem>>) dst(%dma_wait3A_1116 : memref<128xi32, #tpu.memory_space<hbm>>)
            tpu.yield
          }) : () -> ()
        } else {
        }
        %le3A_440 = arith.constant 4 : i32
        %le3A_441 = arith.cmpi sle, %select_n3A_345, %le3A_440 : i32
        %convert_element_type3A_442 = arith.extui %le3A_441 : i1 to i32
        %cond3A_443 = arith.constant 0 : i32
        %cond3A_444 = arith.cmpi ne, %convert_element_type3A_442, %cond3A_443 : i32
        scf.if %cond3A_444 {
          "tpu.region"() ({
            %run_scoped3A = tpu.sem_alloc : memref<!tpu.dma_semaphore, #tpu.memory_space<semaphore_mem>>
            %dma_start3A = arith.constant 512 : i32
            %dma_start3A_1111 = tpu.memref_slice %arg3[%dma_start3A] : memref<5120xi32, #tpu.memory_space<hbm>> -> memref<128xi32, #tpu.memory_space<hbm>>
            %dma_start3A_1112 = arith.constant 512 : i32
            %dma_start3A_1113 = tpu.memref_slice %arg3[%dma_start3A_1112] : memref<5120xi32, #tpu.memory_space<hbm>> -> memref<128xi32, #tpu.memory_space<hbm>>
            tpu.enqueue_dma source(%arg11 : memref<128xi32, #tpu.memory_space<vmem>>) target(%dma_start3A_1113 : memref<128xi32, #tpu.memory_space<hbm>>) target_semaphore(%run_scoped3A : memref<!tpu.dma_semaphore, #tpu.memory_space<semaphore_mem>>)
            %dma_wait3A = arith.constant 512 : i32
            %dma_wait3A_1114 = tpu.memref_slice %arg3[%dma_wait3A] : memref<5120xi32, #tpu.memory_space<hbm>> -> memref<128xi32, #tpu.memory_space<hbm>>
            %dma_wait3A_1115 = arith.constant 512 : i32
            %dma_wait3A_1116 = tpu.memref_slice %arg3[%dma_wait3A_1115] : memref<5120xi32, #tpu.memory_space<hbm>> -> memref<128xi32, #tpu.memory_space<hbm>>
            tpu.wait_dma2 semaphore(%run_scoped3A : memref<!tpu.dma_semaphore, #tpu.memory_space<semaphore_mem>>) src(%arg11 : memref<128xi32, #tpu.memory_space<vmem>>) dst(%dma_wait3A_1116 : memref<128xi32, #tpu.memory_space<hbm>>)
            tpu.yield
          }) : () -> ()
        } else {
        }
        %le3A_445 = arith.constant 5 : i32
        %le3A_446 = arith.cmpi sle, %select_n3A_345, %le3A_445 : i32
        %convert_element_type3A_447 = arith.extui %le3A_446 : i1 to i32
        %cond3A_448 = arith.constant 0 : i32
        %cond3A_449 = arith.cmpi ne, %convert_element_type3A_447, %cond3A_448 : i32
        scf.if %cond3A_449 {
          "tpu.region"() ({
            %run_scoped3A = tpu.sem_alloc : memref<!tpu.dma_semaphore, #tpu.memory_space<semaphore_mem>>
            %dma_start3A = arith.constant 640 : i32
            %dma_start3A_1111 = tpu.memref_slice %arg3[%dma_start3A] : memref<5120xi32, #tpu.memory_space<hbm>> -> memref<128xi32, #tpu.memory_space<hbm>>
            %dma_start3A_1112 = arith.constant 640 : i32
            %dma_start3A_1113 = tpu.memref_slice %arg3[%dma_start3A_1112] : memref<5120xi32, #tpu.memory_space<hbm>> -> memref<128xi32, #tpu.memory_space<hbm>>
            tpu.enqueue_dma source(%arg11 : memref<128xi32, #tpu.memory_space<vmem>>) target(%dma_start3A_1113 : memref<128xi32, #tpu.memory_space<hbm>>) target_semaphore(%run_scoped3A : memref<!tpu.dma_semaphore, #tpu.memory_space<semaphore_mem>>)
            %dma_wait3A = arith.constant 640 : i32
            %dma_wait3A_1114 = tpu.memref_slice %arg3[%dma_wait3A] : memref<5120xi32, #tpu.memory_space<hbm>> -> memref<128xi32, #tpu.memory_space<hbm>>
            %dma_wait3A_1115 = arith.constant 640 : i32
            %dma_wait3A_1116 = tpu.memref_slice %arg3[%dma_wait3A_1115] : memref<5120xi32, #tpu.memory_space<hbm>> -> memref<128xi32, #tpu.memory_space<hbm>>
            tpu.wait_dma2 semaphore(%run_scoped3A : memref<!tpu.dma_semaphore, #tpu.memory_space<semaphore_mem>>) src(%arg11 : memref<128xi32, #tpu.memory_space<vmem>>) dst(%dma_wait3A_1116 : memref<128xi32, #tpu.memory_space<hbm>>)
            tpu.yield
          }) : () -> ()
        } else {
        }
        %le3A_450 = arith.constant 6 : i32
        %le3A_451 = arith.cmpi sle, %select_n3A_345, %le3A_450 : i32
        %convert_element_type3A_452 = arith.extui %le3A_451 : i1 to i32
        %cond3A_453 = arith.constant 0 : i32
        %cond3A_454 = arith.cmpi ne, %convert_element_type3A_452, %cond3A_453 : i32
        scf.if %cond3A_454 {
          "tpu.region"() ({
            %run_scoped3A = tpu.sem_alloc : memref<!tpu.dma_semaphore, #tpu.memory_space<semaphore_mem>>
            %dma_start3A = arith.constant 768 : i32
            %dma_start3A_1111 = tpu.memref_slice %arg3[%dma_start3A] : memref<5120xi32, #tpu.memory_space<hbm>> -> memref<128xi32, #tpu.memory_space<hbm>>
            %dma_start3A_1112 = arith.constant 768 : i32
            %dma_start3A_1113 = tpu.memref_slice %arg3[%dma_start3A_1112] : memref<5120xi32, #tpu.memory_space<hbm>> -> memref<128xi32, #tpu.memory_space<hbm>>
            tpu.enqueue_dma source(%arg11 : memref<128xi32, #tpu.memory_space<vmem>>) target(%dma_start3A_1113 : memref<128xi32, #tpu.memory_space<hbm>>) target_semaphore(%run_scoped3A : memref<!tpu.dma_semaphore, #tpu.memory_space<semaphore_mem>>)
            %dma_wait3A = arith.constant 768 : i32
            %dma_wait3A_1114 = tpu.memref_slice %arg3[%dma_wait3A] : memref<5120xi32, #tpu.memory_space<hbm>> -> memref<128xi32, #tpu.memory_space<hbm>>
            %dma_wait3A_1115 = arith.constant 768 : i32
            %dma_wait3A_1116 = tpu.memref_slice %arg3[%dma_wait3A_1115] : memref<5120xi32, #tpu.memory_space<hbm>> -> memref<128xi32, #tpu.memory_space<hbm>>
            tpu.wait_dma2 semaphore(%run_scoped3A : memref<!tpu.dma_semaphore, #tpu.memory_space<semaphore_mem>>) src(%arg11 : memref<128xi32, #tpu.memory_space<vmem>>) dst(%dma_wait3A_1116 : memref<128xi32, #tpu.memory_space<hbm>>)
            tpu.yield
          }) : () -> ()
        } else {
        }
        %le3A_455 = arith.constant 7 : i32
        %le3A_456 = arith.cmpi sle, %select_n3A_345, %le3A_455 : i32
        %convert_element_type3A_457 = arith.extui %le3A_456 : i1 to i32
        %cond3A_458 = arith.constant 0 : i32
        %cond3A_459 = arith.cmpi ne, %convert_element_type3A_457, %cond3A_458 : i32
        scf.if %cond3A_459 {
          "tpu.region"() ({
            %run_scoped3A = tpu.sem_alloc : memref<!tpu.dma_semaphore, #tpu.memory_space<semaphore_mem>>
            %dma_start3A = arith.constant 896 : i32
            %dma_start3A_1111 = tpu.memref_slice %arg3[%dma_start3A] : memref<5120xi32, #tpu.memory_space<hbm>> -> memref<128xi32, #tpu.memory_space<hbm>>
            %dma_start3A_1112 = arith.constant 896 : i32
            %dma_start3A_1113 = tpu.memref_slice %arg3[%dma_start3A_1112] : memref<5120xi32, #tpu.memory_space<hbm>> -> memref<128xi32, #tpu.memory_space<hbm>>
            tpu.enqueue_dma source(%arg11 : memref<128xi32, #tpu.memory_space<vmem>>) target(%dma_start3A_1113 : memref<128xi32, #tpu.memory_space<hbm>>) target_semaphore(%run_scoped3A : memref<!tpu.dma_semaphore, #tpu.memory_space<semaphore_mem>>)
            %dma_wait3A = arith.constant 896 : i32
            %dma_wait3A_1114 = tpu.memref_slice %arg3[%dma_wait3A] : memref<5120xi32, #tpu.memory_space<hbm>> -> memref<128xi32, #tpu.memory_space<hbm>>
            %dma_wait3A_1115 = arith.constant 896 : i32
            %dma_wait3A_1116 = tpu.memref_slice %arg3[%dma_wait3A_1115] : memref<5120xi32, #tpu.memory_space<hbm>> -> memref<128xi32, #tpu.memory_space<hbm>>
            tpu.wait_dma2 semaphore(%run_scoped3A : memref<!tpu.dma_semaphore, #tpu.memory_space<semaphore_mem>>) src(%arg11 : memref<128xi32, #tpu.memory_space<vmem>>) dst(%dma_wait3A_1116 : memref<128xi32, #tpu.memory_space<hbm>>)
            tpu.yield
          }) : () -> ()
        } else {
        }
        %le3A_460 = arith.constant 8 : i32
        %le3A_461 = arith.cmpi sle, %select_n3A_345, %le3A_460 : i32
        %convert_element_type3A_462 = arith.extui %le3A_461 : i1 to i32
        %cond3A_463 = arith.constant 0 : i32
        %cond3A_464 = arith.cmpi ne, %convert_element_type3A_462, %cond3A_463 : i32
        scf.if %cond3A_464 {
          "tpu.region"() ({
            %run_scoped3A = tpu.sem_alloc : memref<!tpu.dma_semaphore, #tpu.memory_space<semaphore_mem>>
            %dma_start3A = arith.constant 1024 : i32
            %dma_start3A_1111 = tpu.memref_slice %arg3[%dma_start3A] : memref<5120xi32, #tpu.memory_space<hbm>> -> memref<128xi32, #tpu.memory_space<hbm>>
            %dma_start3A_1112 = arith.constant 1024 : i32
            %dma_start3A_1113 = tpu.memref_slice %arg3[%dma_start3A_1112] : memref<5120xi32, #tpu.memory_space<hbm>> -> memref<128xi32, #tpu.memory_space<hbm>>
            tpu.enqueue_dma source(%arg11 : memref<128xi32, #tpu.memory_space<vmem>>) target(%dma_start3A_1113 : memref<128xi32, #tpu.memory_space<hbm>>) target_semaphore(%run_scoped3A : memref<!tpu.dma_semaphore, #tpu.memory_space<semaphore_mem>>)
            %dma_wait3A = arith.constant 1024 : i32
            %dma_wait3A_1114 = tpu.memref_slice %arg3[%dma_wait3A] : memref<5120xi32, #tpu.memory_space<hbm>> -> memref<128xi32, #tpu.memory_space<hbm>>
            %dma_wait3A_1115 = arith.constant 1024 : i32
            %dma_wait3A_1116 = tpu.memref_slice %arg3[%dma_wait3A_1115] : memref<5120xi32, #tpu.memory_space<hbm>> -> memref<128xi32, #tpu.memory_space<hbm>>
            tpu.wait_dma2 semaphore(%run_scoped3A : memref<!tpu.dma_semaphore, #tpu.memory_space<semaphore_mem>>) src(%arg11 : memref<128xi32, #tpu.memory_space<vmem>>) dst(%dma_wait3A_1116 : memref<128xi32, #tpu.memory_space<hbm>>)
            tpu.yield
          }) : () -> ()
        } else {
        }
        %le3A_465 = arith.constant 9 : i32
        %le3A_466 = arith.cmpi sle, %select_n3A_345, %le3A_465 : i32
        %convert_element_type3A_467 = arith.extui %le3A_466 : i1 to i32
        %cond3A_468 = arith.constant 0 : i32
        %cond3A_469 = arith.cmpi ne, %convert_element_type3A_467, %cond3A_468 : i32
        scf.if %cond3A_469 {
          "tpu.region"() ({
            %run_scoped3A = tpu.sem_alloc : memref<!tpu.dma_semaphore, #tpu.memory_space<semaphore_mem>>
            %dma_start3A = arith.constant 1152 : i32
            %dma_start3A_1111 = tpu.memref_slice %arg3[%dma_start3A] : memref<5120xi32, #tpu.memory_space<hbm>> -> memref<128xi32, #tpu.memory_space<hbm>>
            %dma_start3A_1112 = arith.constant 1152 : i32
            %dma_start3A_1113 = tpu.memref_slice %arg3[%dma_start3A_1112] : memref<5120xi32, #tpu.memory_space<hbm>> -> memref<128xi32, #tpu.memory_space<hbm>>
            tpu.enqueue_dma source(%arg11 : memref<128xi32, #tpu.memory_space<vmem>>) target(%dma_start3A_1113 : memref<128xi32, #tpu.memory_space<hbm>>) target_semaphore(%run_scoped3A : memref<!tpu.dma_semaphore, #tpu.memory_space<semaphore_mem>>)
            %dma_wait3A = arith.constant 1152 : i32
            %dma_wait3A_1114 = tpu.memref_slice %arg3[%dma_wait3A] : memref<5120xi32, #tpu.memory_space<hbm>> -> memref<128xi32, #tpu.memory_space<hbm>>
            %dma_wait3A_1115 = arith.constant 1152 : i32
            %dma_wait3A_1116 = tpu.memref_slice %arg3[%dma_wait3A_1115] : memref<5120xi32, #tpu.memory_space<hbm>> -> memref<128xi32, #tpu.memory_space<hbm>>
            tpu.wait_dma2 semaphore(%run_scoped3A : memref<!tpu.dma_semaphore, #tpu.memory_space<semaphore_mem>>) src(%arg11 : memref<128xi32, #tpu.memory_space<vmem>>) dst(%dma_wait3A_1116 : memref<128xi32, #tpu.memory_space<hbm>>)
            tpu.yield
          }) : () -> ()
        } else {
        }
        %le3A_470 = arith.constant 10 : i32
        %le3A_471 = arith.cmpi sle, %select_n3A_345, %le3A_470 : i32
        %convert_element_type3A_472 = arith.extui %le3A_471 : i1 to i32
        %cond3A_473 = arith.constant 0 : i32
        %cond3A_474 = arith.cmpi ne, %convert_element_type3A_472, %cond3A_473 : i32
        scf.if %cond3A_474 {
          "tpu.region"() ({
            %run_scoped3A = tpu.sem_alloc : memref<!tpu.dma_semaphore, #tpu.memory_space<semaphore_mem>>
            %dma_start3A = arith.constant 1280 : i32
            %dma_start3A_1111 = tpu.memref_slice %arg3[%dma_start3A] : memref<5120xi32, #tpu.memory_space<hbm>> -> memref<128xi32, #tpu.memory_space<hbm>>
            %dma_start3A_1112 = arith.constant 1280 : i32
            %dma_start3A_1113 = tpu.memref_slice %arg3[%dma_start3A_1112] : memref<5120xi32, #tpu.memory_space<hbm>> -> memref<128xi32, #tpu.memory_space<hbm>>
            tpu.enqueue_dma source(%arg11 : memref<128xi32, #tpu.memory_space<vmem>>) target(%dma_start3A_1113 : memref<128xi32, #tpu.memory_space<hbm>>) target_semaphore(%run_scoped3A : memref<!tpu.dma_semaphore, #tpu.memory_space<semaphore_mem>>)
            %dma_wait3A = arith.constant 1280 : i32
            %dma_wait3A_1114 = tpu.memref_slice %arg3[%dma_wait3A] : memref<5120xi32, #tpu.memory_space<hbm>> -> memref<128xi32, #tpu.memory_space<hbm>>
            %dma_wait3A_1115 = arith.constant 1280 : i32
            %dma_wait3A_1116 = tpu.memref_slice %arg3[%dma_wait3A_1115] : memref<5120xi32, #tpu.memory_space<hbm>> -> memref<128xi32, #tpu.memory_space<hbm>>
            tpu.wait_dma2 semaphore(%run_scoped3A : memref<!tpu.dma_semaphore, #tpu.memory_space<semaphore_mem>>) src(%arg11 : memref<128xi32, #tpu.memory_space<vmem>>) dst(%dma_wait3A_1116 : memref<128xi32, #tpu.memory_space<hbm>>)
            tpu.yield
          }) : () -> ()
        } else {
        }
        %le3A_475 = arith.constant 11 : i32
        %le3A_476 = arith.cmpi sle, %select_n3A_345, %le3A_475 : i32
        %convert_element_type3A_477 = arith.extui %le3A_476 : i1 to i32
        %cond3A_478 = arith.constant 0 : i32
        %cond3A_479 = arith.cmpi ne, %convert_element_type3A_477, %cond3A_478 : i32
        scf.if %cond3A_479 {
          "tpu.region"() ({
            %run_scoped3A = tpu.sem_alloc : memref<!tpu.dma_semaphore, #tpu.memory_space<semaphore_mem>>
            %dma_start3A = arith.constant 1408 : i32
            %dma_start3A_1111 = tpu.memref_slice %arg3[%dma_start3A] : memref<5120xi32, #tpu.memory_space<hbm>> -> memref<128xi32, #tpu.memory_space<hbm>>
            %dma_start3A_1112 = arith.constant 1408 : i32
            %dma_start3A_1113 = tpu.memref_slice %arg3[%dma_start3A_1112] : memref<5120xi32, #tpu.memory_space<hbm>> -> memref<128xi32, #tpu.memory_space<hbm>>
            tpu.enqueue_dma source(%arg11 : memref<128xi32, #tpu.memory_space<vmem>>) target(%dma_start3A_1113 : memref<128xi32, #tpu.memory_space<hbm>>) target_semaphore(%run_scoped3A : memref<!tpu.dma_semaphore, #tpu.memory_space<semaphore_mem>>)
            %dma_wait3A = arith.constant 1408 : i32
            %dma_wait3A_1114 = tpu.memref_slice %arg3[%dma_wait3A] : memref<5120xi32, #tpu.memory_space<hbm>> -> memref<128xi32, #tpu.memory_space<hbm>>
            %dma_wait3A_1115 = arith.constant 1408 : i32
            %dma_wait3A_1116 = tpu.memref_slice %arg3[%dma_wait3A_1115] : memref<5120xi32, #tpu.memory_space<hbm>> -> memref<128xi32, #tpu.memory_space<hbm>>
            tpu.wait_dma2 semaphore(%run_scoped3A : memref<!tpu.dma_semaphore, #tpu.memory_space<semaphore_mem>>) src(%arg11 : memref<128xi32, #tpu.memory_space<vmem>>) dst(%dma_wait3A_1116 : memref<128xi32, #tpu.memory_space<hbm>>)
            tpu.yield
          }) : () -> ()
        } else {
        }
        %le3A_480 = arith.constant 12 : i32
        %le3A_481 = arith.cmpi sle, %select_n3A_345, %le3A_480 : i32
        %convert_element_type3A_482 = arith.extui %le3A_481 : i1 to i32
        %cond3A_483 = arith.constant 0 : i32
        %cond3A_484 = arith.cmpi ne, %convert_element_type3A_482, %cond3A_483 : i32
        scf.if %cond3A_484 {
          "tpu.region"() ({
            %run_scoped3A = tpu.sem_alloc : memref<!tpu.dma_semaphore, #tpu.memory_space<semaphore_mem>>
            %dma_start3A = arith.constant 1536 : i32
            %dma_start3A_1111 = tpu.memref_slice %arg3[%dma_start3A] : memref<5120xi32, #tpu.memory_space<hbm>> -> memref<128xi32, #tpu.memory_space<hbm>>
            %dma_start3A_1112 = arith.constant 1536 : i32
            %dma_start3A_1113 = tpu.memref_slice %arg3[%dma_start3A_1112] : memref<5120xi32, #tpu.memory_space<hbm>> -> memref<128xi32, #tpu.memory_space<hbm>>
            tpu.enqueue_dma source(%arg11 : memref<128xi32, #tpu.memory_space<vmem>>) target(%dma_start3A_1113 : memref<128xi32, #tpu.memory_space<hbm>>) target_semaphore(%run_scoped3A : memref<!tpu.dma_semaphore, #tpu.memory_space<semaphore_mem>>)
            %dma_wait3A = arith.constant 1536 : i32
            %dma_wait3A_1114 = tpu.memref_slice %arg3[%dma_wait3A] : memref<5120xi32, #tpu.memory_space<hbm>> -> memref<128xi32, #tpu.memory_space<hbm>>
            %dma_wait3A_1115 = arith.constant 1536 : i32
            %dma_wait3A_1116 = tpu.memref_slice %arg3[%dma_wait3A_1115] : memref<5120xi32, #tpu.memory_space<hbm>> -> memref<128xi32, #tpu.memory_space<hbm>>
            tpu.wait_dma2 semaphore(%run_scoped3A : memref<!tpu.dma_semaphore, #tpu.memory_space<semaphore_mem>>) src(%arg11 : memref<128xi32, #tpu.memory_space<vmem>>) dst(%dma_wait3A_1116 : memref<128xi32, #tpu.memory_space<hbm>>)
            tpu.yield
          }) : () -> ()
        } else {
        }
        %le3A_485 = arith.constant 13 : i32
        %le3A_486 = arith.cmpi sle, %select_n3A_345, %le3A_485 : i32
        %convert_element_type3A_487 = arith.extui %le3A_486 : i1 to i32
        %cond3A_488 = arith.constant 0 : i32
        %cond3A_489 = arith.cmpi ne, %convert_element_type3A_487, %cond3A_488 : i32
        scf.if %cond3A_489 {
          "tpu.region"() ({
            %run_scoped3A = tpu.sem_alloc : memref<!tpu.dma_semaphore, #tpu.memory_space<semaphore_mem>>
            %dma_start3A = arith.constant 1664 : i32
            %dma_start3A_1111 = tpu.memref_slice %arg3[%dma_start3A] : memref<5120xi32, #tpu.memory_space<hbm>> -> memref<128xi32, #tpu.memory_space<hbm>>
            %dma_start3A_1112 = arith.constant 1664 : i32
            %dma_start3A_1113 = tpu.memref_slice %arg3[%dma_start3A_1112] : memref<5120xi32, #tpu.memory_space<hbm>> -> memref<128xi32, #tpu.memory_space<hbm>>
            tpu.enqueue_dma source(%arg11 : memref<128xi32, #tpu.memory_space<vmem>>) target(%dma_start3A_1113 : memref<128xi32, #tpu.memory_space<hbm>>) target_semaphore(%run_scoped3A : memref<!tpu.dma_semaphore, #tpu.memory_space<semaphore_mem>>)
            %dma_wait3A = arith.constant 1664 : i32
            %dma_wait3A_1114 = tpu.memref_slice %arg3[%dma_wait3A] : memref<5120xi32, #tpu.memory_space<hbm>> -> memref<128xi32, #tpu.memory_space<hbm>>
            %dma_wait3A_1115 = arith.constant 1664 : i32
            %dma_wait3A_1116 = tpu.memref_slice %arg3[%dma_wait3A_1115] : memref<5120xi32, #tpu.memory_space<hbm>> -> memref<128xi32, #tpu.memory_space<hbm>>
            tpu.wait_dma2 semaphore(%run_scoped3A : memref<!tpu.dma_semaphore, #tpu.memory_space<semaphore_mem>>) src(%arg11 : memref<128xi32, #tpu.memory_space<vmem>>) dst(%dma_wait3A_1116 : memref<128xi32, #tpu.memory_space<hbm>>)
            tpu.yield
          }) : () -> ()
        } else {
        }
        %le3A_490 = arith.constant 14 : i32
        %le3A_491 = arith.cmpi sle, %select_n3A_345, %le3A_490 : i32
        %convert_element_type3A_492 = arith.extui %le3A_491 : i1 to i32
        %cond3A_493 = arith.constant 0 : i32
        %cond3A_494 = arith.cmpi ne, %convert_element_type3A_492, %cond3A_493 : i32
        scf.if %cond3A_494 {
          "tpu.region"() ({
            %run_scoped3A = tpu.sem_alloc : memref<!tpu.dma_semaphore, #tpu.memory_space<semaphore_mem>>
            %dma_start3A = arith.constant 1792 : i32
            %dma_start3A_1111 = tpu.memref_slice %arg3[%dma_start3A] : memref<5120xi32, #tpu.memory_space<hbm>> -> memref<128xi32, #tpu.memory_space<hbm>>
            %dma_start3A_1112 = arith.constant 1792 : i32
            %dma_start3A_1113 = tpu.memref_slice %arg3[%dma_start3A_1112] : memref<5120xi32, #tpu.memory_space<hbm>> -> memref<128xi32, #tpu.memory_space<hbm>>
            tpu.enqueue_dma source(%arg11 : memref<128xi32, #tpu.memory_space<vmem>>) target(%dma_start3A_1113 : memref<128xi32, #tpu.memory_space<hbm>>) target_semaphore(%run_scoped3A : memref<!tpu.dma_semaphore, #tpu.memory_space<semaphore_mem>>)
            %dma_wait3A = arith.constant 1792 : i32
            %dma_wait3A_1114 = tpu.memref_slice %arg3[%dma_wait3A] : memref<5120xi32, #tpu.memory_space<hbm>> -> memref<128xi32, #tpu.memory_space<hbm>>
            %dma_wait3A_1115 = arith.constant 1792 : i32
            %dma_wait3A_1116 = tpu.memref_slice %arg3[%dma_wait3A_1115] : memref<5120xi32, #tpu.memory_space<hbm>> -> memref<128xi32, #tpu.memory_space<hbm>>
            tpu.wait_dma2 semaphore(%run_scoped3A : memref<!tpu.dma_semaphore, #tpu.memory_space<semaphore_mem>>) src(%arg11 : memref<128xi32, #tpu.memory_space<vmem>>) dst(%dma_wait3A_1116 : memref<128xi32, #tpu.memory_space<hbm>>)
            tpu.yield
          }) : () -> ()
        } else {
        }
        %le3A_495 = arith.constant 15 : i32
        %le3A_496 = arith.cmpi sle, %select_n3A_345, %le3A_495 : i32
        %convert_element_type3A_497 = arith.extui %le3A_496 : i1 to i32
        %cond3A_498 = arith.constant 0 : i32
        %cond3A_499 = arith.cmpi ne, %convert_element_type3A_497, %cond3A_498 : i32
        scf.if %cond3A_499 {
          "tpu.region"() ({
            %run_scoped3A = tpu.sem_alloc : memref<!tpu.dma_semaphore, #tpu.memory_space<semaphore_mem>>
            %dma_start3A = arith.constant 1920 : i32
            %dma_start3A_1111 = tpu.memref_slice %arg3[%dma_start3A] : memref<5120xi32, #tpu.memory_space<hbm>> -> memref<128xi32, #tpu.memory_space<hbm>>
            %dma_start3A_1112 = arith.constant 1920 : i32
            %dma_start3A_1113 = tpu.memref_slice %arg3[%dma_start3A_1112] : memref<5120xi32, #tpu.memory_space<hbm>> -> memref<128xi32, #tpu.memory_space<hbm>>
            tpu.enqueue_dma source(%arg11 : memref<128xi32, #tpu.memory_space<vmem>>) target(%dma_start3A_1113 : memref<128xi32, #tpu.memory_space<hbm>>) target_semaphore(%run_scoped3A : memref<!tpu.dma_semaphore, #tpu.memory_space<semaphore_mem>>)
            %dma_wait3A = arith.constant 1920 : i32
            %dma_wait3A_1114 = tpu.memref_slice %arg3[%dma_wait3A] : memref<5120xi32, #tpu.memory_space<hbm>> -> memref<128xi32, #tpu.memory_space<hbm>>
            %dma_wait3A_1115 = arith.constant 1920 : i32
            %dma_wait3A_1116 = tpu.memref_slice %arg3[%dma_wait3A_1115] : memref<5120xi32, #tpu.memory_space<hbm>> -> memref<128xi32, #tpu.memory_space<hbm>>
            tpu.wait_dma2 semaphore(%run_scoped3A : memref<!tpu.dma_semaphore, #tpu.memory_space<semaphore_mem>>) src(%arg11 : memref<128xi32, #tpu.memory_space<vmem>>) dst(%dma_wait3A_1116 : memref<128xi32, #tpu.memory_space<hbm>>)
            tpu.yield
          }) : () -> ()
        } else {
        }
        %le3A_500 = arith.constant 16 : i32
        %le3A_501 = arith.cmpi sle, %select_n3A_345, %le3A_500 : i32
        %convert_element_type3A_502 = arith.extui %le3A_501 : i1 to i32
        %cond3A_503 = arith.constant 0 : i32
        %cond3A_504 = arith.cmpi ne, %convert_element_type3A_502, %cond3A_503 : i32
        scf.if %cond3A_504 {
          "tpu.region"() ({
            %run_scoped3A = tpu.sem_alloc : memref<!tpu.dma_semaphore, #tpu.memory_space<semaphore_mem>>
            %dma_start3A = arith.constant 2048 : i32
            %dma_start3A_1111 = tpu.memref_slice %arg3[%dma_start3A] : memref<5120xi32, #tpu.memory_space<hbm>> -> memref<128xi32, #tpu.memory_space<hbm>>
            %dma_start3A_1112 = arith.constant 2048 : i32
            %dma_start3A_1113 = tpu.memref_slice %arg3[%dma_start3A_1112] : memref<5120xi32, #tpu.memory_space<hbm>> -> memref<128xi32, #tpu.memory_space<hbm>>
            tpu.enqueue_dma source(%arg11 : memref<128xi32, #tpu.memory_space<vmem>>) target(%dma_start3A_1113 : memref<128xi32, #tpu.memory_space<hbm>>) target_semaphore(%run_scoped3A : memref<!tpu.dma_semaphore, #tpu.memory_space<semaphore_mem>>)
            %dma_wait3A = arith.constant 2048 : i32
            %dma_wait3A_1114 = tpu.memref_slice %arg3[%dma_wait3A] : memref<5120xi32, #tpu.memory_space<hbm>> -> memref<128xi32, #tpu.memory_space<hbm>>
            %dma_wait3A_1115 = arith.constant 2048 : i32
            %dma_wait3A_1116 = tpu.memref_slice %arg3[%dma_wait3A_1115] : memref<5120xi32, #tpu.memory_space<hbm>> -> memref<128xi32, #tpu.memory_space<hbm>>
            tpu.wait_dma2 semaphore(%run_scoped3A : memref<!tpu.dma_semaphore, #tpu.memory_space<semaphore_mem>>) src(%arg11 : memref<128xi32, #tpu.memory_space<vmem>>) dst(%dma_wait3A_1116 : memref<128xi32, #tpu.memory_space<hbm>>)
            tpu.yield
          }) : () -> ()
        } else {
        }
        %le3A_505 = arith.constant 17 : i32
        %le3A_506 = arith.cmpi sle, %select_n3A_345, %le3A_505 : i32
        %convert_element_type3A_507 = arith.extui %le3A_506 : i1 to i32
        %cond3A_508 = arith.constant 0 : i32
        %cond3A_509 = arith.cmpi ne, %convert_element_type3A_507, %cond3A_508 : i32
        scf.if %cond3A_509 {
          "tpu.region"() ({
            %run_scoped3A = tpu.sem_alloc : memref<!tpu.dma_semaphore, #tpu.memory_space<semaphore_mem>>
            %dma_start3A = arith.constant 2176 : i32
            %dma_start3A_1111 = tpu.memref_slice %arg3[%dma_start3A] : memref<5120xi32, #tpu.memory_space<hbm>> -> memref<128xi32, #tpu.memory_space<hbm>>
            %dma_start3A_1112 = arith.constant 2176 : i32
            %dma_start3A_1113 = tpu.memref_slice %arg3[%dma_start3A_1112] : memref<5120xi32, #tpu.memory_space<hbm>> -> memref<128xi32, #tpu.memory_space<hbm>>
            tpu.enqueue_dma source(%arg11 : memref<128xi32, #tpu.memory_space<vmem>>) target(%dma_start3A_1113 : memref<128xi32, #tpu.memory_space<hbm>>) target_semaphore(%run_scoped3A : memref<!tpu.dma_semaphore, #tpu.memory_space<semaphore_mem>>)
            %dma_wait3A = arith.constant 2176 : i32
            %dma_wait3A_1114 = tpu.memref_slice %arg3[%dma_wait3A] : memref<5120xi32, #tpu.memory_space<hbm>> -> memref<128xi32, #tpu.memory_space<hbm>>
            %dma_wait3A_1115 = arith.constant 2176 : i32
            %dma_wait3A_1116 = tpu.memref_slice %arg3[%dma_wait3A_1115] : memref<5120xi32, #tpu.memory_space<hbm>> -> memref<128xi32, #tpu.memory_space<hbm>>
            tpu.wait_dma2 semaphore(%run_scoped3A : memref<!tpu.dma_semaphore, #tpu.memory_space<semaphore_mem>>) src(%arg11 : memref<128xi32, #tpu.memory_space<vmem>>) dst(%dma_wait3A_1116 : memref<128xi32, #tpu.memory_space<hbm>>)
            tpu.yield
          }) : () -> ()
        } else {
        }
        %le3A_510 = arith.constant 18 : i32
        %le3A_511 = arith.cmpi sle, %select_n3A_345, %le3A_510 : i32
        %convert_element_type3A_512 = arith.extui %le3A_511 : i1 to i32
        %cond3A_513 = arith.constant 0 : i32
        %cond3A_514 = arith.cmpi ne, %convert_element_type3A_512, %cond3A_513 : i32
        scf.if %cond3A_514 {
          "tpu.region"() ({
            %run_scoped3A = tpu.sem_alloc : memref<!tpu.dma_semaphore, #tpu.memory_space<semaphore_mem>>
            %dma_start3A = arith.constant 2304 : i32
            %dma_start3A_1111 = tpu.memref_slice %arg3[%dma_start3A] : memref<5120xi32, #tpu.memory_space<hbm>> -> memref<128xi32, #tpu.memory_space<hbm>>
            %dma_start3A_1112 = arith.constant 2304 : i32
            %dma_start3A_1113 = tpu.memref_slice %arg3[%dma_start3A_1112] : memref<5120xi32, #tpu.memory_space<hbm>> -> memref<128xi32, #tpu.memory_space<hbm>>
            tpu.enqueue_dma source(%arg11 : memref<128xi32, #tpu.memory_space<vmem>>) target(%dma_start3A_1113 : memref<128xi32, #tpu.memory_space<hbm>>) target_semaphore(%run_scoped3A : memref<!tpu.dma_semaphore, #tpu.memory_space<semaphore_mem>>)
            %dma_wait3A = arith.constant 2304 : i32
            %dma_wait3A_1114 = tpu.memref_slice %arg3[%dma_wait3A] : memref<5120xi32, #tpu.memory_space<hbm>> -> memref<128xi32, #tpu.memory_space<hbm>>
            %dma_wait3A_1115 = arith.constant 2304 : i32
            %dma_wait3A_1116 = tpu.memref_slice %arg3[%dma_wait3A_1115] : memref<5120xi32, #tpu.memory_space<hbm>> -> memref<128xi32, #tpu.memory_space<hbm>>
            tpu.wait_dma2 semaphore(%run_scoped3A : memref<!tpu.dma_semaphore, #tpu.memory_space<semaphore_mem>>) src(%arg11 : memref<128xi32, #tpu.memory_space<vmem>>) dst(%dma_wait3A_1116 : memref<128xi32, #tpu.memory_space<hbm>>)
            tpu.yield
          }) : () -> ()
        } else {
        }
        %le3A_515 = arith.constant 19 : i32
        %le3A_516 = arith.cmpi sle, %select_n3A_345, %le3A_515 : i32
        %convert_element_type3A_517 = arith.extui %le3A_516 : i1 to i32
        %cond3A_518 = arith.constant 0 : i32
        %cond3A_519 = arith.cmpi ne, %convert_element_type3A_517, %cond3A_518 : i32
        scf.if %cond3A_519 {
          "tpu.region"() ({
            %run_scoped3A = tpu.sem_alloc : memref<!tpu.dma_semaphore, #tpu.memory_space<semaphore_mem>>
            %dma_start3A = arith.constant 2432 : i32
            %dma_start3A_1111 = tpu.memref_slice %arg3[%dma_start3A] : memref<5120xi32, #tpu.memory_space<hbm>> -> memref<128xi32, #tpu.memory_space<hbm>>
            %dma_start3A_1112 = arith.constant 2432 : i32
            %dma_start3A_1113 = tpu.memref_slice %arg3[%dma_start3A_1112] : memref<5120xi32, #tpu.memory_space<hbm>> -> memref<128xi32, #tpu.memory_space<hbm>>
            tpu.enqueue_dma source(%arg11 : memref<128xi32, #tpu.memory_space<vmem>>) target(%dma_start3A_1113 : memref<128xi32, #tpu.memory_space<hbm>>) target_semaphore(%run_scoped3A : memref<!tpu.dma_semaphore, #tpu.memory_space<semaphore_mem>>)
            %dma_wait3A = arith.constant 2432 : i32
            %dma_wait3A_1114 = tpu.memref_slice %arg3[%dma_wait3A] : memref<5120xi32, #tpu.memory_space<hbm>> -> memref<128xi32, #tpu.memory_space<hbm>>
            %dma_wait3A_1115 = arith.constant 2432 : i32
            %dma_wait3A_1116 = tpu.memref_slice %arg3[%dma_wait3A_1115] : memref<5120xi32, #tpu.memory_space<hbm>> -> memref<128xi32, #tpu.memory_space<hbm>>
            tpu.wait_dma2 semaphore(%run_scoped3A : memref<!tpu.dma_semaphore, #tpu.memory_space<semaphore_mem>>) src(%arg11 : memref<128xi32, #tpu.memory_space<vmem>>) dst(%dma_wait3A_1116 : memref<128xi32, #tpu.memory_space<hbm>>)
            tpu.yield
          }) : () -> ()
        } else {
        }
        %le3A_520 = arith.constant 20 : i32
        %le3A_521 = arith.cmpi sle, %select_n3A_345, %le3A_520 : i32
        %convert_element_type3A_522 = arith.extui %le3A_521 : i1 to i32
        %cond3A_523 = arith.constant 0 : i32
        %cond3A_524 = arith.cmpi ne, %convert_element_type3A_522, %cond3A_523 : i32
        scf.if %cond3A_524 {
          "tpu.region"() ({
            %run_scoped3A = tpu.sem_alloc : memref<!tpu.dma_semaphore, #tpu.memory_space<semaphore_mem>>
            %dma_start3A = arith.constant 2560 : i32
            %dma_start3A_1111 = tpu.memref_slice %arg3[%dma_start3A] : memref<5120xi32, #tpu.memory_space<hbm>> -> memref<128xi32, #tpu.memory_space<hbm>>
            %dma_start3A_1112 = arith.constant 2560 : i32
            %dma_start3A_1113 = tpu.memref_slice %arg3[%dma_start3A_1112] : memref<5120xi32, #tpu.memory_space<hbm>> -> memref<128xi32, #tpu.memory_space<hbm>>
            tpu.enqueue_dma source(%arg11 : memref<128xi32, #tpu.memory_space<vmem>>) target(%dma_start3A_1113 : memref<128xi32, #tpu.memory_space<hbm>>) target_semaphore(%run_scoped3A : memref<!tpu.dma_semaphore, #tpu.memory_space<semaphore_mem>>)
            %dma_wait3A = arith.constant 2560 : i32
            %dma_wait3A_1114 = tpu.memref_slice %arg3[%dma_wait3A] : memref<5120xi32, #tpu.memory_space<hbm>> -> memref<128xi32, #tpu.memory_space<hbm>>
            %dma_wait3A_1115 = arith.constant 2560 : i32
            %dma_wait3A_1116 = tpu.memref_slice %arg3[%dma_wait3A_1115] : memref<5120xi32, #tpu.memory_space<hbm>> -> memref<128xi32, #tpu.memory_space<hbm>>
            tpu.wait_dma2 semaphore(%run_scoped3A : memref<!tpu.dma_semaphore, #tpu.memory_space<semaphore_mem>>) src(%arg11 : memref<128xi32, #tpu.memory_space<vmem>>) dst(%dma_wait3A_1116 : memref<128xi32, #tpu.memory_space<hbm>>)
            tpu.yield
          }) : () -> ()
        } else {
        }
        %le3A_525 = arith.constant 21 : i32
        %le3A_526 = arith.cmpi sle, %select_n3A_345, %le3A_525 : i32
        %convert_element_type3A_527 = arith.extui %le3A_526 : i1 to i32
        %cond3A_528 = arith.constant 0 : i32
        %cond3A_529 = arith.cmpi ne, %convert_element_type3A_527, %cond3A_528 : i32
        scf.if %cond3A_529 {
          "tpu.region"() ({
            %run_scoped3A = tpu.sem_alloc : memref<!tpu.dma_semaphore, #tpu.memory_space<semaphore_mem>>
            %dma_start3A = arith.constant 2688 : i32
            %dma_start3A_1111 = tpu.memref_slice %arg3[%dma_start3A] : memref<5120xi32, #tpu.memory_space<hbm>> -> memref<128xi32, #tpu.memory_space<hbm>>
            %dma_start3A_1112 = arith.constant 2688 : i32
            %dma_start3A_1113 = tpu.memref_slice %arg3[%dma_start3A_1112] : memref<5120xi32, #tpu.memory_space<hbm>> -> memref<128xi32, #tpu.memory_space<hbm>>
            tpu.enqueue_dma source(%arg11 : memref<128xi32, #tpu.memory_space<vmem>>) target(%dma_start3A_1113 : memref<128xi32, #tpu.memory_space<hbm>>) target_semaphore(%run_scoped3A : memref<!tpu.dma_semaphore, #tpu.memory_space<semaphore_mem>>)
            %dma_wait3A = arith.constant 2688 : i32
            %dma_wait3A_1114 = tpu.memref_slice %arg3[%dma_wait3A] : memref<5120xi32, #tpu.memory_space<hbm>> -> memref<128xi32, #tpu.memory_space<hbm>>
            %dma_wait3A_1115 = arith.constant 2688 : i32
            %dma_wait3A_1116 = tpu.memref_slice %arg3[%dma_wait3A_1115] : memref<5120xi32, #tpu.memory_space<hbm>> -> memref<128xi32, #tpu.memory_space<hbm>>
            tpu.wait_dma2 semaphore(%run_scoped3A : memref<!tpu.dma_semaphore, #tpu.memory_space<semaphore_mem>>) src(%arg11 : memref<128xi32, #tpu.memory_space<vmem>>) dst(%dma_wait3A_1116 : memref<128xi32, #tpu.memory_space<hbm>>)
            tpu.yield
          }) : () -> ()
        } else {
        }
        %le3A_530 = arith.constant 22 : i32
        %le3A_531 = arith.cmpi sle, %select_n3A_345, %le3A_530 : i32
        %convert_element_type3A_532 = arith.extui %le3A_531 : i1 to i32
        %cond3A_533 = arith.constant 0 : i32
        %cond3A_534 = arith.cmpi ne, %convert_element_type3A_532, %cond3A_533 : i32
        scf.if %cond3A_534 {
          "tpu.region"() ({
            %run_scoped3A = tpu.sem_alloc : memref<!tpu.dma_semaphore, #tpu.memory_space<semaphore_mem>>
            %dma_start3A = arith.constant 2816 : i32
            %dma_start3A_1111 = tpu.memref_slice %arg3[%dma_start3A] : memref<5120xi32, #tpu.memory_space<hbm>> -> memref<128xi32, #tpu.memory_space<hbm>>
            %dma_start3A_1112 = arith.constant 2816 : i32
            %dma_start3A_1113 = tpu.memref_slice %arg3[%dma_start3A_1112] : memref<5120xi32, #tpu.memory_space<hbm>> -> memref<128xi32, #tpu.memory_space<hbm>>
            tpu.enqueue_dma source(%arg11 : memref<128xi32, #tpu.memory_space<vmem>>) target(%dma_start3A_1113 : memref<128xi32, #tpu.memory_space<hbm>>) target_semaphore(%run_scoped3A : memref<!tpu.dma_semaphore, #tpu.memory_space<semaphore_mem>>)
            %dma_wait3A = arith.constant 2816 : i32
            %dma_wait3A_1114 = tpu.memref_slice %arg3[%dma_wait3A] : memref<5120xi32, #tpu.memory_space<hbm>> -> memref<128xi32, #tpu.memory_space<hbm>>
            %dma_wait3A_1115 = arith.constant 2816 : i32
            %dma_wait3A_1116 = tpu.memref_slice %arg3[%dma_wait3A_1115] : memref<5120xi32, #tpu.memory_space<hbm>> -> memref<128xi32, #tpu.memory_space<hbm>>
            tpu.wait_dma2 semaphore(%run_scoped3A : memref<!tpu.dma_semaphore, #tpu.memory_space<semaphore_mem>>) src(%arg11 : memref<128xi32, #tpu.memory_space<vmem>>) dst(%dma_wait3A_1116 : memref<128xi32, #tpu.memory_space<hbm>>)
            tpu.yield
          }) : () -> ()
        } else {
        }
        %le3A_535 = arith.constant 23 : i32
        %le3A_536 = arith.cmpi sle, %select_n3A_345, %le3A_535 : i32
        %convert_element_type3A_537 = arith.extui %le3A_536 : i1 to i32
        %cond3A_538 = arith.constant 0 : i32
        %cond3A_539 = arith.cmpi ne, %convert_element_type3A_537, %cond3A_538 : i32
        scf.if %cond3A_539 {
          "tpu.region"() ({
            %run_scoped3A = tpu.sem_alloc : memref<!tpu.dma_semaphore, #tpu.memory_space<semaphore_mem>>
            %dma_start3A = arith.constant 2944 : i32
            %dma_start3A_1111 = tpu.memref_slice %arg3[%dma_start3A] : memref<5120xi32, #tpu.memory_space<hbm>> -> memref<128xi32, #tpu.memory_space<hbm>>
            %dma_start3A_1112 = arith.constant 2944 : i32
            %dma_start3A_1113 = tpu.memref_slice %arg3[%dma_start3A_1112] : memref<5120xi32, #tpu.memory_space<hbm>> -> memref<128xi32, #tpu.memory_space<hbm>>
            tpu.enqueue_dma source(%arg11 : memref<128xi32, #tpu.memory_space<vmem>>) target(%dma_start3A_1113 : memref<128xi32, #tpu.memory_space<hbm>>) target_semaphore(%run_scoped3A : memref<!tpu.dma_semaphore, #tpu.memory_space<semaphore_mem>>)
            %dma_wait3A = arith.constant 2944 : i32
            %dma_wait3A_1114 = tpu.memref_slice %arg3[%dma_wait3A] : memref<5120xi32, #tpu.memory_space<hbm>> -> memref<128xi32, #tpu.memory_space<hbm>>
            %dma_wait3A_1115 = arith.constant 2944 : i32
            %dma_wait3A_1116 = tpu.memref_slice %arg3[%dma_wait3A_1115] : memref<5120xi32, #tpu.memory_space<hbm>> -> memref<128xi32, #tpu.memory_space<hbm>>
            tpu.wait_dma2 semaphore(%run_scoped3A : memref<!tpu.dma_semaphore, #tpu.memory_space<semaphore_mem>>) src(%arg11 : memref<128xi32, #tpu.memory_space<vmem>>) dst(%dma_wait3A_1116 : memref<128xi32, #tpu.memory_space<hbm>>)
            tpu.yield
          }) : () -> ()
        } else {
        }
        %le3A_540 = arith.constant 24 : i32
        %le3A_541 = arith.cmpi sle, %select_n3A_345, %le3A_540 : i32
        %convert_element_type3A_542 = arith.extui %le3A_541 : i1 to i32
        %cond3A_543 = arith.constant 0 : i32
        %cond3A_544 = arith.cmpi ne, %convert_element_type3A_542, %cond3A_543 : i32
        scf.if %cond3A_544 {
          "tpu.region"() ({
            %run_scoped3A = tpu.sem_alloc : memref<!tpu.dma_semaphore, #tpu.memory_space<semaphore_mem>>
            %dma_start3A = arith.constant 3072 : i32
            %dma_start3A_1111 = tpu.memref_slice %arg3[%dma_start3A] : memref<5120xi32, #tpu.memory_space<hbm>> -> memref<128xi32, #tpu.memory_space<hbm>>
            %dma_start3A_1112 = arith.constant 3072 : i32
            %dma_start3A_1113 = tpu.memref_slice %arg3[%dma_start3A_1112] : memref<5120xi32, #tpu.memory_space<hbm>> -> memref<128xi32, #tpu.memory_space<hbm>>
            tpu.enqueue_dma source(%arg11 : memref<128xi32, #tpu.memory_space<vmem>>) target(%dma_start3A_1113 : memref<128xi32, #tpu.memory_space<hbm>>) target_semaphore(%run_scoped3A : memref<!tpu.dma_semaphore, #tpu.memory_space<semaphore_mem>>)
            %dma_wait3A = arith.constant 3072 : i32
            %dma_wait3A_1114 = tpu.memref_slice %arg3[%dma_wait3A] : memref<5120xi32, #tpu.memory_space<hbm>> -> memref<128xi32, #tpu.memory_space<hbm>>
            %dma_wait3A_1115 = arith.constant 3072 : i32
            %dma_wait3A_1116 = tpu.memref_slice %arg3[%dma_wait3A_1115] : memref<5120xi32, #tpu.memory_space<hbm>> -> memref<128xi32, #tpu.memory_space<hbm>>
            tpu.wait_dma2 semaphore(%run_scoped3A : memref<!tpu.dma_semaphore, #tpu.memory_space<semaphore_mem>>) src(%arg11 : memref<128xi32, #tpu.memory_space<vmem>>) dst(%dma_wait3A_1116 : memref<128xi32, #tpu.memory_space<hbm>>)
            tpu.yield
          }) : () -> ()
        } else {
        }
        %le3A_545 = arith.constant 25 : i32
        %le3A_546 = arith.cmpi sle, %select_n3A_345, %le3A_545 : i32
        %convert_element_type3A_547 = arith.extui %le3A_546 : i1 to i32
        %cond3A_548 = arith.constant 0 : i32
        %cond3A_549 = arith.cmpi ne, %convert_element_type3A_547, %cond3A_548 : i32
        scf.if %cond3A_549 {
          "tpu.region"() ({
            %run_scoped3A = tpu.sem_alloc : memref<!tpu.dma_semaphore, #tpu.memory_space<semaphore_mem>>
            %dma_start3A = arith.constant 3200 : i32
            %dma_start3A_1111 = tpu.memref_slice %arg3[%dma_start3A] : memref<5120xi32, #tpu.memory_space<hbm>> -> memref<128xi32, #tpu.memory_space<hbm>>
            %dma_start3A_1112 = arith.constant 3200 : i32
            %dma_start3A_1113 = tpu.memref_slice %arg3[%dma_start3A_1112] : memref<5120xi32, #tpu.memory_space<hbm>> -> memref<128xi32, #tpu.memory_space<hbm>>
            tpu.enqueue_dma source(%arg11 : memref<128xi32, #tpu.memory_space<vmem>>) target(%dma_start3A_1113 : memref<128xi32, #tpu.memory_space<hbm>>) target_semaphore(%run_scoped3A : memref<!tpu.dma_semaphore, #tpu.memory_space<semaphore_mem>>)
            %dma_wait3A = arith.constant 3200 : i32
            %dma_wait3A_1114 = tpu.memref_slice %arg3[%dma_wait3A] : memref<5120xi32, #tpu.memory_space<hbm>> -> memref<128xi32, #tpu.memory_space<hbm>>
            %dma_wait3A_1115 = arith.constant 3200 : i32
            %dma_wait3A_1116 = tpu.memref_slice %arg3[%dma_wait3A_1115] : memref<5120xi32, #tpu.memory_space<hbm>> -> memref<128xi32, #tpu.memory_space<hbm>>
            tpu.wait_dma2 semaphore(%run_scoped3A : memref<!tpu.dma_semaphore, #tpu.memory_space<semaphore_mem>>) src(%arg11 : memref<128xi32, #tpu.memory_space<vmem>>) dst(%dma_wait3A_1116 : memref<128xi32, #tpu.memory_space<hbm>>)
            tpu.yield
          }) : () -> ()
        } else {
        }
        %le3A_550 = arith.constant 26 : i32
        %le3A_551 = arith.cmpi sle, %select_n3A_345, %le3A_550 : i32
        %convert_element_type3A_552 = arith.extui %le3A_551 : i1 to i32
        %cond3A_553 = arith.constant 0 : i32
        %cond3A_554 = arith.cmpi ne, %convert_element_type3A_552, %cond3A_553 : i32
        scf.if %cond3A_554 {
          "tpu.region"() ({
            %run_scoped3A = tpu.sem_alloc : memref<!tpu.dma_semaphore, #tpu.memory_space<semaphore_mem>>
            %dma_start3A = arith.constant 3328 : i32
            %dma_start3A_1111 = tpu.memref_slice %arg3[%dma_start3A] : memref<5120xi32, #tpu.memory_space<hbm>> -> memref<128xi32, #tpu.memory_space<hbm>>
            %dma_start3A_1112 = arith.constant 3328 : i32
            %dma_start3A_1113 = tpu.memref_slice %arg3[%dma_start3A_1112] : memref<5120xi32, #tpu.memory_space<hbm>> -> memref<128xi32, #tpu.memory_space<hbm>>
            tpu.enqueue_dma source(%arg11 : memref<128xi32, #tpu.memory_space<vmem>>) target(%dma_start3A_1113 : memref<128xi32, #tpu.memory_space<hbm>>) target_semaphore(%run_scoped3A : memref<!tpu.dma_semaphore, #tpu.memory_space<semaphore_mem>>)
            %dma_wait3A = arith.constant 3328 : i32
            %dma_wait3A_1114 = tpu.memref_slice %arg3[%dma_wait3A] : memref<5120xi32, #tpu.memory_space<hbm>> -> memref<128xi32, #tpu.memory_space<hbm>>
            %dma_wait3A_1115 = arith.constant 3328 : i32
            %dma_wait3A_1116 = tpu.memref_slice %arg3[%dma_wait3A_1115] : memref<5120xi32, #tpu.memory_space<hbm>> -> memref<128xi32, #tpu.memory_space<hbm>>
            tpu.wait_dma2 semaphore(%run_scoped3A : memref<!tpu.dma_semaphore, #tpu.memory_space<semaphore_mem>>) src(%arg11 : memref<128xi32, #tpu.memory_space<vmem>>) dst(%dma_wait3A_1116 : memref<128xi32, #tpu.memory_space<hbm>>)
            tpu.yield
          }) : () -> ()
        } else {
        }
        %le3A_555 = arith.constant 27 : i32
        %le3A_556 = arith.cmpi sle, %select_n3A_345, %le3A_555 : i32
        %convert_element_type3A_557 = arith.extui %le3A_556 : i1 to i32
        %cond3A_558 = arith.constant 0 : i32
        %cond3A_559 = arith.cmpi ne, %convert_element_type3A_557, %cond3A_558 : i32
        scf.if %cond3A_559 {
          "tpu.region"() ({
            %run_scoped3A = tpu.sem_alloc : memref<!tpu.dma_semaphore, #tpu.memory_space<semaphore_mem>>
            %dma_start3A = arith.constant 3456 : i32
            %dma_start3A_1111 = tpu.memref_slice %arg3[%dma_start3A] : memref<5120xi32, #tpu.memory_space<hbm>> -> memref<128xi32, #tpu.memory_space<hbm>>
            %dma_start3A_1112 = arith.constant 3456 : i32
            %dma_start3A_1113 = tpu.memref_slice %arg3[%dma_start3A_1112] : memref<5120xi32, #tpu.memory_space<hbm>> -> memref<128xi32, #tpu.memory_space<hbm>>
            tpu.enqueue_dma source(%arg11 : memref<128xi32, #tpu.memory_space<vmem>>) target(%dma_start3A_1113 : memref<128xi32, #tpu.memory_space<hbm>>) target_semaphore(%run_scoped3A : memref<!tpu.dma_semaphore, #tpu.memory_space<semaphore_mem>>)
            %dma_wait3A = arith.constant 3456 : i32
            %dma_wait3A_1114 = tpu.memref_slice %arg3[%dma_wait3A] : memref<5120xi32, #tpu.memory_space<hbm>> -> memref<128xi32, #tpu.memory_space<hbm>>
            %dma_wait3A_1115 = arith.constant 3456 : i32
            %dma_wait3A_1116 = tpu.memref_slice %arg3[%dma_wait3A_1115] : memref<5120xi32, #tpu.memory_space<hbm>> -> memref<128xi32, #tpu.memory_space<hbm>>
            tpu.wait_dma2 semaphore(%run_scoped3A : memref<!tpu.dma_semaphore, #tpu.memory_space<semaphore_mem>>) src(%arg11 : memref<128xi32, #tpu.memory_space<vmem>>) dst(%dma_wait3A_1116 : memref<128xi32, #tpu.memory_space<hbm>>)
            tpu.yield
          }) : () -> ()
        } else {
        }
        %le3A_560 = arith.constant 28 : i32
        %le3A_561 = arith.cmpi sle, %select_n3A_345, %le3A_560 : i32
        %convert_element_type3A_562 = arith.extui %le3A_561 : i1 to i32
        %cond3A_563 = arith.constant 0 : i32
        %cond3A_564 = arith.cmpi ne, %convert_element_type3A_562, %cond3A_563 : i32
        scf.if %cond3A_564 {
          "tpu.region"() ({
            %run_scoped3A = tpu.sem_alloc : memref<!tpu.dma_semaphore, #tpu.memory_space<semaphore_mem>>
            %dma_start3A = arith.constant 3584 : i32
            %dma_start3A_1111 = tpu.memref_slice %arg3[%dma_start3A] : memref<5120xi32, #tpu.memory_space<hbm>> -> memref<128xi32, #tpu.memory_space<hbm>>
            %dma_start3A_1112 = arith.constant 3584 : i32
            %dma_start3A_1113 = tpu.memref_slice %arg3[%dma_start3A_1112] : memref<5120xi32, #tpu.memory_space<hbm>> -> memref<128xi32, #tpu.memory_space<hbm>>
            tpu.enqueue_dma source(%arg11 : memref<128xi32, #tpu.memory_space<vmem>>) target(%dma_start3A_1113 : memref<128xi32, #tpu.memory_space<hbm>>) target_semaphore(%run_scoped3A : memref<!tpu.dma_semaphore, #tpu.memory_space<semaphore_mem>>)
            %dma_wait3A = arith.constant 3584 : i32
            %dma_wait3A_1114 = tpu.memref_slice %arg3[%dma_wait3A] : memref<5120xi32, #tpu.memory_space<hbm>> -> memref<128xi32, #tpu.memory_space<hbm>>
            %dma_wait3A_1115 = arith.constant 3584 : i32
            %dma_wait3A_1116 = tpu.memref_slice %arg3[%dma_wait3A_1115] : memref<5120xi32, #tpu.memory_space<hbm>> -> memref<128xi32, #tpu.memory_space<hbm>>
            tpu.wait_dma2 semaphore(%run_scoped3A : memref<!tpu.dma_semaphore, #tpu.memory_space<semaphore_mem>>) src(%arg11 : memref<128xi32, #tpu.memory_space<vmem>>) dst(%dma_wait3A_1116 : memref<128xi32, #tpu.memory_space<hbm>>)
            tpu.yield
          }) : () -> ()
        } else {
        }
        %le3A_565 = arith.constant 29 : i32
        %le3A_566 = arith.cmpi sle, %select_n3A_345, %le3A_565 : i32
        %convert_element_type3A_567 = arith.extui %le3A_566 : i1 to i32
        %cond3A_568 = arith.constant 0 : i32
        %cond3A_569 = arith.cmpi ne, %convert_element_type3A_567, %cond3A_568 : i32
        scf.if %cond3A_569 {
          "tpu.region"() ({
            %run_scoped3A = tpu.sem_alloc : memref<!tpu.dma_semaphore, #tpu.memory_space<semaphore_mem>>
            %dma_start3A = arith.constant 3712 : i32
            %dma_start3A_1111 = tpu.memref_slice %arg3[%dma_start3A] : memref<5120xi32, #tpu.memory_space<hbm>> -> memref<128xi32, #tpu.memory_space<hbm>>
            %dma_start3A_1112 = arith.constant 3712 : i32
            %dma_start3A_1113 = tpu.memref_slice %arg3[%dma_start3A_1112] : memref<5120xi32, #tpu.memory_space<hbm>> -> memref<128xi32, #tpu.memory_space<hbm>>
            tpu.enqueue_dma source(%arg11 : memref<128xi32, #tpu.memory_space<vmem>>) target(%dma_start3A_1113 : memref<128xi32, #tpu.memory_space<hbm>>) target_semaphore(%run_scoped3A : memref<!tpu.dma_semaphore, #tpu.memory_space<semaphore_mem>>)
            %dma_wait3A = arith.constant 3712 : i32
            %dma_wait3A_1114 = tpu.memref_slice %arg3[%dma_wait3A] : memref<5120xi32, #tpu.memory_space<hbm>> -> memref<128xi32, #tpu.memory_space<hbm>>
            %dma_wait3A_1115 = arith.constant 3712 : i32
            %dma_wait3A_1116 = tpu.memref_slice %arg3[%dma_wait3A_1115] : memref<5120xi32, #tpu.memory_space<hbm>> -> memref<128xi32, #tpu.memory_space<hbm>>
            tpu.wait_dma2 semaphore(%run_scoped3A : memref<!tpu.dma_semaphore, #tpu.memory_space<semaphore_mem>>) src(%arg11 : memref<128xi32, #tpu.memory_space<vmem>>) dst(%dma_wait3A_1116 : memref<128xi32, #tpu.memory_space<hbm>>)
            tpu.yield
          }) : () -> ()
        } else {
        }
        %le3A_570 = arith.constant 30 : i32
        %le3A_571 = arith.cmpi sle, %select_n3A_345, %le3A_570 : i32
        %convert_element_type3A_572 = arith.extui %le3A_571 : i1 to i32
        %cond3A_573 = arith.constant 0 : i32
        %cond3A_574 = arith.cmpi ne, %convert_element_type3A_572, %cond3A_573 : i32
        scf.if %cond3A_574 {
          "tpu.region"() ({
            %run_scoped3A = tpu.sem_alloc : memref<!tpu.dma_semaphore, #tpu.memory_space<semaphore_mem>>
            %dma_start3A = arith.constant 3840 : i32
            %dma_start3A_1111 = tpu.memref_slice %arg3[%dma_start3A] : memref<5120xi32, #tpu.memory_space<hbm>> -> memref<128xi32, #tpu.memory_space<hbm>>
            %dma_start3A_1112 = arith.constant 3840 : i32
            %dma_start3A_1113 = tpu.memref_slice %arg3[%dma_start3A_1112] : memref<5120xi32, #tpu.memory_space<hbm>> -> memref<128xi32, #tpu.memory_space<hbm>>
            tpu.enqueue_dma source(%arg11 : memref<128xi32, #tpu.memory_space<vmem>>) target(%dma_start3A_1113 : memref<128xi32, #tpu.memory_space<hbm>>) target_semaphore(%run_scoped3A : memref<!tpu.dma_semaphore, #tpu.memory_space<semaphore_mem>>)
            %dma_wait3A = arith.constant 3840 : i32
            %dma_wait3A_1114 = tpu.memref_slice %arg3[%dma_wait3A] : memref<5120xi32, #tpu.memory_space<hbm>> -> memref<128xi32, #tpu.memory_space<hbm>>
            %dma_wait3A_1115 = arith.constant 3840 : i32
            %dma_wait3A_1116 = tpu.memref_slice %arg3[%dma_wait3A_1115] : memref<5120xi32, #tpu.memory_space<hbm>> -> memref<128xi32, #tpu.memory_space<hbm>>
            tpu.wait_dma2 semaphore(%run_scoped3A : memref<!tpu.dma_semaphore, #tpu.memory_space<semaphore_mem>>) src(%arg11 : memref<128xi32, #tpu.memory_space<vmem>>) dst(%dma_wait3A_1116 : memref<128xi32, #tpu.memory_space<hbm>>)
            tpu.yield
          }) : () -> ()
        } else {
        }
        %le3A_575 = arith.constant 31 : i32
        %le3A_576 = arith.cmpi sle, %select_n3A_345, %le3A_575 : i32
        %convert_element_type3A_577 = arith.extui %le3A_576 : i1 to i32
        %cond3A_578 = arith.constant 0 : i32
        %cond3A_579 = arith.cmpi ne, %convert_element_type3A_577, %cond3A_578 : i32
        scf.if %cond3A_579 {
          "tpu.region"() ({
            %run_scoped3A = tpu.sem_alloc : memref<!tpu.dma_semaphore, #tpu.memory_space<semaphore_mem>>
            %dma_start3A = arith.constant 3968 : i32
            %dma_start3A_1111 = tpu.memref_slice %arg3[%dma_start3A] : memref<5120xi32, #tpu.memory_space<hbm>> -> memref<128xi32, #tpu.memory_space<hbm>>
            %dma_start3A_1112 = arith.constant 3968 : i32
            %dma_start3A_1113 = tpu.memref_slice %arg3[%dma_start3A_1112] : memref<5120xi32, #tpu.memory_space<hbm>> -> memref<128xi32, #tpu.memory_space<hbm>>
            tpu.enqueue_dma source(%arg11 : memref<128xi32, #tpu.memory_space<vmem>>) target(%dma_start3A_1113 : memref<128xi32, #tpu.memory_space<hbm>>) target_semaphore(%run_scoped3A : memref<!tpu.dma_semaphore, #tpu.memory_space<semaphore_mem>>)
            %dma_wait3A = arith.constant 3968 : i32
            %dma_wait3A_1114 = tpu.memref_slice %arg3[%dma_wait3A] : memref<5120xi32, #tpu.memory_space<hbm>> -> memref<128xi32, #tpu.memory_space<hbm>>
            %dma_wait3A_1115 = arith.constant 3968 : i32
            %dma_wait3A_1116 = tpu.memref_slice %arg3[%dma_wait3A_1115] : memref<5120xi32, #tpu.memory_space<hbm>> -> memref<128xi32, #tpu.memory_space<hbm>>
            tpu.wait_dma2 semaphore(%run_scoped3A : memref<!tpu.dma_semaphore, #tpu.memory_space<semaphore_mem>>) src(%arg11 : memref<128xi32, #tpu.memory_space<vmem>>) dst(%dma_wait3A_1116 : memref<128xi32, #tpu.memory_space<hbm>>)
            tpu.yield
          }) : () -> ()
        } else {
        }
        %le3A_580 = arith.constant 32 : i32
        %le3A_581 = arith.cmpi sle, %select_n3A_345, %le3A_580 : i32
        %convert_element_type3A_582 = arith.extui %le3A_581 : i1 to i32
        %cond3A_583 = arith.constant 0 : i32
        %cond3A_584 = arith.cmpi ne, %convert_element_type3A_582, %cond3A_583 : i32
        scf.if %cond3A_584 {
          "tpu.region"() ({
            %run_scoped3A = tpu.sem_alloc : memref<!tpu.dma_semaphore, #tpu.memory_space<semaphore_mem>>
            %dma_start3A = arith.constant 4096 : i32
            %dma_start3A_1111 = tpu.memref_slice %arg3[%dma_start3A] : memref<5120xi32, #tpu.memory_space<hbm>> -> memref<128xi32, #tpu.memory_space<hbm>>
            %dma_start3A_1112 = arith.constant 4096 : i32
            %dma_start3A_1113 = tpu.memref_slice %arg3[%dma_start3A_1112] : memref<5120xi32, #tpu.memory_space<hbm>> -> memref<128xi32, #tpu.memory_space<hbm>>
            tpu.enqueue_dma source(%arg11 : memref<128xi32, #tpu.memory_space<vmem>>) target(%dma_start3A_1113 : memref<128xi32, #tpu.memory_space<hbm>>) target_semaphore(%run_scoped3A : memref<!tpu.dma_semaphore, #tpu.memory_space<semaphore_mem>>)
            %dma_wait3A = arith.constant 4096 : i32
            %dma_wait3A_1114 = tpu.memref_slice %arg3[%dma_wait3A] : memref<5120xi32, #tpu.memory_space<hbm>> -> memref<128xi32, #tpu.memory_space<hbm>>
            %dma_wait3A_1115 = arith.constant 4096 : i32
            %dma_wait3A_1116 = tpu.memref_slice %arg3[%dma_wait3A_1115] : memref<5120xi32, #tpu.memory_space<hbm>> -> memref<128xi32, #tpu.memory_space<hbm>>
            tpu.wait_dma2 semaphore(%run_scoped3A : memref<!tpu.dma_semaphore, #tpu.memory_space<semaphore_mem>>) src(%arg11 : memref<128xi32, #tpu.memory_space<vmem>>) dst(%dma_wait3A_1116 : memref<128xi32, #tpu.memory_space<hbm>>)
            tpu.yield
          }) : () -> ()
        } else {
        }
        %le3A_585 = arith.constant 33 : i32
        %le3A_586 = arith.cmpi sle, %select_n3A_345, %le3A_585 : i32
        %convert_element_type3A_587 = arith.extui %le3A_586 : i1 to i32
        %cond3A_588 = arith.constant 0 : i32
        %cond3A_589 = arith.cmpi ne, %convert_element_type3A_587, %cond3A_588 : i32
        scf.if %cond3A_589 {
          "tpu.region"() ({
            %run_scoped3A = tpu.sem_alloc : memref<!tpu.dma_semaphore, #tpu.memory_space<semaphore_mem>>
            %dma_start3A = arith.constant 4224 : i32
            %dma_start3A_1111 = tpu.memref_slice %arg3[%dma_start3A] : memref<5120xi32, #tpu.memory_space<hbm>> -> memref<128xi32, #tpu.memory_space<hbm>>
            %dma_start3A_1112 = arith.constant 4224 : i32
            %dma_start3A_1113 = tpu.memref_slice %arg3[%dma_start3A_1112] : memref<5120xi32, #tpu.memory_space<hbm>> -> memref<128xi32, #tpu.memory_space<hbm>>
            tpu.enqueue_dma source(%arg11 : memref<128xi32, #tpu.memory_space<vmem>>) target(%dma_start3A_1113 : memref<128xi32, #tpu.memory_space<hbm>>) target_semaphore(%run_scoped3A : memref<!tpu.dma_semaphore, #tpu.memory_space<semaphore_mem>>)
            %dma_wait3A = arith.constant 4224 : i32
            %dma_wait3A_1114 = tpu.memref_slice %arg3[%dma_wait3A] : memref<5120xi32, #tpu.memory_space<hbm>> -> memref<128xi32, #tpu.memory_space<hbm>>
            %dma_wait3A_1115 = arith.constant 4224 : i32
            %dma_wait3A_1116 = tpu.memref_slice %arg3[%dma_wait3A_1115] : memref<5120xi32, #tpu.memory_space<hbm>> -> memref<128xi32, #tpu.memory_space<hbm>>
            tpu.wait_dma2 semaphore(%run_scoped3A : memref<!tpu.dma_semaphore, #tpu.memory_space<semaphore_mem>>) src(%arg11 : memref<128xi32, #tpu.memory_space<vmem>>) dst(%dma_wait3A_1116 : memref<128xi32, #tpu.memory_space<hbm>>)
            tpu.yield
          }) : () -> ()
        } else {
        }
        %le3A_590 = arith.constant 34 : i32
        %le3A_591 = arith.cmpi sle, %select_n3A_345, %le3A_590 : i32
        %convert_element_type3A_592 = arith.extui %le3A_591 : i1 to i32
        %cond3A_593 = arith.constant 0 : i32
        %cond3A_594 = arith.cmpi ne, %convert_element_type3A_592, %cond3A_593 : i32
        scf.if %cond3A_594 {
          "tpu.region"() ({
            %run_scoped3A = tpu.sem_alloc : memref<!tpu.dma_semaphore, #tpu.memory_space<semaphore_mem>>
            %dma_start3A = arith.constant 4352 : i32
            %dma_start3A_1111 = tpu.memref_slice %arg3[%dma_start3A] : memref<5120xi32, #tpu.memory_space<hbm>> -> memref<128xi32, #tpu.memory_space<hbm>>
            %dma_start3A_1112 = arith.constant 4352 : i32
            %dma_start3A_1113 = tpu.memref_slice %arg3[%dma_start3A_1112] : memref<5120xi32, #tpu.memory_space<hbm>> -> memref<128xi32, #tpu.memory_space<hbm>>
            tpu.enqueue_dma source(%arg11 : memref<128xi32, #tpu.memory_space<vmem>>) target(%dma_start3A_1113 : memref<128xi32, #tpu.memory_space<hbm>>) target_semaphore(%run_scoped3A : memref<!tpu.dma_semaphore, #tpu.memory_space<semaphore_mem>>)
            %dma_wait3A = arith.constant 4352 : i32
            %dma_wait3A_1114 = tpu.memref_slice %arg3[%dma_wait3A] : memref<5120xi32, #tpu.memory_space<hbm>> -> memref<128xi32, #tpu.memory_space<hbm>>
            %dma_wait3A_1115 = arith.constant 4352 : i32
            %dma_wait3A_1116 = tpu.memref_slice %arg3[%dma_wait3A_1115] : memref<5120xi32, #tpu.memory_space<hbm>> -> memref<128xi32, #tpu.memory_space<hbm>>
            tpu.wait_dma2 semaphore(%run_scoped3A : memref<!tpu.dma_semaphore, #tpu.memory_space<semaphore_mem>>) src(%arg11 : memref<128xi32, #tpu.memory_space<vmem>>) dst(%dma_wait3A_1116 : memref<128xi32, #tpu.memory_space<hbm>>)
            tpu.yield
          }) : () -> ()
        } else {
        }
        %le3A_595 = arith.constant 35 : i32
        %le3A_596 = arith.cmpi sle, %select_n3A_345, %le3A_595 : i32
        %convert_element_type3A_597 = arith.extui %le3A_596 : i1 to i32
        %cond3A_598 = arith.constant 0 : i32
        %cond3A_599 = arith.cmpi ne, %convert_element_type3A_597, %cond3A_598 : i32
        scf.if %cond3A_599 {
          "tpu.region"() ({
            %run_scoped3A = tpu.sem_alloc : memref<!tpu.dma_semaphore, #tpu.memory_space<semaphore_mem>>
            %dma_start3A = arith.constant 4480 : i32
            %dma_start3A_1111 = tpu.memref_slice %arg3[%dma_start3A] : memref<5120xi32, #tpu.memory_space<hbm>> -> memref<128xi32, #tpu.memory_space<hbm>>
            %dma_start3A_1112 = arith.constant 4480 : i32
            %dma_start3A_1113 = tpu.memref_slice %arg3[%dma_start3A_1112] : memref<5120xi32, #tpu.memory_space<hbm>> -> memref<128xi32, #tpu.memory_space<hbm>>
            tpu.enqueue_dma source(%arg11 : memref<128xi32, #tpu.memory_space<vmem>>) target(%dma_start3A_1113 : memref<128xi32, #tpu.memory_space<hbm>>) target_semaphore(%run_scoped3A : memref<!tpu.dma_semaphore, #tpu.memory_space<semaphore_mem>>)
            %dma_wait3A = arith.constant 4480 : i32
            %dma_wait3A_1114 = tpu.memref_slice %arg3[%dma_wait3A] : memref<5120xi32, #tpu.memory_space<hbm>> -> memref<128xi32, #tpu.memory_space<hbm>>
            %dma_wait3A_1115 = arith.constant 4480 : i32
            %dma_wait3A_1116 = tpu.memref_slice %arg3[%dma_wait3A_1115] : memref<5120xi32, #tpu.memory_space<hbm>> -> memref<128xi32, #tpu.memory_space<hbm>>
            tpu.wait_dma2 semaphore(%run_scoped3A : memref<!tpu.dma_semaphore, #tpu.memory_space<semaphore_mem>>) src(%arg11 : memref<128xi32, #tpu.memory_space<vmem>>) dst(%dma_wait3A_1116 : memref<128xi32, #tpu.memory_space<hbm>>)
            tpu.yield
          }) : () -> ()
        } else {
        }
        %le3A_600 = arith.constant 36 : i32
        %le3A_601 = arith.cmpi sle, %select_n3A_345, %le3A_600 : i32
        %convert_element_type3A_602 = arith.extui %le3A_601 : i1 to i32
        %cond3A_603 = arith.constant 0 : i32
        %cond3A_604 = arith.cmpi ne, %convert_element_type3A_602, %cond3A_603 : i32
        scf.if %cond3A_604 {
          "tpu.region"() ({
            %run_scoped3A = tpu.sem_alloc : memref<!tpu.dma_semaphore, #tpu.memory_space<semaphore_mem>>
            %dma_start3A = arith.constant 4608 : i32
            %dma_start3A_1111 = tpu.memref_slice %arg3[%dma_start3A] : memref<5120xi32, #tpu.memory_space<hbm>> -> memref<128xi32, #tpu.memory_space<hbm>>
            %dma_start3A_1112 = arith.constant 4608 : i32
            %dma_start3A_1113 = tpu.memref_slice %arg3[%dma_start3A_1112] : memref<5120xi32, #tpu.memory_space<hbm>> -> memref<128xi32, #tpu.memory_space<hbm>>
            tpu.enqueue_dma source(%arg11 : memref<128xi32, #tpu.memory_space<vmem>>) target(%dma_start3A_1113 : memref<128xi32, #tpu.memory_space<hbm>>) target_semaphore(%run_scoped3A : memref<!tpu.dma_semaphore, #tpu.memory_space<semaphore_mem>>)
            %dma_wait3A = arith.constant 4608 : i32
            %dma_wait3A_1114 = tpu.memref_slice %arg3[%dma_wait3A] : memref<5120xi32, #tpu.memory_space<hbm>> -> memref<128xi32, #tpu.memory_space<hbm>>
            %dma_wait3A_1115 = arith.constant 4608 : i32
            %dma_wait3A_1116 = tpu.memref_slice %arg3[%dma_wait3A_1115] : memref<5120xi32, #tpu.memory_space<hbm>> -> memref<128xi32, #tpu.memory_space<hbm>>
            tpu.wait_dma2 semaphore(%run_scoped3A : memref<!tpu.dma_semaphore, #tpu.memory_space<semaphore_mem>>) src(%arg11 : memref<128xi32, #tpu.memory_space<vmem>>) dst(%dma_wait3A_1116 : memref<128xi32, #tpu.memory_space<hbm>>)
            tpu.yield
          }) : () -> ()
        } else {
        }
        %le3A_605 = arith.constant 37 : i32
        %le3A_606 = arith.cmpi sle, %select_n3A_345, %le3A_605 : i32
        %convert_element_type3A_607 = arith.extui %le3A_606 : i1 to i32
        %cond3A_608 = arith.constant 0 : i32
        %cond3A_609 = arith.cmpi ne, %convert_element_type3A_607, %cond3A_608 : i32
        scf.if %cond3A_609 {
          "tpu.region"() ({
            %run_scoped3A = tpu.sem_alloc : memref<!tpu.dma_semaphore, #tpu.memory_space<semaphore_mem>>
            %dma_start3A = arith.constant 4736 : i32
            %dma_start3A_1111 = tpu.memref_slice %arg3[%dma_start3A] : memref<5120xi32, #tpu.memory_space<hbm>> -> memref<128xi32, #tpu.memory_space<hbm>>
            %dma_start3A_1112 = arith.constant 4736 : i32
            %dma_start3A_1113 = tpu.memref_slice %arg3[%dma_start3A_1112] : memref<5120xi32, #tpu.memory_space<hbm>> -> memref<128xi32, #tpu.memory_space<hbm>>
            tpu.enqueue_dma source(%arg11 : memref<128xi32, #tpu.memory_space<vmem>>) target(%dma_start3A_1113 : memref<128xi32, #tpu.memory_space<hbm>>) target_semaphore(%run_scoped3A : memref<!tpu.dma_semaphore, #tpu.memory_space<semaphore_mem>>)
            %dma_wait3A = arith.constant 4736 : i32
            %dma_wait3A_1114 = tpu.memref_slice %arg3[%dma_wait3A] : memref<5120xi32, #tpu.memory_space<hbm>> -> memref<128xi32, #tpu.memory_space<hbm>>
            %dma_wait3A_1115 = arith.constant 4736 : i32
            %dma_wait3A_1116 = tpu.memref_slice %arg3[%dma_wait3A_1115] : memref<5120xi32, #tpu.memory_space<hbm>> -> memref<128xi32, #tpu.memory_space<hbm>>
            tpu.wait_dma2 semaphore(%run_scoped3A : memref<!tpu.dma_semaphore, #tpu.memory_space<semaphore_mem>>) src(%arg11 : memref<128xi32, #tpu.memory_space<vmem>>) dst(%dma_wait3A_1116 : memref<128xi32, #tpu.memory_space<hbm>>)
            tpu.yield
          }) : () -> ()
        } else {
        }
        %le3A_610 = arith.constant 38 : i32
        %le3A_611 = arith.cmpi sle, %select_n3A_345, %le3A_610 : i32
        %convert_element_type3A_612 = arith.extui %le3A_611 : i1 to i32
        %cond3A_613 = arith.constant 0 : i32
        %cond3A_614 = arith.cmpi ne, %convert_element_type3A_612, %cond3A_613 : i32
        scf.if %cond3A_614 {
          "tpu.region"() ({
            %run_scoped3A = tpu.sem_alloc : memref<!tpu.dma_semaphore, #tpu.memory_space<semaphore_mem>>
            %dma_start3A = arith.constant 4864 : i32
            %dma_start3A_1111 = tpu.memref_slice %arg3[%dma_start3A] : memref<5120xi32, #tpu.memory_space<hbm>> -> memref<128xi32, #tpu.memory_space<hbm>>
            %dma_start3A_1112 = arith.constant 4864 : i32
            %dma_start3A_1113 = tpu.memref_slice %arg3[%dma_start3A_1112] : memref<5120xi32, #tpu.memory_space<hbm>> -> memref<128xi32, #tpu.memory_space<hbm>>
            tpu.enqueue_dma source(%arg11 : memref<128xi32, #tpu.memory_space<vmem>>) target(%dma_start3A_1113 : memref<128xi32, #tpu.memory_space<hbm>>) target_semaphore(%run_scoped3A : memref<!tpu.dma_semaphore, #tpu.memory_space<semaphore_mem>>)
            %dma_wait3A = arith.constant 4864 : i32
            %dma_wait3A_1114 = tpu.memref_slice %arg3[%dma_wait3A] : memref<5120xi32, #tpu.memory_space<hbm>> -> memref<128xi32, #tpu.memory_space<hbm>>
            %dma_wait3A_1115 = arith.constant 4864 : i32
            %dma_wait3A_1116 = tpu.memref_slice %arg3[%dma_wait3A_1115] : memref<5120xi32, #tpu.memory_space<hbm>> -> memref<128xi32, #tpu.memory_space<hbm>>
            tpu.wait_dma2 semaphore(%run_scoped3A : memref<!tpu.dma_semaphore, #tpu.memory_space<semaphore_mem>>) src(%arg11 : memref<128xi32, #tpu.memory_space<vmem>>) dst(%dma_wait3A_1116 : memref<128xi32, #tpu.memory_space<hbm>>)
            tpu.yield
          }) : () -> ()
        } else {
        }
        %le3A_615 = arith.constant 39 : i32
        %le3A_616 = arith.cmpi sle, %select_n3A_345, %le3A_615 : i32
        %convert_element_type3A_617 = arith.extui %le3A_616 : i1 to i32
        %cond3A_618 = arith.constant 0 : i32
        %cond3A_619 = arith.cmpi ne, %convert_element_type3A_617, %cond3A_618 : i32
        scf.if %cond3A_619 {
          "tpu.region"() ({
            %run_scoped3A = tpu.sem_alloc : memref<!tpu.dma_semaphore, #tpu.memory_space<semaphore_mem>>
            %dma_start3A = arith.constant 4992 : i32
            %dma_start3A_1111 = tpu.memref_slice %arg3[%dma_start3A] : memref<5120xi32, #tpu.memory_space<hbm>> -> memref<128xi32, #tpu.memory_space<hbm>>
            %dma_start3A_1112 = arith.constant 4992 : i32
            %dma_start3A_1113 = tpu.memref_slice %arg3[%dma_start3A_1112] : memref<5120xi32, #tpu.memory_space<hbm>> -> memref<128xi32, #tpu.memory_space<hbm>>
            tpu.enqueue_dma source(%arg11 : memref<128xi32, #tpu.memory_space<vmem>>) target(%dma_start3A_1113 : memref<128xi32, #tpu.memory_space<hbm>>) target_semaphore(%run_scoped3A : memref<!tpu.dma_semaphore, #tpu.memory_space<semaphore_mem>>)
            %dma_wait3A = arith.constant 4992 : i32
            %dma_wait3A_1114 = tpu.memref_slice %arg3[%dma_wait3A] : memref<5120xi32, #tpu.memory_space<hbm>> -> memref<128xi32, #tpu.memory_space<hbm>>
            %dma_wait3A_1115 = arith.constant 4992 : i32
            %dma_wait3A_1116 = tpu.memref_slice %arg3[%dma_wait3A_1115] : memref<5120xi32, #tpu.memory_space<hbm>> -> memref<128xi32, #tpu.memory_space<hbm>>
            tpu.wait_dma2 semaphore(%run_scoped3A : memref<!tpu.dma_semaphore, #tpu.memory_space<semaphore_mem>>) src(%arg11 : memref<128xi32, #tpu.memory_space<vmem>>) dst(%dma_wait3A_1116 : memref<128xi32, #tpu.memory_space<hbm>>)
            tpu.yield
          }) : () -> ()
        } else {
        }
        %jit3A_620 = arith.constant 128 : i32
        %div3A_621 = arith.divsi %cond3A_418, %jit3A_620 : i32
        %sign3A_622 = arith.constant 0 : i32
        %sign3A_623 = arith.cmpi sgt, %cond3A_418, %sign3A_622 : i32
        %sign3A_624 = arith.extui %sign3A_623 : i1 to i32
        %sign3A_625 = arith.constant 0 : i32
        %sign3A_626 = arith.cmpi slt, %cond3A_418, %sign3A_625 : i32
        %sign3A_627 = arith.extui %sign3A_626 : i1 to i32
        %sign3A_628 = arith.subi %sign3A_624, %sign3A_627 : i32
        %sign3A_629 = arith.constant 0 : i32
        %sign3A_630 = arith.cmpi sgt, %jit3A_620, %sign3A_629 : i32
        %sign3A_631 = arith.extui %sign3A_630 : i1 to i32
        %sign3A_632 = arith.constant 0 : i32
        %sign3A_633 = arith.cmpi slt, %jit3A_620, %sign3A_632 : i32
        %sign3A_634 = arith.extui %sign3A_633 : i1 to i32
        %sign3A_635 = arith.subi %sign3A_631, %sign3A_634 : i32
        %ne3A_636 = arith.cmpi ne, %sign3A_628, %sign3A_635 : i32
        %rem3A_637 = arith.remsi %cond3A_418, %jit3A_620 : i32
        %ne3A_638 = arith.constant 0 : i32
        %ne3A_639 = arith.cmpi ne, %rem3A_637, %ne3A_638 : i32
        %and3A_640 = arith.andi %ne3A_636, %ne3A_639 : i1
        %sub3A_641 = arith.constant 1 : i32
        %sub3A_642 = arith.subi %div3A_621, %sub3A_641 : i32
        %select_n3A_643 = arith.select %and3A_640, %sub3A_642, %div3A_621 : i32
        %jit3A_644 = arith.constant 128 : i32
        %div3A_645 = arith.divsi %add3A_300, %jit3A_644 : i32
        %sign3A_646 = arith.constant 0 : i32
        %sign3A_647 = arith.cmpi sgt, %add3A_300, %sign3A_646 : i32
        %sign3A_648 = arith.extui %sign3A_647 : i1 to i32
        %sign3A_649 = arith.constant 0 : i32
        %sign3A_650 = arith.cmpi slt, %add3A_300, %sign3A_649 : i32
        %sign3A_651 = arith.extui %sign3A_650 : i1 to i32
        %sign3A_652 = arith.subi %sign3A_648, %sign3A_651 : i32
        %sign3A_653 = arith.constant 0 : i32
        %sign3A_654 = arith.cmpi sgt, %jit3A_644, %sign3A_653 : i32
        %sign3A_655 = arith.extui %sign3A_654 : i1 to i32
        %sign3A_656 = arith.constant 0 : i32
        %sign3A_657 = arith.cmpi slt, %jit3A_644, %sign3A_656 : i32
        %sign3A_658 = arith.extui %sign3A_657 : i1 to i32
        %sign3A_659 = arith.subi %sign3A_655, %sign3A_658 : i32
        %ne3A_660 = arith.cmpi ne, %sign3A_652, %sign3A_659 : i32
        %rem3A_661 = arith.remsi %add3A_300, %jit3A_644 : i32
        %ne3A_662 = arith.constant 0 : i32
        %ne3A_663 = arith.cmpi ne, %rem3A_661, %ne3A_662 : i32
        %and3A_664 = arith.andi %ne3A_660, %ne3A_663 : i1
        %sub3A_665 = arith.constant 1 : i32
        %sub3A_666 = arith.subi %div3A_645, %sub3A_665 : i32
        %select_n3A_667 = arith.select %and3A_664, %sub3A_666, %div3A_645 : i32
        %jit3A_668 = arith.constant 128 : i32
        %div3A_669 = arith.divsi %add3A_303, %jit3A_668 : i32
        %sign3A_670 = arith.constant 0 : i32
        %sign3A_671 = arith.cmpi sgt, %add3A_303, %sign3A_670 : i32
        %sign3A_672 = arith.extui %sign3A_671 : i1 to i32
        %sign3A_673 = arith.constant 0 : i32
        %sign3A_674 = arith.cmpi slt, %add3A_303, %sign3A_673 : i32
        %sign3A_675 = arith.extui %sign3A_674 : i1 to i32
        %sign3A_676 = arith.subi %sign3A_672, %sign3A_675 : i32
        %sign3A_677 = arith.constant 0 : i32
        %sign3A_678 = arith.cmpi sgt, %jit3A_668, %sign3A_677 : i32
        %sign3A_679 = arith.extui %sign3A_678 : i1 to i32
        %sign3A_680 = arith.constant 0 : i32
        %sign3A_681 = arith.cmpi slt, %jit3A_668, %sign3A_680 : i32
        %sign3A_682 = arith.extui %sign3A_681 : i1 to i32
        %sign3A_683 = arith.subi %sign3A_679, %sign3A_682 : i32
        %ne3A_684 = arith.cmpi ne, %sign3A_676, %sign3A_683 : i32
        %rem3A_685 = arith.remsi %add3A_303, %jit3A_668 : i32
        %ne3A_686 = arith.constant 0 : i32
        %ne3A_687 = arith.cmpi ne, %rem3A_685, %ne3A_686 : i32
        %and3A_688 = arith.andi %ne3A_684, %ne3A_687 : i1
        %sub3A_689 = arith.constant 1 : i32
        %sub3A_690 = arith.subi %div3A_669, %sub3A_689 : i32
        %select_n3A_691 = arith.select %and3A_688, %sub3A_690, %div3A_669 : i32
        %jit3A_692 = arith.constant 128 : i32
        %div3A_693 = arith.divsi %add3A_306, %jit3A_692 : i32
        %sign3A_694 = arith.constant 0 : i32
        %sign3A_695 = arith.cmpi sgt, %add3A_306, %sign3A_694 : i32
        %sign3A_696 = arith.extui %sign3A_695 : i1 to i32
        %sign3A_697 = arith.constant 0 : i32
        %sign3A_698 = arith.cmpi slt, %add3A_306, %sign3A_697 : i32
        %sign3A_699 = arith.extui %sign3A_698 : i1 to i32
        %sign3A_700 = arith.subi %sign3A_696, %sign3A_699 : i32
        %sign3A_701 = arith.constant 0 : i32
        %sign3A_702 = arith.cmpi sgt, %jit3A_692, %sign3A_701 : i32
        %sign3A_703 = arith.extui %sign3A_702 : i1 to i32
        %sign3A_704 = arith.constant 0 : i32
        %sign3A_705 = arith.cmpi slt, %jit3A_692, %sign3A_704 : i32
        %sign3A_706 = arith.extui %sign3A_705 : i1 to i32
        %sign3A_707 = arith.subi %sign3A_703, %sign3A_706 : i32
        %ne3A_708 = arith.cmpi ne, %sign3A_700, %sign3A_707 : i32
        %rem3A_709 = arith.remsi %add3A_306, %jit3A_692 : i32
        %ne3A_710 = arith.constant 0 : i32
        %ne3A_711 = arith.cmpi ne, %rem3A_709, %ne3A_710 : i32
        %and3A_712 = arith.andi %ne3A_708, %ne3A_711 : i1
        %sub3A_713 = arith.constant 1 : i32
        %sub3A_714 = arith.subi %div3A_693, %sub3A_713 : i32
        %select_n3A_715 = arith.select %and3A_712, %sub3A_714, %div3A_693 : i32
        %jit3A_716 = arith.constant 128 : i32
        %div3A_717 = arith.divsi %add3A_309, %jit3A_716 : i32
        %sign3A_718 = arith.constant 0 : i32
        %sign3A_719 = arith.cmpi sgt, %add3A_309, %sign3A_718 : i32
        %sign3A_720 = arith.extui %sign3A_719 : i1 to i32
        %sign3A_721 = arith.constant 0 : i32
        %sign3A_722 = arith.cmpi slt, %add3A_309, %sign3A_721 : i32
        %sign3A_723 = arith.extui %sign3A_722 : i1 to i32
        %sign3A_724 = arith.subi %sign3A_720, %sign3A_723 : i32
        %sign3A_725 = arith.constant 0 : i32
        %sign3A_726 = arith.cmpi sgt, %jit3A_716, %sign3A_725 : i32
        %sign3A_727 = arith.extui %sign3A_726 : i1 to i32
        %sign3A_728 = arith.constant 0 : i32
        %sign3A_729 = arith.cmpi slt, %jit3A_716, %sign3A_728 : i32
        %sign3A_730 = arith.extui %sign3A_729 : i1 to i32
        %sign3A_731 = arith.subi %sign3A_727, %sign3A_730 : i32
        %ne3A_732 = arith.cmpi ne, %sign3A_724, %sign3A_731 : i32
        %rem3A_733 = arith.remsi %add3A_309, %jit3A_716 : i32
        %ne3A_734 = arith.constant 0 : i32
        %ne3A_735 = arith.cmpi ne, %rem3A_733, %ne3A_734 : i32
        %and3A_736 = arith.andi %ne3A_732, %ne3A_735 : i1
        %sub3A_737 = arith.constant 1 : i32
        %sub3A_738 = arith.subi %div3A_717, %sub3A_737 : i32
        %select_n3A_739 = arith.select %and3A_736, %sub3A_738, %div3A_717 : i32
        %jit3A_740 = arith.constant 128 : i32
        %div3A_741 = arith.divsi %add3A_312, %jit3A_740 : i32
        %sign3A_742 = arith.constant 0 : i32
        %sign3A_743 = arith.cmpi sgt, %add3A_312, %sign3A_742 : i32
        %sign3A_744 = arith.extui %sign3A_743 : i1 to i32
        %sign3A_745 = arith.constant 0 : i32
        %sign3A_746 = arith.cmpi slt, %add3A_312, %sign3A_745 : i32
        %sign3A_747 = arith.extui %sign3A_746 : i1 to i32
        %sign3A_748 = arith.subi %sign3A_744, %sign3A_747 : i32
        %sign3A_749 = arith.constant 0 : i32
        %sign3A_750 = arith.cmpi sgt, %jit3A_740, %sign3A_749 : i32
        %sign3A_751 = arith.extui %sign3A_750 : i1 to i32
        %sign3A_752 = arith.constant 0 : i32
        %sign3A_753 = arith.cmpi slt, %jit3A_740, %sign3A_752 : i32
        %sign3A_754 = arith.extui %sign3A_753 : i1 to i32
        %sign3A_755 = arith.subi %sign3A_751, %sign3A_754 : i32
        %ne3A_756 = arith.cmpi ne, %sign3A_748, %sign3A_755 : i32
        %rem3A_757 = arith.remsi %add3A_312, %jit3A_740 : i32
        %ne3A_758 = arith.constant 0 : i32
        %ne3A_759 = arith.cmpi ne, %rem3A_757, %ne3A_758 : i32
        %and3A_760 = arith.andi %ne3A_756, %ne3A_759 : i1
        %sub3A_761 = arith.constant 1 : i32
        %sub3A_762 = arith.subi %div3A_741, %sub3A_761 : i32
        %select_n3A_763 = arith.select %and3A_760, %sub3A_762, %div3A_741 : i32
        %jit3A_764 = arith.constant 128 : i32
        %div3A_765 = arith.divsi %add3A_315, %jit3A_764 : i32
        %sign3A_766 = arith.constant 0 : i32
        %sign3A_767 = arith.cmpi sgt, %add3A_315, %sign3A_766 : i32
        %sign3A_768 = arith.extui %sign3A_767 : i1 to i32
        %sign3A_769 = arith.constant 0 : i32
        %sign3A_770 = arith.cmpi slt, %add3A_315, %sign3A_769 : i32
        %sign3A_771 = arith.extui %sign3A_770 : i1 to i32
        %sign3A_772 = arith.subi %sign3A_768, %sign3A_771 : i32
        %sign3A_773 = arith.constant 0 : i32
        %sign3A_774 = arith.cmpi sgt, %jit3A_764, %sign3A_773 : i32
        %sign3A_775 = arith.extui %sign3A_774 : i1 to i32
        %sign3A_776 = arith.constant 0 : i32
        %sign3A_777 = arith.cmpi slt, %jit3A_764, %sign3A_776 : i32
        %sign3A_778 = arith.extui %sign3A_777 : i1 to i32
        %sign3A_779 = arith.subi %sign3A_775, %sign3A_778 : i32
        %ne3A_780 = arith.cmpi ne, %sign3A_772, %sign3A_779 : i32
        %rem3A_781 = arith.remsi %add3A_315, %jit3A_764 : i32
        %ne3A_782 = arith.constant 0 : i32
        %ne3A_783 = arith.cmpi ne, %rem3A_781, %ne3A_782 : i32
        %and3A_784 = arith.andi %ne3A_780, %ne3A_783 : i1
        %sub3A_785 = arith.constant 1 : i32
        %sub3A_786 = arith.subi %div3A_765, %sub3A_785 : i32
        %select_n3A_787 = arith.select %and3A_784, %sub3A_786, %div3A_765 : i32
        %jit3A_788 = arith.constant 128 : i32
        %div3A_789 = arith.divsi %add3A_318, %jit3A_788 : i32
        %sign3A_790 = arith.constant 0 : i32
        %sign3A_791 = arith.cmpi sgt, %add3A_318, %sign3A_790 : i32
        %sign3A_792 = arith.extui %sign3A_791 : i1 to i32
        %sign3A_793 = arith.constant 0 : i32
        %sign3A_794 = arith.cmpi slt, %add3A_318, %sign3A_793 : i32
        %sign3A_795 = arith.extui %sign3A_794 : i1 to i32
        %sign3A_796 = arith.subi %sign3A_792, %sign3A_795 : i32
        %sign3A_797 = arith.constant 0 : i32
        %sign3A_798 = arith.cmpi sgt, %jit3A_788, %sign3A_797 : i32
        %sign3A_799 = arith.extui %sign3A_798 : i1 to i32
        %sign3A_800 = arith.constant 0 : i32
        %sign3A_801 = arith.cmpi slt, %jit3A_788, %sign3A_800 : i32
        %sign3A_802 = arith.extui %sign3A_801 : i1 to i32
        %sign3A_803 = arith.subi %sign3A_799, %sign3A_802 : i32
        %ne3A_804 = arith.cmpi ne, %sign3A_796, %sign3A_803 : i32
        %rem3A_805 = arith.remsi %add3A_318, %jit3A_788 : i32
        %ne3A_806 = arith.constant 0 : i32
        %ne3A_807 = arith.cmpi ne, %rem3A_805, %ne3A_806 : i32
        %and3A_808 = arith.andi %ne3A_804, %ne3A_807 : i1
        %sub3A_809 = arith.constant 1 : i32
        %sub3A_810 = arith.subi %div3A_789, %sub3A_809 : i32
        %select_n3A_811 = arith.select %and3A_808, %sub3A_810, %div3A_789 : i32
        %add3A_812 = arith.constant 0 : i32
        %add3A_813 = vector.broadcast %add3A_812 : i32 to vector<16xi32>
        %add3A_814 = arith.addi %add3A_813, %iota3A : vector<16xi32>
        %broadcast_in_dim3A_815 = arith.constant 0 : i32
        %broadcast_in_dim3A_816 = vector.broadcast %broadcast_in_dim3A_815 : i32 to vector<16xi32>
        %ge3A = vector.broadcast %select_n3A_643 : i32 to vector<16xi32>
        %ge3A_817 = arith.cmpi sge, %add3A_814, %ge3A : vector<16xi32>
        %add3A_818 = arith.addi %select_n3A_643, %select_n3A : i32
        %lt3A_819 = vector.broadcast %add3A_818 : i32 to vector<16xi32>
        %lt3A_820 = arith.cmpi slt, %add3A_814, %lt3A_819 : vector<16xi32>
        %and3A_821 = arith.andi %ge3A_817, %lt3A_820 : vector<16xi1>
        %convert_element_type3A_822 = arith.extui %and3A_821 : vector<16xi1> to vector<16xi32>
        %mul3A_823 = arith.constant 0 : i32
        %mul3A_824 = vector.broadcast %mul3A_823 : i32 to vector<16xi32>
        %mul3A_825 = arith.muli %mul3A_824, %convert_element_type3A_822 : vector<16xi32>
        %add3A_826 = arith.addi %broadcast_in_dim3A_816, %mul3A_825 : vector<16xi32>
        %ge3A_827 = vector.broadcast %select_n3A_667 : i32 to vector<16xi32>
        %ge3A_828 = arith.cmpi sge, %add3A_814, %ge3A_827 : vector<16xi32>
        %add3A_829 = arith.addi %select_n3A_667, %select_n3A_141 : i32
        %lt3A_830 = vector.broadcast %add3A_829 : i32 to vector<16xi32>
        %lt3A_831 = arith.cmpi slt, %add3A_814, %lt3A_830 : vector<16xi32>
        %and3A_832 = arith.andi %ge3A_828, %lt3A_831 : vector<16xi1>
        %convert_element_type3A_833 = arith.extui %and3A_832 : vector<16xi1> to vector<16xi32>
        %mul3A_834 = arith.constant 1 : i32
        %mul3A_835 = vector.broadcast %mul3A_834 : i32 to vector<16xi32>
        %mul3A_836 = arith.muli %mul3A_835, %convert_element_type3A_833 : vector<16xi32>
        %add3A_837 = arith.addi %add3A_826, %mul3A_836 : vector<16xi32>
        %ge3A_838 = vector.broadcast %select_n3A_691 : i32 to vector<16xi32>
        %ge3A_839 = arith.cmpi sge, %add3A_814, %ge3A_838 : vector<16xi32>
        %add3A_840 = arith.addi %select_n3A_691, %select_n3A_167 : i32
        %lt3A_841 = vector.broadcast %add3A_840 : i32 to vector<16xi32>
        %lt3A_842 = arith.cmpi slt, %add3A_814, %lt3A_841 : vector<16xi32>
        %and3A_843 = arith.andi %ge3A_839, %lt3A_842 : vector<16xi1>
        %convert_element_type3A_844 = arith.extui %and3A_843 : vector<16xi1> to vector<16xi32>
        %mul3A_845 = arith.constant 2 : i32
        %mul3A_846 = vector.broadcast %mul3A_845 : i32 to vector<16xi32>
        %mul3A_847 = arith.muli %mul3A_846, %convert_element_type3A_844 : vector<16xi32>
        %add3A_848 = arith.addi %add3A_837, %mul3A_847 : vector<16xi32>
        %ge3A_849 = vector.broadcast %select_n3A_715 : i32 to vector<16xi32>
        %ge3A_850 = arith.cmpi sge, %add3A_814, %ge3A_849 : vector<16xi32>
        %add3A_851 = arith.addi %select_n3A_715, %select_n3A_193 : i32
        %lt3A_852 = vector.broadcast %add3A_851 : i32 to vector<16xi32>
        %lt3A_853 = arith.cmpi slt, %add3A_814, %lt3A_852 : vector<16xi32>
        %and3A_854 = arith.andi %ge3A_850, %lt3A_853 : vector<16xi1>
        %convert_element_type3A_855 = arith.extui %and3A_854 : vector<16xi1> to vector<16xi32>
        %mul3A_856 = arith.constant 3 : i32
        %mul3A_857 = vector.broadcast %mul3A_856 : i32 to vector<16xi32>
        %mul3A_858 = arith.muli %mul3A_857, %convert_element_type3A_855 : vector<16xi32>
        %add3A_859 = arith.addi %add3A_848, %mul3A_858 : vector<16xi32>
        %ge3A_860 = vector.broadcast %select_n3A_739 : i32 to vector<16xi32>
        %ge3A_861 = arith.cmpi sge, %add3A_814, %ge3A_860 : vector<16xi32>
        %add3A_862 = arith.addi %select_n3A_739, %select_n3A_219 : i32
        %lt3A_863 = vector.broadcast %add3A_862 : i32 to vector<16xi32>
        %lt3A_864 = arith.cmpi slt, %add3A_814, %lt3A_863 : vector<16xi32>
        %and3A_865 = arith.andi %ge3A_861, %lt3A_864 : vector<16xi1>
        %convert_element_type3A_866 = arith.extui %and3A_865 : vector<16xi1> to vector<16xi32>
        %mul3A_867 = arith.constant 4 : i32
        %mul3A_868 = vector.broadcast %mul3A_867 : i32 to vector<16xi32>
        %mul3A_869 = arith.muli %mul3A_868, %convert_element_type3A_866 : vector<16xi32>
        %add3A_870 = arith.addi %add3A_859, %mul3A_869 : vector<16xi32>
        %ge3A_871 = vector.broadcast %select_n3A_763 : i32 to vector<16xi32>
        %ge3A_872 = arith.cmpi sge, %add3A_814, %ge3A_871 : vector<16xi32>
        %add3A_873 = arith.addi %select_n3A_763, %select_n3A_245 : i32
        %lt3A_874 = vector.broadcast %add3A_873 : i32 to vector<16xi32>
        %lt3A_875 = arith.cmpi slt, %add3A_814, %lt3A_874 : vector<16xi32>
        %and3A_876 = arith.andi %ge3A_872, %lt3A_875 : vector<16xi1>
        %convert_element_type3A_877 = arith.extui %and3A_876 : vector<16xi1> to vector<16xi32>
        %mul3A_878 = arith.constant 5 : i32
        %mul3A_879 = vector.broadcast %mul3A_878 : i32 to vector<16xi32>
        %mul3A_880 = arith.muli %mul3A_879, %convert_element_type3A_877 : vector<16xi32>
        %add3A_881 = arith.addi %add3A_870, %mul3A_880 : vector<16xi32>
        %ge3A_882 = vector.broadcast %select_n3A_787 : i32 to vector<16xi32>
        %ge3A_883 = arith.cmpi sge, %add3A_814, %ge3A_882 : vector<16xi32>
        %add3A_884 = arith.addi %select_n3A_787, %select_n3A_271 : i32
        %lt3A_885 = vector.broadcast %add3A_884 : i32 to vector<16xi32>
        %lt3A_886 = arith.cmpi slt, %add3A_814, %lt3A_885 : vector<16xi32>
        %and3A_887 = arith.andi %ge3A_883, %lt3A_886 : vector<16xi1>
        %convert_element_type3A_888 = arith.extui %and3A_887 : vector<16xi1> to vector<16xi32>
        %mul3A_889 = arith.constant 6 : i32
        %mul3A_890 = vector.broadcast %mul3A_889 : i32 to vector<16xi32>
        %mul3A_891 = arith.muli %mul3A_890, %convert_element_type3A_888 : vector<16xi32>
        %add3A_892 = arith.addi %add3A_881, %mul3A_891 : vector<16xi32>
        %ge3A_893 = vector.broadcast %select_n3A_811 : i32 to vector<16xi32>
        %ge3A_894 = arith.cmpi sge, %add3A_814, %ge3A_893 : vector<16xi32>
        %add3A_895 = arith.addi %select_n3A_811, %select_n3A_297 : i32
        %lt3A_896 = vector.broadcast %add3A_895 : i32 to vector<16xi32>
        %lt3A_897 = arith.cmpi slt, %add3A_814, %lt3A_896 : vector<16xi32>
        %and3A_898 = arith.andi %ge3A_894, %lt3A_897 : vector<16xi1>
        %convert_element_type3A_899 = arith.extui %and3A_898 : vector<16xi1> to vector<16xi32>
        %mul3A_900 = arith.constant 7 : i32
        %mul3A_901 = vector.broadcast %mul3A_900 : i32 to vector<16xi32>
        %mul3A_902 = arith.muli %mul3A_901, %convert_element_type3A_899 : vector<16xi32>
        %add3A_903 = arith.addi %add3A_892, %mul3A_902 : vector<16xi32>
        %lt3A_904 = vector.broadcast %select_n3A_345 : i32 to vector<16xi32>
        %lt3A_905 = arith.cmpi slt, %add3A_814, %lt3A_904 : vector<16xi32>
        %jit3A_906 = arith.constant -1 : i32
        %broadcast_in_dim3A_907 = vector.broadcast %jit3A_906 : i32 to vector<16xi32>
        %select_n3A_908 = arith.select %lt3A_905, %add3A_903, %broadcast_in_dim3A_907 : vector<16xi1>, vector<16xi32>
        %swap3A_909 = arith.constant 0 : index
        %swap3A_910 = tpu.vector_load %arg12[%swap3A_909] {strides = array<i32>} : memref<48xi32, #tpu.memory_space<vmem>>, vector<16xi32>,
        tpu.vector_store %arg12[%swap3A_909], %select_n3A_908 {strides = array<i32>} : memref<48xi32, #tpu.memory_space<vmem>>, vector<16xi32>,
        %add3A_911 = arith.constant 16 : i32
        %add3A_912 = vector.broadcast %add3A_911 : i32 to vector<16xi32>
        %add3A_913 = arith.addi %add3A_912, %iota3A : vector<16xi32>
        %broadcast_in_dim3A_914 = arith.constant 0 : i32
        %broadcast_in_dim3A_915 = vector.broadcast %broadcast_in_dim3A_914 : i32 to vector<16xi32>
        %ge3A_916 = vector.broadcast %select_n3A_643 : i32 to vector<16xi32>
        %ge3A_917 = arith.cmpi sge, %add3A_913, %ge3A_916 : vector<16xi32>
        %add3A_918 = arith.addi %select_n3A_643, %select_n3A : i32
        %lt3A_919 = vector.broadcast %add3A_918 : i32 to vector<16xi32>
        %lt3A_920 = arith.cmpi slt, %add3A_913, %lt3A_919 : vector<16xi32>
        %and3A_921 = arith.andi %ge3A_917, %lt3A_920 : vector<16xi1>
        %convert_element_type3A_922 = arith.extui %and3A_921 : vector<16xi1> to vector<16xi32>
        %mul3A_923 = arith.constant 0 : i32
        %mul3A_924 = vector.broadcast %mul3A_923 : i32 to vector<16xi32>
        %mul3A_925 = arith.muli %mul3A_924, %convert_element_type3A_922 : vector<16xi32>
        %add3A_926 = arith.addi %broadcast_in_dim3A_915, %mul3A_925 : vector<16xi32>
        %ge3A_927 = vector.broadcast %select_n3A_667 : i32 to vector<16xi32>
        %ge3A_928 = arith.cmpi sge, %add3A_913, %ge3A_927 : vector<16xi32>
        %add3A_929 = arith.addi %select_n3A_667, %select_n3A_141 : i32
        %lt3A_930 = vector.broadcast %add3A_929 : i32 to vector<16xi32>
        %lt3A_931 = arith.cmpi slt, %add3A_913, %lt3A_930 : vector<16xi32>
        %and3A_932 = arith.andi %ge3A_928, %lt3A_931 : vector<16xi1>
        %convert_element_type3A_933 = arith.extui %and3A_932 : vector<16xi1> to vector<16xi32>
        %mul3A_934 = arith.constant 1 : i32
        %mul3A_935 = vector.broadcast %mul3A_934 : i32 to vector<16xi32>
        %mul3A_936 = arith.muli %mul3A_935, %convert_element_type3A_933 : vector<16xi32>
        %add3A_937 = arith.addi %add3A_926, %mul3A_936 : vector<16xi32>
        %ge3A_938 = vector.broadcast %select_n3A_691 : i32 to vector<16xi32>
        %ge3A_939 = arith.cmpi sge, %add3A_913, %ge3A_938 : vector<16xi32>
        %add3A_940 = arith.addi %select_n3A_691, %select_n3A_167 : i32
        %lt3A_941 = vector.broadcast %add3A_940 : i32 to vector<16xi32>
        %lt3A_942 = arith.cmpi slt, %add3A_913, %lt3A_941 : vector<16xi32>
        %and3A_943 = arith.andi %ge3A_939, %lt3A_942 : vector<16xi1>
        %convert_element_type3A_944 = arith.extui %and3A_943 : vector<16xi1> to vector<16xi32>
        %mul3A_945 = arith.constant 2 : i32
        %mul3A_946 = vector.broadcast %mul3A_945 : i32 to vector<16xi32>
        %mul3A_947 = arith.muli %mul3A_946, %convert_element_type3A_944 : vector<16xi32>
        %add3A_948 = arith.addi %add3A_937, %mul3A_947 : vector<16xi32>
        %ge3A_949 = vector.broadcast %select_n3A_715 : i32 to vector<16xi32>
        %ge3A_950 = arith.cmpi sge, %add3A_913, %ge3A_949 : vector<16xi32>
        %add3A_951 = arith.addi %select_n3A_715, %select_n3A_193 : i32
        %lt3A_952 = vector.broadcast %add3A_951 : i32 to vector<16xi32>
        %lt3A_953 = arith.cmpi slt, %add3A_913, %lt3A_952 : vector<16xi32>
        %and3A_954 = arith.andi %ge3A_950, %lt3A_953 : vector<16xi1>
        %convert_element_type3A_955 = arith.extui %and3A_954 : vector<16xi1> to vector<16xi32>
        %mul3A_956 = arith.constant 3 : i32
        %mul3A_957 = vector.broadcast %mul3A_956 : i32 to vector<16xi32>
        %mul3A_958 = arith.muli %mul3A_957, %convert_element_type3A_955 : vector<16xi32>
        %add3A_959 = arith.addi %add3A_948, %mul3A_958 : vector<16xi32>
        %ge3A_960 = vector.broadcast %select_n3A_739 : i32 to vector<16xi32>
        %ge3A_961 = arith.cmpi sge, %add3A_913, %ge3A_960 : vector<16xi32>
        %add3A_962 = arith.addi %select_n3A_739, %select_n3A_219 : i32
        %lt3A_963 = vector.broadcast %add3A_962 : i32 to vector<16xi32>
        %lt3A_964 = arith.cmpi slt, %add3A_913, %lt3A_963 : vector<16xi32>
        %and3A_965 = arith.andi %ge3A_961, %lt3A_964 : vector<16xi1>
        %convert_element_type3A_966 = arith.extui %and3A_965 : vector<16xi1> to vector<16xi32>
        %mul3A_967 = arith.constant 4 : i32
        %mul3A_968 = vector.broadcast %mul3A_967 : i32 to vector<16xi32>
        %mul3A_969 = arith.muli %mul3A_968, %convert_element_type3A_966 : vector<16xi32>
        %add3A_970 = arith.addi %add3A_959, %mul3A_969 : vector<16xi32>
        %ge3A_971 = vector.broadcast %select_n3A_763 : i32 to vector<16xi32>
        %ge3A_972 = arith.cmpi sge, %add3A_913, %ge3A_971 : vector<16xi32>
        %add3A_973 = arith.addi %select_n3A_763, %select_n3A_245 : i32
        %lt3A_974 = vector.broadcast %add3A_973 : i32 to vector<16xi32>
        %lt3A_975 = arith.cmpi slt, %add3A_913, %lt3A_974 : vector<16xi32>
        %and3A_976 = arith.andi %ge3A_972, %lt3A_975 : vector<16xi1>
        %convert_element_type3A_977 = arith.extui %and3A_976 : vector<16xi1> to vector<16xi32>
        %mul3A_978 = arith.constant 5 : i32
        %mul3A_979 = vector.broadcast %mul3A_978 : i32 to vector<16xi32>
        %mul3A_980 = arith.muli %mul3A_979, %convert_element_type3A_977 : vector<16xi32>
        %add3A_981 = arith.addi %add3A_970, %mul3A_980 : vector<16xi32>
        %ge3A_982 = vector.broadcast %select_n3A_787 : i32 to vector<16xi32>
        %ge3A_983 = arith.cmpi sge, %add3A_913, %ge3A_982 : vector<16xi32>
        %add3A_984 = arith.addi %select_n3A_787, %select_n3A_271 : i32
        %lt3A_985 = vector.broadcast %add3A_984 : i32 to vector<16xi32>
        %lt3A_986 = arith.cmpi slt, %add3A_913, %lt3A_985 : vector<16xi32>
        %and3A_987 = arith.andi %ge3A_983, %lt3A_986 : vector<16xi1>
        %convert_element_type3A_988 = arith.extui %and3A_987 : vector<16xi1> to vector<16xi32>
        %mul3A_989 = arith.constant 6 : i32
        %mul3A_990 = vector.broadcast %mul3A_989 : i32 to vector<16xi32>
        %mul3A_991 = arith.muli %mul3A_990, %convert_element_type3A_988 : vector<16xi32>
        %add3A_992 = arith.addi %add3A_981, %mul3A_991 : vector<16xi32>
        %ge3A_993 = vector.broadcast %select_n3A_811 : i32 to vector<16xi32>
        %ge3A_994 = arith.cmpi sge, %add3A_913, %ge3A_993 : vector<16xi32>
        %add3A_995 = arith.addi %select_n3A_811, %select_n3A_297 : i32
        %lt3A_996 = vector.broadcast %add3A_995 : i32 to vector<16xi32>
        %lt3A_997 = arith.cmpi slt, %add3A_913, %lt3A_996 : vector<16xi32>
        %and3A_998 = arith.andi %ge3A_994, %lt3A_997 : vector<16xi1>
        %convert_element_type3A_999 = arith.extui %and3A_998 : vector<16xi1> to vector<16xi32>
        %mul3A_1000 = arith.constant 7 : i32
        %mul3A_1001 = vector.broadcast %mul3A_1000 : i32 to vector<16xi32>
        %mul3A_1002 = arith.muli %mul3A_1001, %convert_element_type3A_999 : vector<16xi32>
        %add3A_1003 = arith.addi %add3A_992, %mul3A_1002 : vector<16xi32>
        %lt3A_1004 = vector.broadcast %select_n3A_345 : i32 to vector<16xi32>
        %lt3A_1005 = arith.cmpi slt, %add3A_913, %lt3A_1004 : vector<16xi32>
        %jit3A_1006 = arith.constant -1 : i32
        %broadcast_in_dim3A_1007 = vector.broadcast %jit3A_1006 : i32 to vector<16xi32>
        %select_n3A_1008 = arith.select %lt3A_1005, %add3A_1003, %broadcast_in_dim3A_1007 : vector<16xi1>, vector<16xi32>
        %swap3A_1009 = arith.constant 16 : index
        %swap3A_1010 = tpu.vector_load %arg12[%swap3A_1009] {strides = array<i32>} : memref<48xi32, #tpu.memory_space<vmem>>, vector<16xi32>,
        tpu.vector_store %arg12[%swap3A_1009], %select_n3A_1008 {strides = array<i32>} : memref<48xi32, #tpu.memory_space<vmem>>, vector<16xi32>,
        %add3A_1011 = arith.constant 32 : i32
        %add3A_1012 = vector.broadcast %add3A_1011 : i32 to vector<16xi32>
        %add3A_1013 = arith.addi %add3A_1012, %iota3A : vector<16xi32>
        %broadcast_in_dim3A_1014 = arith.constant 0 : i32
        %broadcast_in_dim3A_1015 = vector.broadcast %broadcast_in_dim3A_1014 : i32 to vector<16xi32>
        %ge3A_1016 = vector.broadcast %select_n3A_643 : i32 to vector<16xi32>
        %ge3A_1017 = arith.cmpi sge, %add3A_1013, %ge3A_1016 : vector<16xi32>
        %add3A_1018 = arith.addi %select_n3A_643, %select_n3A : i32
        %lt3A_1019 = vector.broadcast %add3A_1018 : i32 to vector<16xi32>
        %lt3A_1020 = arith.cmpi slt, %add3A_1013, %lt3A_1019 : vector<16xi32>
        %and3A_1021 = arith.andi %ge3A_1017, %lt3A_1020 : vector<16xi1>
        %convert_element_type3A_1022 = arith.extui %and3A_1021 : vector<16xi1> to vector<16xi32>
        %mul3A_1023 = arith.constant 0 : i32
        %mul3A_1024 = vector.broadcast %mul3A_1023 : i32 to vector<16xi32>
        %mul3A_1025 = arith.muli %mul3A_1024, %convert_element_type3A_1022 : vector<16xi32>
        %add3A_1026 = arith.addi %broadcast_in_dim3A_1015, %mul3A_1025 : vector<16xi32>
        %ge3A_1027 = vector.broadcast %select_n3A_667 : i32 to vector<16xi32>
        %ge3A_1028 = arith.cmpi sge, %add3A_1013, %ge3A_1027 : vector<16xi32>
        %add3A_1029 = arith.addi %select_n3A_667, %select_n3A_141 : i32
        %lt3A_1030 = vector.broadcast %add3A_1029 : i32 to vector<16xi32>
        %lt3A_1031 = arith.cmpi slt, %add3A_1013, %lt3A_1030 : vector<16xi32>
        %and3A_1032 = arith.andi %ge3A_1028, %lt3A_1031 : vector<16xi1>
        %convert_element_type3A_1033 = arith.extui %and3A_1032 : vector<16xi1> to vector<16xi32>
        %mul3A_1034 = arith.constant 1 : i32
        %mul3A_1035 = vector.broadcast %mul3A_1034 : i32 to vector<16xi32>
        %mul3A_1036 = arith.muli %mul3A_1035, %convert_element_type3A_1033 : vector<16xi32>
        %add3A_1037 = arith.addi %add3A_1026, %mul3A_1036 : vector<16xi32>
        %ge3A_1038 = vector.broadcast %select_n3A_691 : i32 to vector<16xi32>
        %ge3A_1039 = arith.cmpi sge, %add3A_1013, %ge3A_1038 : vector<16xi32>
        %add3A_1040 = arith.addi %select_n3A_691, %select_n3A_167 : i32
        %lt3A_1041 = vector.broadcast %add3A_1040 : i32 to vector<16xi32>
        %lt3A_1042 = arith.cmpi slt, %add3A_1013, %lt3A_1041 : vector<16xi32>
        %and3A_1043 = arith.andi %ge3A_1039, %lt3A_1042 : vector<16xi1>
        %convert_element_type3A_1044 = arith.extui %and3A_1043 : vector<16xi1> to vector<16xi32>
        %mul3A_1045 = arith.constant 2 : i32
        %mul3A_1046 = vector.broadcast %mul3A_1045 : i32 to vector<16xi32>
        %mul3A_1047 = arith.muli %mul3A_1046, %convert_element_type3A_1044 : vector<16xi32>
        %add3A_1048 = arith.addi %add3A_1037, %mul3A_1047 : vector<16xi32>
        %ge3A_1049 = vector.broadcast %select_n3A_715 : i32 to vector<16xi32>
        %ge3A_1050 = arith.cmpi sge, %add3A_1013, %ge3A_1049 : vector<16xi32>
        %add3A_1051 = arith.addi %select_n3A_715, %select_n3A_193 : i32
        %lt3A_1052 = vector.broadcast %add3A_1051 : i32 to vector<16xi32>
        %lt3A_1053 = arith.cmpi slt, %add3A_1013, %lt3A_1052 : vector<16xi32>
        %and3A_1054 = arith.andi %ge3A_1050, %lt3A_1053 : vector<16xi1>
        %convert_element_type3A_1055 = arith.extui %and3A_1054 : vector<16xi1> to vector<16xi32>
        %mul3A_1056 = arith.constant 3 : i32
        %mul3A_1057 = vector.broadcast %mul3A_1056 : i32 to vector<16xi32>
        %mul3A_1058 = arith.muli %mul3A_1057, %convert_element_type3A_1055 : vector<16xi32>
        %add3A_1059 = arith.addi %add3A_1048, %mul3A_1058 : vector<16xi32>
        %ge3A_1060 = vector.broadcast %select_n3A_739 : i32 to vector<16xi32>
        %ge3A_1061 = arith.cmpi sge, %add3A_1013, %ge3A_1060 : vector<16xi32>
        %add3A_1062 = arith.addi %select_n3A_739, %select_n3A_219 : i32
        %lt3A_1063 = vector.broadcast %add3A_1062 : i32 to vector<16xi32>
        %lt3A_1064 = arith.cmpi slt, %add3A_1013, %lt3A_1063 : vector<16xi32>
        %and3A_1065 = arith.andi %ge3A_1061, %lt3A_1064 : vector<16xi1>
        %convert_element_type3A_1066 = arith.extui %and3A_1065 : vector<16xi1> to vector<16xi32>
        %mul3A_1067 = arith.constant 4 : i32
        %mul3A_1068 = vector.broadcast %mul3A_1067 : i32 to vector<16xi32>
        %mul3A_1069 = arith.muli %mul3A_1068, %convert_element_type3A_1066 : vector<16xi32>
        %add3A_1070 = arith.addi %add3A_1059, %mul3A_1069 : vector<16xi32>
        %ge3A_1071 = vector.broadcast %select_n3A_763 : i32 to vector<16xi32>
        %ge3A_1072 = arith.cmpi sge, %add3A_1013, %ge3A_1071 : vector<16xi32>
        %add3A_1073 = arith.addi %select_n3A_763, %select_n3A_245 : i32
        %lt3A_1074 = vector.broadcast %add3A_1073 : i32 to vector<16xi32>
        %lt3A_1075 = arith.cmpi slt, %add3A_1013, %lt3A_1074 : vector<16xi32>
        %and3A_1076 = arith.andi %ge3A_1072, %lt3A_1075 : vector<16xi1>
        %convert_element_type3A_1077 = arith.extui %and3A_1076 : vector<16xi1> to vector<16xi32>
        %mul3A_1078 = arith.constant 5 : i32
        %mul3A_1079 = vector.broadcast %mul3A_1078 : i32 to vector<16xi32>
        %mul3A_1080 = arith.muli %mul3A_1079, %convert_element_type3A_1077 : vector<16xi32>
        %add3A_1081 = arith.addi %add3A_1070, %mul3A_1080 : vector<16xi32>
        %ge3A_1082 = vector.broadcast %select_n3A_787 : i32 to vector<16xi32>
        %ge3A_1083 = arith.cmpi sge, %add3A_1013, %ge3A_1082 : vector<16xi32>
        %add3A_1084 = arith.addi %select_n3A_787, %select_n3A_271 : i32
        %lt3A_1085 = vector.broadcast %add3A_1084 : i32 to vector<16xi32>
        %lt3A_1086 = arith.cmpi slt, %add3A_1013, %lt3A_1085 : vector<16xi32>
        %and3A_1087 = arith.andi %ge3A_1083, %lt3A_1086 : vector<16xi1>
        %convert_element_type3A_1088 = arith.extui %and3A_1087 : vector<16xi1> to vector<16xi32>
        %mul3A_1089 = arith.constant 6 : i32
        %mul3A_1090 = vector.broadcast %mul3A_1089 : i32 to vector<16xi32>
        %mul3A_1091 = arith.muli %mul3A_1090, %convert_element_type3A_1088 : vector<16xi32>
        %add3A_1092 = arith.addi %add3A_1081, %mul3A_1091 : vector<16xi32>
        %ge3A_1093 = vector.broadcast %select_n3A_811 : i32 to vector<16xi32>
        %ge3A_1094 = arith.cmpi sge, %add3A_1013, %ge3A_1093 : vector<16xi32>
        %add3A_1095 = arith.addi %select_n3A_811, %select_n3A_297 : i32
        %lt3A_1096 = vector.broadcast %add3A_1095 : i32 to vector<16xi32>
        %lt3A_1097 = arith.cmpi slt, %add3A_1013, %lt3A_1096 : vector<16xi32>
        %and3A_1098 = arith.andi %ge3A_1094, %lt3A_1097 : vector<16xi1>
        %convert_element_type3A_1099 = arith.extui %and3A_1098 : vector<16xi1> to vector<16xi32>
        %mul3A_1100 = arith.constant 7 : i32
        %mul3A_1101 = vector.broadcast %mul3A_1100 : i32 to vector<16xi32>
        %mul3A_1102 = arith.muli %mul3A_1101, %convert_element_type3A_1099 : vector<16xi32>
        %add3A_1103 = arith.addi %add3A_1092, %mul3A_1102 : vector<16xi32>
        %lt3A_1104 = vector.broadcast %select_n3A_345 : i32 to vector<16xi32>
        %lt3A_1105 = arith.cmpi slt, %add3A_1013, %lt3A_1104 : vector<16xi32>
        %jit3A_1106 = arith.constant -1 : i32
        %broadcast_in_dim3A_1107 = vector.broadcast %jit3A_1106 : i32 to vector<16xi32>
        %select_n3A_1108 = arith.select %lt3A_1105, %add3A_1103, %broadcast_in_dim3A_1107 : vector<16xi1>, vector<16xi32>
        %swap3A_1109 = arith.constant 32 : index
        %swap3A_1110 = tpu.vector_load %arg12[%swap3A_1109] {strides = array<i32>} : memref<48xi32, #tpu.memory_space<vmem>>, vector<16xi32>,
        tpu.vector_store %arg12[%swap3A_1109], %select_n3A_1108 {strides = array<i32>} : memref<48xi32, #tpu.memory_space<vmem>>, vector<16xi32>,
        "tpu.region"() ({
          %run_scoped3A = tpu.sem_alloc : memref<!tpu.dma_semaphore, #tpu.memory_space<semaphore_mem>>
          tpu.enqueue_dma source(%arg12 : memref<48xi32, #tpu.memory_space<vmem>>) target(%arg4 : memref<48xi32, #tpu.memory_space<hbm>>) target_semaphore(%run_scoped3A : memref<!tpu.dma_semaphore, #tpu.memory_space<semaphore_mem>>)
          tpu.wait_dma2 semaphore(%run_scoped3A : memref<!tpu.dma_semaphore, #tpu.memory_space<semaphore_mem>>) src(%arg12 : memref<48xi32, #tpu.memory_space<vmem>>) dst(%arg4 : memref<48xi32, #tpu.memory_space<hbm>>)
          tpu.yield
        }) : () -> ()
      } else {
      }
    } else {
    }
    %barrier3A = arith.constant 0 : index
    tpu.barrier barrier_id(%barrier3A)
    %eq3A_4 = arith.constant 0 : i32
    %eq3A_5 = arith.cmpi eq, %arg0, %eq3A_4 : i32
    %convert_element_type3A_6 = arith.extui %eq3A_5 : i1 to i32
    %cond3A_7 = arith.constant 0 : i32
    %cond3A_8 = arith.cmpi ne, %convert_element_type3A_6, %cond3A_7 : i32
    scf.if %cond3A_8 {
      %mul3A = arith.constant 256 : i32
      %mul3A_9 = arith.muli %arg1, %mul3A : i32
      %run_scoped3A = arith.constant 0 : i32
      %run_scoped3A_10 = arith.constant 0 : i32
      "tpu.region"() ({
        %run_scoped3A_47 = tpu.sem_alloc : memref<!tpu.dma_semaphore, #tpu.memory_space<semaphore_mem>>
        %dma_start3A = arith.constant 0 : i32
        %dma_start3A_48 = tpu.memref_slice %arg9[%run_scoped3A_10, %dma_start3A] : memref<8x256xi32, #tpu.memory_space<vmem>> -> memref<1x256xi32, #tpu.memory_space<vmem>>
        %dma_start3A_49 = tpu.memref_squeeze %dma_start3A_48 : memref<1x256xi32, #tpu.memory_space<vmem>> -> memref<256xi32, #tpu.memory_space<vmem>>
        %dma_start3A_50 = tpu.memref_slice %arg13[%run_scoped3A, %mul3A_9] : memref<8x4096xi32, #tpu.memory_space<vmem_shared>> -> memref<1x256xi32, #tpu.memory_space<vmem_shared>>
        %dma_start3A_51 = tpu.memref_squeeze %dma_start3A_50 : memref<1x256xi32, #tpu.memory_space<vmem_shared>> -> memref<256xi32, #tpu.memory_space<vmem_shared>>
        %dma_start3A_52 = arith.constant 0 : i32
        %dma_start3A_53 = tpu.memref_slice %arg9[%run_scoped3A_10, %dma_start3A_52] : memref<8x256xi32, #tpu.memory_space<vmem>> -> memref<1x256xi32, #tpu.memory_space<vmem>>
        %dma_start3A_54 = tpu.memref_squeeze %dma_start3A_53 : memref<1x256xi32, #tpu.memory_space<vmem>> -> memref<256xi32, #tpu.memory_space<vmem>>
        %dma_start3A_55 = tpu.memref_slice %arg13[%run_scoped3A, %mul3A_9] : memref<8x4096xi32, #tpu.memory_space<vmem_shared>> -> memref<1x256xi32, #tpu.memory_space<vmem_shared>>
        %dma_start3A_56 = tpu.memref_squeeze %dma_start3A_55 : memref<1x256xi32, #tpu.memory_space<vmem_shared>> -> memref<256xi32, #tpu.memory_space<vmem_shared>>
        tpu.enqueue_dma source(%dma_start3A_56 : memref<256xi32, #tpu.memory_space<vmem_shared>>) target(%dma_start3A_54 : memref<256xi32, #tpu.memory_space<vmem>>) target_semaphore(%run_scoped3A_47 : memref<!tpu.dma_semaphore, #tpu.memory_space<semaphore_mem>>)
        %dma_wait3A = arith.constant 0 : i32
        %dma_wait3A_57 = tpu.memref_slice %arg9[%run_scoped3A_10, %dma_wait3A] : memref<8x256xi32, #tpu.memory_space<vmem>> -> memref<1x256xi32, #tpu.memory_space<vmem>>
        %dma_wait3A_58 = tpu.memref_squeeze %dma_wait3A_57 : memref<1x256xi32, #tpu.memory_space<vmem>> -> memref<256xi32, #tpu.memory_space<vmem>>
        %dma_wait3A_59 = tpu.memref_slice %arg13[%run_scoped3A, %mul3A_9] : memref<8x4096xi32, #tpu.memory_space<vmem_shared>> -> memref<1x256xi32, #tpu.memory_space<vmem_shared>>
        %dma_wait3A_60 = tpu.memref_squeeze %dma_wait3A_59 : memref<1x256xi32, #tpu.memory_space<vmem_shared>> -> memref<256xi32, #tpu.memory_space<vmem_shared>>
        %dma_wait3A_61 = arith.constant 0 : i32
        %dma_wait3A_62 = tpu.memref_slice %arg9[%run_scoped3A_10, %dma_wait3A_61] : memref<8x256xi32, #tpu.memory_space<vmem>> -> memref<1x256xi32, #tpu.memory_space<vmem>>
        %dma_wait3A_63 = tpu.memref_squeeze %dma_wait3A_62 : memref<1x256xi32, #tpu.memory_space<vmem>> -> memref<256xi32, #tpu.memory_space<vmem>>
        %dma_wait3A_64 = tpu.memref_slice %arg13[%run_scoped3A, %mul3A_9] : memref<8x4096xi32, #tpu.memory_space<vmem_shared>> -> memref<1x256xi32, #tpu.memory_space<vmem_shared>>
        %dma_wait3A_65 = tpu.memref_squeeze %dma_wait3A_64 : memref<1x256xi32, #tpu.memory_space<vmem_shared>> -> memref<256xi32, #tpu.memory_space<vmem_shared>>
        tpu.wait_dma2 semaphore(%run_scoped3A_47 : memref<!tpu.dma_semaphore, #tpu.memory_space<semaphore_mem>>) src(%dma_wait3A_65 : memref<256xi32, #tpu.memory_space<vmem_shared>>) dst(%dma_wait3A_63 : memref<256xi32, #tpu.memory_space<vmem>>)
        tpu.yield
      }) : () -> ()
      %mul3A_11 = arith.constant 256 : i32
      %mul3A_12 = arith.muli %arg1, %mul3A_11 : i32
      %run_scoped3A_13 = arith.constant 1 : i32
      %run_scoped3A_14 = arith.constant 1 : i32
      "tpu.region"() ({
        %run_scoped3A_47 = tpu.sem_alloc : memref<!tpu.dma_semaphore, #tpu.memory_space<semaphore_mem>>
        %dma_start3A = arith.constant 0 : i32
        %dma_start3A_48 = tpu.memref_slice %arg9[%run_scoped3A_14, %dma_start3A] : memref<8x256xi32, #tpu.memory_space<vmem>> -> memref<1x256xi32, #tpu.memory_space<vmem>>
        %dma_start3A_49 = tpu.memref_squeeze %dma_start3A_48 : memref<1x256xi32, #tpu.memory_space<vmem>> -> memref<256xi32, #tpu.memory_space<vmem>>
        %dma_start3A_50 = tpu.memref_slice %arg13[%run_scoped3A_13, %mul3A_12] : memref<8x4096xi32, #tpu.memory_space<vmem_shared>> -> memref<1x256xi32, #tpu.memory_space<vmem_shared>>
        %dma_start3A_51 = tpu.memref_squeeze %dma_start3A_50 : memref<1x256xi32, #tpu.memory_space<vmem_shared>> -> memref<256xi32, #tpu.memory_space<vmem_shared>>
        %dma_start3A_52 = arith.constant 0 : i32
        %dma_start3A_53 = tpu.memref_slice %arg9[%run_scoped3A_14, %dma_start3A_52] : memref<8x256xi32, #tpu.memory_space<vmem>> -> memref<1x256xi32, #tpu.memory_space<vmem>>
        %dma_start3A_54 = tpu.memref_squeeze %dma_start3A_53 : memref<1x256xi32, #tpu.memory_space<vmem>> -> memref<256xi32, #tpu.memory_space<vmem>>
        %dma_start3A_55 = tpu.memref_slice %arg13[%run_scoped3A_13, %mul3A_12] : memref<8x4096xi32, #tpu.memory_space<vmem_shared>> -> memref<1x256xi32, #tpu.memory_space<vmem_shared>>
        %dma_start3A_56 = tpu.memref_squeeze %dma_start3A_55 : memref<1x256xi32, #tpu.memory_space<vmem_shared>> -> memref<256xi32, #tpu.memory_space<vmem_shared>>
        tpu.enqueue_dma source(%dma_start3A_56 : memref<256xi32, #tpu.memory_space<vmem_shared>>) target(%dma_start3A_54 : memref<256xi32, #tpu.memory_space<vmem>>) target_semaphore(%run_scoped3A_47 : memref<!tpu.dma_semaphore, #tpu.memory_space<semaphore_mem>>)
        %dma_wait3A = arith.constant 0 : i32
        %dma_wait3A_57 = tpu.memref_slice %arg9[%run_scoped3A_14, %dma_wait3A] : memref<8x256xi32, #tpu.memory_space<vmem>> -> memref<1x256xi32, #tpu.memory_space<vmem>>
        %dma_wait3A_58 = tpu.memref_squeeze %dma_wait3A_57 : memref<1x256xi32, #tpu.memory_space<vmem>> -> memref<256xi32, #tpu.memory_space<vmem>>
        %dma_wait3A_59 = tpu.memref_slice %arg13[%run_scoped3A_13, %mul3A_12] : memref<8x4096xi32, #tpu.memory_space<vmem_shared>> -> memref<1x256xi32, #tpu.memory_space<vmem_shared>>
        %dma_wait3A_60 = tpu.memref_squeeze %dma_wait3A_59 : memref<1x256xi32, #tpu.memory_space<vmem_shared>> -> memref<256xi32, #tpu.memory_space<vmem_shared>>
        %dma_wait3A_61 = arith.constant 0 : i32
        %dma_wait3A_62 = tpu.memref_slice %arg9[%run_scoped3A_14, %dma_wait3A_61] : memref<8x256xi32, #tpu.memory_space<vmem>> -> memref<1x256xi32, #tpu.memory_space<vmem>>
        %dma_wait3A_63 = tpu.memref_squeeze %dma_wait3A_62 : memref<1x256xi32, #tpu.memory_space<vmem>> -> memref<256xi32, #tpu.memory_space<vmem>>
        %dma_wait3A_64 = tpu.memref_slice %arg13[%run_scoped3A_13, %mul3A_12] : memref<8x4096xi32, #tpu.memory_space<vmem_shared>> -> memref<1x256xi32, #tpu.memory_space<vmem_shared>>
        %dma_wait3A_65 = tpu.memref_squeeze %dma_wait3A_64 : memref<1x256xi32, #tpu.memory_space<vmem_shared>> -> memref<256xi32, #tpu.memory_space<vmem_shared>>
        tpu.wait_dma2 semaphore(%run_scoped3A_47 : memref<!tpu.dma_semaphore, #tpu.memory_space<semaphore_mem>>) src(%dma_wait3A_65 : memref<256xi32, #tpu.memory_space<vmem_shared>>) dst(%dma_wait3A_63 : memref<256xi32, #tpu.memory_space<vmem>>)
        tpu.yield
      }) : () -> ()
      %mul3A_15 = arith.constant 256 : i32
      %mul3A_16 = arith.muli %arg1, %mul3A_15 : i32
      %run_scoped3A_17 = arith.constant 2 : i32
      %run_scoped3A_18 = arith.constant 2 : i32
      "tpu.region"() ({
        %run_scoped3A_47 = tpu.sem_alloc : memref<!tpu.dma_semaphore, #tpu.memory_space<semaphore_mem>>
        %dma_start3A = arith.constant 0 : i32
        %dma_start3A_48 = tpu.memref_slice %arg9[%run_scoped3A_18, %dma_start3A] : memref<8x256xi32, #tpu.memory_space<vmem>> -> memref<1x256xi32, #tpu.memory_space<vmem>>
        %dma_start3A_49 = tpu.memref_squeeze %dma_start3A_48 : memref<1x256xi32, #tpu.memory_space<vmem>> -> memref<256xi32, #tpu.memory_space<vmem>>
        %dma_start3A_50 = tpu.memref_slice %arg13[%run_scoped3A_17, %mul3A_16] : memref<8x4096xi32, #tpu.memory_space<vmem_shared>> -> memref<1x256xi32, #tpu.memory_space<vmem_shared>>
        %dma_start3A_51 = tpu.memref_squeeze %dma_start3A_50 : memref<1x256xi32, #tpu.memory_space<vmem_shared>> -> memref<256xi32, #tpu.memory_space<vmem_shared>>
        %dma_start3A_52 = arith.constant 0 : i32
        %dma_start3A_53 = tpu.memref_slice %arg9[%run_scoped3A_18, %dma_start3A_52] : memref<8x256xi32, #tpu.memory_space<vmem>> -> memref<1x256xi32, #tpu.memory_space<vmem>>
        %dma_start3A_54 = tpu.memref_squeeze %dma_start3A_53 : memref<1x256xi32, #tpu.memory_space<vmem>> -> memref<256xi32, #tpu.memory_space<vmem>>
        %dma_start3A_55 = tpu.memref_slice %arg13[%run_scoped3A_17, %mul3A_16] : memref<8x4096xi32, #tpu.memory_space<vmem_shared>> -> memref<1x256xi32, #tpu.memory_space<vmem_shared>>
        %dma_start3A_56 = tpu.memref_squeeze %dma_start3A_55 : memref<1x256xi32, #tpu.memory_space<vmem_shared>> -> memref<256xi32, #tpu.memory_space<vmem_shared>>
        tpu.enqueue_dma source(%dma_start3A_56 : memref<256xi32, #tpu.memory_space<vmem_shared>>) target(%dma_start3A_54 : memref<256xi32, #tpu.memory_space<vmem>>) target_semaphore(%run_scoped3A_47 : memref<!tpu.dma_semaphore, #tpu.memory_space<semaphore_mem>>)
        %dma_wait3A = arith.constant 0 : i32
        %dma_wait3A_57 = tpu.memref_slice %arg9[%run_scoped3A_18, %dma_wait3A] : memref<8x256xi32, #tpu.memory_space<vmem>> -> memref<1x256xi32, #tpu.memory_space<vmem>>
        %dma_wait3A_58 = tpu.memref_squeeze %dma_wait3A_57 : memref<1x256xi32, #tpu.memory_space<vmem>> -> memref<256xi32, #tpu.memory_space<vmem>>
        %dma_wait3A_59 = tpu.memref_slice %arg13[%run_scoped3A_17, %mul3A_16] : memref<8x4096xi32, #tpu.memory_space<vmem_shared>> -> memref<1x256xi32, #tpu.memory_space<vmem_shared>>
        %dma_wait3A_60 = tpu.memref_squeeze %dma_wait3A_59 : memref<1x256xi32, #tpu.memory_space<vmem_shared>> -> memref<256xi32, #tpu.memory_space<vmem_shared>>
        %dma_wait3A_61 = arith.constant 0 : i32
        %dma_wait3A_62 = tpu.memref_slice %arg9[%run_scoped3A_18, %dma_wait3A_61] : memref<8x256xi32, #tpu.memory_space<vmem>> -> memref<1x256xi32, #tpu.memory_space<vmem>>
        %dma_wait3A_63 = tpu.memref_squeeze %dma_wait3A_62 : memref<1x256xi32, #tpu.memory_space<vmem>> -> memref<256xi32, #tpu.memory_space<vmem>>
        %dma_wait3A_64 = tpu.memref_slice %arg13[%run_scoped3A_17, %mul3A_16] : memref<8x4096xi32, #tpu.memory_space<vmem_shared>> -> memref<1x256xi32, #tpu.memory_space<vmem_shared>>
        %dma_wait3A_65 = tpu.memref_squeeze %dma_wait3A_64 : memref<1x256xi32, #tpu.memory_space<vmem_shared>> -> memref<256xi32, #tpu.memory_space<vmem_shared>>
        tpu.wait_dma2 semaphore(%run_scoped3A_47 : memref<!tpu.dma_semaphore, #tpu.memory_space<semaphore_mem>>) src(%dma_wait3A_65 : memref<256xi32, #tpu.memory_space<vmem_shared>>) dst(%dma_wait3A_63 : memref<256xi32, #tpu.memory_space<vmem>>)
        tpu.yield
      }) : () -> ()
      %mul3A_19 = arith.constant 256 : i32
      %mul3A_20 = arith.muli %arg1, %mul3A_19 : i32
      %run_scoped3A_21 = arith.constant 3 : i32
      %run_scoped3A_22 = arith.constant 3 : i32
      "tpu.region"() ({
        %run_scoped3A_47 = tpu.sem_alloc : memref<!tpu.dma_semaphore, #tpu.memory_space<semaphore_mem>>
        %dma_start3A = arith.constant 0 : i32
        %dma_start3A_48 = tpu.memref_slice %arg9[%run_scoped3A_22, %dma_start3A] : memref<8x256xi32, #tpu.memory_space<vmem>> -> memref<1x256xi32, #tpu.memory_space<vmem>>
        %dma_start3A_49 = tpu.memref_squeeze %dma_start3A_48 : memref<1x256xi32, #tpu.memory_space<vmem>> -> memref<256xi32, #tpu.memory_space<vmem>>
        %dma_start3A_50 = tpu.memref_slice %arg13[%run_scoped3A_21, %mul3A_20] : memref<8x4096xi32, #tpu.memory_space<vmem_shared>> -> memref<1x256xi32, #tpu.memory_space<vmem_shared>>
        %dma_start3A_51 = tpu.memref_squeeze %dma_start3A_50 : memref<1x256xi32, #tpu.memory_space<vmem_shared>> -> memref<256xi32, #tpu.memory_space<vmem_shared>>
        %dma_start3A_52 = arith.constant 0 : i32
        %dma_start3A_53 = tpu.memref_slice %arg9[%run_scoped3A_22, %dma_start3A_52] : memref<8x256xi32, #tpu.memory_space<vmem>> -> memref<1x256xi32, #tpu.memory_space<vmem>>
        %dma_start3A_54 = tpu.memref_squeeze %dma_start3A_53 : memref<1x256xi32, #tpu.memory_space<vmem>> -> memref<256xi32, #tpu.memory_space<vmem>>
        %dma_start3A_55 = tpu.memref_slice %arg13[%run_scoped3A_21, %mul3A_20] : memref<8x4096xi32, #tpu.memory_space<vmem_shared>> -> memref<1x256xi32, #tpu.memory_space<vmem_shared>>
        %dma_start3A_56 = tpu.memref_squeeze %dma_start3A_55 : memref<1x256xi32, #tpu.memory_space<vmem_shared>> -> memref<256xi32, #tpu.memory_space<vmem_shared>>
        tpu.enqueue_dma source(%dma_start3A_56 : memref<256xi32, #tpu.memory_space<vmem_shared>>) target(%dma_start3A_54 : memref<256xi32, #tpu.memory_space<vmem>>) target_semaphore(%run_scoped3A_47 : memref<!tpu.dma_semaphore, #tpu.memory_space<semaphore_mem>>)
        %dma_wait3A = arith.constant 0 : i32
        %dma_wait3A_57 = tpu.memref_slice %arg9[%run_scoped3A_22, %dma_wait3A] : memref<8x256xi32, #tpu.memory_space<vmem>> -> memref<1x256xi32, #tpu.memory_space<vmem>>
        %dma_wait3A_58 = tpu.memref_squeeze %dma_wait3A_57 : memref<1x256xi32, #tpu.memory_space<vmem>> -> memref<256xi32, #tpu.memory_space<vmem>>
        %dma_wait3A_59 = tpu.memref_slice %arg13[%run_scoped3A_21, %mul3A_20] : memref<8x4096xi32, #tpu.memory_space<vmem_shared>> -> memref<1x256xi32, #tpu.memory_space<vmem_shared>>
        %dma_wait3A_60 = tpu.memref_squeeze %dma_wait3A_59 : memref<1x256xi32, #tpu.memory_space<vmem_shared>> -> memref<256xi32, #tpu.memory_space<vmem_shared>>
        %dma_wait3A_61 = arith.constant 0 : i32
        %dma_wait3A_62 = tpu.memref_slice %arg9[%run_scoped3A_22, %dma_wait3A_61] : memref<8x256xi32, #tpu.memory_space<vmem>> -> memref<1x256xi32, #tpu.memory_space<vmem>>
        %dma_wait3A_63 = tpu.memref_squeeze %dma_wait3A_62 : memref<1x256xi32, #tpu.memory_space<vmem>> -> memref<256xi32, #tpu.memory_space<vmem>>
        %dma_wait3A_64 = tpu.memref_slice %arg13[%run_scoped3A_21, %mul3A_20] : memref<8x4096xi32, #tpu.memory_space<vmem_shared>> -> memref<1x256xi32, #tpu.memory_space<vmem_shared>>
        %dma_wait3A_65 = tpu.memref_squeeze %dma_wait3A_64 : memref<1x256xi32, #tpu.memory_space<vmem_shared>> -> memref<256xi32, #tpu.memory_space<vmem_shared>>
        tpu.wait_dma2 semaphore(%run_scoped3A_47 : memref<!tpu.dma_semaphore, #tpu.memory_space<semaphore_mem>>) src(%dma_wait3A_65 : memref<256xi32, #tpu.memory_space<vmem_shared>>) dst(%dma_wait3A_63 : memref<256xi32, #tpu.memory_space<vmem>>)
        tpu.yield
      }) : () -> ()
      %mul3A_23 = arith.constant 256 : i32
      %mul3A_24 = arith.muli %arg1, %mul3A_23 : i32
      %run_scoped3A_25 = arith.constant 4 : i32
      %run_scoped3A_26 = arith.constant 4 : i32
      "tpu.region"() ({
        %run_scoped3A_47 = tpu.sem_alloc : memref<!tpu.dma_semaphore, #tpu.memory_space<semaphore_mem>>
        %dma_start3A = arith.constant 0 : i32
        %dma_start3A_48 = tpu.memref_slice %arg9[%run_scoped3A_26, %dma_start3A] : memref<8x256xi32, #tpu.memory_space<vmem>> -> memref<1x256xi32, #tpu.memory_space<vmem>>
        %dma_start3A_49 = tpu.memref_squeeze %dma_start3A_48 : memref<1x256xi32, #tpu.memory_space<vmem>> -> memref<256xi32, #tpu.memory_space<vmem>>
        %dma_start3A_50 = tpu.memref_slice %arg13[%run_scoped3A_25, %mul3A_24] : memref<8x4096xi32, #tpu.memory_space<vmem_shared>> -> memref<1x256xi32, #tpu.memory_space<vmem_shared>>
        %dma_start3A_51 = tpu.memref_squeeze %dma_start3A_50 : memref<1x256xi32, #tpu.memory_space<vmem_shared>> -> memref<256xi32, #tpu.memory_space<vmem_shared>>
        %dma_start3A_52 = arith.constant 0 : i32
        %dma_start3A_53 = tpu.memref_slice %arg9[%run_scoped3A_26, %dma_start3A_52] : memref<8x256xi32, #tpu.memory_space<vmem>> -> memref<1x256xi32, #tpu.memory_space<vmem>>
        %dma_start3A_54 = tpu.memref_squeeze %dma_start3A_53 : memref<1x256xi32, #tpu.memory_space<vmem>> -> memref<256xi32, #tpu.memory_space<vmem>>
        %dma_start3A_55 = tpu.memref_slice %arg13[%run_scoped3A_25, %mul3A_24] : memref<8x4096xi32, #tpu.memory_space<vmem_shared>> -> memref<1x256xi32, #tpu.memory_space<vmem_shared>>
        %dma_start3A_56 = tpu.memref_squeeze %dma_start3A_55 : memref<1x256xi32, #tpu.memory_space<vmem_shared>> -> memref<256xi32, #tpu.memory_space<vmem_shared>>
        tpu.enqueue_dma source(%dma_start3A_56 : memref<256xi32, #tpu.memory_space<vmem_shared>>) target(%dma_start3A_54 : memref<256xi32, #tpu.memory_space<vmem>>) target_semaphore(%run_scoped3A_47 : memref<!tpu.dma_semaphore, #tpu.memory_space<semaphore_mem>>)
        %dma_wait3A = arith.constant 0 : i32
        %dma_wait3A_57 = tpu.memref_slice %arg9[%run_scoped3A_26, %dma_wait3A] : memref<8x256xi32, #tpu.memory_space<vmem>> -> memref<1x256xi32, #tpu.memory_space<vmem>>
        %dma_wait3A_58 = tpu.memref_squeeze %dma_wait3A_57 : memref<1x256xi32, #tpu.memory_space<vmem>> -> memref<256xi32, #tpu.memory_space<vmem>>
        %dma_wait3A_59 = tpu.memref_slice %arg13[%run_scoped3A_25, %mul3A_24] : memref<8x4096xi32, #tpu.memory_space<vmem_shared>> -> memref<1x256xi32, #tpu.memory_space<vmem_shared>>
        %dma_wait3A_60 = tpu.memref_squeeze %dma_wait3A_59 : memref<1x256xi32, #tpu.memory_space<vmem_shared>> -> memref<256xi32, #tpu.memory_space<vmem_shared>>
        %dma_wait3A_61 = arith.constant 0 : i32
        %dma_wait3A_62 = tpu.memref_slice %arg9[%run_scoped3A_26, %dma_wait3A_61] : memref<8x256xi32, #tpu.memory_space<vmem>> -> memref<1x256xi32, #tpu.memory_space<vmem>>
        %dma_wait3A_63 = tpu.memref_squeeze %dma_wait3A_62 : memref<1x256xi32, #tpu.memory_space<vmem>> -> memref<256xi32, #tpu.memory_space<vmem>>
        %dma_wait3A_64 = tpu.memref_slice %arg13[%run_scoped3A_25, %mul3A_24] : memref<8x4096xi32, #tpu.memory_space<vmem_shared>> -> memref<1x256xi32, #tpu.memory_space<vmem_shared>>
        %dma_wait3A_65 = tpu.memref_squeeze %dma_wait3A_64 : memref<1x256xi32, #tpu.memory_space<vmem_shared>> -> memref<256xi32, #tpu.memory_space<vmem_shared>>
        tpu.wait_dma2 semaphore(%run_scoped3A_47 : memref<!tpu.dma_semaphore, #tpu.memory_space<semaphore_mem>>) src(%dma_wait3A_65 : memref<256xi32, #tpu.memory_space<vmem_shared>>) dst(%dma_wait3A_63 : memref<256xi32, #tpu.memory_space<vmem>>)
        tpu.yield
      }) : () -> ()
      %mul3A_27 = arith.constant 256 : i32
      %mul3A_28 = arith.muli %arg1, %mul3A_27 : i32
      %run_scoped3A_29 = arith.constant 5 : i32
      %run_scoped3A_30 = arith.constant 5 : i32
      "tpu.region"() ({
        %run_scoped3A_47 = tpu.sem_alloc : memref<!tpu.dma_semaphore, #tpu.memory_space<semaphore_mem>>
        %dma_start3A = arith.constant 0 : i32
        %dma_start3A_48 = tpu.memref_slice %arg9[%run_scoped3A_30, %dma_start3A] : memref<8x256xi32, #tpu.memory_space<vmem>> -> memref<1x256xi32, #tpu.memory_space<vmem>>
        %dma_start3A_49 = tpu.memref_squeeze %dma_start3A_48 : memref<1x256xi32, #tpu.memory_space<vmem>> -> memref<256xi32, #tpu.memory_space<vmem>>
        %dma_start3A_50 = tpu.memref_slice %arg13[%run_scoped3A_29, %mul3A_28] : memref<8x4096xi32, #tpu.memory_space<vmem_shared>> -> memref<1x256xi32, #tpu.memory_space<vmem_shared>>
        %dma_start3A_51 = tpu.memref_squeeze %dma_start3A_50 : memref<1x256xi32, #tpu.memory_space<vmem_shared>> -> memref<256xi32, #tpu.memory_space<vmem_shared>>
        %dma_start3A_52 = arith.constant 0 : i32
        %dma_start3A_53 = tpu.memref_slice %arg9[%run_scoped3A_30, %dma_start3A_52] : memref<8x256xi32, #tpu.memory_space<vmem>> -> memref<1x256xi32, #tpu.memory_space<vmem>>
        %dma_start3A_54 = tpu.memref_squeeze %dma_start3A_53 : memref<1x256xi32, #tpu.memory_space<vmem>> -> memref<256xi32, #tpu.memory_space<vmem>>
        %dma_start3A_55 = tpu.memref_slice %arg13[%run_scoped3A_29, %mul3A_28] : memref<8x4096xi32, #tpu.memory_space<vmem_shared>> -> memref<1x256xi32, #tpu.memory_space<vmem_shared>>
        %dma_start3A_56 = tpu.memref_squeeze %dma_start3A_55 : memref<1x256xi32, #tpu.memory_space<vmem_shared>> -> memref<256xi32, #tpu.memory_space<vmem_shared>>
        tpu.enqueue_dma source(%dma_start3A_56 : memref<256xi32, #tpu.memory_space<vmem_shared>>) target(%dma_start3A_54 : memref<256xi32, #tpu.memory_space<vmem>>) target_semaphore(%run_scoped3A_47 : memref<!tpu.dma_semaphore, #tpu.memory_space<semaphore_mem>>)
        %dma_wait3A = arith.constant 0 : i32
        %dma_wait3A_57 = tpu.memref_slice %arg9[%run_scoped3A_30, %dma_wait3A] : memref<8x256xi32, #tpu.memory_space<vmem>> -> memref<1x256xi32, #tpu.memory_space<vmem>>
        %dma_wait3A_58 = tpu.memref_squeeze %dma_wait3A_57 : memref<1x256xi32, #tpu.memory_space<vmem>> -> memref<256xi32, #tpu.memory_space<vmem>>
        %dma_wait3A_59 = tpu.memref_slice %arg13[%run_scoped3A_29, %mul3A_28] : memref<8x4096xi32, #tpu.memory_space<vmem_shared>> -> memref<1x256xi32, #tpu.memory_space<vmem_shared>>
        %dma_wait3A_60 = tpu.memref_squeeze %dma_wait3A_59 : memref<1x256xi32, #tpu.memory_space<vmem_shared>> -> memref<256xi32, #tpu.memory_space<vmem_shared>>
        %dma_wait3A_61 = arith.constant 0 : i32
        %dma_wait3A_62 = tpu.memref_slice %arg9[%run_scoped3A_30, %dma_wait3A_61] : memref<8x256xi32, #tpu.memory_space<vmem>> -> memref<1x256xi32, #tpu.memory_space<vmem>>
        %dma_wait3A_63 = tpu.memref_squeeze %dma_wait3A_62 : memref<1x256xi32, #tpu.memory_space<vmem>> -> memref<256xi32, #tpu.memory_space<vmem>>
        %dma_wait3A_64 = tpu.memref_slice %arg13[%run_scoped3A_29, %mul3A_28] : memref<8x4096xi32, #tpu.memory_space<vmem_shared>> -> memref<1x256xi32, #tpu.memory_space<vmem_shared>>
        %dma_wait3A_65 = tpu.memref_squeeze %dma_wait3A_64 : memref<1x256xi32, #tpu.memory_space<vmem_shared>> -> memref<256xi32, #tpu.memory_space<vmem_shared>>
        tpu.wait_dma2 semaphore(%run_scoped3A_47 : memref<!tpu.dma_semaphore, #tpu.memory_space<semaphore_mem>>) src(%dma_wait3A_65 : memref<256xi32, #tpu.memory_space<vmem_shared>>) dst(%dma_wait3A_63 : memref<256xi32, #tpu.memory_space<vmem>>)
        tpu.yield
      }) : () -> ()
      %mul3A_31 = arith.constant 256 : i32
      %mul3A_32 = arith.muli %arg1, %mul3A_31 : i32
      %run_scoped3A_33 = arith.constant 6 : i32
      %run_scoped3A_34 = arith.constant 6 : i32
      "tpu.region"() ({
        %run_scoped3A_47 = tpu.sem_alloc : memref<!tpu.dma_semaphore, #tpu.memory_space<semaphore_mem>>
        %dma_start3A = arith.constant 0 : i32
        %dma_start3A_48 = tpu.memref_slice %arg9[%run_scoped3A_34, %dma_start3A] : memref<8x256xi32, #tpu.memory_space<vmem>> -> memref<1x256xi32, #tpu.memory_space<vmem>>
        %dma_start3A_49 = tpu.memref_squeeze %dma_start3A_48 : memref<1x256xi32, #tpu.memory_space<vmem>> -> memref<256xi32, #tpu.memory_space<vmem>>
        %dma_start3A_50 = tpu.memref_slice %arg13[%run_scoped3A_33, %mul3A_32] : memref<8x4096xi32, #tpu.memory_space<vmem_shared>> -> memref<1x256xi32, #tpu.memory_space<vmem_shared>>
        %dma_start3A_51 = tpu.memref_squeeze %dma_start3A_50 : memref<1x256xi32, #tpu.memory_space<vmem_shared>> -> memref<256xi32, #tpu.memory_space<vmem_shared>>
        %dma_start3A_52 = arith.constant 0 : i32
        %dma_start3A_53 = tpu.memref_slice %arg9[%run_scoped3A_34, %dma_start3A_52] : memref<8x256xi32, #tpu.memory_space<vmem>> -> memref<1x256xi32, #tpu.memory_space<vmem>>
        %dma_start3A_54 = tpu.memref_squeeze %dma_start3A_53 : memref<1x256xi32, #tpu.memory_space<vmem>> -> memref<256xi32, #tpu.memory_space<vmem>>
        %dma_start3A_55 = tpu.memref_slice %arg13[%run_scoped3A_33, %mul3A_32] : memref<8x4096xi32, #tpu.memory_space<vmem_shared>> -> memref<1x256xi32, #tpu.memory_space<vmem_shared>>
        %dma_start3A_56 = tpu.memref_squeeze %dma_start3A_55 : memref<1x256xi32, #tpu.memory_space<vmem_shared>> -> memref<256xi32, #tpu.memory_space<vmem_shared>>
        tpu.enqueue_dma source(%dma_start3A_56 : memref<256xi32, #tpu.memory_space<vmem_shared>>) target(%dma_start3A_54 : memref<256xi32, #tpu.memory_space<vmem>>) target_semaphore(%run_scoped3A_47 : memref<!tpu.dma_semaphore, #tpu.memory_space<semaphore_mem>>)
        %dma_wait3A = arith.constant 0 : i32
        %dma_wait3A_57 = tpu.memref_slice %arg9[%run_scoped3A_34, %dma_wait3A] : memref<8x256xi32, #tpu.memory_space<vmem>> -> memref<1x256xi32, #tpu.memory_space<vmem>>
        %dma_wait3A_58 = tpu.memref_squeeze %dma_wait3A_57 : memref<1x256xi32, #tpu.memory_space<vmem>> -> memref<256xi32, #tpu.memory_space<vmem>>
        %dma_wait3A_59 = tpu.memref_slice %arg13[%run_scoped3A_33, %mul3A_32] : memref<8x4096xi32, #tpu.memory_space<vmem_shared>> -> memref<1x256xi32, #tpu.memory_space<vmem_shared>>
        %dma_wait3A_60 = tpu.memref_squeeze %dma_wait3A_59 : memref<1x256xi32, #tpu.memory_space<vmem_shared>> -> memref<256xi32, #tpu.memory_space<vmem_shared>>
        %dma_wait3A_61 = arith.constant 0 : i32
        %dma_wait3A_62 = tpu.memref_slice %arg9[%run_scoped3A_34, %dma_wait3A_61] : memref<8x256xi32, #tpu.memory_space<vmem>> -> memref<1x256xi32, #tpu.memory_space<vmem>>
        %dma_wait3A_63 = tpu.memref_squeeze %dma_wait3A_62 : memref<1x256xi32, #tpu.memory_space<vmem>> -> memref<256xi32, #tpu.memory_space<vmem>>
        %dma_wait3A_64 = tpu.memref_slice %arg13[%run_scoped3A_33, %mul3A_32] : memref<8x4096xi32, #tpu.memory_space<vmem_shared>> -> memref<1x256xi32, #tpu.memory_space<vmem_shared>>
        %dma_wait3A_65 = tpu.memref_squeeze %dma_wait3A_64 : memref<1x256xi32, #tpu.memory_space<vmem_shared>> -> memref<256xi32, #tpu.memory_space<vmem_shared>>
        tpu.wait_dma2 semaphore(%run_scoped3A_47 : memref<!tpu.dma_semaphore, #tpu.memory_space<semaphore_mem>>) src(%dma_wait3A_65 : memref<256xi32, #tpu.memory_space<vmem_shared>>) dst(%dma_wait3A_63 : memref<256xi32, #tpu.memory_space<vmem>>)
        tpu.yield
      }) : () -> ()
      %mul3A_35 = arith.constant 256 : i32
      %mul3A_36 = arith.muli %arg1, %mul3A_35 : i32
      %run_scoped3A_37 = arith.constant 7 : i32
      %run_scoped3A_38 = arith.constant 7 : i32
      "tpu.region"() ({
        %run_scoped3A_47 = tpu.sem_alloc : memref<!tpu.dma_semaphore, #tpu.memory_space<semaphore_mem>>
        %dma_start3A = arith.constant 0 : i32
        %dma_start3A_48 = tpu.memref_slice %arg9[%run_scoped3A_38, %dma_start3A] : memref<8x256xi32, #tpu.memory_space<vmem>> -> memref<1x256xi32, #tpu.memory_space<vmem>>
        %dma_start3A_49 = tpu.memref_squeeze %dma_start3A_48 : memref<1x256xi32, #tpu.memory_space<vmem>> -> memref<256xi32, #tpu.memory_space<vmem>>
        %dma_start3A_50 = tpu.memref_slice %arg13[%run_scoped3A_37, %mul3A_36] : memref<8x4096xi32, #tpu.memory_space<vmem_shared>> -> memref<1x256xi32, #tpu.memory_space<vmem_shared>>
        %dma_start3A_51 = tpu.memref_squeeze %dma_start3A_50 : memref<1x256xi32, #tpu.memory_space<vmem_shared>> -> memref<256xi32, #tpu.memory_space<vmem_shared>>
        %dma_start3A_52 = arith.constant 0 : i32
        %dma_start3A_53 = tpu.memref_slice %arg9[%run_scoped3A_38, %dma_start3A_52] : memref<8x256xi32, #tpu.memory_space<vmem>> -> memref<1x256xi32, #tpu.memory_space<vmem>>
        %dma_start3A_54 = tpu.memref_squeeze %dma_start3A_53 : memref<1x256xi32, #tpu.memory_space<vmem>> -> memref<256xi32, #tpu.memory_space<vmem>>
        %dma_start3A_55 = tpu.memref_slice %arg13[%run_scoped3A_37, %mul3A_36] : memref<8x4096xi32, #tpu.memory_space<vmem_shared>> -> memref<1x256xi32, #tpu.memory_space<vmem_shared>>
        %dma_start3A_56 = tpu.memref_squeeze %dma_start3A_55 : memref<1x256xi32, #tpu.memory_space<vmem_shared>> -> memref<256xi32, #tpu.memory_space<vmem_shared>>
        tpu.enqueue_dma source(%dma_start3A_56 : memref<256xi32, #tpu.memory_space<vmem_shared>>) target(%dma_start3A_54 : memref<256xi32, #tpu.memory_space<vmem>>) target_semaphore(%run_scoped3A_47 : memref<!tpu.dma_semaphore, #tpu.memory_space<semaphore_mem>>)
        %dma_wait3A = arith.constant 0 : i32
        %dma_wait3A_57 = tpu.memref_slice %arg9[%run_scoped3A_38, %dma_wait3A] : memref<8x256xi32, #tpu.memory_space<vmem>> -> memref<1x256xi32, #tpu.memory_space<vmem>>
        %dma_wait3A_58 = tpu.memref_squeeze %dma_wait3A_57 : memref<1x256xi32, #tpu.memory_space<vmem>> -> memref<256xi32, #tpu.memory_space<vmem>>
        %dma_wait3A_59 = tpu.memref_slice %arg13[%run_scoped3A_37, %mul3A_36] : memref<8x4096xi32, #tpu.memory_space<vmem_shared>> -> memref<1x256xi32, #tpu.memory_space<vmem_shared>>
        %dma_wait3A_60 = tpu.memref_squeeze %dma_wait3A_59 : memref<1x256xi32, #tpu.memory_space<vmem_shared>> -> memref<256xi32, #tpu.memory_space<vmem_shared>>
        %dma_wait3A_61 = arith.constant 0 : i32
        %dma_wait3A_62 = tpu.memref_slice %arg9[%run_scoped3A_38, %dma_wait3A_61] : memref<8x256xi32, #tpu.memory_space<vmem>> -> memref<1x256xi32, #tpu.memory_space<vmem>>
        %dma_wait3A_63 = tpu.memref_squeeze %dma_wait3A_62 : memref<1x256xi32, #tpu.memory_space<vmem>> -> memref<256xi32, #tpu.memory_space<vmem>>
        %dma_wait3A_64 = tpu.memref_slice %arg13[%run_scoped3A_37, %mul3A_36] : memref<8x4096xi32, #tpu.memory_space<vmem_shared>> -> memref<1x256xi32, #tpu.memory_space<vmem_shared>>
        %dma_wait3A_65 = tpu.memref_squeeze %dma_wait3A_64 : memref<1x256xi32, #tpu.memory_space<vmem_shared>> -> memref<256xi32, #tpu.memory_space<vmem_shared>>
        tpu.wait_dma2 semaphore(%run_scoped3A_47 : memref<!tpu.dma_semaphore, #tpu.memory_space<semaphore_mem>>) src(%dma_wait3A_65 : memref<256xi32, #tpu.memory_space<vmem_shared>>) dst(%dma_wait3A_63 : memref<256xi32, #tpu.memory_space<vmem>>)
        tpu.yield
      }) : () -> ()
      %scan3A = arith.constant 0 : i32
      %scan3A_39 = arith.constant 0 : i32
      %scan3A_40 = arith.constant 16 : i32
      %scan3A_41 = arith.addi %scan3A_39, %scan3A_40 : i32
      %scan3A_42 = arith.constant 1 : i32
      %scan3A_43 = scf.for %scan3A_47 = %scan3A_39 to %scan3A_41 step %scan3A_42 iter_args(%scan3A_48 = %scan3A) -> (i32)  : i32 {
        %mul3A_49 = arith.constant 16 : i32
        %mul3A_50 = arith.muli %scan3A_47, %mul3A_49 : i32
        %get3A = arith.constant 0 : i32
        %get3A_51 = arith.index_cast %get3A : i32 to index
        %get3A_52 = arith.index_cast %mul3A_50 : i32 to index
        %get3A_53 = tpu.vector_load %arg9[%get3A_51, %get3A_52] {strides = array<i32>} : memref<8x256xi32, #tpu.memory_space<vmem>>, vector<16xi32>,
        %get3A_54 = arith.constant 1 : i32
        %get3A_55 = arith.index_cast %get3A_54 : i32 to index
        %get3A_56 = arith.index_cast %mul3A_50 : i32 to index
        %get3A_57 = tpu.vector_load %arg9[%get3A_55, %get3A_56] {strides = array<i32>} : memref<8x256xi32, #tpu.memory_space<vmem>>, vector<16xi32>,
        %add3A = arith.addi %get3A_53, %get3A_57 : vector<16xi32>
        %get3A_58 = arith.constant 2 : i32
        %get3A_59 = arith.index_cast %get3A_58 : i32 to index
        %get3A_60 = arith.index_cast %mul3A_50 : i32 to index
        %get3A_61 = tpu.vector_load %arg9[%get3A_59, %get3A_60] {strides = array<i32>} : memref<8x256xi32, #tpu.memory_space<vmem>>, vector<16xi32>,
        %add3A_62 = arith.addi %add3A, %get3A_61 : vector<16xi32>
        %get3A_63 = arith.constant 3 : i32
        %get3A_64 = arith.index_cast %get3A_63 : i32 to index
        %get3A_65 = arith.index_cast %mul3A_50 : i32 to index
        %get3A_66 = tpu.vector_load %arg9[%get3A_64, %get3A_65] {strides = array<i32>} : memref<8x256xi32, #tpu.memory_space<vmem>>, vector<16xi32>,
        %add3A_67 = arith.addi %add3A_62, %get3A_66 : vector<16xi32>
        %get3A_68 = arith.constant 4 : i32
        %get3A_69 = arith.index_cast %get3A_68 : i32 to index
        %get3A_70 = arith.index_cast %mul3A_50 : i32 to index
        %get3A_71 = tpu.vector_load %arg9[%get3A_69, %get3A_70] {strides = array<i32>} : memref<8x256xi32, #tpu.memory_space<vmem>>, vector<16xi32>,
        %add3A_72 = arith.addi %add3A_67, %get3A_71 : vector<16xi32>
        %get3A_73 = arith.constant 5 : i32
        %get3A_74 = arith.index_cast %get3A_73 : i32 to index
        %get3A_75 = arith.index_cast %mul3A_50 : i32 to index
        %get3A_76 = tpu.vector_load %arg9[%get3A_74, %get3A_75] {strides = array<i32>} : memref<8x256xi32, #tpu.memory_space<vmem>>, vector<16xi32>,
        %add3A_77 = arith.addi %add3A_72, %get3A_76 : vector<16xi32>
        %get3A_78 = arith.constant 6 : i32
        %get3A_79 = arith.index_cast %get3A_78 : i32 to index
        %get3A_80 = arith.index_cast %mul3A_50 : i32 to index
        %get3A_81 = tpu.vector_load %arg9[%get3A_79, %get3A_80] {strides = array<i32>} : memref<8x256xi32, #tpu.memory_space<vmem>>, vector<16xi32>,
        %add3A_82 = arith.addi %add3A_77, %get3A_81 : vector<16xi32>
        %get3A_83 = arith.constant 7 : i32
        %get3A_84 = arith.index_cast %get3A_83 : i32 to index
        %get3A_85 = arith.index_cast %mul3A_50 : i32 to index
        %get3A_86 = tpu.vector_load %arg9[%get3A_84, %get3A_85] {strides = array<i32>} : memref<8x256xi32, #tpu.memory_space<vmem>>, vector<16xi32>,
        %add3A_87 = arith.addi %add3A_82, %get3A_86 : vector<16xi32>
        %swap3A = arith.index_cast %mul3A_50 : i32 to index
        %swap3A_88 = tpu.vector_load %arg10[%swap3A] {strides = array<i32>} : memref<256xi32, #tpu.memory_space<vmem>>, vector<16xi32>,
        tpu.vector_store %arg10[%swap3A], %add3A_87 {strides = array<i32>} : memref<256xi32, #tpu.memory_space<vmem>>, vector<16xi32>,
        %scan3A_89 = arith.constant 0 : i32
        scf.yield %scan3A_89 : i32
      }
      %scan3A_44 = arith.constant 16 : i32
      %mul3A_45 = arith.constant 256 : i32
      %mul3A_46 = arith.muli %arg1, %mul3A_45 : i32
      %multiple_of3A = tpu.assume_multiple %mul3A_46, 256 : i32
      "tpu.region"() ({
        %run_scoped3A_47 = tpu.sem_alloc : memref<!tpu.dma_semaphore, #tpu.memory_space<semaphore_mem>>
        %dma_start3A = tpu.memref_slice %arg5[%multiple_of3A] : memref<4096xi32, #tpu.memory_space<hbm>> -> memref<256xi32, #tpu.memory_space<hbm>>
        %dma_start3A_48 = tpu.memref_slice %arg5[%multiple_of3A] : memref<4096xi32, #tpu.memory_space<hbm>> -> memref<256xi32, #tpu.memory_space<hbm>>
        tpu.enqueue_dma source(%arg10 : memref<256xi32, #tpu.memory_space<vmem>>) target(%dma_start3A_48 : memref<256xi32, #tpu.memory_space<hbm>>) target_semaphore(%run_scoped3A_47 : memref<!tpu.dma_semaphore, #tpu.memory_space<semaphore_mem>>)
        %dma_wait3A = tpu.memref_slice %arg5[%multiple_of3A] : memref<4096xi32, #tpu.memory_space<hbm>> -> memref<256xi32, #tpu.memory_space<hbm>>
        %dma_wait3A_49 = tpu.memref_slice %arg5[%multiple_of3A] : memref<4096xi32, #tpu.memory_space<hbm>> -> memref<256xi32, #tpu.memory_space<hbm>>
        tpu.wait_dma2 semaphore(%run_scoped3A_47 : memref<!tpu.dma_semaphore, #tpu.memory_space<semaphore_mem>>) src(%arg10 : memref<256xi32, #tpu.memory_space<vmem>>) dst(%dma_wait3A_49 : memref<256xi32, #tpu.memory_space<hbm>>)
        tpu.yield
      }) : () -> ()
    } else {
    }
    return
  }
}

module attributes {stable_mosaic.version = 14 : i64} {
  func.func @_router_body(%arg0: i32, %arg1: memref<512x1024xf32, #tpu.memory_space<vmem>>, %arg2: memref<1024x8xf32, #tpu.memory_space<vmem>>, %arg3: memref<512x8xf32, #tpu.memory_space<vmem>>, %arg4: memref<512x2xi32, #tpu.memory_space<vmem>>, %arg5: memref<512x2xf32, #tpu.memory_space<vmem>>) attributes {dimension_semantics = [#tpu.dimension_semantics<parallel>], iteration_bounds = array<i64: 4>, scalar_prefetch = 0 : i64, scratch_operands = 0 : i64, tpu.core_type = #tpu.core_type<tc>, window_params = [{transform_indices = @transform_0, window_bounds = array<i64: 512, 1024>}, {pipeline_mode = #tpu.pipeline_mode<synchronous>, transform_indices = @transform_1, window_bounds = array<i64: 1024, 8>}, {transform_indices = @transform_2, window_bounds = array<i64: 512, 8>}, {transform_indices = @transform_3, window_bounds = array<i64: 512, 2>}, {transform_indices = @transform_4, window_bounds = array<i64: 512, 2>}]} {
    %get3A = arith.constant 0 : index
    %get3A_0 = arith.constant 0 : index
    %get3A_1 = vector.load %arg1[%get3A, %get3A_0] : memref<512x1024xf32, #tpu.memory_space<vmem>>, vector<512x1024xf32>
    %get3A_2 = arith.constant 0 : index
    %get3A_3 = arith.constant 0 : index
    %get3A_4 = vector.load %arg2[%get3A_2, %get3A_3] : memref<1024x8xf32, #tpu.memory_space<vmem>>, vector<1024x8xf32>
    %dot_general3A = arith.constant dense<0.000000e+00> : vector<512x8xf32>
    %dot_general3A_5 = tpu.matmul %get3A_1, %get3A_4, %dot_general3A {dimension_numbers = #tpu.dot_dimension_numbers<[1], [0], [0], [1], [0, 0, 1, 1], [], []>, transpose_lhs_hint = false} : vector<512x1024xf32>, vector<1024x8xf32>, vector<512x8xf32> -> vector<512x8xf32>
    %swap3A = arith.constant 0 : index
    %swap3A_6 = arith.constant 0 : index
    %swap3A_7 = vector.load %arg3[%swap3A, %swap3A_6] : memref<512x8xf32, #tpu.memory_space<vmem>>, vector<512x8xf32>
    tpu.vector_store %arg3[%swap3A, %swap3A_6], %dot_general3A_5 {strides = array<i32>} : memref<512x8xf32, #tpu.memory_space<vmem>>, vector<512x8xf32>,
    %reduce_max3A = arith.constant dense<0xFF800000> : vector<512xf32>
    %reduce_max3A_8 = vector.multi_reduction <maximumf>, %dot_general3A_5, %reduce_max3A [1] : vector<512x8xf32> to vector<512xf32>
    %max3A = arith.constant 0xFF800000 : f32
    %max3A_9 = vector.broadcast %max3A : f32 to vector<512xf32>
    %max3A_10 = arith.maximumf %max3A_9, %reduce_max3A_8 : vector<512xf32>
    %broadcast_in_dim3A = vector.shape_cast %max3A_10 : vector<512xf32> to vector<512x1xf32>
    %sub3A = vector.broadcast %broadcast_in_dim3A : vector<512x1xf32> to vector<512x8xf32>
    %sub3A_11 = arith.subf %dot_general3A_5, %sub3A : vector<512x8xf32>
    %exp3A = math.exp %sub3A_11 : vector<512x8xf32>
    %reduce_sum3A = arith.constant dense<0.000000e+00> : vector<512xf32>
    %reduce_sum3A_12 = vector.multi_reduction <add>, %exp3A, %reduce_sum3A [1] : vector<512x8xf32> to vector<512xf32>
    %broadcast_in_dim3A_13 = vector.shape_cast %reduce_sum3A_12 : vector<512xf32> to vector<512x1xf32>
    %div3A = vector.broadcast %broadcast_in_dim3A_13 : vector<512x1xf32> to vector<512x8xf32>
    %div3A_14 = arith.divf %exp3A, %div3A : vector<512x8xf32>
    %iota3A = tpu.iota {dimensions = array<i32: 1>} : vector<512x8xi32>
    %reduce_max3A_15 = arith.constant dense<0xFF800000> : vector<512xf32>
    %reduce_max3A_16 = vector.multi_reduction <maximumf>, %div3A_14, %reduce_max3A_15 [1] : vector<512x8xf32> to vector<512xf32>
    %broadcast_in_dim3A_17 = vector.shape_cast %reduce_max3A_16 : vector<512xf32> to vector<512x1xf32>
    %eq3A = vector.broadcast %broadcast_in_dim3A_17 : vector<512x1xf32> to vector<512x8xf32>
    %eq3A_18 = arith.cmpf oeq, %div3A_14, %eq3A : vector<512x8xf32>
    %jit3A = arith.constant 8 : i32
    %broadcast_in_dim3A_19 = vector.broadcast %jit3A : i32 to vector<512x8xi32>
    %select_n3A = arith.select %eq3A_18, %iota3A, %broadcast_in_dim3A_19 : vector<512x8xi1>, vector<512x8xi32>
    %reduce_min3A = arith.constant dense<2147483647> : vector<512xi32>
    %reduce_min3A_20 = vector.multi_reduction <minsi>, %select_n3A, %reduce_min3A [1] : vector<512x8xi32> to vector<512xi32>
    %broadcast_in_dim3A_21 = vector.shape_cast %reduce_min3A_20 : vector<512xi32> to vector<512x1xi32>
    %eq3A_22 = vector.broadcast %broadcast_in_dim3A_21 : vector<512x1xi32> to vector<512x8xi32>
    %eq3A_23 = arith.cmpi eq, %iota3A, %eq3A_22 : vector<512x8xi32>
    %jit3A_24 = arith.constant 0xFF800000 : f32
    %broadcast_in_dim3A_25 = vector.broadcast %jit3A_24 : f32 to vector<512x8xf32>
    %select_n3A_26 = arith.select %eq3A_23, %broadcast_in_dim3A_25, %div3A_14 : vector<512x8xi1>, vector<512x8xf32>
    %reduce_max3A_27 = arith.constant dense<0xFF800000> : vector<512xf32>
    %reduce_max3A_28 = vector.multi_reduction <maximumf>, %select_n3A_26, %reduce_max3A_27 [1] : vector<512x8xf32> to vector<512xf32>
    %broadcast_in_dim3A_29 = vector.shape_cast %reduce_max3A_28 : vector<512xf32> to vector<512x1xf32>
    %eq3A_30 = vector.broadcast %broadcast_in_dim3A_29 : vector<512x1xf32> to vector<512x8xf32>
    %eq3A_31 = arith.cmpf oeq, %select_n3A_26, %eq3A_30 : vector<512x8xf32>
    %jit3A_32 = arith.constant 8 : i32
    %broadcast_in_dim3A_33 = vector.broadcast %jit3A_32 : i32 to vector<512x8xi32>
    %select_n3A_34 = arith.select %eq3A_31, %iota3A, %broadcast_in_dim3A_33 : vector<512x8xi1>, vector<512x8xi32>
    %reduce_min3A_35 = arith.constant dense<2147483647> : vector<512xi32>
    %reduce_min3A_36 = vector.multi_reduction <minsi>, %select_n3A_34, %reduce_min3A_35 [1] : vector<512x8xi32> to vector<512xi32>
    %broadcast_in_dim3A_37 = vector.shape_cast %reduce_min3A_36 : vector<512xi32> to vector<512x1xi32>
    %add3A = arith.addf %broadcast_in_dim3A_17, %broadcast_in_dim3A_29 : vector<512x1xf32>
    %concatenate3A = tpu.concatenate %broadcast_in_dim3A_21, %broadcast_in_dim3A_37 in 1 : vector<512x1xi32>, vector<512x1xi32> -> vector<512x2xi32>
    %swap3A_38 = arith.constant 0 : index
    %swap3A_39 = arith.constant 0 : index
    %swap3A_40 = vector.load %arg4[%swap3A_38, %swap3A_39] : memref<512x2xi32, #tpu.memory_space<vmem>>, vector<512x2xi32>
    tpu.vector_store %arg4[%swap3A_38, %swap3A_39], %concatenate3A {strides = array<i32>} : memref<512x2xi32, #tpu.memory_space<vmem>>, vector<512x2xi32>,
    %div3A_41 = arith.divf %broadcast_in_dim3A_17, %add3A : vector<512x1xf32>
    %div3A_42 = arith.divf %broadcast_in_dim3A_29, %add3A : vector<512x1xf32>
    %concatenate3A_43 = tpu.concatenate %div3A_41, %div3A_42 in 1 : vector<512x1xf32>, vector<512x1xf32> -> vector<512x2xf32>
    %swap3A_44 = arith.constant 0 : index
    %swap3A_45 = arith.constant 0 : index
    %swap3A_46 = vector.load %arg5[%swap3A_44, %swap3A_45] : memref<512x2xf32, #tpu.memory_space<vmem>>, vector<512x2xf32>
    tpu.vector_store %arg5[%swap3A_44, %swap3A_45], %concatenate3A_43 {strides = array<i32>} : memref<512x2xf32, #tpu.memory_space<vmem>>, vector<512x2xf32>,
    return
  }
  func.func @transform_0(%arg0: i32) -> (i32, i32) {
    %c0_i32 = arith.constant 0 : i32
    %c0_i32_0 = arith.constant 0 : i32
    return %arg0, %c0_i32 : i32, i32
  }
  func.func @transform_1(%arg0: i32) -> (i32, i32) {
    %c0_i32 = arith.constant 0 : i32
    %c0_i32_0 = arith.constant 0 : i32
    %c0_i32_1 = arith.constant 0 : i32
    return %c0_i32, %c0_i32_0 : i32, i32
  }
  func.func @transform_2(%arg0: i32) -> (i32, i32) {
    %c0_i32 = arith.constant 0 : i32
    %c0_i32_0 = arith.constant 0 : i32
    return %arg0, %c0_i32 : i32, i32
  }
  func.func @transform_3(%arg0: i32) -> (i32, i32) {
    %c0_i32 = arith.constant 0 : i32
    %c0_i32_0 = arith.constant 0 : i32
    return %arg0, %c0_i32 : i32, i32
  }
  func.func @transform_4(%arg0: i32) -> (i32, i32) {
    %c0_i32 = arith.constant 0 : i32
    %c0_i32_0 = arith.constant 0 : i32
    return %arg0, %c0_i32 : i32, i32
  }
}

module attributes {stable_mosaic.version = 14 : i64} {
  func.func @_group_ffn_body(%arg0: i32, %arg1: memref<48xi32, #tpu.memory_space<smem>>, %arg2: memref<128x1024xf32, #tpu.memory_space<vmem>>, %arg3: memref<1x1024x512xbf16, #tpu.memory_space<vmem>>, %arg4: memref<1x1024x512xbf16, #tpu.memory_space<vmem>>, %arg5: memref<1x512x1024xbf16, #tpu.memory_space<vmem>>, %arg6: memref<128x1024xf32, #tpu.memory_space<vmem>>) attributes {dimension_semantics = [#tpu.dimension_semantics<arbitrary>], iteration_bounds = array<i64: 40>, scalar_prefetch = 1 : i64, scratch_operands = 0 : i64, tpu.core_type = #tpu.core_type<tc>, window_params = [{transform_indices = @transform_0, window_bounds = array<i64: 128, 1024>}, {transform_indices = @transform_1, window_bounds = array<i64: 1, 1024, 512>}, {transform_indices = @transform_2, window_bounds = array<i64: 1, 1024, 512>}, {transform_indices = @transform_3, window_bounds = array<i64: 1, 512, 1024>}, {transform_indices = @transform_4, window_bounds = array<i64: 128, 1024>}]} {
    %get3A = arith.index_cast %arg0 : i32 to index
    %get3A_0 = memref.load %arg1[%get3A] : memref<48xi32, #tpu.memory_space<smem>>
    %ge3A = arith.constant 0 : i32
    %ge3A_1 = arith.cmpi sge, %get3A_0, %ge3A : i32
    %convert_element_type3A = arith.extui %ge3A_1 : i1 to i32
    %cond3A = arith.constant 0 : i32
    %cond3A_2 = arith.cmpi ne, %convert_element_type3A, %cond3A : i32
    scf.if %cond3A_2 {
      %get3A_3 = arith.constant 0 : index
      %get3A_4 = arith.constant 0 : index
      %get3A_5 = vector.load %arg2[%get3A_3, %get3A_4] : memref<128x1024xf32, #tpu.memory_space<vmem>>, vector<128x1024xf32>
      %convert_element_type3A_6 = arith.truncf %get3A_5 : vector<128x1024xf32> to vector<128x1024xbf16>
      %get3A_7 = arith.constant 0 : index
      %get3A_8 = arith.constant 0 : index
      %get3A_9 = arith.constant 0 : index
      %get3A_10 = vector.load %arg3[%get3A_7, %get3A_8, %get3A_9] : memref<1x1024x512xbf16, #tpu.memory_space<vmem>>, vector<1x1024x512xbf16>
      %get3A_11 = vector.shape_cast %get3A_10 : vector<1x1024x512xbf16> to vector<1024x512xbf16>
      %dot_general3A = arith.constant dense<0.000000e+00> : vector<128x512xf32>
      %dot_general3A_12 = tpu.matmul %convert_element_type3A_6, %get3A_11, %dot_general3A {dimension_numbers = #tpu.dot_dimension_numbers<[1], [0], [0], [1], [0, 0, 1, 1], [], []>, transpose_lhs_hint = false} : vector<128x1024xbf16>, vector<1024x512xbf16>, vector<128x512xf32> -> vector<128x512xf32>
      %get3A_13 = arith.constant 0 : index
      %get3A_14 = arith.constant 0 : index
      %get3A_15 = arith.constant 0 : index
      %get3A_16 = vector.load %arg4[%get3A_13, %get3A_14, %get3A_15] : memref<1x1024x512xbf16, #tpu.memory_space<vmem>>, vector<1x1024x512xbf16>
      %get3A_17 = vector.shape_cast %get3A_16 : vector<1x1024x512xbf16> to vector<1024x512xbf16>
      %dot_general3A_18 = arith.constant dense<0.000000e+00> : vector<128x512xf32>
      %dot_general3A_19 = tpu.matmul %convert_element_type3A_6, %get3A_17, %dot_general3A_18 {dimension_numbers = #tpu.dot_dimension_numbers<[1], [0], [0], [1], [0, 0, 1, 1], [], []>, transpose_lhs_hint = false} : vector<128x1024xbf16>, vector<1024x512xbf16>, vector<128x512xf32> -> vector<128x512xf32>
      %logistic3A = arith.negf %dot_general3A_12 : vector<128x512xf32>
      %logistic3A_20 = math.exp %logistic3A : vector<128x512xf32>
      %logistic3A_21 = arith.constant 1.000000e+00 : f32
      %logistic3A_22 = vector.broadcast %logistic3A_21 : f32 to vector<128x512xf32>
      %logistic3A_23 = arith.addf %logistic3A_22, %logistic3A_20 : vector<128x512xf32>
      %logistic3A_24 = arith.divf %logistic3A_22, %logistic3A_23 : vector<128x512xf32>
      %mul3A = arith.mulf %dot_general3A_12, %logistic3A_24 : vector<128x512xf32>
      %mul3A_25 = arith.mulf %mul3A, %dot_general3A_19 : vector<128x512xf32>
      %convert_element_type3A_26 = arith.truncf %mul3A_25 : vector<128x512xf32> to vector<128x512xbf16>
      %get3A_27 = arith.constant 0 : index
      %get3A_28 = arith.constant 0 : index
      %get3A_29 = arith.constant 0 : index
      %get3A_30 = vector.load %arg5[%get3A_27, %get3A_28, %get3A_29] : memref<1x512x1024xbf16, #tpu.memory_space<vmem>>, vector<1x512x1024xbf16>
      %get3A_31 = vector.shape_cast %get3A_30 : vector<1x512x1024xbf16> to vector<512x1024xbf16>
      %dot_general3A_32 = arith.constant dense<0.000000e+00> : vector<128x1024xf32>
      %dot_general3A_33 = tpu.matmul %convert_element_type3A_26, %get3A_31, %dot_general3A_32 {dimension_numbers = #tpu.dot_dimension_numbers<[1], [0], [0], [1], [0, 0, 1, 1], [], []>, transpose_lhs_hint = false} : vector<128x512xbf16>, vector<512x1024xbf16>, vector<128x1024xf32> -> vector<128x1024xf32>
      %swap3A = arith.constant 0 : index
      %swap3A_34 = arith.constant 0 : index
      %swap3A_35 = vector.load %arg6[%swap3A, %swap3A_34] : memref<128x1024xf32, #tpu.memory_space<vmem>>, vector<128x1024xf32>
      tpu.vector_store %arg6[%swap3A, %swap3A_34], %dot_general3A_33 {strides = array<i32>} : memref<128x1024xf32, #tpu.memory_space<vmem>>, vector<128x1024xf32>,
    } else {
    }
    return
  }
  func.func @transform_0(%arg0: i32, %arg1: memref<48xi32, #tpu.memory_space<smem>>) -> (i32, i32) {
    %c0_i32 = arith.constant 0 : i32
    %c0_i32_0 = arith.constant 0 : i32
    return %arg0, %c0_i32 : i32, i32
  }
  func.func @transform_1(%arg0: i32, %arg1: memref<48xi32, #tpu.memory_space<smem>>) -> (i32, i32, i32) {
    %get3A = arith.index_cast %arg0 : i32 to index
    %get3A_0 = memref.load %arg1[%get3A] : memref<48xi32, #tpu.memory_space<smem>>
    %max3A = arith.constant 0 : i32
    %max3A_1 = arith.maxsi %get3A_0, %max3A : i32
    %c0_i32 = arith.constant 0 : i32
    %c0_i32_2 = arith.constant 0 : i32
    %c0_i32_3 = arith.constant 0 : i32
    return %max3A_1, %c0_i32, %c0_i32_2 : i32, i32, i32
  }
  func.func @transform_2(%arg0: i32, %arg1: memref<48xi32, #tpu.memory_space<smem>>) -> (i32, i32, i32) {
    %get3A = arith.index_cast %arg0 : i32 to index
    %get3A_0 = memref.load %arg1[%get3A] : memref<48xi32, #tpu.memory_space<smem>>
    %max3A = arith.constant 0 : i32
    %max3A_1 = arith.maxsi %get3A_0, %max3A : i32
    %c0_i32 = arith.constant 0 : i32
    %c0_i32_2 = arith.constant 0 : i32
    %c0_i32_3 = arith.constant 0 : i32
    return %max3A_1, %c0_i32, %c0_i32_2 : i32, i32, i32
  }
  func.func @transform_3(%arg0: i32, %arg1: memref<48xi32, #tpu.memory_space<smem>>) -> (i32, i32, i32) {
    %get3A = arith.index_cast %arg0 : i32 to index
    %get3A_0 = memref.load %arg1[%get3A] : memref<48xi32, #tpu.memory_space<smem>>
    %max3A = arith.constant 0 : i32
    %max3A_1 = arith.maxsi %get3A_0, %max3A : i32
    %c0_i32 = arith.constant 0 : i32
    %c0_i32_2 = arith.constant 0 : i32
    %c0_i32_3 = arith.constant 0 : i32
    return %max3A_1, %c0_i32, %c0_i32_2 : i32, i32, i32
  }
  func.func @transform_4(%arg0: i32, %arg1: memref<48xi32, #tpu.memory_space<smem>>) -> (i32, i32) {
    %c0_i32 = arith.constant 0 : i32
    %c0_i32_0 = arith.constant 0 : i32
    return %arg0, %c0_i32 : i32, i32
  }
}

module attributes {stable_mosaic.version = 14 : i64} {
  func.func @_shared_body(%arg0: i32, %arg1: memref<256x1024xf32, #tpu.memory_space<vmem>>, %arg2: memref<1024x512xbf16, #tpu.memory_space<vmem>>, %arg3: memref<1024x512xbf16, #tpu.memory_space<vmem>>, %arg4: memref<512x1024xbf16, #tpu.memory_space<vmem>>, %arg5: memref<256x1024xf32, #tpu.memory_space<vmem>>) attributes {dimension_semantics = [#tpu.dimension_semantics<parallel>], iteration_bounds = array<i64: 8>, scalar_prefetch = 0 : i64, scratch_operands = 0 : i64, tpu.core_type = #tpu.core_type<tc>, window_params = [{transform_indices = @transform_0, window_bounds = array<i64: 256, 1024>}, {pipeline_mode = #tpu.pipeline_mode<synchronous>, transform_indices = @transform_1, window_bounds = array<i64: 1024, 512>}, {pipeline_mode = #tpu.pipeline_mode<synchronous>, transform_indices = @transform_2, window_bounds = array<i64: 1024, 512>}, {pipeline_mode = #tpu.pipeline_mode<synchronous>, transform_indices = @transform_3, window_bounds = array<i64: 512, 1024>}, {transform_indices = @transform_4, window_bounds = array<i64: 256, 1024>}]} {
    %get3A = arith.constant 0 : index
    %get3A_0 = arith.constant 0 : index
    %get3A_1 = vector.load %arg1[%get3A, %get3A_0] : memref<256x1024xf32, #tpu.memory_space<vmem>>, vector<256x1024xf32>
    %convert_element_type3A = arith.truncf %get3A_1 : vector<256x1024xf32> to vector<256x1024xbf16>
    %get3A_2 = arith.constant 0 : index
    %get3A_3 = arith.constant 0 : index
    %get3A_4 = vector.load %arg2[%get3A_2, %get3A_3] : memref<1024x512xbf16, #tpu.memory_space<vmem>>, vector<1024x512xbf16>
    %dot_general3A = arith.constant dense<0.000000e+00> : vector<256x512xf32>
    %dot_general3A_5 = tpu.matmul %convert_element_type3A, %get3A_4, %dot_general3A {dimension_numbers = #tpu.dot_dimension_numbers<[1], [0], [0], [1], [0, 0, 1, 1], [], []>, transpose_lhs_hint = false} : vector<256x1024xbf16>, vector<1024x512xbf16>, vector<256x512xf32> -> vector<256x512xf32>
    %get3A_6 = arith.constant 0 : index
    %get3A_7 = arith.constant 0 : index
    %get3A_8 = vector.load %arg3[%get3A_6, %get3A_7] : memref<1024x512xbf16, #tpu.memory_space<vmem>>, vector<1024x512xbf16>
    %dot_general3A_9 = arith.constant dense<0.000000e+00> : vector<256x512xf32>
    %dot_general3A_10 = tpu.matmul %convert_element_type3A, %get3A_8, %dot_general3A_9 {dimension_numbers = #tpu.dot_dimension_numbers<[1], [0], [0], [1], [0, 0, 1, 1], [], []>, transpose_lhs_hint = false} : vector<256x1024xbf16>, vector<1024x512xbf16>, vector<256x512xf32> -> vector<256x512xf32>
    %logistic3A = arith.negf %dot_general3A_5 : vector<256x512xf32>
    %logistic3A_11 = math.exp %logistic3A : vector<256x512xf32>
    %logistic3A_12 = arith.constant 1.000000e+00 : f32
    %logistic3A_13 = vector.broadcast %logistic3A_12 : f32 to vector<256x512xf32>
    %logistic3A_14 = arith.addf %logistic3A_13, %logistic3A_11 : vector<256x512xf32>
    %logistic3A_15 = arith.divf %logistic3A_13, %logistic3A_14 : vector<256x512xf32>
    %mul3A = arith.mulf %dot_general3A_5, %logistic3A_15 : vector<256x512xf32>
    %mul3A_16 = arith.mulf %mul3A, %dot_general3A_10 : vector<256x512xf32>
    %convert_element_type3A_17 = arith.truncf %mul3A_16 : vector<256x512xf32> to vector<256x512xbf16>
    %get3A_18 = arith.constant 0 : index
    %get3A_19 = arith.constant 0 : index
    %get3A_20 = vector.load %arg4[%get3A_18, %get3A_19] : memref<512x1024xbf16, #tpu.memory_space<vmem>>, vector<512x1024xbf16>
    %dot_general3A_21 = arith.constant dense<0.000000e+00> : vector<256x1024xf32>
    %dot_general3A_22 = tpu.matmul %convert_element_type3A_17, %get3A_20, %dot_general3A_21 {dimension_numbers = #tpu.dot_dimension_numbers<[1], [0], [0], [1], [0, 0, 1, 1], [], []>, transpose_lhs_hint = false} : vector<256x512xbf16>, vector<512x1024xbf16>, vector<256x1024xf32> -> vector<256x1024xf32>
    %swap3A = arith.constant 0 : index
    %swap3A_23 = arith.constant 0 : index
    %swap3A_24 = vector.load %arg5[%swap3A, %swap3A_23] : memref<256x1024xf32, #tpu.memory_space<vmem>>, vector<256x1024xf32>
    tpu.vector_store %arg5[%swap3A, %swap3A_23], %dot_general3A_22 {strides = array<i32>} : memref<256x1024xf32, #tpu.memory_space<vmem>>, vector<256x1024xf32>,
    return
  }
  func.func @transform_0(%arg0: i32) -> (i32, i32) {
    %c0_i32 = arith.constant 0 : i32
    %c0_i32_0 = arith.constant 0 : i32
    return %arg0, %c0_i32 : i32, i32
  }
  func.func @transform_1(%arg0: i32) -> (i32, i32) {
    %c0_i32 = arith.constant 0 : i32
    %c0_i32_0 = arith.constant 0 : i32
    %c0_i32_1 = arith.constant 0 : i32
    return %c0_i32, %c0_i32_0 : i32, i32
  }
  func.func @transform_2(%arg0: i32) -> (i32, i32) {
    %c0_i32 = arith.constant 0 : i32
    %c0_i32_0 = arith.constant 0 : i32
    %c0_i32_1 = arith.constant 0 : i32
    return %c0_i32, %c0_i32_0 : i32, i32
  }
  func.func @transform_3(%arg0: i32) -> (i32, i32) {
    %c0_i32 = arith.constant 0 : i32
    %c0_i32_0 = arith.constant 0 : i32
    %c0_i32_1 = arith.constant 0 : i32
    return %c0_i32, %c0_i32_0 : i32, i32
  }
  func.func @transform_4(%arg0: i32) -> (i32, i32) {
    %c0_i32 = arith.constant 0 : i32
    %c0_i32_0 = arith.constant 0 : i32
    return %arg0, %c0_i32 : i32, i32
  }
}

module attributes {stable_mosaic.version = 14 : i64} {
  func.func @_combine_body(%arg0: i32, %arg1: memref<256x1024xf32, #tpu.memory_space<vmem>>, %arg2: memref<256x2xf32, #tpu.memory_space<vmem>>, %arg3: memref<256x2048xf32, #tpu.memory_space<vmem>>, %arg4: memref<256x1024xf32, #tpu.memory_space<vmem>>) attributes {dimension_semantics = [#tpu.dimension_semantics<parallel>], iteration_bounds = array<i64: 8>, scalar_prefetch = 0 : i64, scratch_operands = 0 : i64, tpu.core_type = #tpu.core_type<tc>, window_params = [{transform_indices = @transform_0, window_bounds = array<i64: 256, 1024>}, {transform_indices = @transform_1, window_bounds = array<i64: 256, 2>}, {transform_indices = @transform_2, window_bounds = array<i64: 256, 2048>}, {transform_indices = @transform_3, window_bounds = array<i64: 256, 1024>}]} {
    %get3A = arith.constant 0 : index
    %get3A_0 = arith.constant 0 : index
    %get3A_1 = vector.load %arg2[%get3A, %get3A_0] : memref<256x2xf32, #tpu.memory_space<vmem>>, vector<256x1xf32>
    %get3A_2 = arith.constant 0 : index
    %get3A_3 = arith.constant 1 : index
    %get3A_4 = vector.load %arg2[%get3A_2, %get3A_3] : memref<256x2xf32, #tpu.memory_space<vmem>>, vector<256x1xf32>
    %get3A_5 = arith.constant 0 : index
    %get3A_6 = arith.constant 0 : index
    %get3A_7 = vector.load %arg3[%get3A_5, %get3A_6] : memref<256x2048xf32, #tpu.memory_space<vmem>>, vector<256x1024xf32>
    %get3A_8 = arith.constant 0 : index
    %get3A_9 = arith.constant 1024 : index
    %get3A_10 = vector.load %arg3[%get3A_8, %get3A_9] : memref<256x2048xf32, #tpu.memory_space<vmem>>, vector<256x1024xf32>
    %get3A_11 = arith.constant 0 : index
    %get3A_12 = arith.constant 0 : index
    %get3A_13 = vector.load %arg1[%get3A_11, %get3A_12] : memref<256x1024xf32, #tpu.memory_space<vmem>>, vector<256x1024xf32>
    %mul3A = vector.broadcast %get3A_1 : vector<256x1xf32> to vector<256x1024xf32>
    %mul3A_14 = arith.mulf %mul3A, %get3A_7 : vector<256x1024xf32>
    %add3A = arith.addf %get3A_13, %mul3A_14 : vector<256x1024xf32>
    %mul3A_15 = vector.broadcast %get3A_4 : vector<256x1xf32> to vector<256x1024xf32>
    %mul3A_16 = arith.mulf %mul3A_15, %get3A_10 : vector<256x1024xf32>
    %add3A_17 = arith.addf %add3A, %mul3A_16 : vector<256x1024xf32>
    %swap3A = arith.constant 0 : index
    %swap3A_18 = arith.constant 0 : index
    %swap3A_19 = vector.load %arg4[%swap3A, %swap3A_18] : memref<256x1024xf32, #tpu.memory_space<vmem>>, vector<256x1024xf32>
    tpu.vector_store %arg4[%swap3A, %swap3A_18], %add3A_17 {strides = array<i32>} : memref<256x1024xf32, #tpu.memory_space<vmem>>, vector<256x1024xf32>,
    return
  }
  func.func @transform_0(%arg0: i32) -> (i32, i32) {
    %c0_i32 = arith.constant 0 : i32
    %c0_i32_0 = arith.constant 0 : i32
    return %arg0, %c0_i32 : i32, i32
  }
  func.func @transform_1(%arg0: i32) -> (i32, i32) {
    %c0_i32 = arith.constant 0 : i32
    %c0_i32_0 = arith.constant 0 : i32
    return %arg0, %c0_i32 : i32, i32
  }
  func.func @transform_2(%arg0: i32) -> (i32, i32) {
    %c0_i32 = arith.constant 0 : i32
    %c0_i32_0 = arith.constant 0 : i32
    return %arg0, %c0_i32 : i32, i32
  }
  func.func @transform_3(%arg0: i32) -> (i32, i32) {
    %c0_i32 = arith.constant 0 : i32
    %c0_i32_0 = arith.constant 0 : i32
    return %arg0, %c0_i32 : i32, i32
  }
}

</mosaic_0001>

<sc_bundles>
// kernel: kernel.12.cloned.1.call-start
scs
__scs_entry_jumppad:
0x0: {  	(pc) =	sbr.rel $0x88, $3  }
0x1: {  	(tag) =	ssettag $0x0;
	lr =	simm.s32 $0x1  }
0x2: {  	[smem:$0x3F99] =	sst lr;
	_ =	strace $0xD0000000  }
0x3: {  	_ = 	snop  }
0x4: {  	_ = 	snop  }
0x5: {  	_ = 	snop  }
0x6: {  	_ = 	snop  }
0x7: {  	_ = 	snop  }
__scs_overlays_trampoline_lowered:
0x8: {  	[smem:$0x3FA8] =	sst s0  }
0x9: {  	[smem:$0x3FA9] =	sst s1  }
0xa: {  	[smem:$0x3FAA] =	sst s2  }
0xb: {  	[smem:$0x3FAB] =	sst s3  }
0xc: {  	[smem:$0x3FAC] =	sst s4  }
0xd: {  	[smem:$0x3FAD] =	sst s5  }
0xe: {  	[smem:$0x3FAE] =	sst s6  }
0xf: {  	[smem:$0x3FAF] =	sst s7  }
0x10: {  	[smem:$0x3FB0] =	sst s8  }
0x11: {  	[smem:$0x3FB1] =	sst s9;
	s0 =	simm.s32 @!p0 $0x0  }
0x12: {  	s1 =	sld [smem:$0x3F97];
	s0 =	simm.s32 @p0 $0x1  }
0x13: {  	[smem:$0x3FB2] =	sst s0;
	s0 =	simm.s32 @!p1 $0x0  }
0x14: {  	s2 =	sld [smem:$0x3F96];
	s0 =	simm.s32 @p1 $0x1  }
0x15: {  	[smem:$0x3FB3] =	sst s0;
	s0 =	simm.s32 @!p2 $0x0  }
0x16: {  	s3 =	sld [smem:$0x3FDB];
	s0 =	simm.s32 @p2 $0x1  }
0x17: {  	s4 =	simm.s32 $0x1BF5;
	[smem:$0x3FB5] =	sst s0  }
0x18: {  	s0 =	sld [smem:$0x3F98];
	_ =	swait.ge [sflag:s4], $0x0  }
0x19: {  	s7 =	sld [smem:$0x3F99]  }
0x1a: {  	s8 =	sadd.s32 $0xFFFFE003, lr  }
0x1b: {  	s9 =	sadd.s32 $0xFFFFFEF7, lr;
	s5 =	simm.s32 $0xFFFFFFFF;
	p2 =	slt.u32 s8, $0xFFFFF086  }
0x1c: {  	p1 =	slt.u32 s9, $0xF7A;
	s5 =	simm.s32 @!p2 $0x0  }
0x1d: {  	s5 =	simm.s32 @p1 $0x1;
	p0 =	seq.s32 s7, s2  }
0x1e: {  	s7 =	smul.u32 @!p0 $0xF7A, s2;
	p2 =	seq.s32 @!p0 s5, $0x0  }
0x1f: {  	s9 =	smul.u32 $0xF7A, s1;
	s8 =	simm.s32 @!p0 $0x1BF5;
	p2 =	por !p2, p0  }
0x20: {  	[sflag:s8] =	ssyncset.s32 @!p0 $0xFFFFF086;
	s6 =	sadd.s32 @!p0 s3, s7;
	s7 =	simm.s32 @!p0 $0x108  }
0x21: {  	s3 =	sadd.s32 s3, s9;
	s6 =	sadd.s32 @!p0 $0x88, s6;
	s7 =	simm.s32 @p2 $0x1082  }
0x22: {  	[simem:s7], [sflag:s8] =	dma.local @!p0 [hbm:s6], $0xF7A  }
0x23: {  	s9 =	sor.u32 $0xD0000000, s2;
	s6 =	simm.s32 $0x108;
	_ =	swait.ge @!p0 [sflag:s8], $0x0  }
0x24: {  	s3 =	sadd.s32 $0x88, s3;
	s6 =	simm.s32 @!p1 $0x1082;
	[sflag:s4] =	ssyncset.s32 $0xFFFFF086  }
0x25: {  	[simem:s6], [sflag:s4] =	dma.local [hbm:s3], $0xF7A  }
0x26: {  	[smem:$0x3F99] =	sst s1;
	(tag) =	ssettag s2;
	_ =	strace s9  }
0x27: {  	s1 =	sld [smem:$0x3FA9]  }
0x28: {  	s2 =	sld [smem:$0x3FAA]  }
0x29: {  	s4 =	sld [smem:$0x3FAC]  }
0x2a: {  	p0 =	seq.s32 s5, $0x0;
	s5 =	sld [smem:$0x3FAD]  }
0x2b: {  	s6 =	sld [smem:$0x3FAE]  }
0x2c: {  	s7 =	sld [smem:$0x3FAF]  }
0x2d: {  	s3 =	simm.s32 $0x108;
	s8 =	sld [smem:$0x3FB0]  }
0x2e: {  	s3 =	simm.s32 @!p0 $0x1082;
	s9 =	sld [smem:$0x3FB1]  }
0x2f: {  	lr =	sadd.s32 s0, s3;
	s0 =	sld [smem:$0x3FA8]  }
0x30: {  	s3 =	sld [smem:$0x3FAB]  }
0x31: {  	[smem:$0x3FB4] =	sst s10  }
0x32: {  	s10 =	sld [smem:$0x3FB2];
	_ =	sdelay $0x3  }
0x33: {  	p0 =	seq.s32 s10, $0x1;
	s10 =	sld [smem:$0x3FB4];
	_ =	sdelay $0x3  }
0x34: {  	[smem:$0x3FB4] =	sst s10  }
0x35: {  	s10 =	sld [smem:$0x3FB3];
	_ =	sdelay $0x3  }
0x36: {  	p1 =	seq.s32 s10, $0x1;
	s10 =	sld [smem:$0x3FB4];
	_ =	sdelay $0x3  }
0x37: {  	[smem:$0x3FB4] =	sst s10  }
0x38: {  	s10 =	sld [smem:$0x3FB5]  }
0x39: {  	_ = 	snop;
	(pc) =	sbr.ind lr, $3  }
0x3a: {  	_ = 	snop  }
0x3b: {  	_ = 	snop  }
0x3c: {  	p2 =	seq.s32 s10, $0x1;
	s10 =	sld [smem:$0x3FB4]  }
0x3d: {  	_ =	shalt  }
0x3e: {  	_ =	shalt  }
0x3f: {  	_ =	shalt  }
0x40: {  	_ =	shalt  }
0x41: {  	_ =	shalt  }
0x42: {  	_ =	shalt  }
0x43: {  	_ =	shalt  }
0x44: {  	_ =	shalt  }
0x45: {  	_ =	shalt  }
0x46: {  	_ =	shalt  }
0x47: {  	_ =	shalt  }
0x48: {  	_ =	shalt  }
0x49: {  	_ =	shalt  }
0x4a: {  	_ =	shalt  }
0x4b: {  	_ =	shalt  }
0x4c: {  	_ =	shalt  }
0x4d: {  	_ =	shalt  }
0x4e: {  	_ =	shalt  }
0x4f: {  	_ =	shalt  }
0x50: {  	_ =	shalt  }
0x51: {  	_ =	shalt  }
0x52: {  	_ =	shalt  }
0x53: {  	_ =	shalt  }
0x54: {  	_ =	shalt  }
0x55: {  	_ =	shalt  }
0x56: {  	_ =	shalt  }
0x57: {  	_ =	shalt  }
0x58: {  	_ =	shalt  }
0x59: {  	_ =	shalt  }
0x5a: {  	_ =	shalt  }
0x5b: {  	_ =	shalt  }
0x5c: {  	_ =	shalt  }
0x5d: {  	_ =	shalt  }
0x5e: {  	_ =	shalt  }
0x5f: {  	_ =	shalt  }
0x60: {  	_ =	shalt  }
0x61: {  	_ =	shalt  }
0x62: {  	_ =	shalt  }
0x63: {  	_ =	shalt  }
0x64: {  	_ =	shalt  }
0x65: {  	_ =	shalt  }
0x66: {  	_ =	shalt  }
0x67: {  	_ =	shalt  }
0x68: {  	_ =	shalt  }
0x69: {  	_ =	shalt  }
0x6a: {  	_ =	shalt  }
0x6b: {  	_ =	shalt  }
0x6c: {  	_ =	shalt  }
0x6d: {  	_ =	shalt  }
0x6e: {  	_ =	shalt  }
0x6f: {  	_ =	shalt  }
0x70: {  	_ =	shalt  }
0x71: {  	_ =	shalt  }
0x72: {  	_ =	shalt  }
0x73: {  	_ =	shalt  }
0x74: {  	_ =	shalt  }
0x75: {  	_ =	shalt  }
0x76: {  	_ =	shalt  }
0x77: {  	_ =	shalt  }
0x78: {  	_ =	shalt  }
0x79: {  	_ =	shalt  }
0x7a: {  	_ =	shalt  }
0x7b: {  	_ =	shalt  }
0x7c: {  	_ =	shalt  }
0x7d: {  	_ =	shalt  }
0x7e: {  	_ =	shalt  }
0x7f: {  	_ =	shalt  }
0x80: {  	_ =	shalt  }
0x81: {  	_ =	shalt  }
0x82: {  	_ =	shalt  }
0x83: {  	_ =	shalt  }
0x84: {  	_ =	shalt  }
0x85: {  	_ =	shalt  }
0x86: {  	_ =	shalt  }
0x87: {  	_ =	shalt  }
.Lfunc_end0:
.L_simem_size_0:
called_computation.1_lowered:
.L_overlay_start_0:
0x88: {  	s2 =	sld [smem:$0x3FD9]  }
0x89: {  	s3 =	sld [smem:$0x3FFE];
	_ =	sdelay $0x1  }
0x8a: {  	s1 =	srdreg.scid  }
0x8b: {  	s0 =	sand.u32 $0x1, s1  }
0x8c: {  	s14 =	sshll.u32 s0, $0xA;
	s2 =	sadd.s32 s3, s2  }
0x8d: {  	s2 =	sadd.s32 s2, s14  }
0x8e: {  	[smem:$0x3FC0] =	sst s2  }
0x8f: {  	_ = 	snop  }
0x90: {  	s2 =	sld [smem:$0x3FD0];
	_ =	sdelay $0x2  }
0x91: {  	s4 =	simm.s32 $0xA;
	s5 =	simm.s32 $0x10;
	s15 =	sld [smem:$0x3FC9]  }
0x92: {  	[smem:s5], [sflag:s4] =	dma.local [hbm:s2], $0x1  }
0x93: {  	_ =	swait.eq [sflag:s4], $0x1  }
0x94: {  	[sflag:s4] =	ssyncset.done $0x0  }
0x95: {  	[sflag:s4] =	ssyncadd.s32 $0xFFFFFFFF  }
0x96: {  	s16 =	sld [smem:$0x11];
	(tm) =	ssettm $0x1  }
0x97: {  	s17 =	sld [smem:$0x3FFB];
	_ =	sdelay $0x3  }
0x98: {  	_ =	strace s17  }
0x99: {  	s4 =	sld [smem:$0x3FFC];
	_ =	sdelay $0x3  }
0x9a: {  	_ =	strace s4  }
0x9b: {  	s4 =	sld [smem:$0x3FFD];
	_ =	sdelay $0x3  }
0x9c: {  	_ =	strace s4  }
0x9d: {  	_ =	strace $0x8FFFFFFF  }
0x9e: {  	s18 =	sld [smem:$0x3FDB];
	_ =	sdelay $0x1  }
0x9f: {  	s19 =	simm.s32 $_scs_section_size  }
0xa0: {  	s6 =	simm.s32 $_size__tile_overlayer_lowered;
	s7 =	simm.s32 $_tile_overlayer_lowered  }
0xa1: {  	s22 =	simm.s32 $0x1BFF;
	s21 =	sshll.u32 s7, $0x1;
	s4 =	sadd.s32 s19, s18  }
0xa2: {  	s8 =	simm.s32 $0x0;
	s20 =	sshll.u32 s6, $0x1;
	s6 =	sadd.s32 s21, s4  }
0xa3: {  	[timem:s8], [sflag:s22] =	dma.local [hbm:s6], s20  }
0xa4: {  	_ =	swait.ge [sflag:s22], s20  }
0xa5: {  	s5 =	ssub.s32 $0x0, s20;
	[sflag:s22] =	ssyncset.done $0x0  }
0xa6: {  	[sflag:s22] =	ssyncadd.s32 s5;
	_ =	sdelay $0x1  }
0xa7: {  	s23 =	simm.s32 $0x1B8B  }
0xa8: {  	_ =	swait.ge [sflag:s23], $0x1  }
0xa9: {  	[sflag:s23] =	ssyncset.done $0x0  }
0xaa: {  	s25 =	simm.s32 $0x1B8E;
	s24 =	sld [smem:$0x3FFE];
	[sflag:s23] =	ssyncadd.s32 $0xFFFFFFFF  }
0xab: {  	s26 =	simm.s32 $execute0_lowered;
	[smem:$0x3FD2] =	sst s25  }
0xac: {  	s6 =	sshll.u32 s26, $0x1;
	_ =	strace $0x80000049;
	[dreg:$0x1] =	wrdreg $0xFFFFFFFF  }
0xad: {  	s28 =	simm.s32 $_size_execute0_lowered;
	s4 =	sadd.s32 s4, s6;
	[dreg:$0x0] =	wrdreg $0x0  }
0xae: {  	s6 =	sshll.u32 s28, $0x1;
	[dreg:$0x2] =	wrdreg s4  }
0xaf: {  	[dreg:$0x3] =	wrdreg s6  }
0xb0: {  	[dreg:$0x4] =	wrdreg $0xC0  }
0xb1: {  	_ =	task [dreg:s8], $0x5FFFF  }
0xb2: {  	[dreg:$0x1] =	wrdreg $0xFFFFFFFF  }
0xb3: {  	[dreg:$0x0] =	wrdreg $0x60  }
0xb4: {  	[dreg:$0x2] =	wrdreg s15  }
0xb5: {  	[dreg:$0x3] =	wrdreg s16  }
0xb6: {  	[dreg:$0x4] =	wrdreg s24  }
0xb7: {  	[dreg:$0x5] =	wrdreg $0x9  }
0xb8: {  	_ =	task.clear_ibuf [dreg:s8], $0x6FFFF;
	_ =	strace $0x90000049  }
0xb9: {  	s29 =	simm.s32 $0x9;
	_ =	strace $0x8000004B  }
0xba: {  	_ =	swait.ge [sflag:s29], $0x1  }
0xbb: {  	[sflag:s29] =	ssyncadd.s32 $0xFFFFFFFF  }
0xbc: {  	_ =	strace $0x9000004B  }
0xbd: {  	_ =	sfence  }
0xbe: {  	s30 =	sld [smem:$0x0];
	_ =	sdelay $0x2  }
0xbf: {  	s31 =	sshll.u32 s1, $0xD;
	s1 =	sshrl.u32 s1, $0x2  }
0xc0: {  	s3 =	sand.u32 $0x4000, s31;
	s1 =	sadd.s32 s1, s30  }
0xc1: {  	s0 =	sor.u32 s3, s0;
	s1 =	sshll.u32 s1, $0x11  }
0xc2: {  	s0 =	sor.u32 s1, s0  }
0xc3: {  	s0 =	sadd.s32 $0x8F2B, s0  }
0xc4: {  	[sflag:s0] =	ssyncadd.remote.s32 $0x1  }
0xc5: {  	_ =	sfence.sel $0xFFFF  }
0xc6: {  	[dreg:$0x0] =	wrdreg $0xFFFFFFFF;
	(pc) =	sbr.abs _section_cstart, $3  }
0xc7: {  	[dreg:$0x1] =	wrdreg $0xFFFFFFFF  }
0xc8: {  	_ =	task.clear_ibuf [dreg:s8], $0x2FFFF;
	_ =	strace $0x9FFFFFFF  }
0xc9: {  	(tm) =	ssettm $0x7FFFFFFF  }
tec
execute0_lowered:
.L_overlay_start_1:
0x0: {  	(tag) =	ssettag $0x1  }
0x1: {  	s1 =	rddreg [dreg:$0x0]  }
0x2: {  	s0 =	rddreg [dreg:$0x1];
	s2 =	srdreg.scid  }
0x3: {  	s3 =	stileid.u32;
	s4 =	rddreg [dreg:$0x2];
	s9 =	simm.s32 $0x1  }
0x4: {  	s28 =	simm.s32 $0x2;
	s30 =	simm.s32 $0x100;
	s31 =	simm.s32 $0x900  }
0x5: {  	s10 =	simm.s32 $0x2100;
	s11 =	simm.s32 $0x2900;
	s12 =	simm.s32 $0x3100  }
0x6: {  	s13 =	simm.s32 $0x3900;
	s14 =	simm.s32 $0x4100;
	s15 =	simm.s32 $0x4900  }
0x7: {  	s16 =	simm.s32 $0x5100;
	s17 =	simm.s32 $0x5900;
	s18 =	simm.s32 $0x6100  }
0x8: {  	s19 =	simm.s32 $0x6900;
	s2 =	sand.u32 $0x1, s2;
	s5 =	sshll.u32 s3, $0x1  }
0x9: {  	s20 =	simm.s32 $0x7100;
	s21 =	simm.s32 $0x7900;
	s5 =	sor.u32 s2, s5  }
0xa: {  	s22 =	simm.s32 $0x8100;
	s3 =	simm.s32 $0x0;
	s6 =	smul.u32 $0x14, s5  }
0xb: {  	s4 =	sadd.s32 $0x3800, s4;
	s2 =	ssub.s32 $0x2, s2;
	s7 =	smul.u32 $0x28000, s5  }
0xc: {  	[smem:$0x7FF] =	sst s3;
	s8 =	sshrl.u32 s2, $0x1;
	s5 =	smul.u32 $0x5000, s5  }
0xd: {  	_ =	strace $0x8000004A;
	s2 =	ssub.s32 s2, s8;
	s8 =	simm.s32 $0x3  }
0xe: {  	s0 =	sadd.s32 s0, s6;
	s23 =	sshrl.u32 s7, $0x3;
	s24 =	sadd.s32 s4, s5  }
0xf: {  	s5 =	sadd.s32 $0x200, s1;
	s6 =	sadd.s32 $0x300, s1;
	[dreg:$0x4] =	wrdreg s0  }
0x10: {  	s7 =	sadd.s32 s4, s23;
	s4 =	sadd.s32 $0x100, s1;
	[dreg:$0x5] =	wrdreg s24  }
0x11: {  	s23 =	simm.s32 $0x8900;
	s24 =	simm.s32 $0x9100;
	s25 =	sadd.s32 $0x1400, s7  }
0x12: {  	v2 =	vlaneseq.u32;
	s26 =	sadd.s32 $0x2800, s7;
	s29 =	sadd.s32 $0x3C00, s7;
	[dreg:$0x6] =	wrdreg s25  }
0x13: {  	vm0 =	vmmov $0xffff;
	v1 =	vshrl.u32 v2, $0x3;
	s7 =	smax.u32 s2, $0x1;
	s2 =	simm.s32 $0x1100;
	[dreg:$0x7] =	wrdreg s26  }
0x14: {  	v0 =	vand.u32 $0x7, v2;
	v2 =	vor.u32 $0x8, v2;
	v1 =	vmul.u32 $0x8, v1;
	[dreg:$0x8] =	wrdreg s29;
	s25 =	simm.s32 $0x9900;
	s26 =	simm.s32 $0xA100  }
.LBB2_1:
0x15: {  	s29 =	rddreg [dreg:$0x4]  }
0x16: {  	[tilespmem:s3], [sflag:$0x3] =	stream.linear.gather [hbm4b:s29+s3], $0xA0, $0x38;
	[tilespmem:$0x14100] =	vst v63  }
0x17: {  	_ =	swait.ge [sflag:s8], $0xA0  }
0x18: {  	[sflag:s8] =	ssyncset.done $0x0  }
0x19: {  	[sflag:s8] =	ssyncadd.s32 $0xFFFFFF60  }
0x1a: {  	v3 =	vld [tilespmem:$0x0];
	_ =	sdelay $0x4  }
0x1b: {  	v4 =	vshll.u32 v3, $0x3  }
0x1c: {  	v3 =	vand.u32 $0x7, v3;
	v4 =	vand.u32 $0xFFFFFFC0, v4  }
0x1d: {  	v3 =	vor.u32 v3, v4  }
0x1e: {  	v4 =	vperm.xlane v3, v0;
	_ =	sdelay $0x1  }
0x1f: {  	v4 =	vadd.s32 v1, v4;
	_ =	sdelay $0x4  }
0x20: {  	[tilespmem:s30], [sflag:$0x1] =	stream.indirect_vreg.gather [hbm4b:s1+s3], $0x80, v4, vm0, $0xb8;
	[tilespmem:$0x14100] =	vst v63  }
0x21: {  	v3 =	vperm.xlane v3, v2  }
0x22: {  	[tilespmem:s31], [sflag:$0x1] =	stream.indirect_vreg.gather [hbm4b:s4+s3], $0x80, v4, vm0, $0xb8;
	[tilespmem:$0x14100] =	vst v63  }
0x23: {  	v3 =	vadd.s32 v1, v3  }
0x24: {  	[tilespmem:s2], [sflag:$0x1] =	stream.indirect_vreg.gather [hbm4b:s5+s3], $0x80, v4, vm0, $0xb8;
	[tilespmem:$0x14100] =	vst v63  }
0x25: {  	s0 =	simm.s32 $0x1900  }
0x26: {  	[tilespmem:s0], [sflag:$0x1] =	stream.indirect_vreg.gather [hbm4b:s6+s3], $0x80, v4, vm0, $0xb8;
	[tilespmem:$0x14100] =	vst v63  }
0x27: {  	_ = 	snop  }
0x28: {  	[tilespmem:s10], [sflag:$0x1] =	stream.indirect_vreg.gather [hbm4b:s1+s3], $0x80, v3, vm0, $0xb8;
	[tilespmem:$0x14100] =	vst v63  }
0x29: {  	_ = 	snop  }
0x2a: {  	[tilespmem:s11], [sflag:$0x1] =	stream.indirect_vreg.gather [hbm4b:s4+s3], $0x80, v3, vm0, $0xb8;
	[tilespmem:$0x14100] =	vst v63  }
0x2b: {  	_ = 	snop  }
0x2c: {  	[tilespmem:s12], [sflag:$0x1] =	stream.indirect_vreg.gather [hbm4b:s5+s3], $0x80, v3, vm0, $0xb8;
	[tilespmem:$0x14100] =	vst v63  }
0x2d: {  	_ = 	snop  }
0x2e: {  	[tilespmem:s13], [sflag:$0x1] =	stream.indirect_vreg.gather [hbm4b:s6+s3], $0x80, v3, vm0, $0xb8;
	[tilespmem:$0x14100] =	vst v63  }
0x2f: {  	v3 =	vld [tilespmem:$0x10];
	_ =	sdelay $0x4  }
0x30: {  	v53 =	vshll.u32 v3, $0x3  }
0x31: {  	v3 =	vand.u32 $0x7, v3;
	v4 =	vand.u32 $0xFFFFFFC0, v53  }
0x32: {  	v3 =	vor.u32 v3, v4  }
0x33: {  	v4 =	vperm.xlane v3, v0;
	_ =	sdelay $0x1  }
0x34: {  	v4 =	vadd.s32 v1, v4;
	_ =	sdelay $0x4  }
0x35: {  	[tilespmem:s14], [sflag:$0x1] =	stream.indirect_vreg.gather [hbm4b:s1+s3], $0x80, v4, vm0, $0xb8;
	[tilespmem:$0x14100] =	vst v63  }
0x36: {  	v3 =	vperm.xlane v3, v2  }
0x37: {  	[tilespmem:s15], [sflag:$0x1] =	stream.indirect_vreg.gather [hbm4b:s4+s3], $0x80, v4, vm0, $0xb8;
	[tilespmem:$0x14100] =	vst v63  }
0x38: {  	v3 =	vadd.s32 v1, v3  }
0x39: {  	[tilespmem:s16], [sflag:$0x1] =	stream.indirect_vreg.gather [hbm4b:s5+s3], $0x80, v4, vm0, $0xb8;
	[tilespmem:$0x14100] =	vst v63  }
0x3a: {  	_ = 	snop  }
0x3b: {  	[tilespmem:s17], [sflag:$0x1] =	stream.indirect_vreg.gather [hbm4b:s6+s3], $0x80, v4, vm0, $0xb8;
	[tilespmem:$0x14100] =	vst v63  }
0x3c: {  	_ = 	snop  }
0x3d: {  	[tilespmem:s18], [sflag:$0x1] =	stream.indirect_vreg.gather [hbm4b:s1+s3], $0x80, v3, vm0, $0xb8;
	[tilespmem:$0x14100] =	vst v63  }
0x3e: {  	_ = 	snop  }
0x3f: {  	[tilespmem:s19], [sflag:$0x1] =	stream.indirect_vreg.gather [hbm4b:s4+s3], $0x80, v3, vm0, $0xb8;
	[tilespmem:$0x14100] =	vst v63  }
0x40: {  	_ = 	snop  }
0x41: {  	[tilespmem:s20], [sflag:$0x1] =	stream.indirect_vreg.gather [hbm4b:s5+s3], $0x80, v3, vm0, $0xb8;
	[tilespmem:$0x14100] =	vst v63  }
0x42: {  	_ = 	snop  }
0x43: {  	[tilespmem:s21], [sflag:$0x1] =	stream.indirect_vreg.gather [hbm4b:s6+s3], $0x80, v3, vm0, $0xb8;
	[tilespmem:$0x14100] =	vst v63  }
0x44: {  	v3 =	vld.msk [tilespmem:$0x20], $0xff;
	_ =	sdelay $0x4  }
0x45: {  	v54 =	vshll.u32 v3, $0x3  }
0x46: {  	v3 =	vand.u32 $0x7, v3;
	v4 =	vand.u32 $0xFFFFFFC0, v54  }
0x47: {  	v3 =	vor.u32 v3, v4  }
0x48: {  	v3 =	vperm.xlane v3, v0;
	_ =	sdelay $0x1  }
0x49: {  	v3 =	vadd.s32 v1, v3;
	_ =	sdelay $0x4  }
0x4a: {  	[tilespmem:s22], [sflag:$0x1] =	stream.indirect_vreg.gather [hbm4b:s1+s3], $0x80, v3, vm0, $0xb8;
	[tilespmem:$0x14100] =	vst v63  }
0x4b: {  	_ = 	snop  }
0x4c: {  	[tilespmem:s23], [sflag:$0x1] =	stream.indirect_vreg.gather [hbm4b:s4+s3], $0x80, v3, vm0, $0xb8;
	[tilespmem:$0x14100] =	vst v63  }
0x4d: {  	_ = 	snop  }
0x4e: {  	[tilespmem:s24], [sflag:$0x1] =	stream.indirect_vreg.gather [hbm4b:s5+s3], $0x80, v3, vm0, $0xb8;
	[tilespmem:$0x14100] =	vst v63  }
0x4f: {  	_ = 	snop  }
0x50: {  	[tilespmem:s25], [sflag:$0x1] =	stream.indirect_vreg.gather [hbm4b:s6+s3], $0x80, v3, vm0, $0xb8;
	[tilespmem:$0x14100] =	vst v63  }
0x51: {  	v3 =	vld [tilespmem:$0x28];
	_ =	sdelay $0x4  }
0x52: {  	v55 =	vshll.u32 v3, $0x3  }
0x53: {  	v3 =	vand.u32 $0x7, v3;
	v4 =	vand.u32 $0xFFFFFFC0, v55  }
0x54: {  	v3 =	vor.u32 v3, v4  }
0x55: {  	v4 =	vperm.xlane v3, v0;
	_ =	sdelay $0x1  }
0x56: {  	v4 =	vadd.s32 v1, v4;
	_ =	sdelay $0x4  }
0x57: {  	[tilespmem:s26], [sflag:$0x2] =	stream.indirect_vreg.gather [hbm4b:s1+s3], $0x80, v4, vm0, $0xb8;
	[tilespmem:$0x14100] =	vst v63  }
0x58: {  	s29 =	simm.s32 $0xA900;
	v3 =	vperm.xlane v3, v2  }
0x59: {  	[tilespmem:s29], [sflag:$0x2] =	stream.indirect_vreg.gather [hbm4b:s4+s3], $0x80, v4, vm0, $0xb8;
	[tilespmem:$0x14100] =	vst v63  }
0x5a: {  	v3 =	vadd.s32 v1, v3;
	s29 =	simm.s32 $0xB100  }
0x5b: {  	[tilespmem:s29], [sflag:$0x2] =	stream.indirect_vreg.gather [hbm4b:s5+s3], $0x80, v4, vm0, $0xb8;
	[tilespmem:$0x14100] =	vst v63  }
0x5c: {  	s29 =	simm.s32 $0xB900  }
0x5d: {  	[tilespmem:s29], [sflag:$0x2] =	stream.indirect_vreg.gather [hbm4b:s6+s3], $0x80, v4, vm0, $0xb8;
	[tilespmem:$0x14100] =	vst v63  }
0x5e: {  	s29 =	simm.s32 $0xC100  }
0x5f: {  	[tilespmem:s29], [sflag:$0x2] =	stream.indirect_vreg.gather [hbm4b:s1+s3], $0x80, v3, vm0, $0xb8;
	[tilespmem:$0x14100] =	vst v63  }
0x60: {  	s29 =	simm.s32 $0xC900  }
0x61: {  	[tilespmem:s29], [sflag:$0x2] =	stream.indirect_vreg.gather [hbm4b:s4+s3], $0x80, v3, vm0, $0xb8;
	[tilespmem:$0x14100] =	vst v63  }
0x62: {  	s29 =	simm.s32 $0xD100  }
0x63: {  	[tilespmem:s29], [sflag:$0x2] =	stream.indirect_vreg.gather [hbm4b:s5+s3], $0x80, v3, vm0, $0xb8;
	[tilespmem:$0x14100] =	vst v63  }
0x64: {  	s29 =	simm.s32 $0xD900  }
0x65: {  	[tilespmem:s29], [sflag:$0x2] =	stream.indirect_vreg.gather [hbm4b:s6+s3], $0x80, v3, vm0, $0xb8;
	[tilespmem:$0x14100] =	vst v63  }
0x66: {  	v3 =	vld [tilespmem:$0x38];
	_ =	sdelay $0x4  }
0x67: {  	v56 =	vshll.u32 v3, $0x3  }
0x68: {  	v3 =	vand.u32 $0x7, v3;
	v4 =	vand.u32 $0xFFFFFFC0, v56  }
0x69: {  	v3 =	vor.u32 v3, v4  }
0x6a: {  	v4 =	vperm.xlane v3, v0;
	_ =	sdelay $0x1  }
0x6b: {  	v4 =	vadd.s32 v1, v4;
	_ =	sdelay $0x3  }
0x6c: {  	s29 =	simm.s32 $0xE100  }
0x6d: {  	[tilespmem:s29], [sflag:$0x2] =	stream.indirect_vreg.gather [hbm4b:s1+s3], $0x80, v4, vm0, $0xb8;
	[tilespmem:$0x14100] =	vst v63  }
0x6e: {  	v3 =	vperm.xlane v3, v2;
	s29 =	simm.s32 $0xE900  }
0x6f: {  	[tilespmem:s29], [sflag:$0x2] =	stream.indirect_vreg.gather [hbm4b:s4+s3], $0x80, v4, vm0, $0xb8;
	[tilespmem:$0x14100] =	vst v63  }
0x70: {  	v3 =	vadd.s32 v1, v3;
	s29 =	simm.s32 $0xF100  }
0x71: {  	[tilespmem:s29], [sflag:$0x2] =	stream.indirect_vreg.gather [hbm4b:s5+s3], $0x80, v4, vm0, $0xb8;
	[tilespmem:$0x14100] =	vst v63  }
0x72: {  	s29 =	simm.s32 $0xF900  }
0x73: {  	[tilespmem:s29], [sflag:$0x2] =	stream.indirect_vreg.gather [hbm4b:s6+s3], $0x80, v4, vm0, $0xb8;
	[tilespmem:$0x14100] =	vst v63  }
0x74: {  	s29 =	simm.s32 $0x10100  }
0x75: {  	[tilespmem:s29], [sflag:$0x2] =	stream.indirect_vreg.gather [hbm4b:s1+s3], $0x80, v3, vm0, $0xb8;
	[tilespmem:$0x14100] =	vst v63  }
0x76: {  	s29 =	simm.s32 $0x10900  }
0x77: {  	[tilespmem:s29], [sflag:$0x2] =	stream.indirect_vreg.gather [hbm4b:s4+s3], $0x80, v3, vm0, $0xb8;
	[tilespmem:$0x14100] =	vst v63  }
0x78: {  	s29 =	simm.s32 $0x11100  }
0x79: {  	[tilespmem:s29], [sflag:$0x2] =	stream.indirect_vreg.gather [hbm4b:s5+s3], $0x80, v3, vm0, $0xb8;
	[tilespmem:$0x14100] =	vst v63  }
0x7a: {  	s29 =	simm.s32 $0x11900  }
0x7b: {  	[tilespmem:s29], [sflag:$0x2] =	stream.indirect_vreg.gather [hbm4b:s6+s3], $0x80, v3, vm0, $0xb8;
	[tilespmem:$0x14100] =	vst v63  }
0x7c: {  	v3 =	vld.msk [tilespmem:$0x48], $0xff;
	_ =	sdelay $0x4  }
0x7d: {  	v57 =	vshll.u32 v3, $0x3  }
0x7e: {  	v3 =	vand.u32 $0x7, v3;
	v4 =	vand.u32 $0xFFFFFFC0, v57  }
0x7f: {  	v3 =	vor.u32 v3, v4  }
0x80: {  	v3 =	vperm.xlane v3, v0;
	_ =	sdelay $0x1  }
0x81: {  	v3 =	vadd.s32 v1, v3;
	_ =	sdelay $0x3  }
0x82: {  	s29 =	simm.s32 $0x12100  }
0x83: {  	[tilespmem:s29], [sflag:$0x2] =	stream.indirect_vreg.gather [hbm4b:s1+s3], $0x80, v3, vm0, $0xb8;
	[tilespmem:$0x14100] =	vst v63  }
0x84: {  	s29 =	simm.s32 $0x12900  }
0x85: {  	[tilespmem:s29], [sflag:$0x2] =	stream.indirect_vreg.gather [hbm4b:s4+s3], $0x80, v3, vm0, $0xb8;
	[tilespmem:$0x14100] =	vst v63  }
0x86: {  	s29 =	simm.s32 $0x13100  }
0x87: {  	[tilespmem:s29], [sflag:$0x2] =	stream.indirect_vreg.gather [hbm4b:s5+s3], $0x80, v3, vm0, $0xb8;
	[tilespmem:$0x14100] =	vst v63  }
0x88: {  	s29 =	simm.s32 $0x13900  }
0x89: {  	[tilespmem:s29], [sflag:$0x2] =	stream.indirect_vreg.gather [hbm4b:s6+s3], $0x80, v3, vm0, $0xb8;
	[tilespmem:$0x14100] =	vst v63  }
0x8a: {  	_ =	swait.ge [sflag:s9], $0xA000  }
0x8b: {  	[sflag:s9] =	ssyncset.done $0x0  }
0x8c: {  	s29 =	rddreg [dreg:$0x5];
	[sflag:s9] =	ssyncadd.s32 $0xFFFF6000  }
0x8d: {  	[hbm4b:s29+s3] =	stream.linear.scatter [tilespmem:s30], [sflag:$0x3], $0xA000, $0x38;
	[tilespmem:$0x14100] =	vst v63  }
0x8e: {  	_ =	swait.ge [sflag:s8], $0xA000  }
0x8f: {  	[sflag:s8] =	ssyncset.done $0x0  }
0x90: {  	[sflag:s8] =	ssyncadd.s32 $0xFFFF6000  }
0x91: {  	v3 =	vld [tilespmem:$0x50];
	_ =	sdelay $0x4  }
0x92: {  	v58 =	vshll.u32 v3, $0x3  }
0x93: {  	v3 =	vand.u32 $0x7, v3;
	v4 =	vand.u32 $0xFFFFFFC0, v58  }
0x94: {  	v3 =	vor.u32 v3, v4  }
0x95: {  	v4 =	vperm.xlane v3, v0;
	_ =	sdelay $0x1  }
0x96: {  	v4 =	vadd.s32 v1, v4;
	_ =	sdelay $0x4  }
0x97: {  	[tilespmem:s30], [sflag:$0x1] =	stream.indirect_vreg.gather [hbm4b:s1+s3], $0x80, v4, vm0, $0xb8;
	[tilespmem:$0x14100] =	vst v63  }
0x98: {  	v3 =	vperm.xlane v3, v2  }
0x99: {  	[tilespmem:s31], [sflag:$0x1] =	stream.indirect_vreg.gather [hbm4b:s4+s3], $0x80, v4, vm0, $0xb8;
	[tilespmem:$0x14100] =	vst v63  }
0x9a: {  	v3 =	vadd.s32 v1, v3  }
0x9b: {  	[tilespmem:s2], [sflag:$0x1] =	stream.indirect_vreg.gather [hbm4b:s5+s3], $0x80, v4, vm0, $0xb8;
	[tilespmem:$0x14100] =	vst v63  }
0x9c: {  	_ = 	snop  }
0x9d: {  	[tilespmem:s0], [sflag:$0x1] =	stream.indirect_vreg.gather [hbm4b:s6+s3], $0x80, v4, vm0, $0xb8;
	[tilespmem:$0x14100] =	vst v63  }
0x9e: {  	_ = 	snop  }
0x9f: {  	[tilespmem:s10], [sflag:$0x1] =	stream.indirect_vreg.gather [hbm4b:s1+s3], $0x80, v3, vm0, $0xb8;
	[tilespmem:$0x14100] =	vst v63  }
0xa0: {  	_ = 	snop  }
0xa1: {  	[tilespmem:s11], [sflag:$0x1] =	stream.indirect_vreg.gather [hbm4b:s4+s3], $0x80, v3, vm0, $0xb8;
	[tilespmem:$0x14100] =	vst v63  }
0xa2: {  	_ = 	snop  }
0xa3: {  	[tilespmem:s12], [sflag:$0x1] =	stream.indirect_vreg.gather [hbm4b:s5+s3], $0x80, v3, vm0, $0xb8;
	[tilespmem:$0x14100] =	vst v63  }
0xa4: {  	_ = 	snop  }
0xa5: {  	[tilespmem:s13], [sflag:$0x1] =	stream.indirect_vreg.gather [hbm4b:s6+s3], $0x80, v3, vm0, $0xb8;
	[tilespmem:$0x14100] =	vst v63  }
0xa6: {  	v3 =	vld [tilespmem:$0x60];
	_ =	sdelay $0x4  }
0xa7: {  	v59 =	vshll.u32 v3, $0x3  }
0xa8: {  	v3 =	vand.u32 $0x7, v3;
	v4 =	vand.u32 $0xFFFFFFC0, v59  }
0xa9: {  	v3 =	vor.u32 v3, v4  }
0xaa: {  	v4 =	vperm.xlane v3, v0;
	_ =	sdelay $0x1  }
0xab: {  	v4 =	vadd.s32 v1, v4;
	_ =	sdelay $0x4  }
0xac: {  	[tilespmem:s14], [sflag:$0x1] =	stream.indirect_vreg.gather [hbm4b:s1+s3], $0x80, v4, vm0, $0xb8;
	[tilespmem:$0x14100] =	vst v63  }
0xad: {  	v3 =	vperm.xlane v3, v2  }
0xae: {  	[tilespmem:s15], [sflag:$0x1] =	stream.indirect_vreg.gather [hbm4b:s4+s3], $0x80, v4, vm0, $0xb8;
	[tilespmem:$0x14100] =	vst v63  }
0xaf: {  	v3 =	vadd.s32 v1, v3  }
0xb0: {  	[tilespmem:s16], [sflag:$0x1] =	stream.indirect_vreg.gather [hbm4b:s5+s3], $0x80, v4, vm0, $0xb8;
	[tilespmem:$0x14100] =	vst v63  }
0xb1: {  	_ = 	snop  }
0xb2: {  	[tilespmem:s17], [sflag:$0x1] =	stream.indirect_vreg.gather [hbm4b:s6+s3], $0x80, v4, vm0, $0xb8;
	[tilespmem:$0x14100] =	vst v63  }
0xb3: {  	_ = 	snop  }
0xb4: {  	[tilespmem:s18], [sflag:$0x1] =	stream.indirect_vreg.gather [hbm4b:s1+s3], $0x80, v3, vm0, $0xb8;
	[tilespmem:$0x14100] =	vst v63  }
0xb5: {  	_ = 	snop  }
0xb6: {  	[tilespmem:s19], [sflag:$0x1] =	stream.indirect_vreg.gather [hbm4b:s4+s3], $0x80, v3, vm0, $0xb8;
	[tilespmem:$0x14100] =	vst v63  }
0xb7: {  	_ = 	snop  }
0xb8: {  	[tilespmem:s20], [sflag:$0x1] =	stream.indirect_vreg.gather [hbm4b:s5+s3], $0x80, v3, vm0, $0xb8;
	[tilespmem:$0x14100] =	vst v63  }
0xb9: {  	_ = 	snop  }
0xba: {  	[tilespmem:s21], [sflag:$0x1] =	stream.indirect_vreg.gather [hbm4b:s6+s3], $0x80, v3, vm0, $0xb8;
	[tilespmem:$0x14100] =	vst v63  }
0xbb: {  	v3 =	vld.msk [tilespmem:$0x70], $0xff;
	_ =	sdelay $0x4  }
0xbc: {  	v60 =	vshll.u32 v3, $0x3  }
0xbd: {  	v3 =	vand.u32 $0x7, v3;
	v4 =	vand.u32 $0xFFFFFFC0, v60  }
0xbe: {  	v3 =	vor.u32 v3, v4  }
0xbf: {  	v3 =	vperm.xlane v3, v0;
	_ =	sdelay $0x1  }
0xc0: {  	v3 =	vadd.s32 v1, v3;
	_ =	sdelay $0x4  }
0xc1: {  	[tilespmem:s22], [sflag:$0x1] =	stream.indirect_vreg.gather [hbm4b:s1+s3], $0x80, v3, vm0, $0xb8;
	[tilespmem:$0x14100] =	vst v63  }
0xc2: {  	_ = 	snop  }
0xc3: {  	[tilespmem:s23], [sflag:$0x1] =	stream.indirect_vreg.gather [hbm4b:s4+s3], $0x80, v3, vm0, $0xb8;
	[tilespmem:$0x14100] =	vst v63  }
0xc4: {  	_ = 	snop  }
0xc5: {  	[tilespmem:s24], [sflag:$0x1] =	stream.indirect_vreg.gather [hbm4b:s5+s3], $0x80, v3, vm0, $0xb8;
	[tilespmem:$0x14100] =	vst v63  }
0xc6: {  	_ = 	snop  }
0xc7: {  	[tilespmem:s25], [sflag:$0x1] =	stream.indirect_vreg.gather [hbm4b:s6+s3], $0x80, v3, vm0, $0xb8;
	[tilespmem:$0x14100] =	vst v63  }
0xc8: {  	_ =	swait.ge [sflag:s28], $0xA000  }
0xc9: {  	[sflag:s28] =	ssyncset.done $0x0  }
0xca: {  	s0 =	rddreg [dreg:$0x6];
	[sflag:s28] =	ssyncadd.s32 $0xFFFF6000  }
0xcb: {  	[hbm4b:s0+s3] =	stream.linear.scatter [tilespmem:s26], [sflag:$0x3], $0xA000, $0x38;
	[tilespmem:$0x14100] =	vst v63  }
0xcc: {  	_ =	swait.ge [sflag:s8], $0xA000  }
0xcd: {  	[sflag:s8] =	ssyncset.done $0x0  }
0xce: {  	[sflag:s8] =	ssyncadd.s32 $0xFFFF6000  }
0xcf: {  	v3 =	vld [tilespmem:$0x78];
	_ =	sdelay $0x4  }
0xd0: {  	v61 =	vshll.u32 v3, $0x3  }
0xd1: {  	v3 =	vand.u32 $0x7, v3;
	v4 =	vand.u32 $0xFFFFFFC0, v61  }
0xd2: {  	v3 =	vor.u32 v3, v4  }
0xd3: {  	v4 =	vperm.xlane v3, v0;
	_ =	sdelay $0x1  }
0xd4: {  	v4 =	vadd.s32 v1, v4;
	_ =	sdelay $0x4  }
0xd5: {  	[tilespmem:s26], [sflag:$0x2] =	stream.indirect_vreg.gather [hbm4b:s1+s3], $0x80, v4, vm0, $0xb8;
	[tilespmem:$0x14100] =	vst v63  }
0xd6: {  	s29 =	simm.s32 $0xA900;
	v3 =	vperm.xlane v3, v2  }
0xd7: {  	[tilespmem:s29], [sflag:$0x2] =	stream.indirect_vreg.gather [hbm4b:s4+s3], $0x80, v4, vm0, $0xb8;
	[tilespmem:$0x14100] =	vst v63  }
0xd8: {  	v3 =	vadd.s32 v1, v3;
	s29 =	simm.s32 $0xB100  }
0xd9: {  	[tilespmem:s29], [sflag:$0x2] =	stream.indirect_vreg.gather [hbm4b:s5+s3], $0x80, v4, vm0, $0xb8;
	[tilespmem:$0x14100] =	vst v63  }
0xda: {  	s29 =	simm.s32 $0xB900  }
0xdb: {  	[tilespmem:s29], [sflag:$0x2] =	stream.indirect_vreg.gather [hbm4b:s6+s3], $0x80, v4, vm0, $0xb8;
	[tilespmem:$0x14100] =	vst v63  }
0xdc: {  	s29 =	simm.s32 $0xC100  }
0xdd: {  	[tilespmem:s29], [sflag:$0x2] =	stream.indirect_vreg.gather [hbm4b:s1+s3], $0x80, v3, vm0, $0xb8;
	[tilespmem:$0x14100] =	vst v63  }
0xde: {  	s29 =	simm.s32 $0xC900  }
0xdf: {  	[tilespmem:s29], [sflag:$0x2] =	stream.indirect_vreg.gather [hbm4b:s4+s3], $0x80, v3, vm0, $0xb8;
	[tilespmem:$0x14100] =	vst v63  }
0xe0: {  	s29 =	simm.s32 $0xD100  }
0xe1: {  	[tilespmem:s29], [sflag:$0x2] =	stream.indirect_vreg.gather [hbm4b:s5+s3], $0x80, v3, vm0, $0xb8;
	[tilespmem:$0x14100] =	vst v63  }
0xe2: {  	s29 =	simm.s32 $0xD900  }
0xe3: {  	[tilespmem:s29], [sflag:$0x2] =	stream.indirect_vreg.gather [hbm4b:s6+s3], $0x80, v3, vm0, $0xb8;
	[tilespmem:$0x14100] =	vst v63  }
0xe4: {  	v3 =	vld [tilespmem:$0x88];
	_ =	sdelay $0x4  }
0xe5: {  	v62 =	vshll.u32 v3, $0x3  }
0xe6: {  	v3 =	vand.u32 $0x7, v3;
	v4 =	vand.u32 $0xFFFFFFC0, v62  }
0xe7: {  	v3 =	vor.u32 v3, v4  }
0xe8: {  	v4 =	vperm.xlane v3, v0;
	_ =	sdelay $0x1  }
0xe9: {  	v4 =	vadd.s32 v1, v4;
	_ =	sdelay $0x3  }
0xea: {  	s29 =	simm.s32 $0xE100  }
0xeb: {  	[tilespmem:s29], [sflag:$0x2] =	stream.indirect_vreg.gather [hbm4b:s1+s3], $0x80, v4, vm0, $0xb8;
	[tilespmem:$0x14100] =	vst v63  }
0xec: {  	v3 =	vperm.xlane v3, v2;
	s29 =	simm.s32 $0xE900  }
0xed: {  	[tilespmem:s29], [sflag:$0x2] =	stream.indirect_vreg.gather [hbm4b:s4+s3], $0x80, v4, vm0, $0xb8;
	[tilespmem:$0x14100] =	vst v63  }
0xee: {  	v3 =	vadd.s32 v1, v3;
	s29 =	simm.s32 $0xF100  }
0xef: {  	[tilespmem:s29], [sflag:$0x2] =	stream.indirect_vreg.gather [hbm4b:s5+s3], $0x80, v4, vm0, $0xb8;
	[tilespmem:$0x14100] =	vst v63  }
0xf0: {  	s29 =	simm.s32 $0xF900  }
0xf1: {  	[tilespmem:s29], [sflag:$0x2] =	stream.indirect_vreg.gather [hbm4b:s6+s3], $0x80, v4, vm0, $0xb8;
	[tilespmem:$0x14100] =	vst v63  }
0xf2: {  	s29 =	simm.s32 $0x10100  }
0xf3: {  	[tilespmem:s29], [sflag:$0x2] =	stream.indirect_vreg.gather [hbm4b:s1+s3], $0x80, v3, vm0, $0xb8;
	[tilespmem:$0x14100] =	vst v63  }
0xf4: {  	s29 =	simm.s32 $0x10900  }
0xf5: {  	[tilespmem:s29], [sflag:$0x2] =	stream.indirect_vreg.gather [hbm4b:s4+s3], $0x80, v3, vm0, $0xb8;
	[tilespmem:$0x14100] =	vst v63  }
0xf6: {  	s29 =	simm.s32 $0x11100  }
0xf7: {  	[tilespmem:s29], [sflag:$0x2] =	stream.indirect_vreg.gather [hbm4b:s5+s3], $0x80, v3, vm0, $0xb8;
	[tilespmem:$0x14100] =	vst v63  }
0xf8: {  	s29 =	simm.s32 $0x11900  }
0xf9: {  	[tilespmem:s29], [sflag:$0x2] =	stream.indirect_vreg.gather [hbm4b:s6+s3], $0x80, v3, vm0, $0xb8;
	[tilespmem:$0x14100] =	vst v63  }
0xfa: {  	v3 =	vld.msk [tilespmem:$0x98], $0xff;
	_ =	sdelay $0x4  }
0xfb: {  	v63 =	vshll.u32 v3, $0x3  }
0xfc: {  	v3 =	vand.u32 $0x7, v3;
	v4 =	vand.u32 $0xFFFFFFC0, v63  }
0xfd: {  	v3 =	vor.u32 v3, v4  }
0xfe: {  	v3 =	vperm.xlane v3, v0;
	_ =	sdelay $0x1  }
0xff: {  	v3 =	vadd.s32 v1, v3;
	_ =	sdelay $0x3  }
0x100: {  	s29 =	simm.s32 $0x12100  }
0x101: {  	[tilespmem:s29], [sflag:$0x2] =	stream.indirect_vreg.gather [hbm4b:s1+s3], $0x80, v3, vm0, $0xb8;
	[tilespmem:$0x14100] =	vst v63  }
0x102: {  	s29 =	simm.s32 $0x12900  }
0x103: {  	[tilespmem:s29], [sflag:$0x2] =	stream.indirect_vreg.gather [hbm4b:s4+s3], $0x80, v3, vm0, $0xb8;
	[tilespmem:$0x14100] =	vst v63  }
0x104: {  	s29 =	simm.s32 $0x13100  }
0x105: {  	[tilespmem:s29], [sflag:$0x2] =	stream.indirect_vreg.gather [hbm4b:s5+s3], $0x80, v3, vm0, $0xb8;
	[tilespmem:$0x14100] =	vst v63  }
0x106: {  	s29 =	simm.s32 $0x13900  }
0x107: {  	[tilespmem:s29], [sflag:$0x2] =	stream.indirect_vreg.gather [hbm4b:s6+s3], $0x80, v3, vm0, $0xb8;
	[tilespmem:$0x14100] =	vst v63  }
0x108: {  	_ =	swait.ge [sflag:s9], $0xA000  }
0x109: {  	[sflag:s9] =	ssyncset.done $0x0  }
0x10a: {  	s0 =	rddreg [dreg:$0x7];
	[sflag:s9] =	ssyncadd.s32 $0xFFFF6000  }
0x10b: {  	[hbm4b:s0+s3] =	stream.linear.scatter [tilespmem:s30], [sflag:$0x3], $0xA000, $0x38;
	[tilespmem:$0x14100] =	vst v63  }
0x10c: {  	_ =	swait.ge [sflag:s8], $0xA000  }
0x10d: {  	[sflag:s8] =	ssyncset.done $0x0  }
0x10e: {  	[sflag:s8] =	ssyncadd.s32 $0xFFFF6000  }
0x10f: {  	_ =	swait.ge [sflag:s28], $0xA000  }
0x110: {  	p0 =	sne.s32 s7, $0x1;
	[sflag:s28] =	ssyncset.done $0x0  }
.Ltmp0:
0x111: {  	s0 =	rddreg [dreg:$0x8];
	[sflag:s28] =	ssyncadd.s32 $0xFFFF6000;
	(pc) =	sbr.rel @p0 .LBB2_1-.Ltmp0, $4  }
0x112: {  	[hbm4b:s0+s3] =	stream.linear.scatter [tilespmem:s26], [sflag:$0x3], $0xA000, $0x38;
	[tilespmem:$0x14100] =	vst v63  }
0x113: {  	_ =	swait.ge [sflag:s8], $0xA000  }
0x114: {  	[sflag:s8] =	ssyncset.done $0x0  }
0x115: {  	s7 =	sadd.s32 $0xFFFFFFFF, s7;
	[sflag:s8] =	ssyncadd.s32 $0xFFFF6000  }
0x116: {  	_ =	sfence.sel $0x180000  }
0x117: {  	[bflag:$0x0] =	sbarrier.arrive $0xFFFF  }
0x118: {  	_ =	strace $0x9000004A  }
0x119: {  	s0 =	stileid.u32;
	[bflag:$0x2] =	sbarrier.arrive $0xFFFF  }
0x11a: {  	p0 =	sne.s32 s0, $0x0;
	s0 =	rddreg [dreg:$0x3]  }
0x11b: {  	s0 =	sadd.s32 @!p0 $0x100000, s0  }
0x11c: {  	[sflag:s0] =	ssyncadd.tile.s32 @!p0 $0x1;
	_ =	shalt  }
.Lfunc_end2:
_tile_overlayer_lowered:
.L_overlay_start_2:
0x11d: {  	(tag) =	ssettag $0x2  }
0x11e: {  	s0 =	rddreg [dreg:$0x0];
	s2 =	stileid.u32  }
0x11f: {  	s1 =	rddreg [dreg:$0x1];
	p0 =	sne.s32 s2, $0x0  }
0x120: {  	s3 =	rddreg [dreg:$0x2];
	[bflag:$0x3] =	sbarrier.arrive $0xFFFF;
	s2 =	simm.s32 @!p0 $0x1C03  }
0x121: {  	[timem:s3], [sflag:s2] =	dma.local @!p0 [hbm:s0], s1  }
0x122: {  	s0 =	simm.s32 @!p0 $0x3  }
0x123: {  	_ =	swait.ge @!p0 [sflag:s0], s1  }
0x124: {  	s1 =	ssub.s32 @!p0 $0x0, s1;
	[sflag:s0] =	ssyncset.done @!p0 $0x0  }
0x125: {  	[sflag:s0] =	ssyncadd.s32 @!p0 s1  }
0x126: {  	[bflag:$0x3] =	sbarrier.arrive $0xFFFF  }
0x127: {  	_ =	shalt  }

// kernel: kernel.15.cloned.1.call-start
scs
__scs_entry_jumppad:
0x0: {  	(pc) =	sbr.rel $0x88, $3  }
0x1: {  	(tag) =	ssettag $0x0;
	lr =	simm.s32 $0x1  }
0x2: {  	[smem:$0x3F99] =	sst lr;
	_ =	strace $0xD0000000  }
0x3: {  	_ = 	snop  }
0x4: {  	_ = 	snop  }
0x5: {  	_ = 	snop  }
0x6: {  	_ = 	snop  }
0x7: {  	_ = 	snop  }
__scs_overlays_trampoline_lowered:
0x8: {  	[smem:$0x3FA8] =	sst s0  }
0x9: {  	[smem:$0x3FA9] =	sst s1  }
0xa: {  	[smem:$0x3FAA] =	sst s2  }
0xb: {  	[smem:$0x3FAB] =	sst s3  }
0xc: {  	[smem:$0x3FAC] =	sst s4  }
0xd: {  	[smem:$0x3FAD] =	sst s5  }
0xe: {  	[smem:$0x3FAE] =	sst s6  }
0xf: {  	[smem:$0x3FAF] =	sst s7  }
0x10: {  	[smem:$0x3FB0] =	sst s8  }
0x11: {  	[smem:$0x3FB1] =	sst s9;
	s0 =	simm.s32 @!p0 $0x0  }
0x12: {  	s1 =	sld [smem:$0x3F97];
	s0 =	simm.s32 @p0 $0x1  }
0x13: {  	[smem:$0x3FB2] =	sst s0;
	s0 =	simm.s32 @!p1 $0x0  }
0x14: {  	s2 =	sld [smem:$0x3F96];
	s0 =	simm.s32 @p1 $0x1  }
0x15: {  	[smem:$0x3FB3] =	sst s0;
	s0 =	simm.s32 @!p2 $0x0  }
0x16: {  	s3 =	sld [smem:$0x3FDB];
	s0 =	simm.s32 @p2 $0x1  }
0x17: {  	s4 =	simm.s32 $0x1BF5;
	[smem:$0x3FB5] =	sst s0  }
0x18: {  	s0 =	sld [smem:$0x3F98];
	_ =	swait.ge [sflag:s4], $0x0  }
0x19: {  	s7 =	sld [smem:$0x3F99]  }
0x1a: {  	s8 =	sadd.s32 $0xFFFFE003, lr  }
0x1b: {  	s9 =	sadd.s32 $0xFFFFFEF7, lr;
	s5 =	simm.s32 $0xFFFFFFFF;
	p2 =	slt.u32 s8, $0xFFFFF086  }
0x1c: {  	p1 =	slt.u32 s9, $0xF7A;
	s5 =	simm.s32 @!p2 $0x0  }
0x1d: {  	s5 =	simm.s32 @p1 $0x1;
	p0 =	seq.s32 s7, s2  }
0x1e: {  	s7 =	smul.u32 @!p0 $0xF7A, s2;
	p2 =	seq.s32 @!p0 s5, $0x0  }
0x1f: {  	s9 =	smul.u32 $0xF7A, s1;
	s8 =	simm.s32 @!p0 $0x1BF5;
	p2 =	por !p2, p0  }
0x20: {  	[sflag:s8] =	ssyncset.s32 @!p0 $0xFFFFF086;
	s6 =	sadd.s32 @!p0 s3, s7;
	s7 =	simm.s32 @!p0 $0x108  }
0x21: {  	s3 =	sadd.s32 s3, s9;
	s6 =	sadd.s32 @!p0 $0x88, s6;
	s7 =	simm.s32 @p2 $0x1082  }
0x22: {  	[simem:s7], [sflag:s8] =	dma.local @!p0 [hbm:s6], $0xF7A  }
0x23: {  	s9 =	sor.u32 $0xD0000000, s2;
	s6 =	simm.s32 $0x108;
	_ =	swait.ge @!p0 [sflag:s8], $0x0  }
0x24: {  	s3 =	sadd.s32 $0x88, s3;
	s6 =	simm.s32 @!p1 $0x1082;
	[sflag:s4] =	ssyncset.s32 $0xFFFFF086  }
0x25: {  	[simem:s6], [sflag:s4] =	dma.local [hbm:s3], $0xF7A  }
0x26: {  	[smem:$0x3F99] =	sst s1;
	(tag) =	ssettag s2;
	_ =	strace s9  }
0x27: {  	s1 =	sld [smem:$0x3FA9]  }
0x28: {  	s2 =	sld [smem:$0x3FAA]  }
0x29: {  	s4 =	sld [smem:$0x3FAC]  }
0x2a: {  	p0 =	seq.s32 s5, $0x0;
	s5 =	sld [smem:$0x3FAD]  }
0x2b: {  	s6 =	sld [smem:$0x3FAE]  }
0x2c: {  	s7 =	sld [smem:$0x3FAF]  }
0x2d: {  	s3 =	simm.s32 $0x108;
	s8 =	sld [smem:$0x3FB0]  }
0x2e: {  	s3 =	simm.s32 @!p0 $0x1082;
	s9 =	sld [smem:$0x3FB1]  }
0x2f: {  	lr =	sadd.s32 s0, s3;
	s0 =	sld [smem:$0x3FA8]  }
0x30: {  	s3 =	sld [smem:$0x3FAB]  }
0x31: {  	[smem:$0x3FB4] =	sst s10  }
0x32: {  	s10 =	sld [smem:$0x3FB2];
	_ =	sdelay $0x3  }
0x33: {  	p0 =	seq.s32 s10, $0x1;
	s10 =	sld [smem:$0x3FB4];
	_ =	sdelay $0x3  }
0x34: {  	[smem:$0x3FB4] =	sst s10  }
0x35: {  	s10 =	sld [smem:$0x3FB3];
	_ =	sdelay $0x3  }
0x36: {  	p1 =	seq.s32 s10, $0x1;
	s10 =	sld [smem:$0x3FB4];
	_ =	sdelay $0x3  }
0x37: {  	[smem:$0x3FB4] =	sst s10  }
0x38: {  	s10 =	sld [smem:$0x3FB5]  }
0x39: {  	_ = 	snop;
	(pc) =	sbr.ind lr, $3  }
0x3a: {  	_ = 	snop  }
0x3b: {  	_ = 	snop  }
0x3c: {  	p2 =	seq.s32 s10, $0x1;
	s10 =	sld [smem:$0x3FB4]  }
0x3d: {  	_ =	shalt  }
0x3e: {  	_ =	shalt  }
0x3f: {  	_ =	shalt  }
0x40: {  	_ =	shalt  }
0x41: {  	_ =	shalt  }
0x42: {  	_ =	shalt  }
0x43: {  	_ =	shalt  }
0x44: {  	_ =	shalt  }
0x45: {  	_ =	shalt  }
0x46: {  	_ =	shalt  }
0x47: {  	_ =	shalt  }
0x48: {  	_ =	shalt  }
0x49: {  	_ =	shalt  }
0x4a: {  	_ =	shalt  }
0x4b: {  	_ =	shalt  }
0x4c: {  	_ =	shalt  }
0x4d: {  	_ =	shalt  }
0x4e: {  	_ =	shalt  }
0x4f: {  	_ =	shalt  }
0x50: {  	_ =	shalt  }
0x51: {  	_ =	shalt  }
0x52: {  	_ =	shalt  }
0x53: {  	_ =	shalt  }
0x54: {  	_ =	shalt  }
0x55: {  	_ =	shalt  }
0x56: {  	_ =	shalt  }
0x57: {  	_ =	shalt  }
0x58: {  	_ =	shalt  }
0x59: {  	_ =	shalt  }
0x5a: {  	_ =	shalt  }
0x5b: {  	_ =	shalt  }
0x5c: {  	_ =	shalt  }
0x5d: {  	_ =	shalt  }
0x5e: {  	_ =	shalt  }
0x5f: {  	_ =	shalt  }
0x60: {  	_ =	shalt  }
0x61: {  	_ =	shalt  }
0x62: {  	_ =	shalt  }
0x63: {  	_ =	shalt  }
0x64: {  	_ =	shalt  }
0x65: {  	_ =	shalt  }
0x66: {  	_ =	shalt  }
0x67: {  	_ =	shalt  }
0x68: {  	_ =	shalt  }
0x69: {  	_ =	shalt  }
0x6a: {  	_ =	shalt  }
0x6b: {  	_ =	shalt  }
0x6c: {  	_ =	shalt  }
0x6d: {  	_ =	shalt  }
0x6e: {  	_ =	shalt  }
0x6f: {  	_ =	shalt  }
0x70: {  	_ =	shalt  }
0x71: {  	_ =	shalt  }
0x72: {  	_ =	shalt  }
0x73: {  	_ =	shalt  }
0x74: {  	_ =	shalt  }
0x75: {  	_ =	shalt  }
0x76: {  	_ =	shalt  }
0x77: {  	_ =	shalt  }
0x78: {  	_ =	shalt  }
0x79: {  	_ =	shalt  }
0x7a: {  	_ =	shalt  }
0x7b: {  	_ =	shalt  }
0x7c: {  	_ =	shalt  }
0x7d: {  	_ =	shalt  }
0x7e: {  	_ =	shalt  }
0x7f: {  	_ =	shalt  }
0x80: {  	_ =	shalt  }
0x81: {  	_ =	shalt  }
0x82: {  	_ =	shalt  }
0x83: {  	_ =	shalt  }
0x84: {  	_ =	shalt  }
0x85: {  	_ =	shalt  }
0x86: {  	_ =	shalt  }
0x87: {  	_ =	shalt  }
.Lfunc_end0:
.L_simem_size_0:
called_computation.2_lowered:
.L_overlay_start_0:
0x88: {  	s2 =	sld [smem:$0x3FD9]  }
0x89: {  	s3 =	sld [smem:$0x3FFE];
	_ =	sdelay $0x1  }
0x8a: {  	s1 =	srdreg.scid  }
0x8b: {  	s0 =	sand.u32 $0x1, s1  }
0x8c: {  	s16 =	sshll.u32 s0, $0xA;
	s2 =	sadd.s32 s3, s2  }
0x8d: {  	s2 =	sadd.s32 s2, s16  }
0x8e: {  	[smem:$0x3FC0] =	sst s2  }
0x8f: {  	_ = 	snop  }
0x90: {  	(tm) =	ssettm $0x1  }
0x91: {  	s17 =	sld [smem:$0x3FFB];
	_ =	sdelay $0x3  }
0x92: {  	_ =	strace s17  }
0x93: {  	s2 =	sld [smem:$0x3FFC];
	_ =	sdelay $0x3  }
0x94: {  	_ =	strace s2  }
0x95: {  	s2 =	sld [smem:$0x3FFD];
	_ =	sdelay $0x3  }
0x96: {  	_ =	strace s2  }
0x97: {  	_ =	strace $0x8FFFFFFF  }
0x98: {  	s18 =	sld [smem:$0x3FDB];
	_ =	sdelay $0x1  }
0x99: {  	s19 =	simm.s32 $_scs_section_size  }
0x9a: {  	s4 =	simm.s32 $_size__tile_overlayer_lowered;
	s5 =	simm.s32 $_tile_overlayer_lowered  }
0x9b: {  	s22 =	simm.s32 $0x1BFF;
	s21 =	sshll.u32 s5, $0x1;
	s2 =	sadd.s32 s19, s18  }
0x9c: {  	s6 =	simm.s32 $0x0;
	s20 =	sshll.u32 s4, $0x1;
	s4 =	sadd.s32 s21, s2  }
0x9d: {  	[timem:s6], [sflag:s22] =	dma.local [hbm:s4], s20  }
0x9e: {  	_ =	swait.ge [sflag:s22], s20  }
0x9f: {  	s3 =	ssub.s32 $0x0, s20;
	[sflag:s22] =	ssyncset.done $0x0  }
0xa0: {  	[sflag:s22] =	ssyncadd.s32 s3;
	_ =	sdelay $0x1  }
0xa1: {  	s23 =	simm.s32 $0x1B8B  }
0xa2: {  	_ =	swait.ge [sflag:s23], $0x1  }
0xa3: {  	[sflag:s23] =	ssyncset.done $0x0  }
0xa4: {  	s25 =	simm.s32 $0x1B8E;
	s24 =	sld [smem:$0x3FFE];
	[sflag:s23] =	ssyncadd.s32 $0xFFFFFFFF  }
0xa5: {  	s26 =	simm.s32 $execute0_lowered;
	[smem:$0x3FD2] =	sst s25  }
0xa6: {  	s4 =	sshll.u32 s26, $0x1;
	_ =	strace $0x8000004C;
	[dreg:$0x1] =	wrdreg $0xFFFFFFFF  }
0xa7: {  	s28 =	simm.s32 $_size_execute0_lowered;
	s2 =	sadd.s32 s2, s4;
	[dreg:$0x0] =	wrdreg $0x0  }
0xa8: {  	s4 =	sshll.u32 s28, $0x1;
	[dreg:$0x2] =	wrdreg s2  }
0xa9: {  	[dreg:$0x3] =	wrdreg s4  }
0xaa: {  	[dreg:$0x4] =	wrdreg $0xC0  }
0xab: {  	_ =	task [dreg:s6], $0x5FFFF  }
0xac: {  	[dreg:$0x1] =	wrdreg $0xFFFFFFFF  }
0xad: {  	[dreg:$0x0] =	wrdreg $0x60  }
0xae: {  	[dreg:$0x2] =	wrdreg s24  }
0xaf: {  	[dreg:$0x3] =	wrdreg $0x9  }
0xb0: {  	_ =	task.clear_ibuf [dreg:s6], $0x4FFFF;
	_ =	strace $0x9000004C  }
0xb1: {  	s29 =	simm.s32 $0x9;
	_ =	strace $0x8000004E  }
0xb2: {  	_ =	swait.ge [sflag:s29], $0x1  }
0xb3: {  	[sflag:s29] =	ssyncadd.s32 $0xFFFFFFFF  }
0xb4: {  	_ =	strace $0x9000004E  }
0xb5: {  	_ =	sfence  }
0xb6: {  	s30 =	sld [smem:$0x0];
	_ =	sdelay $0x2  }
0xb7: {  	s31 =	sshll.u32 s1, $0xD;
	s1 =	sshrl.u32 s1, $0x2  }
0xb8: {  	s3 =	sand.u32 $0x4000, s31;
	s1 =	sadd.s32 s1, s30  }
0xb9: {  	s0 =	sor.u32 s3, s0;
	s1 =	sshll.u32 s1, $0x11  }
0xba: {  	s0 =	sor.u32 s1, s0  }
0xbb: {  	s0 =	sadd.s32 $0x8F2B, s0  }
0xbc: {  	[sflag:s0] =	ssyncadd.remote.s32 $0x1  }
0xbd: {  	_ =	sfence.sel $0xFFFF  }
0xbe: {  	[dreg:$0x0] =	wrdreg $0xFFFFFFFF;
	(pc) =	sbr.abs _section_cstart, $3  }
0xbf: {  	[dreg:$0x1] =	wrdreg $0xFFFFFFFF  }
0xc0: {  	_ =	task.clear_ibuf [dreg:s6], $0x2FFFF;
	_ =	strace $0x9FFFFFFF  }
0xc1: {  	(tm) =	ssettm $0x7FFFFFFF  }
tec
execute0_lowered:
.L_overlay_start_1:
0x0: {  	(tag) =	ssettag $0x1  }
0x1: {  	s0 =	srdreg.scid  }
0x2: {  	s2 =	stileid.u32;
	s1 =	rddreg [dreg:$0x0];
	s8 =	simm.s32 $0x3  }
0x3: {  	s9 =	simm.s32 $0x1;
	s19 =	simm.s32 $0x2;
	s21 =	simm.s32 $0x880  }
0x4: {  	s22 =	simm.s32 $0x1080;
	s23 =	simm.s32 $0x1880;
	s28 =	simm.s32 $0x3080  }
0x5: {  	s29 =	simm.s32 $0x3880;
	s30 =	simm.s32 $0x4080;
	s31 =	simm.s32 $0x4880  }
0x6: {  	s10 =	simm.s32 $0x6080;
	s11 =	simm.s32 $0x6880;
	s12 =	simm.s32 $0x7080  }
0x7: {  	s13 =	simm.s32 $0x7880;
	s18 =	simm.s32 $0x8080;
	s14 =	simm.s32 $0x8880  }
0x8: {  	s15 =	simm.s32 $0x9080;
	s16 =	simm.s32 $0x9880;
	s0 =	sand.u32 $0x1, s0  }
0x9: {  	s3 =	sshll.u32 s2, $0x8;
	s2 =	simm.s32 $0x0;
	s4 =	sshll.u32 s0, $0x7  }
0xa: {  	s17 =	simm.s32 $0xA080;
	[smem:$0x7FF] =	sst s2;
	s3 =	sor.u32 s4, s3  }
0xb: {  	s0 =	ssub.s32 $0x2, s0;
	_ =	strace $0x8000004D;
	s4 =	sshrl.u32 s3, $0x3  }
0xc: {  	s6 =	sshrl.u32 s0, $0x1;
	s5 =	sshll.u32 s3, $0x7;
	s4 =	sadd.s32 s4, s1  }
0xd: {  	s3 =	sadd.s32 $0xA3800, s1;
	s5 =	sadd.s32 s5, s1;
	s4 =	sadd.s32 $0x3600, s4  }
0xe: {  	s0 =	ssub.s32 s0, s6;
	s24 =	sadd.s32 $0x3800, s5;
	[dreg:$0x2] =	wrdreg s4  }
0xf: {  	s6 =	sadd.s32 $0xA3B00, s1;
	s25 =	sadd.s32 $0x4800, s5;
	[dreg:$0x3] =	wrdreg s24  }
0x10: {  	s26 =	sadd.s32 $0x5800, s5;
	s7 =	sadd.s32 $0x6800, s5;
	[dreg:$0x4] =	wrdreg s25  }
0x11: {  	v2 =	vlaneseq.u32;
	s5 =	sadd.s32 $0xA3A00, s1;
	s4 =	sadd.s32 $0xA3900, s1;
	[dreg:$0x5] =	wrdreg s26  }
0x12: {  	vm0 =	vmmov $0xffff;
	v1 =	vshrl.u32 v2, $0x3;
	[dreg:$0x6] =	wrdreg s7;
	s7 =	smax.u32 s0, $0x1;
	s25 =	simm.s32 $0x80  }
0x13: {  	v0 =	vand.u32 $0x7, v2;
	v2 =	vor.u32 $0x8, v2;
	v1 =	vmul.u32 $0x8, v1;
	s24 =	simm.s32 $0x2080;
	s26 =	simm.s32 $0x2880;
	s1 =	simm.s32 $0x5080  }
.LBB2_1:
0x14: {  	s20 =	rddreg [dreg:$0x2]  }
0x15: {  	[tilespmem:s2], [sflag:$0x3] =	stream.linear.gather [hbm4b:s20+s2], $0x80, $0x38;
	[tilespmem:$0x10080] =	vst v63  }
0x16: {  	_ =	swait.ge [sflag:s8], $0x80  }
0x17: {  	[sflag:s8] =	ssyncset.done $0x0  }
0x18: {  	[sflag:s8] =	ssyncadd.s32 $0xFFFFFF80  }
0x19: {  	v3 =	vld [tilespmem:$0x0];
	_ =	sdelay $0x4  }
0x1a: {  	v4 =	vshll.u32 v3, $0x3  }
0x1b: {  	v3 =	vand.u32 $0x7, v3;
	v4 =	vand.u32 $0xFFFFFFC0, v4  }
0x1c: {  	v3 =	vor.u32 v3, v4  }
0x1d: {  	v4 =	vperm.xlane v3, v0;
	_ =	sdelay $0x1  }
0x1e: {  	v4 =	vadd.s32 v1, v4;
	_ =	sdelay $0x4  }
0x1f: {  	[tilespmem:s25], [sflag:$0x1] =	stream.indirect_vreg.gather [hbm4b:s3+s2], $0x80, v4, vm0, $0xb8;
	[tilespmem:$0x10080] =	vst v63  }
0x20: {  	v3 =	vperm.xlane v3, v2  }
0x21: {  	[tilespmem:s21], [sflag:$0x1] =	stream.indirect_vreg.gather [hbm4b:s4+s2], $0x80, v4, vm0, $0xb8;
	[tilespmem:$0x10080] =	vst v63  }
0x22: {  	v3 =	vadd.s32 v1, v3  }
0x23: {  	[tilespmem:s22], [sflag:$0x1] =	stream.indirect_vreg.gather [hbm4b:s5+s2], $0x80, v4, vm0, $0xb8;
	[tilespmem:$0x10080] =	vst v63  }
0x24: {  	_ = 	snop  }
0x25: {  	[tilespmem:s23], [sflag:$0x1] =	stream.indirect_vreg.gather [hbm4b:s6+s2], $0x80, v4, vm0, $0xb8;
	[tilespmem:$0x10080] =	vst v63  }
0x26: {  	_ = 	snop  }
0x27: {  	[tilespmem:s24], [sflag:$0x1] =	stream.indirect_vreg.gather [hbm4b:s3+s2], $0x80, v3, vm0, $0xb8;
	[tilespmem:$0x10080] =	vst v63  }
0x28: {  	_ = 	snop  }
0x29: {  	[tilespmem:s26], [sflag:$0x1] =	stream.indirect_vreg.gather [hbm4b:s4+s2], $0x80, v3, vm0, $0xb8;
	[tilespmem:$0x10080] =	vst v63  }
0x2a: {  	_ = 	snop  }
0x2b: {  	[tilespmem:s28], [sflag:$0x1] =	stream.indirect_vreg.gather [hbm4b:s5+s2], $0x80, v3, vm0, $0xb8;
	[tilespmem:$0x10080] =	vst v63  }
0x2c: {  	_ = 	snop  }
0x2d: {  	[tilespmem:s29], [sflag:$0x1] =	stream.indirect_vreg.gather [hbm4b:s6+s2], $0x80, v3, vm0, $0xb8;
	[tilespmem:$0x10080] =	vst v63  }
0x2e: {  	v3 =	vld [tilespmem:$0x10];
	_ =	sdelay $0x4  }
0x2f: {  	v57 =	vshll.u32 v3, $0x3  }
0x30: {  	v3 =	vand.u32 $0x7, v3;
	v4 =	vand.u32 $0xFFFFFFC0, v57  }
0x31: {  	v3 =	vor.u32 v3, v4  }
0x32: {  	v4 =	vperm.xlane v3, v0;
	_ =	sdelay $0x1  }
0x33: {  	v4 =	vadd.s32 v1, v4;
	_ =	sdelay $0x4  }
0x34: {  	[tilespmem:s30], [sflag:$0x1] =	stream.indirect_vreg.gather [hbm4b:s3+s2], $0x80, v4, vm0, $0xb8;
	[tilespmem:$0x10080] =	vst v63  }
0x35: {  	v3 =	vperm.xlane v3, v2  }
0x36: {  	[tilespmem:s31], [sflag:$0x1] =	stream.indirect_vreg.gather [hbm4b:s4+s2], $0x80, v4, vm0, $0xb8;
	[tilespmem:$0x10080] =	vst v63  }
0x37: {  	v3 =	vadd.s32 v1, v3  }
0x38: {  	[tilespmem:s1], [sflag:$0x1] =	stream.indirect_vreg.gather [hbm4b:s5+s2], $0x80, v4, vm0, $0xb8;
	[tilespmem:$0x10080] =	vst v63  }
0x39: {  	s0 =	simm.s32 $0x5880  }
0x3a: {  	[tilespmem:s0], [sflag:$0x1] =	stream.indirect_vreg.gather [hbm4b:s6+s2], $0x80, v4, vm0, $0xb8;
	[tilespmem:$0x10080] =	vst v63  }
0x3b: {  	_ = 	snop  }
0x3c: {  	[tilespmem:s10], [sflag:$0x1] =	stream.indirect_vreg.gather [hbm4b:s3+s2], $0x80, v3, vm0, $0xb8;
	[tilespmem:$0x10080] =	vst v63  }
0x3d: {  	_ = 	snop  }
0x3e: {  	[tilespmem:s11], [sflag:$0x1] =	stream.indirect_vreg.gather [hbm4b:s4+s2], $0x80, v3, vm0, $0xb8;
	[tilespmem:$0x10080] =	vst v63  }
0x3f: {  	_ = 	snop  }
0x40: {  	[tilespmem:s12], [sflag:$0x1] =	stream.indirect_vreg.gather [hbm4b:s5+s2], $0x80, v3, vm0, $0xb8;
	[tilespmem:$0x10080] =	vst v63  }
0x41: {  	_ = 	snop  }
0x42: {  	[tilespmem:s13], [sflag:$0x1] =	stream.indirect_vreg.gather [hbm4b:s6+s2], $0x80, v3, vm0, $0xb8;
	[tilespmem:$0x10080] =	vst v63  }
0x43: {  	v3 =	vld [tilespmem:$0x20];
	_ =	sdelay $0x4  }
0x44: {  	v58 =	vshll.u32 v3, $0x3  }
0x45: {  	v3 =	vand.u32 $0x7, v3;
	v4 =	vand.u32 $0xFFFFFFC0, v58  }
0x46: {  	v3 =	vor.u32 v3, v4  }
0x47: {  	v4 =	vperm.xlane v3, v0;
	_ =	sdelay $0x1  }
0x48: {  	v4 =	vadd.s32 v1, v4;
	_ =	sdelay $0x4  }
0x49: {  	[tilespmem:s18], [sflag:$0x2] =	stream.indirect_vreg.gather [hbm4b:s3+s2], $0x80, v4, vm0, $0xb8;
	[tilespmem:$0x10080] =	vst v63  }
0x4a: {  	v3 =	vperm.xlane v3, v2  }
0x4b: {  	[tilespmem:s14], [sflag:$0x2] =	stream.indirect_vreg.gather [hbm4b:s4+s2], $0x80, v4, vm0, $0xb8;
	[tilespmem:$0x10080] =	vst v63  }
0x4c: {  	v3 =	vadd.s32 v1, v3  }
0x4d: {  	[tilespmem:s15], [sflag:$0x2] =	stream.indirect_vreg.gather [hbm4b:s5+s2], $0x80, v4, vm0, $0xb8;
	[tilespmem:$0x10080] =	vst v63  }
0x4e: {  	_ = 	snop  }
0x4f: {  	[tilespmem:s16], [sflag:$0x2] =	stream.indirect_vreg.gather [hbm4b:s6+s2], $0x80, v4, vm0, $0xb8;
	[tilespmem:$0x10080] =	vst v63  }
0x50: {  	_ = 	snop  }
0x51: {  	[tilespmem:s17], [sflag:$0x2] =	stream.indirect_vreg.gather [hbm4b:s3+s2], $0x80, v3, vm0, $0xb8;
	[tilespmem:$0x10080] =	vst v63  }
0x52: {  	s20 =	simm.s32 $0xA880  }
0x53: {  	[tilespmem:s20], [sflag:$0x2] =	stream.indirect_vreg.gather [hbm4b:s4+s2], $0x80, v3, vm0, $0xb8;
	[tilespmem:$0x10080] =	vst v63  }
0x54: {  	s20 =	simm.s32 $0xB080  }
0x55: {  	[tilespmem:s20], [sflag:$0x2] =	stream.indirect_vreg.gather [hbm4b:s5+s2], $0x80, v3, vm0, $0xb8;
	[tilespmem:$0x10080] =	vst v63  }
0x56: {  	s20 =	simm.s32 $0xB880  }
0x57: {  	[tilespmem:s20], [sflag:$0x2] =	stream.indirect_vreg.gather [hbm4b:s6+s2], $0x80, v3, vm0, $0xb8;
	[tilespmem:$0x10080] =	vst v63  }
0x58: {  	v3 =	vld [tilespmem:$0x30];
	_ =	sdelay $0x4  }
0x59: {  	v59 =	vshll.u32 v3, $0x3  }
0x5a: {  	v3 =	vand.u32 $0x7, v3;
	v4 =	vand.u32 $0xFFFFFFC0, v59  }
0x5b: {  	v3 =	vor.u32 v3, v4  }
0x5c: {  	v4 =	vperm.xlane v3, v0;
	_ =	sdelay $0x1  }
0x5d: {  	v4 =	vadd.s32 v1, v4;
	_ =	sdelay $0x3  }
0x5e: {  	s20 =	simm.s32 $0xC080  }
0x5f: {  	[tilespmem:s20], [sflag:$0x2] =	stream.indirect_vreg.gather [hbm4b:s3+s2], $0x80, v4, vm0, $0xb8;
	[tilespmem:$0x10080] =	vst v63  }
0x60: {  	v3 =	vperm.xlane v3, v2;
	s20 =	simm.s32 $0xC880  }
0x61: {  	[tilespmem:s20], [sflag:$0x2] =	stream.indirect_vreg.gather [hbm4b:s4+s2], $0x80, v4, vm0, $0xb8;
	[tilespmem:$0x10080] =	vst v63  }
0x62: {  	v3 =	vadd.s32 v1, v3;
	s20 =	simm.s32 $0xD080  }
0x63: {  	[tilespmem:s20], [sflag:$0x2] =	stream.indirect_vreg.gather [hbm4b:s5+s2], $0x80, v4, vm0, $0xb8;
	[tilespmem:$0x10080] =	vst v63  }
0x64: {  	s20 =	simm.s32 $0xD880  }
0x65: {  	[tilespmem:s20], [sflag:$0x2] =	stream.indirect_vreg.gather [hbm4b:s6+s2], $0x80, v4, vm0, $0xb8;
	[tilespmem:$0x10080] =	vst v63  }
0x66: {  	s20 =	simm.s32 $0xE080  }
0x67: {  	[tilespmem:s20], [sflag:$0x2] =	stream.indirect_vreg.gather [hbm4b:s3+s2], $0x80, v3, vm0, $0xb8;
	[tilespmem:$0x10080] =	vst v63  }
0x68: {  	s20 =	simm.s32 $0xE880  }
0x69: {  	[tilespmem:s20], [sflag:$0x2] =	stream.indirect_vreg.gather [hbm4b:s4+s2], $0x80, v3, vm0, $0xb8;
	[tilespmem:$0x10080] =	vst v63  }
0x6a: {  	s20 =	simm.s32 $0xF080  }
0x6b: {  	[tilespmem:s20], [sflag:$0x2] =	stream.indirect_vreg.gather [hbm4b:s5+s2], $0x80, v3, vm0, $0xb8;
	[tilespmem:$0x10080] =	vst v63  }
0x6c: {  	s20 =	simm.s32 $0xF880  }
0x6d: {  	[tilespmem:s20], [sflag:$0x2] =	stream.indirect_vreg.gather [hbm4b:s6+s2], $0x80, v3, vm0, $0xb8;
	[tilespmem:$0x10080] =	vst v63  }
0x6e: {  	_ =	swait.ge [sflag:s9], $0x8000  }
0x6f: {  	[sflag:s9] =	ssyncset.done $0x0  }
0x70: {  	s20 =	rddreg [dreg:$0x3];
	[sflag:s9] =	ssyncadd.s32 $0xFFFF8000  }
0x71: {  	[hbm4b:s20+s2] =	stream.linear.scatter [tilespmem:s25], [sflag:$0x3], $0x8000, $0x38;
	[tilespmem:$0x10080] =	vst v63  }
0x72: {  	_ =	swait.ge [sflag:s8], $0x8000  }
0x73: {  	[sflag:s8] =	ssyncset.done $0x0  }
0x74: {  	[sflag:s8] =	ssyncadd.s32 $0xFFFF8000  }
0x75: {  	v3 =	vld [tilespmem:$0x40];
	_ =	sdelay $0x4  }
0x76: {  	v60 =	vshll.u32 v3, $0x3  }
0x77: {  	v3 =	vand.u32 $0x7, v3;
	v4 =	vand.u32 $0xFFFFFFC0, v60  }
0x78: {  	v3 =	vor.u32 v3, v4  }
0x79: {  	v4 =	vperm.xlane v3, v0;
	_ =	sdelay $0x1  }
0x7a: {  	v4 =	vadd.s32 v1, v4;
	_ =	sdelay $0x4  }
0x7b: {  	[tilespmem:s25], [sflag:$0x1] =	stream.indirect_vreg.gather [hbm4b:s3+s2], $0x80, v4, vm0, $0xb8;
	[tilespmem:$0x10080] =	vst v63  }
0x7c: {  	v3 =	vperm.xlane v3, v2  }
0x7d: {  	[tilespmem:s21], [sflag:$0x1] =	stream.indirect_vreg.gather [hbm4b:s4+s2], $0x80, v4, vm0, $0xb8;
	[tilespmem:$0x10080] =	vst v63  }
0x7e: {  	v3 =	vadd.s32 v1, v3  }
0x7f: {  	[tilespmem:s22], [sflag:$0x1] =	stream.indirect_vreg.gather [hbm4b:s5+s2], $0x80, v4, vm0, $0xb8;
	[tilespmem:$0x10080] =	vst v63  }
0x80: {  	_ = 	snop  }
0x81: {  	[tilespmem:s23], [sflag:$0x1] =	stream.indirect_vreg.gather [hbm4b:s6+s2], $0x80, v4, vm0, $0xb8;
	[tilespmem:$0x10080] =	vst v63  }
0x82: {  	_ = 	snop  }
0x83: {  	[tilespmem:s24], [sflag:$0x1] =	stream.indirect_vreg.gather [hbm4b:s3+s2], $0x80, v3, vm0, $0xb8;
	[tilespmem:$0x10080] =	vst v63  }
0x84: {  	_ = 	snop  }
0x85: {  	[tilespmem:s26], [sflag:$0x1] =	stream.indirect_vreg.gather [hbm4b:s4+s2], $0x80, v3, vm0, $0xb8;
	[tilespmem:$0x10080] =	vst v63  }
0x86: {  	_ = 	snop  }
0x87: {  	[tilespmem:s28], [sflag:$0x1] =	stream.indirect_vreg.gather [hbm4b:s5+s2], $0x80, v3, vm0, $0xb8;
	[tilespmem:$0x10080] =	vst v63  }
0x88: {  	_ = 	snop  }
0x89: {  	[tilespmem:s29], [sflag:$0x1] =	stream.indirect_vreg.gather [hbm4b:s6+s2], $0x80, v3, vm0, $0xb8;
	[tilespmem:$0x10080] =	vst v63  }
0x8a: {  	v3 =	vld [tilespmem:$0x50];
	_ =	sdelay $0x4  }
0x8b: {  	v61 =	vshll.u32 v3, $0x3  }
0x8c: {  	v3 =	vand.u32 $0x7, v3;
	v4 =	vand.u32 $0xFFFFFFC0, v61  }
0x8d: {  	v3 =	vor.u32 v3, v4  }
0x8e: {  	v4 =	vperm.xlane v3, v0;
	_ =	sdelay $0x1  }
0x8f: {  	v4 =	vadd.s32 v1, v4;
	_ =	sdelay $0x4  }
0x90: {  	[tilespmem:s30], [sflag:$0x1] =	stream.indirect_vreg.gather [hbm4b:s3+s2], $0x80, v4, vm0, $0xb8;
	[tilespmem:$0x10080] =	vst v63  }
0x91: {  	v3 =	vperm.xlane v3, v2  }
0x92: {  	[tilespmem:s31], [sflag:$0x1] =	stream.indirect_vreg.gather [hbm4b:s4+s2], $0x80, v4, vm0, $0xb8;
	[tilespmem:$0x10080] =	vst v63  }
0x93: {  	v3 =	vadd.s32 v1, v3  }
0x94: {  	[tilespmem:s1], [sflag:$0x1] =	stream.indirect_vreg.gather [hbm4b:s5+s2], $0x80, v4, vm0, $0xb8;
	[tilespmem:$0x10080] =	vst v63  }
0x95: {  	_ = 	snop  }
0x96: {  	[tilespmem:s0], [sflag:$0x1] =	stream.indirect_vreg.gather [hbm4b:s6+s2], $0x80, v4, vm0, $0xb8;
	[tilespmem:$0x10080] =	vst v63  }
0x97: {  	_ = 	snop  }
0x98: {  	[tilespmem:s10], [sflag:$0x1] =	stream.indirect_vreg.gather [hbm4b:s3+s2], $0x80, v3, vm0, $0xb8;
	[tilespmem:$0x10080] =	vst v63  }
0x99: {  	_ = 	snop  }
0x9a: {  	[tilespmem:s11], [sflag:$0x1] =	stream.indirect_vreg.gather [hbm4b:s4+s2], $0x80, v3, vm0, $0xb8;
	[tilespmem:$0x10080] =	vst v63  }
0x9b: {  	_ = 	snop  }
0x9c: {  	[tilespmem:s12], [sflag:$0x1] =	stream.indirect_vreg.gather [hbm4b:s5+s2], $0x80, v3, vm0, $0xb8;
	[tilespmem:$0x10080] =	vst v63  }
0x9d: {  	_ = 	snop  }
0x9e: {  	[tilespmem:s13], [sflag:$0x1] =	stream.indirect_vreg.gather [hbm4b:s6+s2], $0x80, v3, vm0, $0xb8;
	[tilespmem:$0x10080] =	vst v63  }
0x9f: {  	_ =	swait.ge [sflag:s19], $0x8000  }
0xa0: {  	[sflag:s19] =	ssyncset.done $0x0  }
0xa1: {  	s0 =	rddreg [dreg:$0x4];
	[sflag:s19] =	ssyncadd.s32 $0xFFFF8000  }
0xa2: {  	[hbm4b:s0+s2] =	stream.linear.scatter [tilespmem:s18], [sflag:$0x3], $0x8000, $0x38;
	[tilespmem:$0x10080] =	vst v63  }
0xa3: {  	_ =	swait.ge [sflag:s8], $0x8000  }
0xa4: {  	[sflag:s8] =	ssyncset.done $0x0  }
0xa5: {  	[sflag:s8] =	ssyncadd.s32 $0xFFFF8000  }
0xa6: {  	v3 =	vld [tilespmem:$0x60];
	_ =	sdelay $0x4  }
0xa7: {  	v62 =	vshll.u32 v3, $0x3  }
0xa8: {  	v3 =	vand.u32 $0x7, v3;
	v4 =	vand.u32 $0xFFFFFFC0, v62  }
0xa9: {  	v3 =	vor.u32 v3, v4  }
0xaa: {  	v4 =	vperm.xlane v3, v0;
	_ =	sdelay $0x1  }
0xab: {  	v4 =	vadd.s32 v1, v4;
	_ =	sdelay $0x4  }
0xac: {  	[tilespmem:s18], [sflag:$0x2] =	stream.indirect_vreg.gather [hbm4b:s3+s2], $0x80, v4, vm0, $0xb8;
	[tilespmem:$0x10080] =	vst v63  }
0xad: {  	v3 =	vperm.xlane v3, v2  }
0xae: {  	[tilespmem:s14], [sflag:$0x2] =	stream.indirect_vreg.gather [hbm4b:s4+s2], $0x80, v4, vm0, $0xb8;
	[tilespmem:$0x10080] =	vst v63  }
0xaf: {  	v3 =	vadd.s32 v1, v3  }
0xb0: {  	[tilespmem:s15], [sflag:$0x2] =	stream.indirect_vreg.gather [hbm4b:s5+s2], $0x80, v4, vm0, $0xb8;
	[tilespmem:$0x10080] =	vst v63  }
0xb1: {  	_ = 	snop  }
0xb2: {  	[tilespmem:s16], [sflag:$0x2] =	stream.indirect_vreg.gather [hbm4b:s6+s2], $0x80, v4, vm0, $0xb8;
	[tilespmem:$0x10080] =	vst v63  }
0xb3: {  	_ = 	snop  }
0xb4: {  	[tilespmem:s17], [sflag:$0x2] =	stream.indirect_vreg.gather [hbm4b:s3+s2], $0x80, v3, vm0, $0xb8;
	[tilespmem:$0x10080] =	vst v63  }
0xb5: {  	s20 =	simm.s32 $0xA880  }
0xb6: {  	[tilespmem:s20], [sflag:$0x2] =	stream.indirect_vreg.gather [hbm4b:s4+s2], $0x80, v3, vm0, $0xb8;
	[tilespmem:$0x10080] =	vst v63  }
0xb7: {  	s20 =	simm.s32 $0xB080  }
0xb8: {  	[tilespmem:s20], [sflag:$0x2] =	stream.indirect_vreg.gather [hbm4b:s5+s2], $0x80, v3, vm0, $0xb8;
	[tilespmem:$0x10080] =	vst v63  }
0xb9: {  	s20 =	simm.s32 $0xB880  }
0xba: {  	[tilespmem:s20], [sflag:$0x2] =	stream.indirect_vreg.gather [hbm4b:s6+s2], $0x80, v3, vm0, $0xb8;
	[tilespmem:$0x10080] =	vst v63  }
0xbb: {  	v3 =	vld [tilespmem:$0x70];
	_ =	sdelay $0x4  }
0xbc: {  	v63 =	vshll.u32 v3, $0x3  }
0xbd: {  	v3 =	vand.u32 $0x7, v3;
	v4 =	vand.u32 $0xFFFFFFC0, v63  }
0xbe: {  	v3 =	vor.u32 v3, v4  }
0xbf: {  	v4 =	vperm.xlane v3, v0;
	_ =	sdelay $0x1  }
0xc0: {  	v4 =	vadd.s32 v1, v4;
	_ =	sdelay $0x3  }
0xc1: {  	s20 =	simm.s32 $0xC080  }
0xc2: {  	[tilespmem:s20], [sflag:$0x2] =	stream.indirect_vreg.gather [hbm4b:s3+s2], $0x80, v4, vm0, $0xb8;
	[tilespmem:$0x10080] =	vst v63  }
0xc3: {  	v3 =	vperm.xlane v3, v2;
	s20 =	simm.s32 $0xC880  }
0xc4: {  	[tilespmem:s20], [sflag:$0x2] =	stream.indirect_vreg.gather [hbm4b:s4+s2], $0x80, v4, vm0, $0xb8;
	[tilespmem:$0x10080] =	vst v63  }
0xc5: {  	v3 =	vadd.s32 v1, v3;
	s20 =	simm.s32 $0xD080  }
0xc6: {  	[tilespmem:s20], [sflag:$0x2] =	stream.indirect_vreg.gather [hbm4b:s5+s2], $0x80, v4, vm0, $0xb8;
	[tilespmem:$0x10080] =	vst v63  }
0xc7: {  	s20 =	simm.s32 $0xD880  }
0xc8: {  	[tilespmem:s20], [sflag:$0x2] =	stream.indirect_vreg.gather [hbm4b:s6+s2], $0x80, v4, vm0, $0xb8;
	[tilespmem:$0x10080] =	vst v63  }
0xc9: {  	s20 =	simm.s32 $0xE080  }
0xca: {  	[tilespmem:s20], [sflag:$0x2] =	stream.indirect_vreg.gather [hbm4b:s3+s2], $0x80, v3, vm0, $0xb8;
	[tilespmem:$0x10080] =	vst v63  }
0xcb: {  	s20 =	simm.s32 $0xE880  }
0xcc: {  	[tilespmem:s20], [sflag:$0x2] =	stream.indirect_vreg.gather [hbm4b:s4+s2], $0x80, v3, vm0, $0xb8;
	[tilespmem:$0x10080] =	vst v63  }
0xcd: {  	s20 =	simm.s32 $0xF080  }
0xce: {  	[tilespmem:s20], [sflag:$0x2] =	stream.indirect_vreg.gather [hbm4b:s5+s2], $0x80, v3, vm0, $0xb8;
	[tilespmem:$0x10080] =	vst v63  }
0xcf: {  	s20 =	simm.s32 $0xF880  }
0xd0: {  	[tilespmem:s20], [sflag:$0x2] =	stream.indirect_vreg.gather [hbm4b:s6+s2], $0x80, v3, vm0, $0xb8;
	[tilespmem:$0x10080] =	vst v63  }
0xd1: {  	_ =	swait.ge [sflag:s9], $0x8000  }
0xd2: {  	[sflag:s9] =	ssyncset.done $0x0  }
0xd3: {  	s0 =	rddreg [dreg:$0x5];
	[sflag:s9] =	ssyncadd.s32 $0xFFFF8000  }
0xd4: {  	[hbm4b:s0+s2] =	stream.linear.scatter [tilespmem:s25], [sflag:$0x3], $0x8000, $0x38;
	[tilespmem:$0x10080] =	vst v63  }
0xd5: {  	_ =	swait.ge [sflag:s8], $0x8000  }
0xd6: {  	[sflag:s8] =	ssyncset.done $0x0  }
0xd7: {  	[sflag:s8] =	ssyncadd.s32 $0xFFFF8000  }
0xd8: {  	_ =	swait.ge [sflag:s19], $0x8000  }
0xd9: {  	p0 =	sne.s32 s7, $0x1;
	[sflag:s19] =	ssyncset.done $0x0  }
.Ltmp0:
0xda: {  	s0 =	rddreg [dreg:$0x6];
	[sflag:s19] =	ssyncadd.s32 $0xFFFF8000;
	(pc) =	sbr.rel @p0 .LBB2_1-.Ltmp0, $4  }
0xdb: {  	[hbm4b:s0+s2] =	stream.linear.scatter [tilespmem:s18], [sflag:$0x3], $0x8000, $0x38;
	[tilespmem:$0x10080] =	vst v63  }
0xdc: {  	_ =	swait.ge [sflag:s8], $0x8000  }
0xdd: {  	[sflag:s8] =	ssyncset.done $0x0  }
0xde: {  	s7 =	sadd.s32 $0xFFFFFFFF, s7;
	[sflag:s8] =	ssyncadd.s32 $0xFFFF8000  }
0xdf: {  	_ =	sfence.sel $0x180000  }
0xe0: {  	[bflag:$0x0] =	sbarrier.arrive $0xFFFF  }
0xe1: {  	_ =	strace $0x9000004D  }
0xe2: {  	s0 =	stileid.u32;
	[bflag:$0x2] =	sbarrier.arrive $0xFFFF  }
0xe3: {  	p0 =	sne.s32 s0, $0x0;
	s0 =	rddreg [dreg:$0x1]  }
0xe4: {  	s0 =	sadd.s32 @!p0 $0x100000, s0  }
0xe5: {  	[sflag:s0] =	ssyncadd.tile.s32 @!p0 $0x1;
	_ =	shalt  }
.Lfunc_end2:
_tile_overlayer_lowered:
.L_overlay_start_2:
0xe6: {  	(tag) =	ssettag $0x2  }
0xe7: {  	s0 =	rddreg [dreg:$0x0];
	s2 =	stileid.u32  }
0xe8: {  	s1 =	rddreg [dreg:$0x1];
	p0 =	sne.s32 s2, $0x0  }
0xe9: {  	s3 =	rddreg [dreg:$0x2];
	[bflag:$0x3] =	sbarrier.arrive $0xFFFF;
	s2 =	simm.s32 @!p0 $0x1C03  }
0xea: {  	[timem:s3], [sflag:s2] =	dma.local @!p0 [hbm:s0], s1  }
0xeb: {  	s0 =	simm.s32 @!p0 $0x3  }
0xec: {  	_ =	swait.ge @!p0 [sflag:s0], s1  }
0xed: {  	s1 =	ssub.s32 @!p0 $0x0, s1;
	[sflag:s0] =	ssyncset.done @!p0 $0x0  }
0xee: {  	[sflag:s0] =	ssyncadd.s32 @!p0 s1  }
0xef: {  	[bflag:$0x3] =	sbarrier.arrive $0xFFFF  }
0xf0: {  	_ =	shalt  }

// kernel: kernel.9.cloned.1.call-start
scs
__scs_entry_jumppad:
0x0: {  	(pc) =	sbr.rel $0x88, $3  }
0x1: {  	(tag) =	ssettag $0x0;
	lr =	simm.s32 $0x1  }
0x2: {  	[smem:$0x3F99] =	sst lr;
	_ =	strace $0xD0000000  }
0x3: {  	_ = 	snop  }
0x4: {  	_ = 	snop  }
0x5: {  	_ = 	snop  }
0x6: {  	_ = 	snop  }
0x7: {  	_ = 	snop  }
__scs_overlays_trampoline_lowered:
0x8: {  	[smem:$0x3FA8] =	sst s0  }
0x9: {  	[smem:$0x3FA9] =	sst s1  }
0xa: {  	[smem:$0x3FAA] =	sst s2  }
0xb: {  	[smem:$0x3FAB] =	sst s3  }
0xc: {  	[smem:$0x3FAC] =	sst s4  }
0xd: {  	[smem:$0x3FAD] =	sst s5  }
0xe: {  	[smem:$0x3FAE] =	sst s6  }
0xf: {  	[smem:$0x3FAF] =	sst s7  }
0x10: {  	[smem:$0x3FB0] =	sst s8  }
0x11: {  	[smem:$0x3FB1] =	sst s9;
	s0 =	simm.s32 @!p0 $0x0  }
0x12: {  	s1 =	sld [smem:$0x3F97];
	s0 =	simm.s32 @p0 $0x1  }
0x13: {  	[smem:$0x3FB2] =	sst s0;
	s0 =	simm.s32 @!p1 $0x0  }
0x14: {  	s2 =	sld [smem:$0x3F96];
	s0 =	simm.s32 @p1 $0x1  }
0x15: {  	[smem:$0x3FB3] =	sst s0;
	s0 =	simm.s32 @!p2 $0x0  }
0x16: {  	s3 =	sld [smem:$0x3FDB];
	s0 =	simm.s32 @p2 $0x1  }
0x17: {  	s4 =	simm.s32 $0x1BF5;
	[smem:$0x3FB5] =	sst s0  }
0x18: {  	s0 =	sld [smem:$0x3F98];
	_ =	swait.ge [sflag:s4], $0x0  }
0x19: {  	s7 =	sld [smem:$0x3F99]  }
0x1a: {  	s8 =	sadd.s32 $0xFFFFE003, lr  }
0x1b: {  	s9 =	sadd.s32 $0xFFFFFEF7, lr;
	s5 =	simm.s32 $0xFFFFFFFF;
	p2 =	slt.u32 s8, $0xFFFFF086  }
0x1c: {  	p1 =	slt.u32 s9, $0xF7A;
	s5 =	simm.s32 @!p2 $0x0  }
0x1d: {  	s5 =	simm.s32 @p1 $0x1;
	p0 =	seq.s32 s7, s2  }
0x1e: {  	s7 =	smul.u32 @!p0 $0xF7A, s2;
	p2 =	seq.s32 @!p0 s5, $0x0  }
0x1f: {  	s9 =	smul.u32 $0xF7A, s1;
	s8 =	simm.s32 @!p0 $0x1BF5;
	p2 =	por !p2, p0  }
0x20: {  	[sflag:s8] =	ssyncset.s32 @!p0 $0xFFFFF086;
	s6 =	sadd.s32 @!p0 s3, s7;
	s7 =	simm.s32 @!p0 $0x108  }
0x21: {  	s3 =	sadd.s32 s3, s9;
	s6 =	sadd.s32 @!p0 $0x88, s6;
	s7 =	simm.s32 @p2 $0x1082  }
0x22: {  	[simem:s7], [sflag:s8] =	dma.local @!p0 [hbm:s6], $0xF7A  }
0x23: {  	s9 =	sor.u32 $0xD0000000, s2;
	s6 =	simm.s32 $0x108;
	_ =	swait.ge @!p0 [sflag:s8], $0x0  }
0x24: {  	s3 =	sadd.s32 $0x88, s3;
	s6 =	simm.s32 @!p1 $0x1082;
	[sflag:s4] =	ssyncset.s32 $0xFFFFF086  }
0x25: {  	[simem:s6], [sflag:s4] =	dma.local [hbm:s3], $0xF7A  }
0x26: {  	[smem:$0x3F99] =	sst s1;
	(tag) =	ssettag s2;
	_ =	strace s9  }
0x27: {  	s1 =	sld [smem:$0x3FA9]  }
0x28: {  	s2 =	sld [smem:$0x3FAA]  }
0x29: {  	s4 =	sld [smem:$0x3FAC]  }
0x2a: {  	p0 =	seq.s32 s5, $0x0;
	s5 =	sld [smem:$0x3FAD]  }
0x2b: {  	s6 =	sld [smem:$0x3FAE]  }
0x2c: {  	s7 =	sld [smem:$0x3FAF]  }
0x2d: {  	s3 =	simm.s32 $0x108;
	s8 =	sld [smem:$0x3FB0]  }
0x2e: {  	s3 =	simm.s32 @!p0 $0x1082;
	s9 =	sld [smem:$0x3FB1]  }
0x2f: {  	lr =	sadd.s32 s0, s3;
	s0 =	sld [smem:$0x3FA8]  }
0x30: {  	s3 =	sld [smem:$0x3FAB]  }
0x31: {  	[smem:$0x3FB4] =	sst s10  }
0x32: {  	s10 =	sld [smem:$0x3FB2];
	_ =	sdelay $0x3  }
0x33: {  	p0 =	seq.s32 s10, $0x1;
	s10 =	sld [smem:$0x3FB4];
	_ =	sdelay $0x3  }
0x34: {  	[smem:$0x3FB4] =	sst s10  }
0x35: {  	s10 =	sld [smem:$0x3FB3];
	_ =	sdelay $0x3  }
0x36: {  	p1 =	seq.s32 s10, $0x1;
	s10 =	sld [smem:$0x3FB4];
	_ =	sdelay $0x3  }
0x37: {  	[smem:$0x3FB4] =	sst s10  }
0x38: {  	s10 =	sld [smem:$0x3FB5]  }
0x39: {  	_ = 	snop;
	(pc) =	sbr.ind lr, $3  }
0x3a: {  	_ = 	snop  }
0x3b: {  	_ = 	snop  }
0x3c: {  	p2 =	seq.s32 s10, $0x1;
	s10 =	sld [smem:$0x3FB4]  }
0x3d: {  	_ =	shalt  }
0x3e: {  	_ =	shalt  }
0x3f: {  	_ =	shalt  }
0x40: {  	_ =	shalt  }
0x41: {  	_ =	shalt  }
0x42: {  	_ =	shalt  }
0x43: {  	_ =	shalt  }
0x44: {  	_ =	shalt  }
0x45: {  	_ =	shalt  }
0x46: {  	_ =	shalt  }
0x47: {  	_ =	shalt  }
0x48: {  	_ =	shalt  }
0x49: {  	_ =	shalt  }
0x4a: {  	_ =	shalt  }
0x4b: {  	_ =	shalt  }
0x4c: {  	_ =	shalt  }
0x4d: {  	_ =	shalt  }
0x4e: {  	_ =	shalt  }
0x4f: {  	_ =	shalt  }
0x50: {  	_ =	shalt  }
0x51: {  	_ =	shalt  }
0x52: {  	_ =	shalt  }
0x53: {  	_ =	shalt  }
0x54: {  	_ =	shalt  }
0x55: {  	_ =	shalt  }
0x56: {  	_ =	shalt  }
0x57: {  	_ =	shalt  }
0x58: {  	_ =	shalt  }
0x59: {  	_ =	shalt  }
0x5a: {  	_ =	shalt  }
0x5b: {  	_ =	shalt  }
0x5c: {  	_ =	shalt  }
0x5d: {  	_ =	shalt  }
0x5e: {  	_ =	shalt  }
0x5f: {  	_ =	shalt  }
0x60: {  	_ =	shalt  }
0x61: {  	_ =	shalt  }
0x62: {  	_ =	shalt  }
0x63: {  	_ =	shalt  }
0x64: {  	_ =	shalt  }
0x65: {  	_ =	shalt  }
0x66: {  	_ =	shalt  }
0x67: {  	_ =	shalt  }
0x68: {  	_ =	shalt  }
0x69: {  	_ =	shalt  }
0x6a: {  	_ =	shalt  }
0x6b: {  	_ =	shalt  }
0x6c: {  	_ =	shalt  }
0x6d: {  	_ =	shalt  }
0x6e: {  	_ =	shalt  }
0x6f: {  	_ =	shalt  }
0x70: {  	_ =	shalt  }
0x71: {  	_ =	shalt  }
0x72: {  	_ =	shalt  }
0x73: {  	_ =	shalt  }
0x74: {  	_ =	shalt  }
0x75: {  	_ =	shalt  }
0x76: {  	_ =	shalt  }
0x77: {  	_ =	shalt  }
0x78: {  	_ =	shalt  }
0x79: {  	_ =	shalt  }
0x7a: {  	_ =	shalt  }
0x7b: {  	_ =	shalt  }
0x7c: {  	_ =	shalt  }
0x7d: {  	_ =	shalt  }
0x7e: {  	_ =	shalt  }
0x7f: {  	_ =	shalt  }
0x80: {  	_ =	shalt  }
0x81: {  	_ =	shalt  }
0x82: {  	_ =	shalt  }
0x83: {  	_ =	shalt  }
0x84: {  	_ =	shalt  }
0x85: {  	_ =	shalt  }
0x86: {  	_ =	shalt  }
0x87: {  	_ =	shalt  }
.Lfunc_end0:
.L_simem_size_0:
called_computation_lowered:
.L_overlay_start_0:
0x88: {  	s2 =	sld [smem:$0x3FD9]  }
0x89: {  	s3 =	sld [smem:$0x3FFE];
	_ =	sdelay $0x1  }
0x8a: {  	s1 =	srdreg.scid  }
0x8b: {  	s0 =	sand.u32 $0x1, s1  }
0x8c: {  	s14 =	sshll.u32 s0, $0xA;
	s2 =	sadd.s32 s3, s2  }
0x8d: {  	s2 =	sadd.s32 s2, s14  }
0x8e: {  	[smem:$0x3FC0] =	sst s2  }
0x8f: {  	_ = 	snop  }
0x90: {  	s2 =	sld [smem:$0x3FD0];
	_ =	sdelay $0x2  }
0x91: {  	s15 =	simm.s32 $0xA;
	s4 =	simm.s32 $0x10  }
0x92: {  	[smem:s4], [sflag:s15] =	dma.local [hbm:s2], $0x1  }
0x93: {  	_ =	swait.eq [sflag:s15], $0x1  }
0x94: {  	[sflag:s15] =	ssyncset.done $0x0  }
0x95: {  	s16 =	sld [smem:$0x10];
	[sflag:s15] =	ssyncadd.s32 $0xFFFFFFFF  }
0x96: {  	s17 =	sld [smem:$0x11];
	(tm) =	ssettm $0x1  }
0x97: {  	s18 =	sld [smem:$0x3FFB];
	_ =	sdelay $0x3  }
0x98: {  	_ =	strace s18  }
0x99: {  	s4 =	sld [smem:$0x3FFC];
	_ =	sdelay $0x3  }
0x9a: {  	_ =	strace s4  }
0x9b: {  	s4 =	sld [smem:$0x3FFD];
	_ =	sdelay $0x3  }
0x9c: {  	_ =	strace s4  }
0x9d: {  	_ =	strace $0x8FFFFFFF  }
0x9e: {  	s19 =	sld [smem:$0x3FDB];
	_ =	sdelay $0x1  }
0x9f: {  	s5 =	simm.s32 $_scs_section_size  }
0xa0: {  	s6 =	simm.s32 $_size__tile_overlayer_lowered;
	s7 =	simm.s32 $_tile_overlayer_lowered  }
0xa1: {  	s22 =	simm.s32 $0x1BFF;
	s21 =	sshll.u32 s7, $0x1;
	s4 =	sadd.s32 s5, s19  }
0xa2: {  	s8 =	simm.s32 $0x0;
	s20 =	sshll.u32 s6, $0x1;
	s6 =	sadd.s32 s21, s4  }
0xa3: {  	[timem:s8], [sflag:s22] =	dma.local [hbm:s6], s20  }
0xa4: {  	_ =	swait.ge [sflag:s22], s20  }
0xa5: {  	s5 =	ssub.s32 $0x0, s20;
	[sflag:s22] =	ssyncset.done $0x0  }
0xa6: {  	[sflag:s22] =	ssyncadd.s32 s5;
	_ =	sdelay $0x1  }
0xa7: {  	s23 =	simm.s32 $0x1B8B  }
0xa8: {  	_ =	swait.ge [sflag:s23], $0x1  }
0xa9: {  	[sflag:s23] =	ssyncset.done $0x0  }
0xaa: {  	s25 =	simm.s32 $0x1B8E;
	s24 =	sld [smem:$0x3FFE];
	[sflag:s23] =	ssyncadd.s32 $0xFFFFFFFF  }
0xab: {  	s26 =	simm.s32 $execute0_lowered;
	[smem:$0x3FD2] =	sst s25  }
0xac: {  	s6 =	sshll.u32 s26, $0x1;
	_ =	strace $0x80000046;
	[dreg:$0x1] =	wrdreg $0xFFFFFFFF  }
0xad: {  	s28 =	simm.s32 $_size_execute0_lowered;
	s4 =	sadd.s32 s4, s6;
	[dreg:$0x0] =	wrdreg $0x0  }
0xae: {  	s6 =	sshll.u32 s28, $0x1;
	[dreg:$0x2] =	wrdreg s4  }
0xaf: {  	[dreg:$0x3] =	wrdreg s6  }
0xb0: {  	[dreg:$0x4] =	wrdreg $0xC0  }
0xb1: {  	_ =	task [dreg:s8], $0x5FFFF  }
0xb2: {  	[dreg:$0x1] =	wrdreg $0xFFFFFFFF  }
0xb3: {  	[dreg:$0x0] =	wrdreg $0x60  }
0xb4: {  	[dreg:$0x2] =	wrdreg s16  }
0xb5: {  	[dreg:$0x3] =	wrdreg s17  }
0xb6: {  	[dreg:$0x4] =	wrdreg s24  }
0xb7: {  	[dreg:$0x5] =	wrdreg $0x3A800  }
0xb8: {  	[dreg:$0x6] =	wrdreg $0x9  }
0xb9: {  	_ =	task.clear_ibuf [dreg:s8], $0x7FFFF;
	_ =	strace $0x90000046  }
0xba: {  	s29 =	simm.s32 $0x9;
	_ =	strace $0x80000048  }
0xbb: {  	_ =	swait.ge [sflag:s29], $0x1  }
0xbc: {  	[sflag:s29] =	ssyncadd.s32 $0xFFFFFFFF  }
0xbd: {  	_ =	strace $0x90000048  }
0xbe: {  	_ =	sfence  }
0xbf: {  	s30 =	sld [smem:$0x0];
	_ =	sdelay $0x2  }
0xc0: {  	s31 =	sshll.u32 s1, $0xD;
	s1 =	sshrl.u32 s1, $0x2  }
0xc1: {  	s3 =	sand.u32 $0x4000, s31;
	s1 =	sadd.s32 s1, s30  }
0xc2: {  	s0 =	sor.u32 s3, s0;
	s1 =	sshll.u32 s1, $0x11  }
0xc3: {  	s0 =	sor.u32 s1, s0  }
0xc4: {  	s0 =	sadd.s32 $0x8F2B, s0  }
0xc5: {  	[sflag:s0] =	ssyncadd.remote.s32 $0x1  }
0xc6: {  	_ =	sfence.sel $0xFFFF  }
0xc7: {  	[dreg:$0x0] =	wrdreg $0xFFFFFFFF;
	(pc) =	sbr.abs _section_cstart, $3  }
0xc8: {  	[dreg:$0x1] =	wrdreg $0xFFFFFFFF  }
0xc9: {  	_ =	task.clear_ibuf [dreg:s8], $0x2FFFF;
	_ =	strace $0x9FFFFFFF  }
0xca: {  	(tm) =	ssettm $0x7FFFFFFF  }
0xcb: {  	_ =	shalt  }
tec
execute0_lowered:
.L_overlay_start_1:
0x0: {  	(tag) =	ssettag $0x1  }
0x1: {  	s2 =	rddreg [dreg:$0x1]  }
0x2: {  	s1 =	rddreg [dreg:$0x2]  }
0x3: {  	s4 =	rddreg [dreg:$0x3];
	s3 =	simm.s32 $0x0  }
0x4: {  	[smem:$0x7FF] =	sst s3;
	s6 =	sadd.s32 $0x3400, s1  }
0x5: {  	s25 =	sadd.s32 $0x10, s2;
	_ =	strace $0x80000047;
	[dreg:$0x5] =	wrdreg s6  }
0x6: {  	s26 =	sadd.s32 $0x20, s2;
	[dreg:$0x7] =	wrdreg s25  }
0x7: {  	s28 =	sadd.s32 $0x30, s2;
	[dreg:$0x8] =	wrdreg s26  }
0x8: {  	s29 =	sadd.s32 $0x40, s2;
	[dreg:$0x9] =	wrdreg s28  }
0x9: {  	s30 =	sadd.s32 $0x50, s2;
	[dreg:$0xa] =	wrdreg s29  }
0xa: {  	s31 =	sadd.s32 $0x60, s2;
	[dreg:$0xb] =	wrdreg s30  }
0xb: {  	s8 =	sadd.s32 $0x70, s2;
	[dreg:$0xc] =	wrdreg s31  }
0xc: {  	s9 =	sadd.s32 $0x80, s2;
	[dreg:$0xd] =	wrdreg s8  }
0xd: {  	s10 =	sadd.s32 $0x90, s2;
	[dreg:$0xe] =	wrdreg s9  }
0xe: {  	s11 =	sadd.s32 $0xA0, s2;
	[dreg:$0xf] =	wrdreg s10  }
0xf: {  	s12 =	sadd.s32 $0xB0, s2;
	[dreg:$0x10] =	wrdreg s11  }
0x10: {  	s13 =	sadd.s32 $0xC0, s2;
	[dreg:$0x11] =	wrdreg s12  }
0x11: {  	s14 =	sadd.s32 $0xD0, s2;
	[dreg:$0x12] =	wrdreg s13  }
0x12: {  	s16 =	sadd.s32 $0xF0, s2;
	[dreg:$0x13] =	wrdreg s14  }
0x13: {  	s17 =	sadd.s32 $0x100, s2;
	[dreg:$0x15] =	wrdreg s16  }
0x14: {  	s18 =	sadd.s32 $0x110, s2;
	[dreg:$0x16] =	wrdreg s17  }
0x15: {  	s19 =	sadd.s32 $0x120, s2;
	[dreg:$0x18] =	wrdreg s18  }
0x16: {  	s0 =	stileid.u32;
	s21 =	sadd.s32 $0x130, s2;
	[dreg:$0x19] =	wrdreg s19  }
0x17: {  	s22 =	sshll.u32 s0, $0x5;
	s8 =	sadd.s32 $0xE0, s2;
	[dreg:$0x1a] =	wrdreg s21  }
0x18: {  	s1 =	sadd.s32 s22, s1;
	s22 =	sadd.s32 $0x140, s2;
	[dreg:$0x14] =	wrdreg s8  }
0x19: {  	s25 =	sadd.s32 $0x160, s2;
	[dreg:$0x1b] =	wrdreg s22  }
0x1a: {  	s26 =	sadd.s32 $0x170, s2;
	[dreg:$0x1d] =	wrdreg s25  }
0x1b: {  	s28 =	sadd.s32 $0x180, s2;
	[dreg:$0x1e] =	wrdreg s26  }
0x1c: {  	s29 =	sadd.s32 $0x190, s2;
	[dreg:$0x1f] =	wrdreg s28  }
0x1d: {  	s30 =	sadd.s32 $0x1A0, s2;
	[smem:$0x7E2] =	sst s29  }
0x1e: {  	s31 =	sadd.s32 $0x1B0, s2;
	[smem:$0x7E3] =	sst s30  }
0x1f: {  	s5 =	srdreg.scid;
	s9 =	sadd.s32 $0x210, s2;
	[smem:$0x7E4] =	sst s31  }
0x20: {  	s5 =	sand.u32 $0x1, s5;
	s10 =	sadd.s32 $0x220, s2;
	[smem:$0x7EA] =	sst s9  }
0x21: {  	p1 =	slt.u32 s0, $0x8;
	s11 =	sadd.s32 $0x230, s2;
	[smem:$0x7EB] =	sst s10  }
0x22: {  	s24 =	sshll.u32 s0, $0x7;
	s12 =	sadd.s32 $0x240, s2;
	[smem:$0x7EC] =	sst s11  }
0x23: {  	s15 =	sshll.u32 s0, $0xB;
	s13 =	sadd.s32 $0x250, s2;
	[smem:$0x7ED] =	sst s12  }
0x24: {  	p5 =	seq.s32 s0, $0x7;
	s14 =	sadd.s32 $0x260, s2;
	[smem:$0x7EE] =	sst s13  }
0x25: {  	s20 =	sadd.s32 s15, s4;
	s15 =	sadd.s32 $0x270, s2;
	[smem:$0x7EF] =	sst s14  }
0x26: {  	p4 =	seq.s32 s0, $0x2;
	s1 =	sadd.s32 $0x3600, s1;
	[smem:$0x7F0] =	sst s15  }
0x27: {  	s7 =	ssub.s32 $0x2, s5;
	s8 =	sadd.s32 $0x200, s2;
	[dreg:$0x17] =	wrdreg s1  }
0x28: {  	p0 =	seq.s32 s5, $0x0;
	s16 =	sadd.s32 $0x80, s20;
	[smem:$0x7E9] =	sst s8  }
0x29: {  	s23 =	sshrl.u32 s7, $0x1;
	s17 =	sadd.s32 $0x100, s20;
	[smem:$0x7F1] =	sst s16  }
0x2a: {  	p0 =	por !p0, !p1;
	s18 =	sadd.s32 $0x180, s20;
	[smem:$0x7F2] =	sst s17  }
0x2b: {  	p1 =	seq.s32 s0, $0x0;
	s19 =	sadd.s32 $0x200, s20;
	[smem:$0x7F3] =	sst s18  }
0x2c: {  	s21 =	sadd.s32 $0x280, s20;
	s22 =	sadd.s32 $0x300, s20;
	[smem:$0x7F4] =	sst s19  }
0x2d: {  	s25 =	sadd.s32 $0x400, s20;
	s26 =	sadd.s32 $0x480, s20;
	[smem:$0x7F5] =	sst s21  }
0x2e: {  	s28 =	sadd.s32 $0x500, s20;
	s29 =	sadd.s32 $0x580, s20;
	[smem:$0x7F6] =	sst s22  }
0x2f: {  	s30 =	sadd.s32 $0x600, s20;
	s31 =	sadd.s32 $0x680, s20;
	[smem:$0x7F8] =	sst s25  }
0x30: {  	s11 =	sadd.s32 $0x780, s20;
	s12 =	simm.s32 $0x1;
	[smem:$0x7F9] =	sst s26  }
0x31: {  	s13 =	simm.s32 $0x2080;
	s6 =	ssub.s32 s7, s23;
	[smem:$0x7FA] =	sst s28  }
0x32: {  	p6 =	por !p0, !p0;
	s7 =	sadd.s32 s24, s4;
	[smem:$0x7FB] =	sst s29  }
0x33: {  	p0 =	sne.s32 s5, $0x0;
	s23 =	sadd.s32 $0x150, s2;
	[smem:$0x7FC] =	sst s30  }
0x34: {  	s5 =	sadd.s32 $0x1D0, s2;
	[smem:$0x7FD] =	sst s31;
	s4 =	simm.s32 @!p0 $0x0  }
0x35: {  	[dreg:$0x6] =	wrdreg s7;
	s4 =	simm.s32 @p0 $0x1;
	p0 =	seq.s32 s0, $0x6  }
0x36: {  	s24 =	smax.u32 s6, $0x1;
	[dreg:$0x1c] =	wrdreg s23;
	s1 =	simm.s32 @!p0 $0x0  }
0x37: {  	[smem:$0x7E6] =	sst s5;
	s1 =	simm.s32 @p0 $0x1;
	p0 =	seq.s32 s0, $0x5  }
0x38: {  	s6 =	sadd.s32 $0x1E0, s2;
	[smem:$0x7DC] =	sst s1;
	s1 =	simm.s32 @!p0 $0x0  }
0x39: {  	[smem:$0x7E7] =	sst s6;
	s1 =	simm.s32 @p0 $0x1;
	p0 =	seq.s32 s0, $0x4  }
0x3a: {  	s7 =	sadd.s32 $0x1F0, s2;
	[smem:$0x7DD] =	sst s1;
	s1 =	simm.s32 @!p0 $0x0  }
0x3b: {  	[smem:$0x7E8] =	sst s7;
	s1 =	simm.s32 @p0 $0x1;
	p0 =	seq.s32 s0, $0x3  }
0x3c: {  	s23 =	sadd.s32 $0x380, s20;
	[smem:$0x7DE] =	sst s1;
	s1 =	simm.s32 @!p0 $0x0  }
0x3d: {  	s16 =	simm.s32 $0x3980;
	[smem:$0x7F7] =	sst s23;
	s1 =	simm.s32 @p0 $0x1  }
.Ltmp0:
0x3e: {  	v0 =	vlaneseq.u32;
	[smem:$0x7DF] =	sst s1;
	s1 =	simm.s32 @!p1 $0x0;
	(pc) =	sbr.rel .LBB2_1-.Ltmp0, $4  }
0x3f: {  	v2 =	vimm.s32 $0x0;
	v1 =	vmov s0;
	v3 =	vor.u32 $0x10, v0;
	[smem:$0x7DB] =	sst s4;
	s1 =	simm.s32 @p1 $0x1;
	p1 =	sne.s32 s0, $0x0  }
0x40: {  	v4 =	vor.u32 $0x20, v0;
	v5 =	vor.u32 $0x30, v0;
	v6 =	vor.u32 $0x40, v0;
	s4 =	sadd.s32 $0x1C0, s2;
	[smem:$0x7E0] =	sst s1;
	s1 =	simm.s32 @!p1 $0x0  }
0x41: {  	v7 =	vor.u32 $0x50, v0;
	v8 =	vor.u32 $0x60, v0;
	v9 =	vor.u32 $0x70, v0;
	s21 =	simm.s32 $0x0;
	[smem:$0x7E5] =	sst s4;
	s1 =	simm.s32 @p1 $0x1  }
0x42: {  	v10 =	vadd.s32 $0x1, v0;
	v11 =	vadd.s32 $0x11, v0;
	v12 =	vadd.s32 $0x21, v0;
	s4 =	sadd.s32 $0x700, s20;
	p0 =	seq.s32 s0, $0x1;
	[smem:$0x7E1] =	sst s1  }
.LBB2_101:
0x43: {  	s21 =	sadd.s32 $0x1, s21  }
0x44: {  	p2 =	sne.s32 s21, s24  }
.Ltmp1:
0x45: {  	_ = 	snop;
	(pc) =	sbr.rel @!p2 .LBB2_102-.Ltmp1, $1  }
0x46: {  	_ =	sdelay $0x3  }
.LBB2_1:
.Ltmp2:
0x47: {  	(pc) =	sbr.rel @!p6 .LBB2_97-.Ltmp2, $1  }
0x48: {  	_ =	sdelay $0x3  }
0x49: {  	s0 =	simm.s32 $0x0;
	s1 =	rddreg [dreg:$0x0]  }
0x4a: {  	[tilespmem:s0], [sflag:$0x1] =	stream.linear.gather [hbm4b:s1+s0], $0x1000, $0x38;
	[tilespmem:$0x4280] =	vst v63  }
0x4b: {  	_ =	swait.ge [sflag:s12], $0x1000  }
0x4c: {  	[sflag:s12] =	ssyncset.done $0x0  }
0x4d: {  	s1 =	simm.s32 $0x0;
	[sflag:s12] =	ssyncadd.s32 $0xFFFFF000  }
.LBB2_3:
0x4e: {  	p2 =	sne.s32 s1, $0x3FC0  }
.Ltmp3:
0x4f: {  	_ = 	snop;
	(pc) =	sbr.rel @p2 .LBB2_3-.Ltmp3, $3  }
0x50: {  	_ =	sdelay $0x1  }
0x51: {  	s5 =	sshra.s32 s1, $0x2  }
0x52: {  	s1 =	sadd.s32 $0x40, s1;
	[tilespmem:s5+$0x2080] =	vst v2  }
0x53: {  	v13 =	vor.u32 s0, v0  }
0x54: {  	s0 =	simm.s32 $0x1000;
	v13 =	vand.u32 $0x7FF, v13  }
0x55: {  	s1 =	simm.s32 $0x10;
	[tilespmem:s0+$0x0] =	vst v13  }
.LBB2_5:
0x56: {  	p2 =	sne.s32 s1, $0x1070  }
.Ltmp4:
0x57: {  	_ = 	snop;
	(pc) =	sbr.rel @p2 .LBB2_5-.Ltmp4, $4  }
0x58: {  	_ = 	snop  }
0x59: {  	v13 =	vor.u32 s1, v0;
	s1 =	sadd.s32 $0x10, s1  }
0x5a: {  	s0 =	sadd.s32 $0x10, s0;
	v13 =	vand.u32 $0x7FF, v13  }
0x5b: {  	[tilespmem:s0+$0x0] =	vst v13  }
0x5c: {  	[tilespmem:$0x3980] =	vst v0  }
0x5d: {  	[tilespmem:$0x3990] =	vst v3  }
0x5e: {  	[tilespmem:$0x39A0] =	vst v4  }
0x5f: {  	[tilespmem:$0x39B0] =	vst v5  }
0x60: {  	[tilespmem:$0x39C0] =	vst v6  }
0x61: {  	[tilespmem:$0x39D0] =	vst v7  }
0x62: {  	[tilespmem:$0x39E0] =	vst v8  }
0x63: {  	[tilespmem:$0x39F0] =	vst v9;
	s0 =	simm.s32 $0x0  }
0x64: {  	v17 =	vld [tilespmem:s0+$0x0];
	_ =	sdelay $0x1  }
0x65: {  	v16 =	vimm.s32 $0x0  }
0x66: {  	v18 =	vimm.s32 $0x0;
	v19 =	vimm.s32 $0x0;
	v20 =	vimm.s32 $0x0  }
0x67: {  	v22 =	vimm.s32 $0x0;
	v21 =	vimm.s32 $0x0;
	v15 =	vimm.s32 $0x0  }
0x68: {  	vm2 =	veq.s32 v17, $0x0;
	vm3 =	veq.s32 v17, $0x1;
	vm4 =	veq.s32 v17, $0x7  }
0x69: {  	vm0 =	veq.s32 v17, $0x2;
	vm1 =	veq.s32 v17, $0x3;
	v13 =	vsel vm4, $0x1, v2  }
0x6a: {  	p1 =	por p5, p5;
	s1 =	simm.s32 $0x10;
	s0 =	simm.s32 $0x80;
	vm5 =	veq.s32 v17, $0x4;
	vm4 =	veq.s32 v17, $0x5;
	v13 =	vadd.s32 v13, v16  }
.LBB2_7:
0x6b: {  	p2 =	sne.s32 s0, $0x3FC0;
	v14 =	vsel vm2, $0x1, v2;
	v23 =	vsel vm3, $0x1, v2;
	vm2 =	veq.s32 v17, $0x6;
	v17 =	vld [tilespmem:s1+$0x0]  }
0x6c: {  	v24 =	vsel vm0, $0x1, v2;
	v25 =	vsel vm1, $0x1, v2;
	v26 =	vsel vm5, $0x1, v2  }
0x6d: {  	v16 =	vadd.s32 v14, v16;
	v14 =	vsel vm4, $0x1, v2;
	v27 =	vsel vm2, $0x1, v2  }
.Ltmp5:
0x6e: {  	v18 =	vadd.s32 v23, v18;
	v19 =	vadd.s32 v24, v19;
	v20 =	vadd.s32 v25, v20;
	(pc) =	sbr.rel @p2 .LBB2_7-.Ltmp5, $4  }
0x6f: {  	v22 =	vadd.s32 v26, v22;
	v21 =	vadd.s32 v14, v21;
	v15 =	vadd.s32 v27, v15  }
0x70: {  	vm2 =	veq.s32 v17, $0x0;
	vm3 =	veq.s32 v17, $0x1;
	vm4 =	veq.s32 v17, $0x7  }
0x71: {  	vm0 =	veq.s32 v17, $0x2;
	vm1 =	veq.s32 v17, $0x3;
	v14 =	vsel vm4, $0x1, v2  }
0x72: {  	s1 =	sshra.s32 s0, $0x2;
	s0 =	sadd.s32 $0x40, s0;
	vm5 =	veq.s32 v17, $0x4;
	vm4 =	veq.s32 v17, $0x5;
	v13 =	vadd.s32 v14, v13  }
0x73: {  	v14 =	vld [tilespmem:s1+$0x0]  }
0x74: {  	v23 =	vsel vm2, $0x1, v2;
	v24 =	vsel vm3, $0x1, v2  }
0x75: {  	vm6 =	veq.s32 v17, $0x6;
	v47 =	vsel vm0, $0x1, v2;
	v25 =	vsel vm1, $0x1, v2  }
0x76: {  	v26 =	vsel vm5, $0x1, v2;
	v48 =	vsel vm4, $0x1, v2;
	v16 =	vadd.s32 v23, v16  }
0x77: {  	v27 =	vsel vm6, $0x1, v2;
	v18 =	vadd.s32 v24, v18;
	v17 =	vadd.s32 v47, v19  }
0x78: {  	v49 =	vadd.s32 v25, v20;
	v50 =	vadd.s32 v26, v22;
	vm7 =	veq.s32 v14, $0x0  }
0x79: {  	v21 =	vadd.s32 v48, v21;
	vm8 =	veq.s32 v14, $0x1;
	v51 =	vsel vm7, $0x1, v2  }
0x7a: {  	vm9 =	veq.s32 v14, $0x2;
	v52 =	vsel vm8, $0x1, v2;
	v16 =	vadd.s32 v51, v16  }
0x7b: {  	v15 =	vadd.s32 v27, v15;
	v53 =	vsel vm9, $0x1, v2;
	v18 =	vadd.s32 v52, v18;
	(xrf0) =	vadd.scan.msk.s32 $0xffff, v16  }
0x7c: {  	vm10 =	veq.s32 v14, $0x3;
	vm11 =	veq.s32 v14, $0x4;
	v17 =	vadd.s32 v53, v17;
	(xrf0) =	vadd.scan.msk.s32 $0xffff, v18  }
0x7d: {  	vm12 =	veq.s32 v14, $0x5;
	vm13 =	veq.s32 v14, $0x6;
	v54 =	vsel vm10, $0x1, v2;
	(xrf0) =	vadd.scan.msk.s32 $0xffff, v17  }
0x7e: {  	v55 =	vsel vm11, $0x1, v2;
	v57 =	vsel vm13, $0x1, v2;
	v16 =	vadd.s32 v54, v49  }
0x7f: {  	v56 =	vsel vm12, $0x1, v2;
	v15 =	vadd.s32 v57, v15;
	v18 =	vadd.s32 v55, v50;
	(xrf0) =	vadd.scan.msk.s32 $0xffff, v16  }
0x80: {  	v17 =	vadd.s32 v56, v21;
	(xrf0) =	vadd.scan.msk.s32 $0xffff, v18  }
0x81: {  	(xrf0) =	vadd.scan.msk.s32 $0xffff, v17;
	v58, _, _ =	vpop (xrf0)  }
0x82: {  	(xrf0) =	vadd.scan.msk.s32 $0xffff, v15;
	v15, _, _ =	vpop (xrf0);
	(v2sf) =	vpush v58, $0xF  }
0x83: {  	v59, _, _ =	vpop (xrf0);
	(v2sf) =	vpush v15, $0xF  }
0x84: {  	(v2sf) =	vpush v59, $0xF  }
0x85: {  	v15, _, _ =	vpop (xrf0)  }
0x86: {  	(v2sf) =	vpush v15, $0xF;
	_ =	sdelay $0x1  }
0x87: {  	v60, _, _ =	vpop (xrf0)  }
0x88: {  	(v2sf) =	vpush v60, $0xF;
	_ =	sdelay $0x1  }
0x89: {  	v15, _, _ =	vpop (xrf0)  }
0x8a: {  	(v2sf) =	vpush v15, $0xF  }
0x8b: {  	v15, _, _ =	vpop (xrf0)  }
0x8c: {  	(v2sf) =	vpush v15, $0xF;
	_ =	sdelay $0x2  }
0x8d: {  	s0 =	spop (v2sf)  }
0x8e: {  	s19 =	spop (v2sf)  }
0x8f: {  	s30 =	simm.s32 $0x0;
	s0 =	sadd.s32 $0x7F, s0;
	s5 =	spop (v2sf)  }
0x90: {  	s14 =	sshra.s32 s0, $0x1F;
	s15 =	sand.u32 $0x7F, s0;
	p2 =	slt.s32 s0, $0x1  }
0x91: {  	s1 =	sadd.s32 $0x7F, s19;
	s19 =	simm.s32 $0x1;
	s6 =	spop (v2sf)  }
0x92: {  	s14 =	sshrl.u32 s14, $0x19;
	p3 =	sne.s32 s15, $0x0;
	s22 =	sand.u32 $0x7F, s1  }
0x93: {  	s5 =	sadd.s32 $0x7F, s5;
	s15 =	simm.s32 $0x1;
	s10 =	sshra.s32 s1, $0x1F  }
0x94: {  	s7 =	spop (v2sf);
	s0 =	sadd.s32 s14, s0;
	p2 =	por !p2, !p3  }
0x95: {  	s14 =	simm.s32 $0x1;
	p3 =	slt.s32 s1, $0x1;
	p5 =	sne.s32 s22, $0x0  }
0x96: {  	s23 =	sand.u32 $0x7F, s5;
	s6 =	sadd.s32 $0x7F, s6;
	s22 =	simm.s32 $0x1  }
0x97: {  	s8 =	spop (v2sf);
	p2 =	por !p2, !p2;
	p3 =	por !p3, !p5  }
0x98: {  	p5 =	sne.s32 s23, $0x0;
	s17 =	sand.u32 $0x7F, s6;
	s7 =	sadd.s32 $0x7F, s7  }
0x99: {  	s23 =	simm.s32 $0x1;
	s0 =	sshra.s32 s0, $0x7;
	s9 =	spop (v2sf)  }
0x9a: {  	s14 =	simm.s32 @!p2 $0x0;
	p2 =	por !p3, !p3;
	p3 =	slt.s32 s5, $0x1  }
0x9b: {  	s18 =	sand.u32 $0x7F, s7;
	s8 =	sadd.s32 $0x7F, s8;
	p3 =	por !p3, !p5  }
0x9c: {  	s15 =	simm.s32 @!p2 $0x0;
	p5 =	sne.s32 s17, $0x0;
	s17 =	simm.s32 $0x1  }
0x9d: {  	s25 =	sand.u32 $0x7F, s8;
	s9 =	sadd.s32 $0x7F, s9;
	s31 =	ssub.s32 s0, s14  }
0x9e: {  	s14 =	sshrl.u32 s10, $0x19;
	p2 =	por !p3, !p3;
	p3 =	slt.s32 s6, $0x1  }
0x9f: {  	s26 =	sand.u32 $0x7F, s9;
	s0 =	sadd.s32 s14, s1;
	s19 =	simm.s32 @!p2 $0x0  }
0xa0: {  	p5 =	por !p3, !p5;
	p3 =	slt.s32 s7, $0x1;
	s0 =	sshra.s32 s0, $0x7  }
0xa1: {  	p2 =	por !p5, !p5;
	p5 =	sne.s32 s18, $0x0;
	s18 =	sshra.s32 s5, $0x1F  }
0xa2: {  	s17 =	simm.s32 @!p2 $0x0;
	p3 =	por !p3, !p5;
	p5 =	sne.s32 s25, $0x0  }
0xa3: {  	s25 =	simm.s32 $0x1;
	s1 =	sshrl.u32 s18, $0x19;
	s18 =	ssub.s32 s0, s15  }
0xa4: {  	p2 =	por !p3, !p3;
	p3 =	slt.s32 s8, $0x1;
	s10 =	sadd.s32 s1, s5  }
0xa5: {  	p3 =	por !p3, !p5;
	s22 =	simm.s32 @!p2 $0x0;
	p5 =	sne.s32 s26, $0x0  }
0xa6: {  	s26 =	sshra.s32 s6, $0x1F;
	s0 =	sshra.s32 s10, $0x7;
	p2 =	por !p3, !p3  }
0xa7: {  	vm14 =	veq.s32 v14, $0x7;
	p3 =	slt.s32 s9, $0x1;
	s14 =	sshrl.u32 s26, $0x19;
	s26 =	sshra.s32 s7, $0x1F  }
0xa8: {  	v14 =	vsel vm14, $0x1, v2;
	s19 =	ssub.s32 s0, s19;
	s23 =	simm.s32 @!p2 $0x0;
	p5 =	por !p3, !p5  }
0xa9: {  	v13 =	vadd.s32 v14, v13;
	v14 =	vld [tilespmem:s30+$0x0];
	s15 =	sadd.s32 s14, s6;
	s5 =	sshrl.u32 s26, $0x19;
	s6 =	sshra.s32 s8, $0x1F  }
0xaa: {  	p2 =	por !p5, !p5;
	s1 =	sshra.s32 s15, $0x7;
	s0 =	sadd.s32 s5, s7  }
0xab: {  	s7 =	sshra.s32 s9, $0x1F;
	s25 =	simm.s32 @!p2 $0x0;
	s17 =	ssub.s32 s1, s17  }
0xac: {  	s0 =	sshra.s32 s0, $0x7;
	s1 =	sshrl.u32 s6, $0x19;
	s5 =	sshrl.u32 s7, $0x19  }
0xad: {  	s6 =	sshll.u32 s31, $0x7;
	s7 =	sld [smem:$0x7DE];
	s15 =	ssub.s32 s0, s22  }
0xae: {  	vm15 =	veq.s32 v14, v1;
	s10 =	sadd.s32 s1, s8;
	s14 =	sadd.s32 s5, s9;
	s8 =	sld [smem:$0x7DD]  }
0xaf: {  	v14 =	vsel vm15, $0x1, v2;
	s22 =	sadd.s32 s31, s18;
	s26 =	smov.u32 s6;
	s9 =	sld [smem:$0x7DC]  }
0xb0: {  	(xrf0) =	vadd.scan.msk.s32 $0xffff, v14;
	s0 =	sshra.s32 s10, $0x7;
	s1 =	sshra.s32 s14, $0x7;
	s29 =	sshll.u32 s22, $0x7  }
0xb1: {  	s14 =	ssub.s32 s0, s23;
	s0 =	sadd.s32 s19, s22;
	s23 =	sld [smem:$0x7DF]  }
0xb2: {  	s26 =	simm.s32 @!p0 $0x0;
	s28 =	sshll.u32 s0, $0x7;
	s0 =	sadd.s32 s17, s0  }
0xb3: {  	s1 =	ssub.s32 s1, s25;
	s25 =	sshll.u32 s0, $0x7;
	s0 =	sadd.s32 s15, s0  }
0xb4: {  	s26 =	smov.u32 @p4 s29;
	p2 =	seq.s32 s23, $0x1;
	s22 =	sshll.u32 s0, $0x7  }
0xb5: {  	s0 =	sadd.s32 s14, s0;
	s26 =	smov.u32 @p2 s28;
	p2 =	seq.s32 s7, $0x1  }
0xb6: {  	v14, _, _ =	vpop (xrf0);
	s5 =	sshll.u32 s0, $0x7;
	s26 =	smov.u32 @p2 s25;
	p2 =	seq.s32 s8, $0x1  }
0xb7: {  	v15 =	vxor.u32 $0x80000000, v14;
	s0 =	sadd.s32 s1, s0;
	s26 =	smov.u32 @p2 s22;
	p2 =	seq.s32 s9, $0x1  }
0xb8: {  	(xrf0) =	vmax.scan.msk.u32 $0xffff, v15;
	s23 =	sshll.u32 s0, $0x7;
	s26 =	smov.u32 @p2 s5  }
0xb9: {  	s26 =	smov.u32 @p1 s23  }
0xba: {  	s10 =	sadd.s32 $0x0, s26  }
0xbb: {  	v15 =	vor.u32 s30, v0;
	v61 =	vmov s10  }
0xbc: {  	v16 =	vadd.s32 $0xFFFFFFFF, v61  }
0xbd: {  	v16 =	vbroadcast v16, $0x0  }
0xbe: {  	v62 =	vshrl.u32 v15, $0x1;
	v63, _, _ =	vpop (xrf0)  }
0xbf: {  	[tilespmem:s30+$0x1000] =	vst.msk vm15, v62;
	(v2sf) =	vpush v63, $0xF;
	v14 =	vadd.s32 v14, v16  }
0xc0: {  	s7 =	simm.s32 $0x10;
	[tilespmem:v15+s13+$0x0] =	vst.idx.msk vm15, v14  }
0xc1: {  	p5 =	por p1, p1;
	s8 =	simm.s32 $0x20;
	s9 =	simm.s32 $0x10;
	v14 =	vld [tilespmem:s7+$0x0]  }
.LBB2_9:
0xc2: {  	p2 =	seq.s32 s8, $0xFF0;
	_ =	sdelay $0x3  }
0xc3: {  	vm0 =	veq.s32 v14, v1  }
0xc4: {  	v14 =	vsel vm0, $0x1, v2  }
0xc5: {  	(xrf0) =	vadd.scan.msk.s32 $0xffff, v14;
	_ =	sdelay $0x5  }
0xc6: {  	v14, _, _ =	vpop (xrf0);
	s10 =	spop (v2sf)  }
0xc7: {  	v15 =	vor.u32 s7, v0;
	s7 =	smov.u32 s8;
	v16 =	vxor.u32 $0x80000000, v14;
	s10 =	sadd.s32 s10, s30  }
0xc8: {  	v17 =	vshrl.u32 v15, $0x1;
	(xrf0) =	vmax.scan.msk.u32 $0xffff, v16;
	s30 =	sadd.s32 $0x80000000, s10  }
0xc9: {  	[tilespmem:s30+$0x1000] =	vst.msk vm0, v17;
	s10 =	sadd.s32 s26, s30  }
0xca: {  	v16 =	vmov s10  }
0xcb: {  	v16 =	vadd.s32 $0xFFFFFFFF, v16  }
0xcc: {  	v17 =	vbroadcast v16, $0x0  }
.Ltmp6:
0xcd: {  	(pc) =	sbr.rel @!p2 .LBB2_9-.Ltmp6, $4  }
0xce: {  	v14 =	vadd.s32 v14, v17;
	v16, _, _ =	vpop (xrf0)  }
0xcf: {  	[tilespmem:v15+s13+$0x0] =	vst.idx.msk vm0, v14;
	(v2sf) =	vpush v16, $0xF  }
0xd0: {  	s9 =	sadd.s32 $0x10, s9  }
0xd1: {  	s8 =	sadd.s32 $0x10, s8;
	v14 =	vld [tilespmem:s9+$0x0]  }
0xd2: {  	_ =	sdelay $0x3  }
0xd3: {  	vm0 =	veq.s32 v14, v1  }
0xd4: {  	v14 =	vsel vm0, $0x1, v2  }
0xd5: {  	(xrf0) =	vadd.scan.msk.s32 $0xffff, v14;
	_ =	sdelay $0x5  }
0xd6: {  	v14, _, _ =	vpop (xrf0)  }
0xd7: {  	v15 =	vxor.u32 $0x80000000, v14  }
0xd8: {  	(xrf0) =	vmax.scan.msk.u32 $0xffff, v15;
	_ =	sdelay $0x5  }
0xd9: {  	v15, _, _ =	vpop (xrf0);
	(xrf0) =	vadd.scan.msk.s32 $0xffff, v13;
	_ =	sdelay $0x5  }
0xda: {  	(v2sf) =	vpush v15, $0xF;
	v13, _, _ =	vpop (xrf0)  }
0xdb: {  	s8 =	spop (v2sf);
	(v2sf) =	vpush v13, $0xF;
	_ =	sdelay $0xa  }
0xdc: {  	s8 =	sadd.s32 s8, s30  }
0xdd: {  	s10 =	sld [smem:$0x7E0];
	s8 =	sadd.s32 $0x80000000, s8  }
0xde: {  	s9 =	sadd.s32 s26, s8  }
0xdf: {  	v16 =	vmov s9;
	s9 =	spop (v2sf)  }
0xe0: {  	p1 =	seq.s32 s10, $0x1;
	v15 =	vor.u32 s7, v0;
	s7 =	spop (v2sf)  }
0xe1: {  	s31 =	simm.s32 @!p1 $0x0;
	v17 =	vshrl.u32 v15, $0x1;
	s7 =	sadd.s32 $0x7F, s7  }
0xe2: {  	[tilespmem:s8+$0x1000] =	vst.msk vm0, v17;
	s9 =	sld [smem:$0x7DF];
	s8 =	sand.u32 $0x7F, s7;
	s10 =	sshra.s32 s7, $0x1F  }
0xe3: {  	p2 =	sne.s32 s8, $0x0;
	s8 =	sshrl.u32 s10, $0x19;
	s10 =	sld [smem:$0x7DE]  }
0xe4: {  	s31 =	smov.u32 @p0 s18  }
0xe5: {  	s31 =	smov.u32 @p4 s19;
	p1 =	seq.s32 s9, $0x1  }
0xe6: {  	s31 =	smov.u32 @p1 s17;
	p1 =	seq.s32 s10, $0x1;
	s10 =	sld [smem:$0x7DD]  }
0xe7: {  	_ = 	snop  }
0xe8: {  	p3 =	slt.s32 s7, $0x1  }
0xe9: {  	s31 =	smov.u32 @p1 s15;
	p1 =	seq.s32 s10, $0x1;
	s10 =	sld [smem:$0x7DC]  }
0xea: {  	p2 =	por !p3, !p2;
	s7 =	sadd.s32 s8, s7  }
0xeb: {  	s8 =	simm.s32 $0x1;
	p2 =	por !p2, !p2;
	s7 =	sshra.s32 s7, $0x7  }
0xec: {  	s8 =	simm.s32 @!p2 $0x0;
	s31 =	smov.u32 @p1 s14;
	p1 =	seq.s32 s10, $0x1  }
0xed: {  	s30 =	ssub.s32 s7, s8;
	s31 =	smov.u32 @p1 s1  }
0xee: {  	s31 =	smov.u32 @p5 s30  }
0xef: {  	p2 =	sgt.s32 s31, $0x0  }
.Ltmp7:
0xf0: {  	v16 =	vadd.s32 $0xFFFFFFFF, v16;
	(pc) =	sbr.rel @!p2 .LBB2_14-.Ltmp7, $3  }
0xf1: {  	v16 =	vbroadcast v16, $0x0;
	_ =	sdelay $0x1  }
0xf2: {  	v14 =	vadd.s32 v14, v16  }
0xf3: {  	[tilespmem:v15+s13+$0x0] =	vst.idx.msk vm0, v14;
	s7 =	simm.s32 $0x1000  }
0xf4: {  	p2 =	sne.s32 s31, $0x1  }
.Ltmp8:
0xf5: {  	s8 =	sshrl.u32 s26, $0x3;
	(pc) =	sbr.rel @!p2 .LBB2_13-.Ltmp8, $4  }
0xf6: {  	s8 =	sand.u32 $0x1FFFFFF0, s8  }
0xf7: {  	s8 =	sadd.s32 s2, s8  }
0xf8: {  	[hbm4b:s8+s3] =	stream.linear.scatter [tilespmem:s7], [sflag:$0x1], $0x80, $0x38;
	[tilespmem:$0x4280] =	vst v63  }
0xf9: {  	s9 =	sadd.s32 $0x80, s26;
	s8 =	sadd.s32 $0xFFFFFFFF, s31;
	_ =	swait.ge [sflag:s12], $0x80  }
.LBB2_12:
0xfa: {  	s10 =	sshrl.u32 s9, $0x3  }
0xfb: {  	[sflag:s12] =	ssyncset.done $0x0;
	s7 =	sadd.s32 $0x80, s7;
	p2 =	sne.s32 s8, $0x1  }
.Ltmp9:
0xfc: {  	s10 =	sand.u32 $0x1FFFFFF0, s10;
	[sflag:s12] =	ssyncadd.s32 $0xFFFFFF80;
	(pc) =	sbr.rel @p2 .LBB2_12-.Ltmp9, $4  }
0xfd: {  	s8 =	sadd.s32 $0xFFFFFFFF, s8;
	s10 =	sadd.s32 s2, s10  }
0xfe: {  	[hbm4b:s10+s3] =	stream.linear.scatter [tilespmem:s7], [sflag:$0x1], $0x80, $0x38;
	[tilespmem:$0x4280] =	vst v63  }
0xff: {  	_ = 	snop  }
0x100: {  	s9 =	sadd.s32 $0x80, s9;
	_ =	swait.ge [sflag:s12], $0x80  }
.LBB2_13:
0x101: {  	[sflag:s12] =	ssyncset.done $0x0  }
0x102: {  	[sflag:s12] =	ssyncadd.s32 $0xFFFFFF80  }
.LBB2_14:
0x103: {  	s7 =	rddreg [dreg:$0x6];
	s8 =	simm.s32 $0x80;
	s9 =	simm.s32 $0x400  }
0x104: {  	[spmem:s7] =	stream.strided.scatter [tilespmem:s13], [sflag:$0x1], $0x1000, s9, s8, $0x38;
	[tilespmem:$0x4280] =	vst v63  }
0x105: {  	_ =	swait.ge [sflag:s12], $0x1000  }
0x106: {  	s31 =	sld [smem:$0x7E1];
	_ =	sdelay $0x2  }
0x107: {  	p1 =	seq.s32 s31, $0x1  }
.Ltmp10:
0x108: {  	_ = 	snop;
	(pc) =	sbr.rel @p1 .LBB2_96-.Ltmp10, $3  }
0x109: {  	_ =	sdelay $0x1  }
0x10a: {  	[sflag:s12] =	ssyncset.done $0x0  }
0x10b: {  	[sflag:s12] =	ssyncadd.s32 $0xFFFFF000  }
0x10c: {  	s0 =	sadd.s32 s30, s0  }
0x10d: {  	s0 =	sshll.u32 s0, $0x7  }
0x10e: {  	s31 =	sshra.s32 s0, $0x7  }
0x10f: {  	p2 =	sgt.s32 s31, $0x0  }
.Ltmp11:
0x110: {  	_ = 	snop;
	(pc) =	sbr.rel @!p2 .LBB2_16-.Ltmp11, $1  }
0x111: {  	_ =	sdelay $0x3  }
0x112: {  	p2 =	sne.s32 s0, $0x80  }
.Ltmp12:
0x113: {  	_ = 	snop;
	(pc) =	sbr.rel @!p2 .LBB2_18-.Ltmp12, $1  }
0x114: {  	_ =	sdelay $0x3  }
0x115: {  	p2 =	sgt.u32 s31, $0x2  }
.Ltmp13:
0x116: {  	_ = 	snop;
	(pc) =	sbr.rel @!p2 .LBB2_20-.Ltmp13, $1  }
0x117: {  	_ =	sdelay $0x3  }
0x118: {  	p2 =	sne.s32 s0, $0x180  }
.Ltmp14:
0x119: {  	_ = 	snop;
	(pc) =	sbr.rel @!p2 .LBB2_22-.Ltmp14, $1  }
0x11a: {  	_ =	sdelay $0x3  }
0x11b: {  	p2 =	sgt.u32 s31, $0x4  }
.Ltmp15:
0x11c: {  	_ = 	snop;
	(pc) =	sbr.rel @!p2 .LBB2_24-.Ltmp15, $1  }
0x11d: {  	_ =	sdelay $0x3  }
0x11e: {  	p2 =	sne.s32 s0, $0x280  }
.Ltmp16:
0x11f: {  	_ = 	snop;
	(pc) =	sbr.rel @!p2 .LBB2_26-.Ltmp16, $1  }
0x120: {  	_ =	sdelay $0x3  }
0x121: {  	p2 =	sgt.u32 s31, $0x6  }
.Ltmp17:
0x122: {  	_ = 	snop;
	(pc) =	sbr.rel @!p2 .LBB2_28-.Ltmp17, $1  }
0x123: {  	_ =	sdelay $0x3  }
0x124: {  	p2 =	sne.s32 s0, $0x380  }
.Ltmp18:
0x125: {  	_ = 	snop;
	(pc) =	sbr.rel @!p2 .LBB2_30-.Ltmp18, $1  }
0x126: {  	_ =	sdelay $0x3  }
0x127: {  	p2 =	sgt.u32 s31, $0x8  }
.Ltmp19:
0x128: {  	_ = 	snop;
	(pc) =	sbr.rel @!p2 .LBB2_32-.Ltmp19, $1  }
0x129: {  	_ =	sdelay $0x3  }
0x12a: {  	p2 =	sne.s32 s0, $0x480  }
.Ltmp20:
0x12b: {  	_ = 	snop;
	(pc) =	sbr.rel @!p2 .LBB2_34-.Ltmp20, $1  }
0x12c: {  	_ =	sdelay $0x3  }
0x12d: {  	p2 =	sgt.u32 s31, $0xA  }
.Ltmp21:
0x12e: {  	_ = 	snop;
	(pc) =	sbr.rel @!p2 .LBB2_36-.Ltmp21, $1  }
0x12f: {  	_ =	sdelay $0x3  }
0x130: {  	p2 =	sne.s32 s0, $0x580  }
.Ltmp22:
0x131: {  	_ = 	snop;
	(pc) =	sbr.rel @!p2 .LBB2_38-.Ltmp22, $1  }
0x132: {  	_ =	sdelay $0x3  }
0x133: {  	p2 =	sgt.u32 s31, $0xC  }
.Ltmp23:
0x134: {  	_ = 	snop;
	(pc) =	sbr.rel @!p2 .LBB2_40-.Ltmp23, $1  }
0x135: {  	_ =	sdelay $0x3  }
0x136: {  	p2 =	sne.s32 s0, $0x680  }
.Ltmp24:
0x137: {  	_ = 	snop;
	(pc) =	sbr.rel @!p2 .LBB2_42-.Ltmp24, $1  }
0x138: {  	_ =	sdelay $0x3  }
0x139: {  	p2 =	sgt.u32 s31, $0xE  }
.Ltmp25:
0x13a: {  	_ = 	snop;
	(pc) =	sbr.rel @!p2 .LBB2_44-.Ltmp25, $1  }
0x13b: {  	_ =	sdelay $0x3  }
0x13c: {  	p2 =	sne.s32 s0, $0x780  }
.Ltmp26:
0x13d: {  	_ = 	snop;
	(pc) =	sbr.rel @!p2 .LBB2_46-.Ltmp26, $1  }
0x13e: {  	_ =	sdelay $0x3  }
0x13f: {  	p2 =	sgt.u32 s31, $0x10  }
.Ltmp27:
0x140: {  	_ = 	snop;
	(pc) =	sbr.rel @!p2 .LBB2_48-.Ltmp27, $1  }
0x141: {  	_ =	sdelay $0x3  }
0x142: {  	p2 =	sne.s32 s0, $0x880  }
.Ltmp28:
0x143: {  	_ = 	snop;
	(pc) =	sbr.rel @!p2 .LBB2_50-.Ltmp28, $1  }
0x144: {  	_ =	sdelay $0x3  }
0x145: {  	p2 =	sgt.u32 s31, $0x12  }
.Ltmp29:
0x146: {  	_ = 	snop;
	(pc) =	sbr.rel @!p2 .LBB2_52-.Ltmp29, $1  }
0x147: {  	_ =	sdelay $0x3  }
0x148: {  	p2 =	sne.s32 s0, $0x980  }
.Ltmp30:
0x149: {  	_ = 	snop;
	(pc) =	sbr.rel @!p2 .LBB2_54-.Ltmp30, $1  }
0x14a: {  	_ =	sdelay $0x3  }
0x14b: {  	p2 =	sgt.u32 s31, $0x14  }
.Ltmp31:
0x14c: {  	_ = 	snop;
	(pc) =	sbr.rel @!p2 .LBB2_56-.Ltmp31, $1  }
0x14d: {  	_ =	sdelay $0x3  }
0x14e: {  	p2 =	sne.s32 s0, $0xA80  }
.Ltmp32:
0x14f: {  	_ = 	snop;
	(pc) =	sbr.rel @!p2 .LBB2_58-.Ltmp32, $1  }
0x150: {  	_ =	sdelay $0x3  }
0x151: {  	p2 =	sgt.u32 s31, $0x16  }
.Ltmp33:
0x152: {  	_ = 	snop;
	(pc) =	sbr.rel @!p2 .LBB2_60-.Ltmp33, $1  }
0x153: {  	_ =	sdelay $0x3  }
0x154: {  	p2 =	sne.s32 s0, $0xB80  }
.Ltmp34:
0x155: {  	_ = 	snop;
	(pc) =	sbr.rel @!p2 .LBB2_62-.Ltmp34, $1  }
0x156: {  	_ =	sdelay $0x3  }
0x157: {  	p2 =	sgt.u32 s31, $0x18  }
.Ltmp35:
0x158: {  	_ = 	snop;
	(pc) =	sbr.rel @!p2 .LBB2_64-.Ltmp35, $1  }
0x159: {  	_ =	sdelay $0x3  }
0x15a: {  	p2 =	sne.s32 s0, $0xC80  }
.Ltmp36:
0x15b: {  	_ = 	snop;
	(pc) =	sbr.rel @!p2 .LBB2_66-.Ltmp36, $1  }
0x15c: {  	_ =	sdelay $0x3  }
0x15d: {  	p2 =	sgt.u32 s31, $0x1A  }
.Ltmp37:
0x15e: {  	_ = 	snop;
	(pc) =	sbr.rel @!p2 .LBB2_68-.Ltmp37, $1  }
0x15f: {  	_ =	sdelay $0x3  }
0x160: {  	p2 =	sne.s32 s0, $0xD80  }
.Ltmp38:
0x161: {  	_ = 	snop;
	(pc) =	sbr.rel @!p2 .LBB2_70-.Ltmp38, $1  }
0x162: {  	_ =	sdelay $0x3  }
0x163: {  	p2 =	sgt.u32 s31, $0x1C  }
.Ltmp39:
0x164: {  	_ = 	snop;
	(pc) =	sbr.rel @!p2 .LBB2_72-.Ltmp39, $1  }
0x165: {  	_ =	sdelay $0x3  }
0x166: {  	p2 =	sne.s32 s0, $0xE80  }
.Ltmp40:
0x167: {  	_ = 	snop;
	(pc) =	sbr.rel @!p2 .LBB2_74-.Ltmp40, $1  }
0x168: {  	_ =	sdelay $0x3  }
0x169: {  	p2 =	sgt.u32 s31, $0x1E  }
.Ltmp41:
0x16a: {  	_ = 	snop;
	(pc) =	sbr.rel @!p2 .LBB2_76-.Ltmp41, $1  }
0x16b: {  	_ =	sdelay $0x3  }
0x16c: {  	p2 =	sne.s32 s0, $0xF80  }
.Ltmp42:
0x16d: {  	_ = 	snop;
	(pc) =	sbr.rel @!p2 .LBB2_78-.Ltmp42, $1  }
0x16e: {  	_ =	sdelay $0x3  }
0x16f: {  	p2 =	sgt.u32 s31, $0x20  }
.Ltmp43:
0x170: {  	_ = 	snop;
	(pc) =	sbr.rel @!p2 .LBB2_80-.Ltmp43, $1  }
0x171: {  	_ =	sdelay $0x3  }
0x172: {  	p2 =	sne.s32 s0, $0x1080  }
.Ltmp44:
0x173: {  	_ = 	snop;
	(pc) =	sbr.rel @!p2 .LBB2_82-.Ltmp44, $1  }
0x174: {  	_ =	sdelay $0x3  }
0x175: {  	p2 =	sgt.u32 s31, $0x22  }
.Ltmp45:
0x176: {  	_ = 	snop;
	(pc) =	sbr.rel @!p2 .LBB2_84-.Ltmp45, $1  }
0x177: {  	_ =	sdelay $0x3  }
0x178: {  	p2 =	sne.s32 s0, $0x1180  }
.Ltmp46:
0x179: {  	_ = 	snop;
	(pc) =	sbr.rel @!p2 .LBB2_86-.Ltmp46, $1  }
0x17a: {  	_ =	sdelay $0x3  }
0x17b: {  	p2 =	sgt.u32 s31, $0x24  }
.Ltmp47:
0x17c: {  	_ = 	snop;
	(pc) =	sbr.rel @!p2 .LBB2_88-.Ltmp47, $1  }
0x17d: {  	_ =	sdelay $0x3  }
0x17e: {  	p2 =	sne.s32 s0, $0x1280  }
.Ltmp48:
0x17f: {  	_ = 	snop;
	(pc) =	sbr.rel @!p2 .LBB2_90-.Ltmp48, $1  }
0x180: {  	_ =	sdelay $0x3  }
0x181: {  	p2 =	sgt.u32 s31, $0x26  }
.Ltmp49:
0x182: {  	_ = 	snop;
	(pc) =	sbr.rel @!p2 .LBB2_92-.Ltmp49, $1  }
0x183: {  	_ =	sdelay $0x3  }
0x184: {  	p2 =	sne.s32 s0, $0x1380  }
.Ltmp50:
0x185: {  	_ = 	snop;
	(pc) =	sbr.rel @p2 .LBB2_95-.Ltmp50, $4  }
.Ltmp51:
0x186: {  	_ = 	snop;
	(pc) =	sbr.rel @!p2 .LBB2_94-.Ltmp51, $4  }
0x187: {  	_ = 	snop  }
0x188: {  	_ = 	snop  }
0x189: {  	_ = 	snop  }
0x18a: {  	_ = 	snop  }
.LBB2_97:
0x18b: {  	[bflag:$0x0] =	sbarrier.arrive $0xFFFF  }
0x18c: {  	s0 =	sld [smem:$0x7DB];
	_ =	sdelay $0x2  }
0x18d: {  	p2 =	seq.s32 s0, $0x1  }
.Ltmp52:
0x18e: {  	_ = 	snop;
	(pc) =	sbr.rel @p2 .LBB2_101-.Ltmp52, $4  }
.Ltmp53:
0x18f: {  	_ = 	snop;
	(pc) =	sbr.rel @!p2 .LBB2_98-.Ltmp53, $4  }
0x190: {  	_ = 	snop  }
0x191: {  	_ = 	snop  }
0x192: {  	_ = 	snop  }
0x193: {  	_ = 	snop  }
.LBB2_16:
0x194: {  	[hbm4b:s2+s3] =	stream.linear.scatter [tilespmem:s16], [sflag:$0x1], $0x80, $0x38;
	[tilespmem:$0x4280] =	vst v63  }
0x195: {  	_ =	swait.ge [sflag:s12], $0x80  }
0x196: {  	[sflag:s12] =	ssyncset.done $0x0  }
0x197: {  	[sflag:s12] =	ssyncadd.s32 $0xFFFFFF80  }
.LBB2_18:
0x198: {  	s0 =	rddreg [dreg:$0x7]  }
0x199: {  	[hbm4b:s0+s3] =	stream.linear.scatter [tilespmem:s16], [sflag:$0x1], $0x80, $0x38;
	[tilespmem:$0x4280] =	vst v63  }
0x19a: {  	_ =	swait.ge [sflag:s12], $0x80  }
0x19b: {  	[sflag:s12] =	ssyncset.done $0x0  }
0x19c: {  	[sflag:s12] =	ssyncadd.s32 $0xFFFFFF80  }
.LBB2_20:
0x19d: {  	s0 =	rddreg [dreg:$0x8]  }
0x19e: {  	[hbm4b:s0+s3] =	stream.linear.scatter [tilespmem:s16], [sflag:$0x1], $0x80, $0x38;
	[tilespmem:$0x4280] =	vst v63  }
0x19f: {  	_ =	swait.ge [sflag:s12], $0x80  }
0x1a0: {  	[sflag:s12] =	ssyncset.done $0x0  }
0x1a1: {  	[sflag:s12] =	ssyncadd.s32 $0xFFFFFF80  }
.LBB2_22:
0x1a2: {  	s0 =	rddreg [dreg:$0x9]  }
0x1a3: {  	[hbm4b:s0+s3] =	stream.linear.scatter [tilespmem:s16], [sflag:$0x1], $0x80, $0x38;
	[tilespmem:$0x4280] =	vst v63  }
0x1a4: {  	_ =	swait.ge [sflag:s12], $0x80  }
0x1a5: {  	[sflag:s12] =	ssyncset.done $0x0  }
0x1a6: {  	[sflag:s12] =	ssyncadd.s32 $0xFFFFFF80  }
.LBB2_24:
0x1a7: {  	s0 =	rddreg [dreg:$0xa]  }
0x1a8: {  	[hbm4b:s0+s3] =	stream.linear.scatter [tilespmem:s16], [sflag:$0x1], $0x80, $0x38;
	[tilespmem:$0x4280] =	vst v63  }
0x1a9: {  	_ =	swait.ge [sflag:s12], $0x80  }
0x1aa: {  	[sflag:s12] =	ssyncset.done $0x0  }
0x1ab: {  	[sflag:s12] =	ssyncadd.s32 $0xFFFFFF80  }
.LBB2_26:
0x1ac: {  	s0 =	rddreg [dreg:$0xb]  }
0x1ad: {  	[hbm4b:s0+s3] =	stream.linear.scatter [tilespmem:s16], [sflag:$0x1], $0x80, $0x38;
	[tilespmem:$0x4280] =	vst v63  }
0x1ae: {  	_ =	swait.ge [sflag:s12], $0x80  }
0x1af: {  	[sflag:s12] =	ssyncset.done $0x0  }
0x1b0: {  	[sflag:s12] =	ssyncadd.s32 $0xFFFFFF80  }
.LBB2_28:
0x1b1: {  	s0 =	rddreg [dreg:$0xc]  }
0x1b2: {  	[hbm4b:s0+s3] =	stream.linear.scatter [tilespmem:s16], [sflag:$0x1], $0x80, $0x38;
	[tilespmem:$0x4280] =	vst v63  }
0x1b3: {  	_ =	swait.ge [sflag:s12], $0x80  }
0x1b4: {  	[sflag:s12] =	ssyncset.done $0x0  }
0x1b5: {  	[sflag:s12] =	ssyncadd.s32 $0xFFFFFF80  }
.LBB2_30:
0x1b6: {  	s0 =	rddreg [dreg:$0xd]  }
0x1b7: {  	[hbm4b:s0+s3] =	stream.linear.scatter [tilespmem:s16], [sflag:$0x1], $0x80, $0x38;
	[tilespmem:$0x4280] =	vst v63  }
0x1b8: {  	_ =	swait.ge [sflag:s12], $0x80  }
0x1b9: {  	[sflag:s12] =	ssyncset.done $0x0  }
0x1ba: {  	[sflag:s12] =	ssyncadd.s32 $0xFFFFFF80  }
.LBB2_32:
0x1bb: {  	s0 =	rddreg [dreg:$0xe]  }
0x1bc: {  	[hbm4b:s0+s3] =	stream.linear.scatter [tilespmem:s16], [sflag:$0x1], $0x80, $0x38;
	[tilespmem:$0x4280] =	vst v63  }
0x1bd: {  	_ =	swait.ge [sflag:s12], $0x80  }
0x1be: {  	[sflag:s12] =	ssyncset.done $0x0  }
0x1bf: {  	[sflag:s12] =	ssyncadd.s32 $0xFFFFFF80  }
.LBB2_34:
0x1c0: {  	s0 =	rddreg [dreg:$0xf]  }
0x1c1: {  	[hbm4b:s0+s3] =	stream.linear.scatter [tilespmem:s16], [sflag:$0x1], $0x80, $0x38;
	[tilespmem:$0x4280] =	vst v63  }
0x1c2: {  	_ =	swait.ge [sflag:s12], $0x80  }
0x1c3: {  	[sflag:s12] =	ssyncset.done $0x0  }
0x1c4: {  	[sflag:s12] =	ssyncadd.s32 $0xFFFFFF80  }
.LBB2_36:
0x1c5: {  	s0 =	rddreg [dreg:$0x10]  }
0x1c6: {  	[hbm4b:s0+s3] =	stream.linear.scatter [tilespmem:s16], [sflag:$0x1], $0x80, $0x38;
	[tilespmem:$0x4280] =	vst v63  }
0x1c7: {  	_ =	swait.ge [sflag:s12], $0x80  }
0x1c8: {  	[sflag:s12] =	ssyncset.done $0x0  }
0x1c9: {  	[sflag:s12] =	ssyncadd.s32 $0xFFFFFF80  }
.LBB2_38:
0x1ca: {  	s0 =	rddreg [dreg:$0x11]  }
0x1cb: {  	[hbm4b:s0+s3] =	stream.linear.scatter [tilespmem:s16], [sflag:$0x1], $0x80, $0x38;
	[tilespmem:$0x4280] =	vst v63  }
0x1cc: {  	_ =	swait.ge [sflag:s12], $0x80  }
0x1cd: {  	[sflag:s12] =	ssyncset.done $0x0  }
0x1ce: {  	[sflag:s12] =	ssyncadd.s32 $0xFFFFFF80  }
.LBB2_40:
0x1cf: {  	s0 =	rddreg [dreg:$0x12]  }
0x1d0: {  	[hbm4b:s0+s3] =	stream.linear.scatter [tilespmem:s16], [sflag:$0x1], $0x80, $0x38;
	[tilespmem:$0x4280] =	vst v63  }
0x1d1: {  	_ =	swait.ge [sflag:s12], $0x80  }
0x1d2: {  	[sflag:s12] =	ssyncset.done $0x0  }
0x1d3: {  	[sflag:s12] =	ssyncadd.s32 $0xFFFFFF80  }
.LBB2_42:
0x1d4: {  	s0 =	rddreg [dreg:$0x13]  }
0x1d5: {  	[hbm4b:s0+s3] =	stream.linear.scatter [tilespmem:s16], [sflag:$0x1], $0x80, $0x38;
	[tilespmem:$0x4280] =	vst v63  }
0x1d6: {  	_ =	swait.ge [sflag:s12], $0x80  }
0x1d7: {  	[sflag:s12] =	ssyncset.done $0x0  }
0x1d8: {  	[sflag:s12] =	ssyncadd.s32 $0xFFFFFF80  }
.LBB2_44:
0x1d9: {  	s0 =	rddreg [dreg:$0x14]  }
0x1da: {  	[hbm4b:s0+s3] =	stream.linear.scatter [tilespmem:s16], [sflag:$0x1], $0x80, $0x38;
	[tilespmem:$0x4280] =	vst v63  }
0x1db: {  	_ =	swait.ge [sflag:s12], $0x80  }
0x1dc: {  	[sflag:s12] =	ssyncset.done $0x0  }
0x1dd: {  	[sflag:s12] =	ssyncadd.s32 $0xFFFFFF80  }
.LBB2_46:
0x1de: {  	s0 =	rddreg [dreg:$0x15]  }
0x1df: {  	[hbm4b:s0+s3] =	stream.linear.scatter [tilespmem:s16], [sflag:$0x1], $0x80, $0x38;
	[tilespmem:$0x4280] =	vst v63  }
0x1e0: {  	_ =	swait.ge [sflag:s12], $0x80  }
0x1e1: {  	[sflag:s12] =	ssyncset.done $0x0  }
0x1e2: {  	[sflag:s12] =	ssyncadd.s32 $0xFFFFFF80  }
.LBB2_48:
0x1e3: {  	s0 =	rddreg [dreg:$0x16]  }
0x1e4: {  	[hbm4b:s0+s3] =	stream.linear.scatter [tilespmem:s16], [sflag:$0x1], $0x80, $0x38;
	[tilespmem:$0x4280] =	vst v63  }
0x1e5: {  	_ =	swait.ge [sflag:s12], $0x80  }
0x1e6: {  	[sflag:s12] =	ssyncset.done $0x0  }
0x1e7: {  	[sflag:s12] =	ssyncadd.s32 $0xFFFFFF80  }
.LBB2_50:
0x1e8: {  	s0 =	rddreg [dreg:$0x18]  }
0x1e9: {  	[hbm4b:s0+s3] =	stream.linear.scatter [tilespmem:s16], [sflag:$0x1], $0x80, $0x38;
	[tilespmem:$0x4280] =	vst v63  }
0x1ea: {  	_ =	swait.ge [sflag:s12], $0x80  }
0x1eb: {  	[sflag:s12] =	ssyncset.done $0x0  }
0x1ec: {  	[sflag:s12] =	ssyncadd.s32 $0xFFFFFF80  }
.LBB2_52:
0x1ed: {  	s0 =	rddreg [dreg:$0x19]  }
0x1ee: {  	[hbm4b:s0+s3] =	stream.linear.scatter [tilespmem:s16], [sflag:$0x1], $0x80, $0x38;
	[tilespmem:$0x4280] =	vst v63  }
0x1ef: {  	_ =	swait.ge [sflag:s12], $0x80  }
0x1f0: {  	[sflag:s12] =	ssyncset.done $0x0  }
0x1f1: {  	[sflag:s12] =	ssyncadd.s32 $0xFFFFFF80  }
.LBB2_54:
0x1f2: {  	s0 =	rddreg [dreg:$0x1a]  }
0x1f3: {  	[hbm4b:s0+s3] =	stream.linear.scatter [tilespmem:s16], [sflag:$0x1], $0x80, $0x38;
	[tilespmem:$0x4280] =	vst v63  }
0x1f4: {  	_ =	swait.ge [sflag:s12], $0x80  }
0x1f5: {  	[sflag:s12] =	ssyncset.done $0x0  }
0x1f6: {  	[sflag:s12] =	ssyncadd.s32 $0xFFFFFF80  }
.LBB2_56:
0x1f7: {  	s0 =	rddreg [dreg:$0x1b]  }
0x1f8: {  	[hbm4b:s0+s3] =	stream.linear.scatter [tilespmem:s16], [sflag:$0x1], $0x80, $0x38;
	[tilespmem:$0x4280] =	vst v63  }
0x1f9: {  	_ =	swait.ge [sflag:s12], $0x80  }
0x1fa: {  	[sflag:s12] =	ssyncset.done $0x0  }
0x1fb: {  	[sflag:s12] =	ssyncadd.s32 $0xFFFFFF80  }
.LBB2_58:
0x1fc: {  	s0 =	rddreg [dreg:$0x1c]  }
0x1fd: {  	[hbm4b:s0+s3] =	stream.linear.scatter [tilespmem:s16], [sflag:$0x1], $0x80, $0x38;
	[tilespmem:$0x4280] =	vst v63  }
0x1fe: {  	_ =	swait.ge [sflag:s12], $0x80  }
0x1ff: {  	[sflag:s12] =	ssyncset.done $0x0  }
0x200: {  	[sflag:s12] =	ssyncadd.s32 $0xFFFFFF80  }
.LBB2_60:
0x201: {  	s0 =	rddreg [dreg:$0x1d]  }
0x202: {  	[hbm4b:s0+s3] =	stream.linear.scatter [tilespmem:s16], [sflag:$0x1], $0x80, $0x38;
	[tilespmem:$0x4280] =	vst v63  }
0x203: {  	_ =	swait.ge [sflag:s12], $0x80  }
0x204: {  	[sflag:s12] =	ssyncset.done $0x0  }
0x205: {  	[sflag:s12] =	ssyncadd.s32 $0xFFFFFF80  }
.LBB2_62:
0x206: {  	s0 =	rddreg [dreg:$0x1e]  }
0x207: {  	[hbm4b:s0+s3] =	stream.linear.scatter [tilespmem:s16], [sflag:$0x1], $0x80, $0x38;
	[tilespmem:$0x4280] =	vst v63  }
0x208: {  	_ =	swait.ge [sflag:s12], $0x80  }
0x209: {  	[sflag:s12] =	ssyncset.done $0x0  }
0x20a: {  	[sflag:s12] =	ssyncadd.s32 $0xFFFFFF80  }
.LBB2_64:
0x20b: {  	s0 =	rddreg [dreg:$0x1f]  }
0x20c: {  	[hbm4b:s0+s3] =	stream.linear.scatter [tilespmem:s16], [sflag:$0x1], $0x80, $0x38;
	[tilespmem:$0x4280] =	vst v63  }
0x20d: {  	_ =	swait.ge [sflag:s12], $0x80  }
0x20e: {  	[sflag:s12] =	ssyncset.done $0x0  }
0x20f: {  	[sflag:s12] =	ssyncadd.s32 $0xFFFFFF80  }
.LBB2_66:
0x210: {  	s0 =	sld [smem:$0x7E2];
	_ =	sdelay $0x2  }
0x211: {  	[hbm4b:s0+s3] =	stream.linear.scatter [tilespmem:s16], [sflag:$0x1], $0x80, $0x38;
	[tilespmem:$0x4280] =	vst v63  }
0x212: {  	_ =	swait.ge [sflag:s12], $0x80  }
0x213: {  	[sflag:s12] =	ssyncset.done $0x0  }
0x214: {  	[sflag:s12] =	ssyncadd.s32 $0xFFFFFF80  }
.LBB2_68:
0x215: {  	s0 =	sld [smem:$0x7E3];
	_ =	sdelay $0x2  }
0x216: {  	[hbm4b:s0+s3] =	stream.linear.scatter [tilespmem:s16], [sflag:$0x1], $0x80, $0x38;
	[tilespmem:$0x4280] =	vst v63  }
0x217: {  	_ =	swait.ge [sflag:s12], $0x80  }
0x218: {  	[sflag:s12] =	ssyncset.done $0x0  }
0x219: {  	[sflag:s12] =	ssyncadd.s32 $0xFFFFFF80  }
.LBB2_70:
0x21a: {  	s0 =	sld [smem:$0x7E4];
	_ =	sdelay $0x2  }
0x21b: {  	[hbm4b:s0+s3] =	stream.linear.scatter [tilespmem:s16], [sflag:$0x1], $0x80, $0x38;
	[tilespmem:$0x4280] =	vst v63  }
0x21c: {  	_ =	swait.ge [sflag:s12], $0x80  }
0x21d: {  	[sflag:s12] =	ssyncset.done $0x0  }
0x21e: {  	[sflag:s12] =	ssyncadd.s32 $0xFFFFFF80  }
.LBB2_72:
0x21f: {  	s0 =	sld [smem:$0x7E5];
	_ =	sdelay $0x2  }
0x220: {  	[hbm4b:s0+s3] =	stream.linear.scatter [tilespmem:s16], [sflag:$0x1], $0x80, $0x38;
	[tilespmem:$0x4280] =	vst v63  }
0x221: {  	_ =	swait.ge [sflag:s12], $0x80  }
0x222: {  	[sflag:s12] =	ssyncset.done $0x0  }
0x223: {  	[sflag:s12] =	ssyncadd.s32 $0xFFFFFF80  }
.LBB2_74:
0x224: {  	s0 =	sld [smem:$0x7E6];
	_ =	sdelay $0x2  }
0x225: {  	[hbm4b:s0+s3] =	stream.linear.scatter [tilespmem:s16], [sflag:$0x1], $0x80, $0x38;
	[tilespmem:$0x4280] =	vst v63  }
0x226: {  	_ =	swait.ge [sflag:s12], $0x80  }
0x227: {  	[sflag:s12] =	ssyncset.done $0x0  }
0x228: {  	[sflag:s12] =	ssyncadd.s32 $0xFFFFFF80  }
.LBB2_76:
0x229: {  	s0 =	sld [smem:$0x7E7];
	_ =	sdelay $0x2  }
0x22a: {  	[hbm4b:s0+s3] =	stream.linear.scatter [tilespmem:s16], [sflag:$0x1], $0x80, $0x38;
	[tilespmem:$0x4280] =	vst v63  }
0x22b: {  	_ =	swait.ge [sflag:s12], $0x80  }
0x22c: {  	[sflag:s12] =	ssyncset.done $0x0  }
0x22d: {  	[sflag:s12] =	ssyncadd.s32 $0xFFFFFF80  }
.LBB2_78:
0x22e: {  	s0 =	sld [smem:$0x7E8];
	_ =	sdelay $0x2  }
0x22f: {  	[hbm4b:s0+s3] =	stream.linear.scatter [tilespmem:s16], [sflag:$0x1], $0x80, $0x38;
	[tilespmem:$0x4280] =	vst v63  }
0x230: {  	_ =	swait.ge [sflag:s12], $0x80  }
0x231: {  	[sflag:s12] =	ssyncset.done $0x0  }
0x232: {  	[sflag:s12] =	ssyncadd.s32 $0xFFFFFF80  }
.LBB2_80:
0x233: {  	s0 =	sld [smem:$0x7E9];
	_ =	sdelay $0x2  }
0x234: {  	[hbm4b:s0+s3] =	stream.linear.scatter [tilespmem:s16], [sflag:$0x1], $0x80, $0x38;
	[tilespmem:$0x4280] =	vst v63  }
0x235: {  	_ =	swait.ge [sflag:s12], $0x80  }
0x236: {  	[sflag:s12] =	ssyncset.done $0x0  }
0x237: {  	[sflag:s12] =	ssyncadd.s32 $0xFFFFFF80  }
.LBB2_82:
0x238: {  	s0 =	sld [smem:$0x7EA];
	_ =	sdelay $0x2  }
0x239: {  	[hbm4b:s0+s3] =	stream.linear.scatter [tilespmem:s16], [sflag:$0x1], $0x80, $0x38;
	[tilespmem:$0x4280] =	vst v63  }
0x23a: {  	_ =	swait.ge [sflag:s12], $0x80  }
0x23b: {  	[sflag:s12] =	ssyncset.done $0x0  }
0x23c: {  	[sflag:s12] =	ssyncadd.s32 $0xFFFFFF80  }
.LBB2_84:
0x23d: {  	s0 =	sld [smem:$0x7EB];
	_ =	sdelay $0x2  }
0x23e: {  	[hbm4b:s0+s3] =	stream.linear.scatter [tilespmem:s16], [sflag:$0x1], $0x80, $0x38;
	[tilespmem:$0x4280] =	vst v63  }
0x23f: {  	_ =	swait.ge [sflag:s12], $0x80  }
0x240: {  	[sflag:s12] =	ssyncset.done $0x0  }
0x241: {  	[sflag:s12] =	ssyncadd.s32 $0xFFFFFF80  }
.LBB2_86:
0x242: {  	s0 =	sld [smem:$0x7EC];
	_ =	sdelay $0x2  }
0x243: {  	[hbm4b:s0+s3] =	stream.linear.scatter [tilespmem:s16], [sflag:$0x1], $0x80, $0x38;
	[tilespmem:$0x4280] =	vst v63  }
0x244: {  	_ =	swait.ge [sflag:s12], $0x80  }
0x245: {  	[sflag:s12] =	ssyncset.done $0x0  }
0x246: {  	[sflag:s12] =	ssyncadd.s32 $0xFFFFFF80  }
.LBB2_88:
0x247: {  	s0 =	sld [smem:$0x7ED];
	_ =	sdelay $0x2  }
0x248: {  	[hbm4b:s0+s3] =	stream.linear.scatter [tilespmem:s16], [sflag:$0x1], $0x80, $0x38;
	[tilespmem:$0x4280] =	vst v63  }
0x249: {  	_ =	swait.ge [sflag:s12], $0x80  }
0x24a: {  	[sflag:s12] =	ssyncset.done $0x0  }
0x24b: {  	[sflag:s12] =	ssyncadd.s32 $0xFFFFFF80  }
.LBB2_90:
0x24c: {  	s0 =	sld [smem:$0x7EE];
	_ =	sdelay $0x2  }
0x24d: {  	[hbm4b:s0+s3] =	stream.linear.scatter [tilespmem:s16], [sflag:$0x1], $0x80, $0x38;
	[tilespmem:$0x4280] =	vst v63  }
0x24e: {  	_ =	swait.ge [sflag:s12], $0x80  }
0x24f: {  	[sflag:s12] =	ssyncset.done $0x0  }
0x250: {  	[sflag:s12] =	ssyncadd.s32 $0xFFFFFF80  }
.LBB2_92:
0x251: {  	s0 =	sld [smem:$0x7EF];
	_ =	sdelay $0x2  }
0x252: {  	[hbm4b:s0+s3] =	stream.linear.scatter [tilespmem:s16], [sflag:$0x1], $0x80, $0x38;
	[tilespmem:$0x4280] =	vst v63  }
0x253: {  	_ =	swait.ge [sflag:s12], $0x80  }
0x254: {  	[sflag:s12] =	ssyncset.done $0x0  }
0x255: {  	[sflag:s12] =	ssyncadd.s32 $0xFFFFFF80  }
.LBB2_94:
0x256: {  	s0 =	sld [smem:$0x7F0];
	_ =	sdelay $0x2  }
0x257: {  	[hbm4b:s0+s3] =	stream.linear.scatter [tilespmem:s16], [sflag:$0x1], $0x80, $0x38;
	[tilespmem:$0x4280] =	vst v63  }
0x258: {  	_ =	swait.ge [sflag:s12], $0x80  }
0x259: {  	[sflag:s12] =	ssyncset.done $0x0  }
0x25a: {  	[sflag:s12] =	ssyncadd.s32 $0xFFFFFF80  }
.LBB2_95:
0x25b: {  	s0 =	sshra.s32 s6, $0x7  }
0x25c: {  	s7 =	sshra.s32 s29, $0x7;
	s10 =	sshra.s32 s28, $0x7;
	s22 =	sshra.s32 s22, $0x7;
	v29 =	vmov s31;
	v13 =	vmov s0  }
0x25d: {  	s26 =	sshra.s32 s5, $0x7;
	s28 =	sshra.s32 s23, $0x7;
	s6 =	sadd.s32 s18, s0;
	v15 =	vmov s7;
	v18 =	vmov s10;
	v51 =	vmov s22  }
0x25e: {  	s9 =	sadd.s32 s19, s7;
	v52 =	vmov s26;
	v27 =	vmov s28;
	v14 =	vmov s6  }
0x25f: {  	s17 =	sadd.s32 s17, s10;
	s18 =	sshra.s32 s25, $0x7;
	vm0 =	vlt.s32 v13, v10;
	v16 =	vmov s9;
	vm4 =	vlt.s32 v15, v10  }
0x260: {  	s25 =	sadd.s32 s14, s22;
	v19 =	vmov s17;
	vm6 =	vlt.s32 v18, v10;
	v21 =	vmov s18  }
0x261: {  	s0 =	sadd.s32 s1, s26;
	s29 =	sadd.s32 s30, s28;
	v23 =	vmov s25;
	vm10 =	vlt.s32 v51, v10;
	vm12 =	vlt.s32 v52, v10  }
0x262: {  	v26 =	vmov s0;
	v28 =	vmov s29;
	vm14 =	vlt.s32 v27, v10  }
0x263: {  	s19 =	sadd.s32 s15, s18;
	vm1 =	vgt.s32 v14, v0;
	vm5 =	vgt.s32 v16, v0;
	vm7 =	vgt.s32 v19, v0  }
0x264: {  	v22 =	vmov s19;
	vm8 =	vlt.s32 v21, v10;
	vm11 =	vgt.s32 v23, v0  }
0x265: {  	vm13 =	vgt.s32 v26, v0;
	vm2 =	vgt.s32 v28, v0;
	vm3 =	vgt.s32 v19, v3  }
0x266: {  	vm0 =	vmand vm0, vm1;
	vm9 =	vgt.s32 v22, v0;
	vm15 =	vmand vm14, vm2  }
0x267: {  	vm14 =	vgt.s32 v23, v3;
	v17 =	vsel vm0, $0x1, v2;
	vm0 =	vmand vm4, vm5  }
0x268: {  	v54 =	vsel vm15, $0x7, v2;
	vm4 =	vgt.s32 v29, v0;
	vm5 =	vlt.s32 v13, v11  }
0x269: {  	vm15 =	vlt.s32 v52, v11;
	v20 =	vsel vm0, $0x2, v2;
	vm0 =	vmand vm6, vm7  }
0x26a: {  	vm6 =	vgt.s32 v14, v3;
	vm7 =	vlt.s32 v15, v11;
	v17 =	vor.u32 v17, v20  }
0x26b: {  	v50 =	vsel vm0, $0x3, v2;
	vm0 =	vmand vm8, vm9;
	vm8 =	vgt.s32 v16, v3  }
0x26c: {  	vm9 =	vlt.s32 v18, v11;
	v17 =	vadd.s32 v50, v17;
	v24 =	vsel vm0, $0x4, v2  }
0x26d: {  	vm0 =	vmand vm10, vm11;
	vm1 =	vmand vm7, vm8;
	vm10 =	vmand vm9, vm3  }
0x26e: {  	vm11 =	vlt.s32 v21, v11;
	vm7 =	vgt.s32 v22, v4;
	v17 =	vadd.s32 v24, v17  }
0x26f: {  	v25 =	vsel vm0, $0x5, v2;
	vm0 =	vmand vm12, vm13;
	v30 =	vsel vm1, $0x2, v2  }
0x270: {  	v31 =	vsel vm10, $0x3, v2;
	vm12 =	vgt.s32 v22, v3;
	vm13 =	vlt.s32 v51, v11  }
0x271: {  	vm10 =	vlt.s32 v27, v11;
	v17 =	vadd.s32 v25, v17;
	v53 =	vsel vm0, $0x6, v2  }
0x272: {  	vm0 =	vmand vm5, vm6;
	vm5 =	vlt.s32 v13, v12;
	vm8 =	vmand vm13, vm14  }
0x273: {  	vm14 =	vlt.s32 v15, v12;
	vm6 =	vlt.s32 v21, v12;
	v17 =	vadd.s32 v53, v17  }
0x274: {  	v55 =	vsel vm0, $0x1, v2;
	vm0 =	vmand vm11, vm12;
	vm11 =	vgt.s32 v28, v3  }
0x275: {  	vm12 =	vgt.s32 v14, v4;
	v14 =	vsel vm8, $0x5, v2;
	vm8 =	vlt.s32 v51, v12  }
0x276: {  	v17 =	vadd.s32 v54, v17;
	v13 =	vsel vm0, $0x4, v2;
	vm2 =	vmand vm10, vm11  }
0x277: {  	vm13 =	vmand vm5, vm12;
	v56 =	vor.u32 v55, v30;
	vm5 =	vgt.s32 v19, v4  }
0x278: {  	vm10 =	vlt.s32 v52, v12;
	vm11 =	vgt.s32 v26, v4;
	vm12 =	vlt.s32 v27, v12  }
0x279: {  	v17 =	vnsel vm4, $0xFFFFFFFF, v17;
	vm4 =	vgt.s32 v26, v3;
	v57 =	vsel vm2, $0x7, v2  }
0x27a: {  	v58 =	vsel vm13, $0x1, v2;
	vm13 =	vgt.s32 v28, v4;
	vm9 =	vmand vm15, vm4  }
0x27b: {  	vm15 =	vgt.s32 v16, v4;
	vm4 =	vlt.s32 v18, v12;
	v16 =	vadd.s32 v31, v56  }
0x27c: {  	v15 =	vsel vm9, $0x6, v2;
	vm0 =	vmand vm14, vm15;
	vm1 =	vmand vm4, vm5  }
0x27d: {  	v13 =	vadd.s32 v13, v16;
	vm9 =	vgt.s32 v23, v4;
	vm14 =	vgt.s32 v29, v3  }
0x27e: {  	v59 =	vsel vm0, $0x2, v2;
	v60 =	vsel vm1, $0x3, v2;
	vm0 =	vmand vm6, vm7  }
0x27f: {  	v13 =	vadd.s32 v14, v13;
	v61 =	vor.u32 v58, v59;
	v62 =	vsel vm0, $0x4, v2  }
0x280: {  	vm0 =	vmand vm8, vm9;
	v13 =	vadd.s32 v15, v13;
	v14 =	vadd.s32 v60, v61  }
0x281: {  	v63 =	vsel vm0, $0x5, v2;
	vm0 =	vmand vm10, vm11;
	v14 =	vadd.s32 v62, v14  }
0x282: {  	v15 =	vsel vm0, $0x6, v2;
	vm0 =	vmand vm12, vm13;
	v14 =	vadd.s32 v63, v14  }
0x283: {  	v13 =	vadd.s32 v57, v13;
	v14 =	vadd.s32 v15, v14;
	v15 =	vsel vm0, $0x7, v2  }
0x284: {  	[tilespmem:$0x3A00] =	vst v17;
	vm15 =	vgt.s32 v29, v4;
	v13 =	vnsel vm14, $0xFFFFFFFF, v13;
	v14 =	vadd.s32 v15, v14  }
0x285: {  	[tilespmem:$0x3A10] =	vst v13;
	v13 =	vnsel vm15, $0xFFFFFFFF, v14  }
0x286: {  	s31 =	simm.s32 $0x3A00;
	s30 =	rddreg [dreg:$0x5];
	[tilespmem:$0x3A20] =	vst v13  }
0x287: {  	[hbm4b:s30+s3] =	stream.linear.scatter [tilespmem:s31], [sflag:$0x1], $0x80, $0x38;
	[tilespmem:$0x4280] =	vst v63  }
0x288: {  	_ =	swait.ge [sflag:s12], $0x80  }
0x289: {  	[sflag:s12] =	ssyncset.done $0x0  }
0x28a: {  	[sflag:s12] =	ssyncadd.s32 $0xFFFFFF80  }
.LBB2_96:
0x28b: {  	[bflag:$0x0] =	sbarrier.arrive $0xFFFF  }
.LBB2_98:
0x28c: {  	s0 =	simm.s32 $0x3080;
	s19 =	sld [smem:$0x7F8]  }
0x28d: {  	[tilespmem:s0], [sflag:$0x1] =	stream.linear.gather [spmem:s20], $0x80, $0x38;
	[tilespmem:$0x4280] =	vst v63  }
0x28e: {  	s1 =	simm.s32 $0x3480  }
0x28f: {  	[tilespmem:s1], [sflag:$0x1] =	stream.linear.gather [spmem:s19], $0x80, $0x38;
	[tilespmem:$0x4280] =	vst v63  }
0x290: {  	_ =	swait.ge [sflag:s12], $0x100  }
0x291: {  	s22 =	sld [smem:$0x7F1]  }
0x292: {  	[sflag:s12] =	ssyncset.done $0x0  }
0x293: {  	s23 =	simm.s32 $0x3100;
	s25 =	sld [smem:$0x7F9];
	[sflag:s12] =	ssyncadd.s32 $0xFFFFFF00  }
0x294: {  	[tilespmem:s23], [sflag:$0x1] =	stream.linear.gather [spmem:s22], $0x80, $0x38;
	[tilespmem:$0x4280] =	vst v63  }
0x295: {  	s26 =	simm.s32 $0x3500  }
0x296: {  	[tilespmem:s26], [sflag:$0x1] =	stream.linear.gather [spmem:s25], $0x80, $0x38;
	[tilespmem:$0x4280] =	vst v63  }
0x297: {  	_ =	swait.ge [sflag:s12], $0x100  }
0x298: {  	s28 =	sld [smem:$0x7F2]  }
0x299: {  	[sflag:s12] =	ssyncset.done $0x0  }
0x29a: {  	s29 =	simm.s32 $0x3180;
	s30 =	sld [smem:$0x7FA];
	[sflag:s12] =	ssyncadd.s32 $0xFFFFFF00  }
0x29b: {  	[tilespmem:s29], [sflag:$0x1] =	stream.linear.gather [spmem:s28], $0x80, $0x38;
	[tilespmem:$0x4280] =	vst v63  }
0x29c: {  	s31 =	simm.s32 $0x3580  }
0x29d: {  	[tilespmem:s31], [sflag:$0x1] =	stream.linear.gather [spmem:s30], $0x80, $0x38;
	[tilespmem:$0x4280] =	vst v63  }
0x29e: {  	_ =	swait.ge [sflag:s12], $0x100  }
0x29f: {  	s1 =	sld [smem:$0x7F3]  }
0x2a0: {  	[sflag:s12] =	ssyncset.done $0x0  }
0x2a1: {  	s5 =	simm.s32 $0x3200;
	s6 =	sld [smem:$0x7FB];
	[sflag:s12] =	ssyncadd.s32 $0xFFFFFF00  }
0x2a2: {  	[tilespmem:s5], [sflag:$0x1] =	stream.linear.gather [spmem:s1], $0x80, $0x38;
	[tilespmem:$0x4280] =	vst v63  }
0x2a3: {  	s7 =	simm.s32 $0x3600  }
0x2a4: {  	[tilespmem:s7], [sflag:$0x1] =	stream.linear.gather [spmem:s6], $0x80, $0x38;
	[tilespmem:$0x4280] =	vst v63  }
0x2a5: {  	_ =	swait.ge [sflag:s12], $0x100  }
0x2a6: {  	s8 =	sld [smem:$0x7F4]  }
0x2a7: {  	[sflag:s12] =	ssyncset.done $0x0  }
0x2a8: {  	s9 =	simm.s32 $0x3280;
	s10 =	sld [smem:$0x7FC];
	[sflag:s12] =	ssyncadd.s32 $0xFFFFFF00  }
0x2a9: {  	[tilespmem:s9], [sflag:$0x1] =	stream.linear.gather [spmem:s8], $0x80, $0x38;
	[tilespmem:$0x4280] =	vst v63  }
0x2aa: {  	s14 =	simm.s32 $0x3680  }
0x2ab: {  	[tilespmem:s14], [sflag:$0x1] =	stream.linear.gather [spmem:s10], $0x80, $0x38;
	[tilespmem:$0x4280] =	vst v63  }
0x2ac: {  	_ =	swait.ge [sflag:s12], $0x100  }
0x2ad: {  	s15 =	sld [smem:$0x7F5]  }
0x2ae: {  	[sflag:s12] =	ssyncset.done $0x0  }
0x2af: {  	s17 =	simm.s32 $0x3300;
	s18 =	sld [smem:$0x7FD];
	[sflag:s12] =	ssyncadd.s32 $0xFFFFFF00  }
0x2b0: {  	[tilespmem:s17], [sflag:$0x1] =	stream.linear.gather [spmem:s15], $0x80, $0x38;
	[tilespmem:$0x4280] =	vst v63  }
0x2b1: {  	s19 =	simm.s32 $0x3700  }
0x2b2: {  	[tilespmem:s19], [sflag:$0x1] =	stream.linear.gather [spmem:s18], $0x80, $0x38;
	[tilespmem:$0x4280] =	vst v63  }
0x2b3: {  	_ =	swait.ge [sflag:s12], $0x100  }
0x2b4: {  	s22 =	sld [smem:$0x7F6]  }
0x2b5: {  	[sflag:s12] =	ssyncset.done $0x0  }
0x2b6: {  	s23 =	simm.s32 $0x3380;
	[sflag:s12] =	ssyncadd.s32 $0xFFFFFF00  }
0x2b7: {  	[tilespmem:s23], [sflag:$0x1] =	stream.linear.gather [spmem:s22], $0x80, $0x38;
	[tilespmem:$0x4280] =	vst v63  }
0x2b8: {  	s25 =	simm.s32 $0x3780  }
0x2b9: {  	[tilespmem:s25], [sflag:$0x1] =	stream.linear.gather [spmem:s4], $0x80, $0x38;
	[tilespmem:$0x4280] =	vst v63  }
0x2ba: {  	_ =	swait.ge [sflag:s12], $0x100  }
0x2bb: {  	s26 =	sld [smem:$0x7F7]  }
0x2bc: {  	[sflag:s12] =	ssyncset.done $0x0  }
0x2bd: {  	s28 =	simm.s32 $0x3400;
	[sflag:s12] =	ssyncadd.s32 $0xFFFFFF00  }
0x2be: {  	[tilespmem:s28], [sflag:$0x1] =	stream.linear.gather [spmem:s26], $0x80, $0x38;
	[tilespmem:$0x4280] =	vst v63  }
0x2bf: {  	s29 =	simm.s32 $0x3800  }
0x2c0: {  	[tilespmem:s29], [sflag:$0x1] =	stream.linear.gather [spmem:s11], $0x80, $0x38;
	[tilespmem:$0x4280] =	vst v63  }
0x2c1: {  	s30 =	simm.s32 $0x0;
	_ =	swait.ge [sflag:s12], $0x100  }
0x2c2: {  	s31 =	sand.u32 $0x70, s30;
	s0 =	sand.u32 $0x400, s30;
	[sflag:s12] =	ssyncset.done $0x0  }
0x2c3: {  	s0 =	sor.u32 s31, s0;
	[sflag:s12] =	ssyncadd.s32 $0xFFFFFF00  }
0x2c4: {  	v13 =	vld [tilespmem:s0+$0x3100]  }
0x2c5: {  	v14 =	vld [tilespmem:s0+$0x3080]  }
0x2c6: {  	v15 =	vld [tilespmem:s0+$0x3180]  }
0x2c7: {  	v16 =	vld [tilespmem:s0+$0x3200]  }
0x2c8: {  	v17 =	vld [tilespmem:s0+$0x3280]  }
0x2c9: {  	v18 =	vld [tilespmem:s0+$0x3300]  }
0x2ca: {  	v13 =	vadd.s32 v14, v13;
	v14 =	vld [tilespmem:s0+$0x3380]  }
0x2cb: {  	v13 =	vadd.s32 v15, v13;
	v15 =	vld [tilespmem:s0+$0x3400]  }
0x2cc: {  	v13 =	vadd.s32 v16, v13  }
0x2cd: {  	v13 =	vadd.s32 v17, v13  }
0x2ce: {  	v13 =	vadd.s32 v18, v13  }
0x2cf: {  	s5 =	simm.s32 $0x10;
	s1 =	simm.s32 $0x80;
	v13 =	vadd.s32 v14, v13  }
0x2d0: {  	s5 =	sand.u32 $0x70, s5;
	s6 =	sand.u32 $0x400, s1;
	s0 =	simm.s32 $0x3880;
	v13 =	vadd.s32 v15, v13  }
0x2d1: {  	s6 =	sor.u32 s5, s6;
	s5 =	simm.s32 $0x20;
	[tilespmem:s0+$0x0] =	vst v13  }
.LBB2_99:
0x2d2: {  	p2 =	sne.s32 s5, $0xF0;
	v13 =	vld [tilespmem:s6+$0x3100]  }
0x2d3: {  	v14 =	vld [tilespmem:s6+$0x3080]  }
0x2d4: {  	v15 =	vld [tilespmem:s6+$0x3180]  }
0x2d5: {  	v16 =	vld [tilespmem:s6+$0x3200]  }
0x2d6: {  	v17 =	vld [tilespmem:s6+$0x3280]  }
0x2d7: {  	v18 =	vld [tilespmem:s6+$0x3300]  }
0x2d8: {  	v13 =	vadd.s32 v14, v13;
	v14 =	vld [tilespmem:s6+$0x3380]  }
0x2d9: {  	v13 =	vadd.s32 v15, v13;
	v15 =	vld [tilespmem:s6+$0x3400]  }
0x2da: {  	v13 =	vadd.s32 v16, v13  }
.Ltmp54:
0x2db: {  	v13 =	vadd.s32 v17, v13;
	(pc) =	sbr.rel @p2 .LBB2_99-.Ltmp54, $4  }
0x2dc: {  	v13 =	vadd.s32 v18, v13  }
0x2dd: {  	s1 =	sadd.s32 $0x80, s1;
	v13 =	vadd.s32 v14, v13  }
0x2de: {  	s0 =	sadd.s32 $0x10, s0;
	s7 =	sand.u32 $0x400, s1;
	s6 =	sand.u32 $0x70, s5;
	v13 =	vadd.s32 v15, v13  }
0x2df: {  	s5 =	sadd.s32 $0x10, s5;
	s6 =	sor.u32 s6, s7;
	[tilespmem:s0+$0x0] =	vst v13  }
0x2e0: {  	v13 =	vld [tilespmem:s6+$0x3100]  }
0x2e1: {  	v14 =	vld [tilespmem:s6+$0x3080]  }
0x2e2: {  	v15 =	vld [tilespmem:s6+$0x3180]  }
0x2e3: {  	v16 =	vld [tilespmem:s6+$0x3200]  }
0x2e4: {  	v17 =	vld [tilespmem:s6+$0x3280]  }
0x2e5: {  	v18 =	vld [tilespmem:s6+$0x3300]  }
0x2e6: {  	v13 =	vadd.s32 v14, v13;
	v14 =	vld [tilespmem:s6+$0x3380]  }
0x2e7: {  	v13 =	vadd.s32 v15, v13;
	v15 =	vld [tilespmem:s6+$0x3400]  }
0x2e8: {  	v13 =	vadd.s32 v16, v13  }
0x2e9: {  	v13 =	vadd.s32 v17, v13  }
0x2ea: {  	v13 =	vadd.s32 v18, v13  }
0x2eb: {  	v13 =	vadd.s32 v14, v13  }
0x2ec: {  	s0 =	sadd.s32 $0x10, s0;
	v13 =	vadd.s32 v15, v13  }
.Ltmp55:
0x2ed: {  	s31 =	rddreg [dreg:$0x17];
	s1 =	simm.s32 $0x3880;
	[tilespmem:s0+$0x0] =	vst v13;
	(pc) =	sbr.rel .LBB2_101-.Ltmp55, $4  }
0x2ee: {  	[hbm4b:s31+s3] =	stream.linear.scatter [tilespmem:s1], [sflag:$0x1], $0x100, $0x38;
	[tilespmem:$0x4280] =	vst v63  }
0x2ef: {  	_ =	swait.ge [sflag:s12], $0x100  }
0x2f0: {  	[sflag:s12] =	ssyncset.done $0x0  }
0x2f1: {  	[sflag:s12] =	ssyncadd.s32 $0xFFFFFF00  }
.LBB2_102:
0x2f2: {  	_ =	sfence.sel $0x180000  }
0x2f3: {  	[bflag:$0x0] =	sbarrier.arrive $0xFFFF  }
0x2f4: {  	_ =	strace $0x90000047  }
0x2f5: {  	[bflag:$0x2] =	sbarrier.arrive $0xFFFF  }
0x2f6: {  	s1 =	sld [smem:$0x7E1];
	_ =	sdelay $0x2  }
0x2f7: {  	s0 =	rddreg [dreg:$0x4];
	p0 =	seq.s32 s1, $0x1  }
0x2f8: {  	s0 =	sadd.s32 @!p0 $0x100000, s0  }
0x2f9: {  	[sflag:s0] =	ssyncadd.tile.s32 @!p0 $0x1;
	_ =	shalt  }
.Lfunc_end2:
_tile_overlayer_lowered:
.L_overlay_start_2:
0x2fa: {  	(tag) =	ssettag $0x2  }
0x2fb: {  	s0 =	rddreg [dreg:$0x0];
	s2 =	stileid.u32  }
0x2fc: {  	s1 =	rddreg [dreg:$0x1];
	p0 =	sne.s32 s2, $0x0  }
0x2fd: {  	s3 =	rddreg [dreg:$0x2];
	[bflag:$0x3] =	sbarrier.arrive $0xFFFF;
	s2 =	simm.s32 @!p0 $0x1C01  }
0x2fe: {  	[timem:s3], [sflag:s2] =	dma.local @!p0 [hbm:s0], s1  }
0x2ff: {  	s0 =	simm.s32 @!p0 $0x1  }
0x300: {  	_ =	swait.ge @!p0 [sflag:s0], s1  }
0x301: {  	s1 =	ssub.s32 @!p0 $0x0, s1;
	[sflag:s0] =	ssyncset.done @!p0 $0x0  }
0x302: {  	[sflag:s0] =	ssyncadd.s32 @!p0 s1  }
0x303: {  	[bflag:$0x3] =	sbarrier.arrive $0xFFFF  }
0x304: {  	_ =	shalt  }

</sc_bundles>
